<compile_context>
chip_gen: v7x
topology: tpu7x:2x2x1
jax: 0.10.2.dev20260603
libtpu: 0.0.44.dev20260713+nightly
codegen_flags: <defaults>
</compile_context>

<pallas_src>
import functools

import jax
import jax.numpy as jnp
import numpy as np
from jax import lax
from jax.experimental import pallas as pl
from jax.experimental.pallas import tpu as pltpu
from jax.experimental.pallas import tpu_sc as plsc

B = 256
MAX_NODES = 2048
TOPK = 8
MAXNB = 32
E = 128
H = 128
Q = 128
NREL = 512
SQRT_E = float(np.sqrt(E))

NSEG = B * TOPK
NCAND = B * MAXNB
NENTG = B + NSEG + NCAND
NENTG_PAD = 12288


def _leaky(x):
    return jnp.where(x >= 0, x, 0.01 * x)


def _sc_body(etab, relpad, idx2d, relsnn,
             ent_out, crel_out, nbrsum_out,
             Tbuf, S0, S1, accb, relsb, idxb,
             sem_t, sem_r, sem_i, sem_g0, sem_g1, sem_w0, sem_w1, sem_a):
    info = plsc.get_sparse_core_info()
    nc = info.num_cores
    wid = lax.axis_index("s") * nc + lax.axis_index("c")
    iota16 = jnp.arange(16, dtype=jnp.int32)
    cvec = [iota16 + (16 * j) for j in range(8)]

    def splat(v):
        return jnp.full((16,), v, jnp.int32)

    cT = pltpu.async_copy(relpad, Tbuf, sem_t)
    cR = pltpu.async_copy(relsnn.at[pl.ds(wid * 64, 64)], relsb, sem_r)
    cI = pltpu.async_copy(idx2d.at[wid], idxb, sem_i)
    cI.wait()
    h0 = pltpu.async_copy(etab.at[idxb.at[0]], S0, sem_g0)
    h1 = pltpu.async_copy(etab.at[idxb.at[1]], S1, sem_g1)
    cT.wait()
    cR.wait()

    def seg(s, carry):
        nnv = plsc.load_gather(relsb, [splat(s), splat(MAXNB)])
        accs = [jnp.zeros((16,), jnp.float32) for _ in range(8)]
        for n in range(MAXNB):
            rb = plsc.load_gather(relsb, [splat(s), splat(n)])
            safe = jnp.where(nnv > n, rb, splat(NREL))
            for j in range(8):
                accs[j] = accs[j] + plsc.load_gather(Tbuf, [safe, cvec[j]])
        for j in range(8):
            plsc.store_scatter(accb, [splat(s), cvec[j]], accs[j])
        return carry

    lax.fori_loop(0, 64, seg, 0)
    wa = pltpu.async_copy(accb, nbrsum_out.at[pl.ds(wid * 64, 64)], sem_a)

    def crel_chunk(buf, idx_row):
        def row(r, carry):
            ridx = plsc.load_gather(idxb, [splat(idx_row), splat(r)])
            for j in range(8):
                v = plsc.load_gather(Tbuf, [ridx, cvec[j]])
                plsc.store_scatter(buf, [splat(r), cvec[j]], v)
            return carry
        lax.fori_loop(0, 128, row, 0)

    ebase = wid * 384
    cbase = wid * 256
    h0.wait()
    w0 = pltpu.async_copy(S0, ent_out.at[pl.ds(ebase, 128)], sem_w0)
    h1.wait()
    w1 = pltpu.async_copy(S1, ent_out.at[pl.ds(ebase + 128, 128)], sem_w1)
    w0.wait()
    h2 = pltpu.async_copy(etab.at[idxb.at[2]], S0, sem_g0)
    w1.wait()
    crel_chunk(S1, 3)
    w3 = pltpu.async_copy(S1, crel_out.at[pl.ds(cbase, 128)], sem_w1)
    h2.wait()
    w2 = pltpu.async_copy(S0, ent_out.at[pl.ds(ebase + 256, 128)], sem_w0)
    w3.wait()
    crel_chunk(S1, 4)
    w4 = pltpu.async_copy(S1, crel_out.at[pl.ds(cbase + 128, 128)], sem_w1)
    w2.wait()
    w4.wait()
    wa.wait()


def _sc_call(etab, relpad, idx2d, relsnn):
    mesh = plsc.VectorSubcoreMesh(core_axis_name="c", subcore_axis_name="s")
    f = pl.kernel(
        _sc_body, mesh=mesh,
        out_type=[
            jax.ShapeDtypeStruct((NENTG_PAD, E), jnp.float32),
            jax.ShapeDtypeStruct((NCAND, E), jnp.float32),
            jax.ShapeDtypeStruct((NSEG, E), jnp.float32),
        ],
        scratch_types=[
            pltpu.VMEM((NREL + 8, E), jnp.float32),
            pltpu.VMEM((128, E), jnp.float32),
            pltpu.VMEM((128, E), jnp.float32),
            pltpu.VMEM((64, E), jnp.float32),
            pltpu.VMEM((64, 40), jnp.int32),
            pltpu.VMEM((8, 128), jnp.int32),
        ] + [pltpu.SemaphoreType.DMA] * 8,
        compiler_params=pltpu.CompilerParams(needs_layout_passes=False),
    )
    return f(etab, relpad, idx2d, relsnn)


def _tc_body(ent_ref, crel_ref, nbrsum_ref,
             nbrnodes_ref, nn_ref, npos_ref, cur_ref, cnodes_ref,
             npos_rep_ref, cmask_ref,
             q_ref, Wh_ref, bh_ref, Wp_ref, bp_ref, Wn_ref, bn_ref, Wc_ref,
             bc_ref, Wg_ref, bg_ref, Wr_ref, br_ref, out_ref):
    f32 = jnp.float32
    dot = functools.partial(jnp.dot, preferred_element_type=f32)
    q = q_ref[...]
    Wh = Wh_ref[...]
    bh = bh_ref[...]
    npos = npos_ref[...]

    init = _leaky(dot(ent_ref[0:B, :], Wh) + bh)
    Wp = Wp_ref[...]
    init_pass = dot(init, Wp[:H])

    nn = nn_ref[...]
    nnf = nn.astype(f32)
    iota_nb = lax.broadcasted_iota(jnp.int32, (NSEG, MAXNB), 1)
    valid = iota_nb < nn
    cnt0 = jnp.sum(jnp.where(valid & (nbrnodes_ref[...] == 0), 1.0, 0.0),
                   axis=1, keepdims=True)
    denom = nnf + (nn == 0).astype(f32)
    init_pass_rep = jnp.broadcast_to(
        init_pass[:, None, :], (B, TOPK, H)).reshape(NSEG, H)
    agg = (dot(nbrsum_ref[...], Wp[H:]) + cnt0 * init_pass_rep
           + nnf * bp_ref[...]) / denom
    upd = _leaky(dot(ent_ref[B:B + NSEG, :], Wh) + bh + agg)
    upd3 = upd.reshape(B, TOPK, H)

    cur2 = cur_ref[...]
    curv = jnp.where(cur2 == 0, init, 0.0)
    for t in range(TOPK):
        curv = jnp.where(npos[:, t:t + 1] == cur2, upd3[:, t], curv)
    cur_cat = jnp.concatenate([curv, q], axis=1)
    cur_state = _leaky(dot(cur_cat, Wn_ref[...]) + bn_ref[...])
    thr = dot(cur_cat, Wg_ref[...]) + bg_ref[...]

    Wc = Wc_ref[...]
    bc = bc_ref[...]
    NCHUNK = 4
    BC = B // NCHUNK
    RC = NCAND // NCHUNK
    score_chunks = []
    for c in range(NCHUNK):
        bs, rs = c * BC, c * RC
        cn2 = cnodes_ref[rs:rs + RC, :]
        npr = npos_rep_ref[rs:rs + RC, :]
        init_rep = jnp.broadcast_to(
            init[bs:bs + BC][:, None, :], (BC, MAXNB, H)).reshape(RC, H)
        cnode = jnp.where(cn2 == 0, init_rep, 0.0)
        for t in range(TOPK):
            upd_rep = jnp.broadcast_to(
                upd3[bs:bs + BC, t][:, None, :],
                (BC, MAXNB, H)).reshape(RC, H)
            cnode = jnp.where(cn2 == npr[:, t:t + 1], upd_rep, cnode)
        cand = (dot(cnode, Wc[:H])
                + dot(ent_ref[B + NSEG + rs:B + NSEG + rs + RC, :],
                      Wc[H:H + E])
                + dot(crel_ref[rs:rs + RC, :], Wc[H + E:])
                + bc)
        cand = _leaky(cand)
        cs_rep = jnp.broadcast_to(
            cur_state[bs:bs + BC][:, None, :],
            (BC, MAXNB, H)).reshape(RC, H)
        score_chunks.append(
            jnp.sum((cs_rep * cand).reshape(BC, MAXNB, H), axis=2) / SQRT_E)
    scores = jnp.concatenate(score_chunks, axis=0)
    scores = jnp.where(cmask_ref[...] != 0, scores, -100000.0)

    Wr = Wr_ref[...]
    br = br_ref[...]
    s_init = dot(init, Wr[:H])
    s_upd = dot(upd, Wr[:H]).reshape(B, TOPK)
    base = dot(q, Wr[H:]) + br
    cols = lax.broadcasted_iota(jnp.int32, (B, MAX_NODES), 1)
    ns = jnp.where(cols == 0, base + s_init, base)
    for t in range(TOPK):
        ns = jnp.where(cols == npos[:, t:t + 1],
                       base + s_upd[:, t:t + 1], ns)
    out_ref[...] = jnp.concatenate([scores, thr, ns], axis=1)


def kernel(start_entities, query_representations, node_pos, aims, aims_num,
           neighbors, neighbors_num, currents, candidate_nodes,
           candidate_entities, candidate_relations, candidate_masks,
           entity_table, relation_table, W_hidden, b_hidden, W_pass, b_pass,
           W_nexthop, b_nexthop, W_candidate, b_candidate, W_gate, b_gate,
           W_rank, b_rank):
    i32 = jnp.int32
    relpad = jnp.concatenate(
        [relation_table, jnp.zeros((8, E), jnp.float32)], axis=0)
    ent_idx = jnp.concatenate([
        start_entities.astype(i32),
        aims.reshape(-1).astype(i32),
        candidate_entities.reshape(-1).astype(i32),
        jnp.zeros((NENTG_PAD - NENTG,), i32),
    ])
    crel_idx = candidate_relations.reshape(-1).astype(i32)
    rels2d = neighbors[..., 1].reshape(NSEG, MAXNB).astype(i32)
    nbrnodes = neighbors[..., 0].reshape(NSEG, MAXNB).astype(i32)
    nn = neighbors_num.reshape(NSEG).astype(i32)
    idx2d = jnp.concatenate(
        [ent_idx.reshape(32, 3, 128), crel_idx.reshape(32, 2, 128),
         jnp.zeros((32, 3, 128), i32)], axis=1)
    relsnn = jnp.concatenate(
        [rels2d, nn[:, None], jnp.zeros((NSEG, 7), i32)], axis=1)

    ent_rows, crel_rows, nbr_sum = _sc_call(
        entity_table, relpad, idx2d, relsnn)

    npos_rep = jnp.broadcast_to(
        node_pos.astype(i32)[:, None, :], (B, MAXNB, TOPK)).reshape(NCAND, TOPK)
    out = pl.pallas_call(
        _tc_body,
        out_shape=jax.ShapeDtypeStruct((B, MAXNB + 1 + MAX_NODES),
                                       jnp.float32),
    )(ent_rows, crel_rows, nbr_sum,
      nbrnodes, nn[:, None], node_pos.astype(i32),
      currents.astype(i32)[:, None],
      candidate_nodes.reshape(NCAND, 1).astype(i32), npos_rep,
      candidate_masks.astype(i32), query_representations,
      W_hidden, b_hidden[None, :], W_pass, b_pass[None, :],
      W_nexthop, b_nexthop[None, :], W_candidate, b_candidate[None, :],
      W_gate, b_gate[None, :], W_rank, b_rank[None, :])
    return out

# --- scband reference (transcript-rebuilt; emitter-appended) ---
"""Pipeline reference for scband-agent-62594853372414 (READ-ONLY COPY).

The authoritative reference and input builder live on the scoring server;
editing this copy changes nothing except your own understanding.
"""

import jax, jax.numpy as jnp
import numpy as np

B = 256; MAX_NODES = 2048; TOPK = 8; MAXNB = 32
E = 128; H = 128; Q = 128; NENT = 100000; NREL = 512
SQRT_E = float(np.sqrt(E))

def leaky(x):
    return jax.nn.leaky_relu(x, 0.01)

def setup_inputs(seed: int = 0):
    key = jax.random.key(seed)
    ks = jax.random.split(key, 32)
    sc = 0.02
    inp = {}
    inp['start_entities'] = jax.random.randint(ks[0], (B,), 0, NENT)
    inp['query_representations'] = jax.random.normal(ks[1], (B, Q), dtype=jnp.float32)
    inp['node_pos'] = jax.random.randint(ks[2], (B, TOPK), 0, MAX_NODES)
    inp['aims'] = jax.random.randint(ks[3], (B, TOPK), 0, NENT)
    inp['aims_num'] = jax.random.randint(ks[4], (B,), 0, TOPK)
    inp['neighbors'] = jax.random.randint(ks[5], (B, TOPK, MAXNB, 2), 0, NREL)
    inp['neighbors_num'] = jax.random.randint(ks[6], (B, TOPK), 0, MAXNB)
    inp['currents'] = jax.random.randint(ks[7], (B,), 0, MAX_NODES)
    inp['candidate_nodes'] = jax.random.randint(ks[8], (B, MAXNB), 0, MAX_NODES)
    inp['candidate_entities'] = jax.random.randint(ks[9], (B, MAXNB), 0, NENT)
    inp['candidate_relations'] = jax.random.randint(ks[10], (B, MAXNB), 0, NREL)
    inp['candidate_masks'] = jax.random.randint(ks[11], (B, MAXNB), 0, 2).astype(bool)
    inp['entity_table'] = jax.random.normal(ks[12], (NENT, E), dtype=jnp.float32) * sc
    inp['relation_table'] = jax.random.normal(ks[13], (NREL, E), dtype=jnp.float32) * sc
    inp['W_hidden'] = jax.random.normal(ks[14], (E, H), dtype=jnp.float32) * sc
    inp['b_hidden'] = jnp.zeros((H,), dtype=jnp.float32)
    inp['W_pass'] = jax.random.normal(ks[15], (H + E, H), dtype=jnp.float32) * sc
    inp['b_pass'] = jnp.zeros((H,), dtype=jnp.float32)
    inp['W_nexthop'] = jax.random.normal(ks[16], (H + Q, H), dtype=jnp.float32) * sc
    inp['b_nexthop'] = jnp.zeros((H,), dtype=jnp.float32)
    inp['W_candidate'] = jax.random.normal(ks[17], (H + 2 * E, H), dtype=jnp.float32) * sc
    inp['b_candidate'] = jnp.zeros((H,), dtype=jnp.float32)
    inp['W_gate'] = jax.random.normal(ks[18], (H + Q, 1), dtype=jnp.float32) * sc
    inp['b_gate'] = jnp.zeros((1,), dtype=jnp.float32)
    inp['W_rank'] = jax.random.normal(ks[19], (H + Q, 1), dtype=jnp.float32) * sc
    inp['b_rank'] = jnp.zeros((1,), dtype=jnp.float32)
    return inp

def reference(start_entities, query_representations, node_pos, aims, aims_num,
              neighbors, neighbors_num, currents, candidate_nodes,
              candidate_entities, candidate_relations, candidate_masks,
              entity_table, relation_table, W_hidden, b_hidden, W_pass, b_pass,
              W_nexthop, b_nexthop, W_candidate, b_candidate, W_gate, b_gate,
              W_rank, b_rank):
    batch = jnp.arange(B)
    # init
    node_emb = jnp.zeros((B, MAX_NODES + 2, H), dtype=jnp.float32)
    init_e = entity_table[start_entities]
    node_emb = node_emb.at[:, 0].set(leaky(init_e @ W_hidden + b_hidden))
    # aggregate (message passing over expanded frontier)
    nbr_nodes = neighbors[..., 0]
    nbr_rels = neighbors[..., 1]
    aim_emb = entity_table[aims]
    node_e = node_emb[batch[:, None, None], nbr_nodes]
    rel_e = relation_table[nbr_rels]
    nbr = jnp.concatenate((node_e, rel_e), axis=-1)
    nbr = nbr @ W_pass + b_pass  # pass_activation = identity
    masks = jnp.arange(MAXNB)[None, None, :] >= neighbors_num[:, :, None]
    nbr = jnp.where(masks[..., None], 0.0, nbr)
    nn_f = neighbors_num.astype(jnp.float32)
    nn_f = nn_f + (neighbors_num == 0).astype(jnp.float32)
    nbr_agg = nbr.sum(axis=2) / nn_f[..., None]
    upd = leaky(aim_emb @ W_hidden + b_hidden + nbr_agg)
    node_emb = node_emb.at[batch[:, None], node_pos].set(upd)
    # next_hop
    cur = node_emb[batch, currents]
    cur_cat = jnp.concatenate((cur, query_representations), axis=1)
    cur_state = leaky(cur_cat @ W_nexthop + b_nexthop)
    cnode = node_emb[batch[:, None], candidate_nodes]
    cent = entity_table[candidate_entities]
    crel = relation_table[candidate_relations]
    cand = jnp.concatenate((cnode, cent, crel), axis=-1)
    cand = leaky(cand @ W_candidate + b_candidate)
    thresholds = cur_cat @ W_gate + b_gate
    scores = jnp.einsum('bh,bnh->bn', cur_state, cand) / SQRT_E
    scores = jnp.where(candidate_masks, scores, -100000.0)
    final_scores = jnp.concatenate((scores, thresholds), axis=1)
    # rank
    ne = node_emb[:, :MAX_NODES]
    q_b = jnp.broadcast_to(query_representations[:, None, :], (B, MAX_NODES, Q))
    ne_cat = jnp.concatenate((ne, q_b), axis=2)
    node_scores = (ne_cat @ W_rank + b_rank)[..., 0]  # rank_activation = identity
    return jnp.concatenate((final_scores, node_scores), axis=1)

if False:  # reference __main__ guard neutralized (emitter)
    out = reference(**setup_inputs())
    print(out.shape)

if __name__ == "__main__":
    import jax
    _d = setup_inputs()
    print(jax.jit(kernel)(*tuple(_d.values())))

</pallas_src>

<mosaic_0001>
#map = affine_map<(d0, d1) -> (0, 0)>
#map1 = affine_map<(d0, d1) -> (0, 0, 0)>
module attributes {stable_mosaic.version = 14 : i64} {
  func.func @_sc_body(%arg0: i32, %arg1: i32, %arg2: memref<100000x128xf32, #tpu.memory_space<hbm>>, %arg3: memref<520x128xf32, #tpu.memory_space<hbm>>, %arg4: memref<32x8x128xi32, #tpu.memory_space<hbm>>, %arg5: memref<2048x40xi32, #tpu.memory_space<hbm>>, %arg6: memref<12288x128xf32, #tpu.memory_space<hbm>>, %arg7: memref<8192x128xf32, #tpu.memory_space<hbm>>, %arg8: memref<2048x128xf32, #tpu.memory_space<hbm>>, %arg9: memref<520x128xf32, #tpu.memory_space<vmem>>, %arg10: memref<128x128xf32, #tpu.memory_space<vmem>>, %arg11: memref<128x128xf32, #tpu.memory_space<vmem>>, %arg12: memref<64x128xf32, #tpu.memory_space<vmem>>, %arg13: memref<64x40xi32, #tpu.memory_space<vmem>>, %arg14: memref<8x128xi32, #tpu.memory_space<vmem>>, %arg15: memref<!tpu.dma_semaphore, #tpu.memory_space<semaphore_mem>>, %arg16: memref<!tpu.dma_semaphore, #tpu.memory_space<semaphore_mem>>, %arg17: memref<!tpu.dma_semaphore, #tpu.memory_space<semaphore_mem>>, %arg18: memref<!tpu.dma_semaphore, #tpu.memory_space<semaphore_mem>>, %arg19: memref<!tpu.dma_semaphore, #tpu.memory_space<semaphore_mem>>, %arg20: memref<!tpu.dma_semaphore, #tpu.memory_space<semaphore_mem>>, %arg21: memref<!tpu.dma_semaphore, #tpu.memory_space<semaphore_mem>>, %arg22: memref<!tpu.dma_semaphore, #tpu.memory_space<semaphore_mem>>) attributes {dimension_semantics = [#tpu.dimension_semantics<core_parallel>, #tpu.dimension_semantics<subcore_parallel>], iteration_bounds = array<i64: 2, 16>, scalar_prefetch = 0 : i64, scratch_operands = 14 : i64, tpu.core_type = #tpu.core_type<sc_vector_subcore>, window_params = [{transform_indices = #map}, {transform_indices = #map}, {transform_indices = #map1}, {transform_indices = #map}, {transform_indices = #map}, {transform_indices = #map}, {transform_indices = #map}]} {
    %mul3A = arith.constant 2 : i32
    %mul3A_0 = arith.muli %arg1, %mul3A : i32
    %add3A = arith.addi %mul3A_0, %arg0 : i32
    %iota3A = tpu.iota {dimensions = array<i32: 0>} : vector<16xi32>
    %add3A_1 = arith.constant 0 : i32
    %add3A_2 = vector.broadcast %add3A_1 : i32 to vector<16xi32>
    %add3A_3 = arith.addi %iota3A, %add3A_2 : vector<16xi32>
    %add3A_4 = arith.constant 16 : i32
    %add3A_5 = vector.broadcast %add3A_4 : i32 to vector<16xi32>
    %add3A_6 = arith.addi %iota3A, %add3A_5 : vector<16xi32>
    %add3A_7 = arith.constant 32 : i32
    %add3A_8 = vector.broadcast %add3A_7 : i32 to vector<16xi32>
    %add3A_9 = arith.addi %iota3A, %add3A_8 : vector<16xi32>
    %add3A_10 = arith.constant 48 : i32
    %add3A_11 = vector.broadcast %add3A_10 : i32 to vector<16xi32>
    %add3A_12 = arith.addi %iota3A, %add3A_11 : vector<16xi32>
    %add3A_13 = arith.constant 64 : i32
    %add3A_14 = vector.broadcast %add3A_13 : i32 to vector<16xi32>
    %add3A_15 = arith.addi %iota3A, %add3A_14 : vector<16xi32>
    %add3A_16 = arith.constant 80 : i32
    %add3A_17 = vector.broadcast %add3A_16 : i32 to vector<16xi32>
    %add3A_18 = arith.addi %iota3A, %add3A_17 : vector<16xi32>
    %add3A_19 = arith.constant 96 : i32
    %add3A_20 = vector.broadcast %add3A_19 : i32 to vector<16xi32>
    %add3A_21 = arith.addi %iota3A, %add3A_20 : vector<16xi32>
    %add3A_22 = arith.constant 112 : i32
    %add3A_23 = vector.broadcast %add3A_22 : i32 to vector<16xi32>
    %add3A_24 = arith.addi %iota3A, %add3A_23 : vector<16xi32>
    tpu.enqueue_dma source(%arg3 : memref<520x128xf32, #tpu.memory_space<hbm>>) target(%arg9 : memref<520x128xf32, #tpu.memory_space<vmem>>) target_semaphore(%arg15 : memref<!tpu.dma_semaphore, #tpu.memory_space<semaphore_mem>>)
    %mul3A_25 = arith.constant 64 : i32
    %mul3A_26 = arith.muli %add3A, %mul3A_25 : i32
    %dma_start3A = arith.constant 0 : i32
    %dma_start3A_27 = tpu.memref_slice %arg5[%mul3A_26, %dma_start3A] : memref<2048x40xi32, #tpu.memory_space<hbm>> -> memref<64x40xi32, #tpu.memory_space<hbm>>
    %dma_start3A_28 = arith.constant 0 : i32
    %dma_start3A_29 = tpu.memref_slice %arg5[%mul3A_26, %dma_start3A_28] : memref<2048x40xi32, #tpu.memory_space<hbm>> -> memref<64x40xi32, #tpu.memory_space<hbm>>
    tpu.enqueue_dma source(%dma_start3A_29 : memref<64x40xi32, #tpu.memory_space<hbm>>) target(%arg13 : memref<64x40xi32, #tpu.memory_space<vmem>>) target_semaphore(%arg16 : memref<!tpu.dma_semaphore, #tpu.memory_space<semaphore_mem>>)
    %dma_start3A_30 = arith.constant 0 : i32
    %dma_start3A_31 = arith.constant 0 : i32
    %dma_start3A_32 = tpu.memref_slice %arg4[%add3A, %dma_start3A_30, %dma_start3A_31] : memref<32x8x128xi32, #tpu.memory_space<hbm>> -> memref<1x8x128xi32, #tpu.memory_space<hbm>>
    %dma_start3A_33 = tpu.memref_squeeze %dma_start3A_32 : memref<1x8x128xi32, #tpu.memory_space<hbm>> -> memref<8x128xi32, #tpu.memory_space<hbm>>
    %dma_start3A_34 = arith.constant 0 : i32
    %dma_start3A_35 = arith.constant 0 : i32
    %dma_start3A_36 = tpu.memref_slice %arg4[%add3A, %dma_start3A_34, %dma_start3A_35] : memref<32x8x128xi32, #tpu.memory_space<hbm>> -> memref<1x8x128xi32, #tpu.memory_space<hbm>>
    %dma_start3A_37 = tpu.memref_squeeze %dma_start3A_36 : memref<1x8x128xi32, #tpu.memory_space<hbm>> -> memref<8x128xi32, #tpu.memory_space<hbm>>
    tpu.enqueue_dma source(%dma_start3A_37 : memref<8x128xi32, #tpu.memory_space<hbm>>) target(%arg14 : memref<8x128xi32, #tpu.memory_space<vmem>>) target_semaphore(%arg17 : memref<!tpu.dma_semaphore, #tpu.memory_space<semaphore_mem>>)
    %dma_wait3A = arith.constant 0 : i32
    %dma_wait3A_38 = arith.constant 0 : i32
    %dma_wait3A_39 = tpu.memref_slice %arg4[%add3A, %dma_wait3A, %dma_wait3A_38] : memref<32x8x128xi32, #tpu.memory_space<hbm>> -> memref<1x8x128xi32, #tpu.memory_space<hbm>>
    %dma_wait3A_40 = tpu.memref_squeeze %dma_wait3A_39 : memref<1x8x128xi32, #tpu.memory_space<hbm>> -> memref<8x128xi32, #tpu.memory_space<hbm>>
    %dma_wait3A_41 = arith.constant 0 : i32
    %dma_wait3A_42 = arith.constant 0 : i32
    %dma_wait3A_43 = tpu.memref_slice %arg4[%add3A, %dma_wait3A_41, %dma_wait3A_42] : memref<32x8x128xi32, #tpu.memory_space<hbm>> -> memref<1x8x128xi32, #tpu.memory_space<hbm>>
    %dma_wait3A_44 = tpu.memref_squeeze %dma_wait3A_43 : memref<1x8x128xi32, #tpu.memory_space<hbm>> -> memref<8x128xi32, #tpu.memory_space<hbm>>
    tpu.wait_dma2 semaphore(%arg17 : memref<!tpu.dma_semaphore, #tpu.memory_space<semaphore_mem>>) src(%dma_wait3A_44 : memref<8x128xi32, #tpu.memory_space<hbm>>) dst(%arg14 : memref<8x128xi32, #tpu.memory_space<vmem>>)
    %dma_start3A_45 = arith.constant 0 : i32
    %dma_start3A_46 = arith.constant 0 : i32
    %dma_start3A_47 = tpu.memref_slice %arg14[%dma_start3A_45, %dma_start3A_46] : memref<8x128xi32, #tpu.memory_space<vmem>> -> memref<1x128xi32, #tpu.memory_space<vmem>>
    %dma_start3A_48 = tpu.memref_squeeze %dma_start3A_47 : memref<1x128xi32, #tpu.memory_space<vmem>> -> memref<128xi32, #tpu.memory_space<vmem>>
    %dma_start3A_49 = arith.constant 0 : i32
    %dma_start3A_50 = arith.constant 0 : i32
    %dma_start3A_51 = tpu.memref_slice %arg2[%dma_start3A_49, %dma_start3A_50] : memref<100000x128xf32, #tpu.memory_space<hbm>> -> memref<100000x128xf32, #tpu.memory_space<hbm>>
    tpu.enqueue_indirect_dma source(%dma_start3A_51 : memref<100000x128xf32, #tpu.memory_space<hbm>>) target(%arg10 : memref<128x128xf32, #tpu.memory_space<vmem>>) offsets(%dma_start3A_48 : memref<128xi32, #tpu.memory_space<vmem>>) semaphore(%arg18 : memref<!tpu.dma_semaphore, #tpu.memory_space<semaphore_mem>>)
    %dma_start3A_52 = arith.constant 1 : i32
    %dma_start3A_53 = arith.constant 0 : i32
    %dma_start3A_54 = tpu.memref_slice %arg14[%dma_start3A_52, %dma_start3A_53] : memref<8x128xi32, #tpu.memory_space<vmem>> -> memref<1x128xi32, #tpu.memory_space<vmem>>
    %dma_start3A_55 = tpu.memref_squeeze %dma_start3A_54 : memref<1x128xi32, #tpu.memory_space<vmem>> -> memref<128xi32, #tpu.memory_space<vmem>>
    %dma_start3A_56 = arith.constant 0 : i32
    %dma_start3A_57 = arith.constant 0 : i32
    %dma_start3A_58 = tpu.memref_slice %arg2[%dma_start3A_56, %dma_start3A_57] : memref<100000x128xf32, #tpu.memory_space<hbm>> -> memref<100000x128xf32, #tpu.memory_space<hbm>>
    tpu.enqueue_indirect_dma source(%dma_start3A_58 : memref<100000x128xf32, #tpu.memory_space<hbm>>) target(%arg11 : memref<128x128xf32, #tpu.memory_space<vmem>>) offsets(%dma_start3A_55 : memref<128xi32, #tpu.memory_space<vmem>>) semaphore(%arg19 : memref<!tpu.dma_semaphore, #tpu.memory_space<semaphore_mem>>)
    tpu.wait_dma2 semaphore(%arg15 : memref<!tpu.dma_semaphore, #tpu.memory_space<semaphore_mem>>) src(%arg3 : memref<520x128xf32, #tpu.memory_space<hbm>>) dst(%arg9 : memref<520x128xf32, #tpu.memory_space<vmem>>)
    %dma_wait3A_59 = arith.constant 0 : i32
    %dma_wait3A_60 = tpu.memref_slice %arg5[%mul3A_26, %dma_wait3A_59] : memref<2048x40xi32, #tpu.memory_space<hbm>> -> memref<64x40xi32, #tpu.memory_space<hbm>>
    %dma_wait3A_61 = arith.constant 0 : i32
    %dma_wait3A_62 = tpu.memref_slice %arg5[%mul3A_26, %dma_wait3A_61] : memref<2048x40xi32, #tpu.memory_space<hbm>> -> memref<64x40xi32, #tpu.memory_space<hbm>>
    tpu.wait_dma2 semaphore(%arg16 : memref<!tpu.dma_semaphore, #tpu.memory_space<semaphore_mem>>) src(%dma_wait3A_62 : memref<64x40xi32, #tpu.memory_space<hbm>>) dst(%arg13 : memref<64x40xi32, #tpu.memory_space<vmem>>)
    %scan3A = arith.constant 0 : i32
    %scan3A_63 = arith.constant 0 : i32
    %scan3A_64 = arith.constant 64 : i32
    %scan3A_65 = arith.addi %scan3A_63, %scan3A_64 : i32
    %scan3A_66 = arith.constant 1 : i32
    scf.for %scan3A_168 = %scan3A_63 to %scan3A_65 step %scan3A_66  : i32 {
      %broadcast_in_dim3A = vector.broadcast %scan3A_168 : i32 to vector<16xi32>
      %broadcast_in_dim3A_169 = arith.constant 32 : i32
      %broadcast_in_dim3A_170 = vector.broadcast %broadcast_in_dim3A_169 : i32 to vector<16xi32>
      %gather3A = tpu.vector_load_idx %arg13[%broadcast_in_dim3A, %broadcast_in_dim3A_170] : memref<64x40xi32, #tpu.memory_space<vmem>>[vector<16xi32>, vector<16xi32>], vector<16xi32>,
      %broadcast_in_dim3A_171 = arith.constant 0.000000e+00 : f32
      %broadcast_in_dim3A_172 = vector.broadcast %broadcast_in_dim3A_171 : f32 to vector<16xf32>
      %broadcast_in_dim3A_173 = arith.constant 0.000000e+00 : f32
      %broadcast_in_dim3A_174 = vector.broadcast %broadcast_in_dim3A_173 : f32 to vector<16xf32>
      %broadcast_in_dim3A_175 = arith.constant 0.000000e+00 : f32
      %broadcast_in_dim3A_176 = vector.broadcast %broadcast_in_dim3A_175 : f32 to vector<16xf32>
      %broadcast_in_dim3A_177 = arith.constant 0.000000e+00 : f32
      %broadcast_in_dim3A_178 = vector.broadcast %broadcast_in_dim3A_177 : f32 to vector<16xf32>
      %broadcast_in_dim3A_179 = arith.constant 0.000000e+00 : f32
      %broadcast_in_dim3A_180 = vector.broadcast %broadcast_in_dim3A_179 : f32 to vector<16xf32>
      %broadcast_in_dim3A_181 = arith.constant 0.000000e+00 : f32
      %broadcast_in_dim3A_182 = vector.broadcast %broadcast_in_dim3A_181 : f32 to vector<16xf32>
      %broadcast_in_dim3A_183 = arith.constant 0.000000e+00 : f32
      %broadcast_in_dim3A_184 = vector.broadcast %broadcast_in_dim3A_183 : f32 to vector<16xf32>
      %broadcast_in_dim3A_185 = arith.constant 0.000000e+00 : f32
      %broadcast_in_dim3A_186 = vector.broadcast %broadcast_in_dim3A_185 : f32 to vector<16xf32>
      %broadcast_in_dim3A_187 = vector.broadcast %scan3A_168 : i32 to vector<16xi32>
      %broadcast_in_dim3A_188 = arith.constant 0 : i32
      %broadcast_in_dim3A_189 = vector.broadcast %broadcast_in_dim3A_188 : i32 to vector<16xi32>
      %gather3A_190 = tpu.vector_load_idx %arg13[%broadcast_in_dim3A_187, %broadcast_in_dim3A_189] : memref<64x40xi32, #tpu.memory_space<vmem>>[vector<16xi32>, vector<16xi32>], vector<16xi32>,
      %gt3A = arith.constant 0 : i32
      %gt3A_191 = vector.broadcast %gt3A : i32 to vector<16xi32>
      %gt3A_192 = arith.cmpi sgt, %gather3A, %gt3A_191 : vector<16xi32>
      %broadcast_in_dim3A_193 = arith.constant 512 : i32
      %broadcast_in_dim3A_194 = vector.broadcast %broadcast_in_dim3A_193 : i32 to vector<16xi32>
      %select_n3A = arith.select %gt3A_192, %gather3A_190, %broadcast_in_dim3A_194 : vector<16xi1>, vector<16xi32>
      %gather3A_195 = tpu.vector_load_idx %arg9[%select_n3A, %add3A_3] : memref<520x128xf32, #tpu.memory_space<vmem>>[vector<16xi32>, vector<16xi32>], vector<16xf32>,
      %add3A_196 = arith.addf %broadcast_in_dim3A_172, %gather3A_195 : vector<16xf32>
      %gather3A_197 = tpu.vector_load_idx %arg9[%select_n3A, %add3A_6] : memref<520x128xf32, #tpu.memory_space<vmem>>[vector<16xi32>, vector<16xi32>], vector<16xf32>,
      %add3A_198 = arith.addf %broadcast_in_dim3A_174, %gather3A_197 : vector<16xf32>
      %gather3A_199 = tpu.vector_load_idx %arg9[%select_n3A, %add3A_9] : memref<520x128xf32, #tpu.memory_space<vmem>>[vector<16xi32>, vector<16xi32>], vector<16xf32>,
      %add3A_200 = arith.addf %broadcast_in_dim3A_176, %gather3A_199 : vector<16xf32>
      %gather3A_201 = tpu.vector_load_idx %arg9[%select_n3A, %add3A_12] : memref<520x128xf32, #tpu.memory_space<vmem>>[vector<16xi32>, vector<16xi32>], vector<16xf32>,
      %add3A_202 = arith.addf %broadcast_in_dim3A_178, %gather3A_201 : vector<16xf32>
      %gather3A_203 = tpu.vector_load_idx %arg9[%select_n3A, %add3A_15] : memref<520x128xf32, #tpu.memory_space<vmem>>[vector<16xi32>, vector<16xi32>], vector<16xf32>,
      %add3A_204 = arith.addf %broadcast_in_dim3A_180, %gather3A_203 : vector<16xf32>
      %gather3A_205 = tpu.vector_load_idx %arg9[%select_n3A, %add3A_18] : memref<520x128xf32, #tpu.memory_space<vmem>>[vector<16xi32>, vector<16xi32>], vector<16xf32>,
      %add3A_206 = arith.addf %broadcast_in_dim3A_182, %gather3A_205 : vector<16xf32>
      %gather3A_207 = tpu.vector_load_idx %arg9[%select_n3A, %add3A_21] : memref<520x128xf32, #tpu.memory_space<vmem>>[vector<16xi32>, vector<16xi32>], vector<16xf32>,
      %add3A_208 = arith.addf %broadcast_in_dim3A_184, %gather3A_207 : vector<16xf32>
      %gather3A_209 = tpu.vector_load_idx %arg9[%select_n3A, %add3A_24] : memref<520x128xf32, #tpu.memory_space<vmem>>[vector<16xi32>, vector<16xi32>], vector<16xf32>,
      %add3A_210 = arith.addf %broadcast_in_dim3A_186, %gather3A_209 : vector<16xf32>
      %broadcast_in_dim3A_211 = vector.broadcast %scan3A_168 : i32 to vector<16xi32>
      %broadcast_in_dim3A_212 = arith.constant 1 : i32
      %broadcast_in_dim3A_213 = vector.broadcast %broadcast_in_dim3A_212 : i32 to vector<16xi32>
      %gather3A_214 = tpu.vector_load_idx %arg13[%broadcast_in_dim3A_211, %broadcast_in_dim3A_213] : memref<64x40xi32, #tpu.memory_space<vmem>>[vector<16xi32>, vector<16xi32>], vector<16xi32>,
      %gt3A_215 = arith.constant 1 : i32
      %gt3A_216 = vector.broadcast %gt3A_215 : i32 to vector<16xi32>
      %gt3A_217 = arith.cmpi sgt, %gather3A, %gt3A_216 : vector<16xi32>
      %broadcast_in_dim3A_218 = arith.constant 512 : i32
      %broadcast_in_dim3A_219 = vector.broadcast %broadcast_in_dim3A_218 : i32 to vector<16xi32>
      %select_n3A_220 = arith.select %gt3A_217, %gather3A_214, %broadcast_in_dim3A_219 : vector<16xi1>, vector<16xi32>
      %gather3A_221 = tpu.vector_load_idx %arg9[%select_n3A_220, %add3A_3] : memref<520x128xf32, #tpu.memory_space<vmem>>[vector<16xi32>, vector<16xi32>], vector<16xf32>,
      %add3A_222 = arith.addf %add3A_196, %gather3A_221 : vector<16xf32>
      %gather3A_223 = tpu.vector_load_idx %arg9[%select_n3A_220, %add3A_6] : memref<520x128xf32, #tpu.memory_space<vmem>>[vector<16xi32>, vector<16xi32>], vector<16xf32>,
      %add3A_224 = arith.addf %add3A_198, %gather3A_223 : vector<16xf32>
      %gather3A_225 = tpu.vector_load_idx %arg9[%select_n3A_220, %add3A_9] : memref<520x128xf32, #tpu.memory_space<vmem>>[vector<16xi32>, vector<16xi32>], vector<16xf32>,
      %add3A_226 = arith.addf %add3A_200, %gather3A_225 : vector<16xf32>
      %gather3A_227 = tpu.vector_load_idx %arg9[%select_n3A_220, %add3A_12] : memref<520x128xf32, #tpu.memory_space<vmem>>[vector<16xi32>, vector<16xi32>], vector<16xf32>,
      %add3A_228 = arith.addf %add3A_202, %gather3A_227 : vector<16xf32>
      %gather3A_229 = tpu.vector_load_idx %arg9[%select_n3A_220, %add3A_15] : memref<520x128xf32, #tpu.memory_space<vmem>>[vector<16xi32>, vector<16xi32>], vector<16xf32>,
      %add3A_230 = arith.addf %add3A_204, %gather3A_229 : vector<16xf32>
      %gather3A_231 = tpu.vector_load_idx %arg9[%select_n3A_220, %add3A_18] : memref<520x128xf32, #tpu.memory_space<vmem>>[vector<16xi32>, vector<16xi32>], vector<16xf32>,
      %add3A_232 = arith.addf %add3A_206, %gather3A_231 : vector<16xf32>
      %gather3A_233 = tpu.vector_load_idx %arg9[%select_n3A_220, %add3A_21] : memref<520x128xf32, #tpu.memory_space<vmem>>[vector<16xi32>, vector<16xi32>], vector<16xf32>,
      %add3A_234 = arith.addf %add3A_208, %gather3A_233 : vector<16xf32>
      %gather3A_235 = tpu.vector_load_idx %arg9[%select_n3A_220, %add3A_24] : memref<520x128xf32, #tpu.memory_space<vmem>>[vector<16xi32>, vector<16xi32>], vector<16xf32>,
      %add3A_236 = arith.addf %add3A_210, %gather3A_235 : vector<16xf32>
      %broadcast_in_dim3A_237 = vector.broadcast %scan3A_168 : i32 to vector<16xi32>
      %broadcast_in_dim3A_238 = arith.constant 2 : i32
      %broadcast_in_dim3A_239 = vector.broadcast %broadcast_in_dim3A_238 : i32 to vector<16xi32>
      %gather3A_240 = tpu.vector_load_idx %arg13[%broadcast_in_dim3A_237, %broadcast_in_dim3A_239] : memref<64x40xi32, #tpu.memory_space<vmem>>[vector<16xi32>, vector<16xi32>], vector<16xi32>,
      %gt3A_241 = arith.constant 2 : i32
      %gt3A_242 = vector.broadcast %gt3A_241 : i32 to vector<16xi32>
      %gt3A_243 = arith.cmpi sgt, %gather3A, %gt3A_242 : vector<16xi32>
      %broadcast_in_dim3A_244 = arith.constant 512 : i32
      %broadcast_in_dim3A_245 = vector.broadcast %broadcast_in_dim3A_244 : i32 to vector<16xi32>
      %select_n3A_246 = arith.select %gt3A_243, %gather3A_240, %broadcast_in_dim3A_245 : vector<16xi1>, vector<16xi32>
      %gather3A_247 = tpu.vector_load_idx %arg9[%select_n3A_246, %add3A_3] : memref<520x128xf32, #tpu.memory_space<vmem>>[vector<16xi32>, vector<16xi32>], vector<16xf32>,
      %add3A_248 = arith.addf %add3A_222, %gather3A_247 : vector<16xf32>
      %gather3A_249 = tpu.vector_load_idx %arg9[%select_n3A_246, %add3A_6] : memref<520x128xf32, #tpu.memory_space<vmem>>[vector<16xi32>, vector<16xi32>], vector<16xf32>,
      %add3A_250 = arith.addf %add3A_224, %gather3A_249 : vector<16xf32>
      %gather3A_251 = tpu.vector_load_idx %arg9[%select_n3A_246, %add3A_9] : memref<520x128xf32, #tpu.memory_space<vmem>>[vector<16xi32>, vector<16xi32>], vector<16xf32>,
      %add3A_252 = arith.addf %add3A_226, %gather3A_251 : vector<16xf32>
      %gather3A_253 = tpu.vector_load_idx %arg9[%select_n3A_246, %add3A_12] : memref<520x128xf32, #tpu.memory_space<vmem>>[vector<16xi32>, vector<16xi32>], vector<16xf32>,
      %add3A_254 = arith.addf %add3A_228, %gather3A_253 : vector<16xf32>
      %gather3A_255 = tpu.vector_load_idx %arg9[%select_n3A_246, %add3A_15] : memref<520x128xf32, #tpu.memory_space<vmem>>[vector<16xi32>, vector<16xi32>], vector<16xf32>,
      %add3A_256 = arith.addf %add3A_230, %gather3A_255 : vector<16xf32>
      %gather3A_257 = tpu.vector_load_idx %arg9[%select_n3A_246, %add3A_18] : memref<520x128xf32, #tpu.memory_space<vmem>>[vector<16xi32>, vector<16xi32>], vector<16xf32>,
      %add3A_258 = arith.addf %add3A_232, %gather3A_257 : vector<16xf32>
      %gather3A_259 = tpu.vector_load_idx %arg9[%select_n3A_246, %add3A_21] : memref<520x128xf32, #tpu.memory_space<vmem>>[vector<16xi32>, vector<16xi32>], vector<16xf32>,
      %add3A_260 = arith.addf %add3A_234, %gather3A_259 : vector<16xf32>
      %gather3A_261 = tpu.vector_load_idx %arg9[%select_n3A_246, %add3A_24] : memref<520x128xf32, #tpu.memory_space<vmem>>[vector<16xi32>, vector<16xi32>], vector<16xf32>,
      %add3A_262 = arith.addf %add3A_236, %gather3A_261 : vector<16xf32>
      %broadcast_in_dim3A_263 = vector.broadcast %scan3A_168 : i32 to vector<16xi32>
      %broadcast_in_dim3A_264 = arith.constant 3 : i32
      %broadcast_in_dim3A_265 = vector.broadcast %broadcast_in_dim3A_264 : i32 to vector<16xi32>
      %gather3A_266 = tpu.vector_load_idx %arg13[%broadcast_in_dim3A_263, %broadcast_in_dim3A_265] : memref<64x40xi32, #tpu.memory_space<vmem>>[vector<16xi32>, vector<16xi32>], vector<16xi32>,
      %gt3A_267 = arith.constant 3 : i32
      %gt3A_268 = vector.broadcast %gt3A_267 : i32 to vector<16xi32>
      %gt3A_269 = arith.cmpi sgt, %gather3A, %gt3A_268 : vector<16xi32>
      %broadcast_in_dim3A_270 = arith.constant 512 : i32
      %broadcast_in_dim3A_271 = vector.broadcast %broadcast_in_dim3A_270 : i32 to vector<16xi32>
      %select_n3A_272 = arith.select %gt3A_269, %gather3A_266, %broadcast_in_dim3A_271 : vector<16xi1>, vector<16xi32>
      %gather3A_273 = tpu.vector_load_idx %arg9[%select_n3A_272, %add3A_3] : memref<520x128xf32, #tpu.memory_space<vmem>>[vector<16xi32>, vector<16xi32>], vector<16xf32>,
      %add3A_274 = arith.addf %add3A_248, %gather3A_273 : vector<16xf32>
      %gather3A_275 = tpu.vector_load_idx %arg9[%select_n3A_272, %add3A_6] : memref<520x128xf32, #tpu.memory_space<vmem>>[vector<16xi32>, vector<16xi32>], vector<16xf32>,
      %add3A_276 = arith.addf %add3A_250, %gather3A_275 : vector<16xf32>
      %gather3A_277 = tpu.vector_load_idx %arg9[%select_n3A_272, %add3A_9] : memref<520x128xf32, #tpu.memory_space<vmem>>[vector<16xi32>, vector<16xi32>], vector<16xf32>,
      %add3A_278 = arith.addf %add3A_252, %gather3A_277 : vector<16xf32>
      %gather3A_279 = tpu.vector_load_idx %arg9[%select_n3A_272, %add3A_12] : memref<520x128xf32, #tpu.memory_space<vmem>>[vector<16xi32>, vector<16xi32>], vector<16xf32>,
      %add3A_280 = arith.addf %add3A_254, %gather3A_279 : vector<16xf32>
      %gather3A_281 = tpu.vector_load_idx %arg9[%select_n3A_272, %add3A_15] : memref<520x128xf32, #tpu.memory_space<vmem>>[vector<16xi32>, vector<16xi32>], vector<16xf32>,
      %add3A_282 = arith.addf %add3A_256, %gather3A_281 : vector<16xf32>
      %gather3A_283 = tpu.vector_load_idx %arg9[%select_n3A_272, %add3A_18] : memref<520x128xf32, #tpu.memory_space<vmem>>[vector<16xi32>, vector<16xi32>], vector<16xf32>,
      %add3A_284 = arith.addf %add3A_258, %gather3A_283 : vector<16xf32>
      %gather3A_285 = tpu.vector_load_idx %arg9[%select_n3A_272, %add3A_21] : memref<520x128xf32, #tpu.memory_space<vmem>>[vector<16xi32>, vector<16xi32>], vector<16xf32>,
      %add3A_286 = arith.addf %add3A_260, %gather3A_285 : vector<16xf32>
      %gather3A_287 = tpu.vector_load_idx %arg9[%select_n3A_272, %add3A_24] : memref<520x128xf32, #tpu.memory_space<vmem>>[vector<16xi32>, vector<16xi32>], vector<16xf32>,
      %add3A_288 = arith.addf %add3A_262, %gather3A_287 : vector<16xf32>
      %broadcast_in_dim3A_289 = vector.broadcast %scan3A_168 : i32 to vector<16xi32>
      %broadcast_in_dim3A_290 = arith.constant 4 : i32
      %broadcast_in_dim3A_291 = vector.broadcast %broadcast_in_dim3A_290 : i32 to vector<16xi32>
      %gather3A_292 = tpu.vector_load_idx %arg13[%broadcast_in_dim3A_289, %broadcast_in_dim3A_291] : memref<64x40xi32, #tpu.memory_space<vmem>>[vector<16xi32>, vector<16xi32>], vector<16xi32>,
      %gt3A_293 = arith.constant 4 : i32
      %gt3A_294 = vector.broadcast %gt3A_293 : i32 to vector<16xi32>
      %gt3A_295 = arith.cmpi sgt, %gather3A, %gt3A_294 : vector<16xi32>
      %broadcast_in_dim3A_296 = arith.constant 512 : i32
      %broadcast_in_dim3A_297 = vector.broadcast %broadcast_in_dim3A_296 : i32 to vector<16xi32>
      %select_n3A_298 = arith.select %gt3A_295, %gather3A_292, %broadcast_in_dim3A_297 : vector<16xi1>, vector<16xi32>
      %gather3A_299 = tpu.vector_load_idx %arg9[%select_n3A_298, %add3A_3] : memref<520x128xf32, #tpu.memory_space<vmem>>[vector<16xi32>, vector<16xi32>], vector<16xf32>,
      %add3A_300 = arith.addf %add3A_274, %gather3A_299 : vector<16xf32>
      %gather3A_301 = tpu.vector_load_idx %arg9[%select_n3A_298, %add3A_6] : memref<520x128xf32, #tpu.memory_space<vmem>>[vector<16xi32>, vector<16xi32>], vector<16xf32>,
      %add3A_302 = arith.addf %add3A_276, %gather3A_301 : vector<16xf32>
      %gather3A_303 = tpu.vector_load_idx %arg9[%select_n3A_298, %add3A_9] : memref<520x128xf32, #tpu.memory_space<vmem>>[vector<16xi32>, vector<16xi32>], vector<16xf32>,
      %add3A_304 = arith.addf %add3A_278, %gather3A_303 : vector<16xf32>
      %gather3A_305 = tpu.vector_load_idx %arg9[%select_n3A_298, %add3A_12] : memref<520x128xf32, #tpu.memory_space<vmem>>[vector<16xi32>, vector<16xi32>], vector<16xf32>,
      %add3A_306 = arith.addf %add3A_280, %gather3A_305 : vector<16xf32>
      %gather3A_307 = tpu.vector_load_idx %arg9[%select_n3A_298, %add3A_15] : memref<520x128xf32, #tpu.memory_space<vmem>>[vector<16xi32>, vector<16xi32>], vector<16xf32>,
      %add3A_308 = arith.addf %add3A_282, %gather3A_307 : vector<16xf32>
      %gather3A_309 = tpu.vector_load_idx %arg9[%select_n3A_298, %add3A_18] : memref<520x128xf32, #tpu.memory_space<vmem>>[vector<16xi32>, vector<16xi32>], vector<16xf32>,
      %add3A_310 = arith.addf %add3A_284, %gather3A_309 : vector<16xf32>
      %gather3A_311 = tpu.vector_load_idx %arg9[%select_n3A_298, %add3A_21] : memref<520x128xf32, #tpu.memory_space<vmem>>[vector<16xi32>, vector<16xi32>], vector<16xf32>,
      %add3A_312 = arith.addf %add3A_286, %gather3A_311 : vector<16xf32>
      %gather3A_313 = tpu.vector_load_idx %arg9[%select_n3A_298, %add3A_24] : memref<520x128xf32, #tpu.memory_space<vmem>>[vector<16xi32>, vector<16xi32>], vector<16xf32>,
      %add3A_314 = arith.addf %add3A_288, %gather3A_313 : vector<16xf32>
      %broadcast_in_dim3A_315 = vector.broadcast %scan3A_168 : i32 to vector<16xi32>
      %broadcast_in_dim3A_316 = arith.constant 5 : i32
      %broadcast_in_dim3A_317 = vector.broadcast %broadcast_in_dim3A_316 : i32 to vector<16xi32>
      %gather3A_318 = tpu.vector_load_idx %arg13[%broadcast_in_dim3A_315, %broadcast_in_dim3A_317] : memref<64x40xi32, #tpu.memory_space<vmem>>[vector<16xi32>, vector<16xi32>], vector<16xi32>,
      %gt3A_319 = arith.constant 5 : i32
      %gt3A_320 = vector.broadcast %gt3A_319 : i32 to vector<16xi32>
      %gt3A_321 = arith.cmpi sgt, %gather3A, %gt3A_320 : vector<16xi32>
      %broadcast_in_dim3A_322 = arith.constant 512 : i32
      %broadcast_in_dim3A_323 = vector.broadcast %broadcast_in_dim3A_322 : i32 to vector<16xi32>
      %select_n3A_324 = arith.select %gt3A_321, %gather3A_318, %broadcast_in_dim3A_323 : vector<16xi1>, vector<16xi32>
      %gather3A_325 = tpu.vector_load_idx %arg9[%select_n3A_324, %add3A_3] : memref<520x128xf32, #tpu.memory_space<vmem>>[vector<16xi32>, vector<16xi32>], vector<16xf32>,
      %add3A_326 = arith.addf %add3A_300, %gather3A_325 : vector<16xf32>
      %gather3A_327 = tpu.vector_load_idx %arg9[%select_n3A_324, %add3A_6] : memref<520x128xf32, #tpu.memory_space<vmem>>[vector<16xi32>, vector<16xi32>], vector<16xf32>,
      %add3A_328 = arith.addf %add3A_302, %gather3A_327 : vector<16xf32>
      %gather3A_329 = tpu.vector_load_idx %arg9[%select_n3A_324, %add3A_9] : memref<520x128xf32, #tpu.memory_space<vmem>>[vector<16xi32>, vector<16xi32>], vector<16xf32>,
      %add3A_330 = arith.addf %add3A_304, %gather3A_329 : vector<16xf32>
      %gather3A_331 = tpu.vector_load_idx %arg9[%select_n3A_324, %add3A_12] : memref<520x128xf32, #tpu.memory_space<vmem>>[vector<16xi32>, vector<16xi32>], vector<16xf32>,
      %add3A_332 = arith.addf %add3A_306, %gather3A_331 : vector<16xf32>
      %gather3A_333 = tpu.vector_load_idx %arg9[%select_n3A_324, %add3A_15] : memref<520x128xf32, #tpu.memory_space<vmem>>[vector<16xi32>, vector<16xi32>], vector<16xf32>,
      %add3A_334 = arith.addf %add3A_308, %gather3A_333 : vector<16xf32>
      %gather3A_335 = tpu.vector_load_idx %arg9[%select_n3A_324, %add3A_18] : memref<520x128xf32, #tpu.memory_space<vmem>>[vector<16xi32>, vector<16xi32>], vector<16xf32>,
      %add3A_336 = arith.addf %add3A_310, %gather3A_335 : vector<16xf32>
      %gather3A_337 = tpu.vector_load_idx %arg9[%select_n3A_324, %add3A_21] : memref<520x128xf32, #tpu.memory_space<vmem>>[vector<16xi32>, vector<16xi32>], vector<16xf32>,
      %add3A_338 = arith.addf %add3A_312, %gather3A_337 : vector<16xf32>
      %gather3A_339 = tpu.vector_load_idx %arg9[%select_n3A_324, %add3A_24] : memref<520x128xf32, #tpu.memory_space<vmem>>[vector<16xi32>, vector<16xi32>], vector<16xf32>,
      %add3A_340 = arith.addf %add3A_314, %gather3A_339 : vector<16xf32>
      %broadcast_in_dim3A_341 = vector.broadcast %scan3A_168 : i32 to vector<16xi32>
      %broadcast_in_dim3A_342 = arith.constant 6 : i32
      %broadcast_in_dim3A_343 = vector.broadcast %broadcast_in_dim3A_342 : i32 to vector<16xi32>
      %gather3A_344 = tpu.vector_load_idx %arg13[%broadcast_in_dim3A_341, %broadcast_in_dim3A_343] : memref<64x40xi32, #tpu.memory_space<vmem>>[vector<16xi32>, vector<16xi32>], vector<16xi32>,
      %gt3A_345 = arith.constant 6 : i32
      %gt3A_346 = vector.broadcast %gt3A_345 : i32 to vector<16xi32>
      %gt3A_347 = arith.cmpi sgt, %gather3A, %gt3A_346 : vector<16xi32>
      %broadcast_in_dim3A_348 = arith.constant 512 : i32
      %broadcast_in_dim3A_349 = vector.broadcast %broadcast_in_dim3A_348 : i32 to vector<16xi32>
      %select_n3A_350 = arith.select %gt3A_347, %gather3A_344, %broadcast_in_dim3A_349 : vector<16xi1>, vector<16xi32>
      %gather3A_351 = tpu.vector_load_idx %arg9[%select_n3A_350, %add3A_3] : memref<520x128xf32, #tpu.memory_space<vmem>>[vector<16xi32>, vector<16xi32>], vector<16xf32>,
      %add3A_352 = arith.addf %add3A_326, %gather3A_351 : vector<16xf32>
      %gather3A_353 = tpu.vector_load_idx %arg9[%select_n3A_350, %add3A_6] : memref<520x128xf32, #tpu.memory_space<vmem>>[vector<16xi32>, vector<16xi32>], vector<16xf32>,
      %add3A_354 = arith.addf %add3A_328, %gather3A_353 : vector<16xf32>
      %gather3A_355 = tpu.vector_load_idx %arg9[%select_n3A_350, %add3A_9] : memref<520x128xf32, #tpu.memory_space<vmem>>[vector<16xi32>, vector<16xi32>], vector<16xf32>,
      %add3A_356 = arith.addf %add3A_330, %gather3A_355 : vector<16xf32>
      %gather3A_357 = tpu.vector_load_idx %arg9[%select_n3A_350, %add3A_12] : memref<520x128xf32, #tpu.memory_space<vmem>>[vector<16xi32>, vector<16xi32>], vector<16xf32>,
      %add3A_358 = arith.addf %add3A_332, %gather3A_357 : vector<16xf32>
      %gather3A_359 = tpu.vector_load_idx %arg9[%select_n3A_350, %add3A_15] : memref<520x128xf32, #tpu.memory_space<vmem>>[vector<16xi32>, vector<16xi32>], vector<16xf32>,
      %add3A_360 = arith.addf %add3A_334, %gather3A_359 : vector<16xf32>
      %gather3A_361 = tpu.vector_load_idx %arg9[%select_n3A_350, %add3A_18] : memref<520x128xf32, #tpu.memory_space<vmem>>[vector<16xi32>, vector<16xi32>], vector<16xf32>,
      %add3A_362 = arith.addf %add3A_336, %gather3A_361 : vector<16xf32>
      %gather3A_363 = tpu.vector_load_idx %arg9[%select_n3A_350, %add3A_21] : memref<520x128xf32, #tpu.memory_space<vmem>>[vector<16xi32>, vector<16xi32>], vector<16xf32>,
      %add3A_364 = arith.addf %add3A_338, %gather3A_363 : vector<16xf32>
      %gather3A_365 = tpu.vector_load_idx %arg9[%select_n3A_350, %add3A_24] : memref<520x128xf32, #tpu.memory_space<vmem>>[vector<16xi32>, vector<16xi32>], vector<16xf32>,
      %add3A_366 = arith.addf %add3A_340, %gather3A_365 : vector<16xf32>
      %broadcast_in_dim3A_367 = vector.broadcast %scan3A_168 : i32 to vector<16xi32>
      %broadcast_in_dim3A_368 = arith.constant 7 : i32
      %broadcast_in_dim3A_369 = vector.broadcast %broadcast_in_dim3A_368 : i32 to vector<16xi32>
      %gather3A_370 = tpu.vector_load_idx %arg13[%broadcast_in_dim3A_367, %broadcast_in_dim3A_369] : memref<64x40xi32, #tpu.memory_space<vmem>>[vector<16xi32>, vector<16xi32>], vector<16xi32>,
      %gt3A_371 = arith.constant 7 : i32
      %gt3A_372 = vector.broadcast %gt3A_371 : i32 to vector<16xi32>
      %gt3A_373 = arith.cmpi sgt, %gather3A, %gt3A_372 : vector<16xi32>
      %broadcast_in_dim3A_374 = arith.constant 512 : i32
      %broadcast_in_dim3A_375 = vector.broadcast %broadcast_in_dim3A_374 : i32 to vector<16xi32>
      %select_n3A_376 = arith.select %gt3A_373, %gather3A_370, %broadcast_in_dim3A_375 : vector<16xi1>, vector<16xi32>
      %gather3A_377 = tpu.vector_load_idx %arg9[%select_n3A_376, %add3A_3] : memref<520x128xf32, #tpu.memory_space<vmem>>[vector<16xi32>, vector<16xi32>], vector<16xf32>,
      %add3A_378 = arith.addf %add3A_352, %gather3A_377 : vector<16xf32>
      %gather3A_379 = tpu.vector_load_idx %arg9[%select_n3A_376, %add3A_6] : memref<520x128xf32, #tpu.memory_space<vmem>>[vector<16xi32>, vector<16xi32>], vector<16xf32>,
      %add3A_380 = arith.addf %add3A_354, %gather3A_379 : vector<16xf32>
      %gather3A_381 = tpu.vector_load_idx %arg9[%select_n3A_376, %add3A_9] : memref<520x128xf32, #tpu.memory_space<vmem>>[vector<16xi32>, vector<16xi32>], vector<16xf32>,
      %add3A_382 = arith.addf %add3A_356, %gather3A_381 : vector<16xf32>
      %gather3A_383 = tpu.vector_load_idx %arg9[%select_n3A_376, %add3A_12] : memref<520x128xf32, #tpu.memory_space<vmem>>[vector<16xi32>, vector<16xi32>], vector<16xf32>,
      %add3A_384 = arith.addf %add3A_358, %gather3A_383 : vector<16xf32>
      %gather3A_385 = tpu.vector_load_idx %arg9[%select_n3A_376, %add3A_15] : memref<520x128xf32, #tpu.memory_space<vmem>>[vector<16xi32>, vector<16xi32>], vector<16xf32>,
      %add3A_386 = arith.addf %add3A_360, %gather3A_385 : vector<16xf32>
      %gather3A_387 = tpu.vector_load_idx %arg9[%select_n3A_376, %add3A_18] : memref<520x128xf32, #tpu.memory_space<vmem>>[vector<16xi32>, vector<16xi32>], vector<16xf32>,
      %add3A_388 = arith.addf %add3A_362, %gather3A_387 : vector<16xf32>
      %gather3A_389 = tpu.vector_load_idx %arg9[%select_n3A_376, %add3A_21] : memref<520x128xf32, #tpu.memory_space<vmem>>[vector<16xi32>, vector<16xi32>], vector<16xf32>,
      %add3A_390 = arith.addf %add3A_364, %gather3A_389 : vector<16xf32>
      %gather3A_391 = tpu.vector_load_idx %arg9[%select_n3A_376, %add3A_24] : memref<520x128xf32, #tpu.memory_space<vmem>>[vector<16xi32>, vector<16xi32>], vector<16xf32>,
      %add3A_392 = arith.addf %add3A_366, %gather3A_391 : vector<16xf32>
      %broadcast_in_dim3A_393 = vector.broadcast %scan3A_168 : i32 to vector<16xi32>
      %broadcast_in_dim3A_394 = arith.constant 8 : i32
      %broadcast_in_dim3A_395 = vector.broadcast %broadcast_in_dim3A_394 : i32 to vector<16xi32>
      %gather3A_396 = tpu.vector_load_idx %arg13[%broadcast_in_dim3A_393, %broadcast_in_dim3A_395] : memref<64x40xi32, #tpu.memory_space<vmem>>[vector<16xi32>, vector<16xi32>], vector<16xi32>,
      %gt3A_397 = arith.constant 8 : i32
      %gt3A_398 = vector.broadcast %gt3A_397 : i32 to vector<16xi32>
      %gt3A_399 = arith.cmpi sgt, %gather3A, %gt3A_398 : vector<16xi32>
      %broadcast_in_dim3A_400 = arith.constant 512 : i32
      %broadcast_in_dim3A_401 = vector.broadcast %broadcast_in_dim3A_400 : i32 to vector<16xi32>
      %select_n3A_402 = arith.select %gt3A_399, %gather3A_396, %broadcast_in_dim3A_401 : vector<16xi1>, vector<16xi32>
      %gather3A_403 = tpu.vector_load_idx %arg9[%select_n3A_402, %add3A_3] : memref<520x128xf32, #tpu.memory_space<vmem>>[vector<16xi32>, vector<16xi32>], vector<16xf32>,
      %add3A_404 = arith.addf %add3A_378, %gather3A_403 : vector<16xf32>
      %gather3A_405 = tpu.vector_load_idx %arg9[%select_n3A_402, %add3A_6] : memref<520x128xf32, #tpu.memory_space<vmem>>[vector<16xi32>, vector<16xi32>], vector<16xf32>,
      %add3A_406 = arith.addf %add3A_380, %gather3A_405 : vector<16xf32>
      %gather3A_407 = tpu.vector_load_idx %arg9[%select_n3A_402, %add3A_9] : memref<520x128xf32, #tpu.memory_space<vmem>>[vector<16xi32>, vector<16xi32>], vector<16xf32>,
      %add3A_408 = arith.addf %add3A_382, %gather3A_407 : vector<16xf32>
      %gather3A_409 = tpu.vector_load_idx %arg9[%select_n3A_402, %add3A_12] : memref<520x128xf32, #tpu.memory_space<vmem>>[vector<16xi32>, vector<16xi32>], vector<16xf32>,
      %add3A_410 = arith.addf %add3A_384, %gather3A_409 : vector<16xf32>
      %gather3A_411 = tpu.vector_load_idx %arg9[%select_n3A_402, %add3A_15] : memref<520x128xf32, #tpu.memory_space<vmem>>[vector<16xi32>, vector<16xi32>], vector<16xf32>,
      %add3A_412 = arith.addf %add3A_386, %gather3A_411 : vector<16xf32>
      %gather3A_413 = tpu.vector_load_idx %arg9[%select_n3A_402, %add3A_18] : memref<520x128xf32, #tpu.memory_space<vmem>>[vector<16xi32>, vector<16xi32>], vector<16xf32>,
      %add3A_414 = arith.addf %add3A_388, %gather3A_413 : vector<16xf32>
      %gather3A_415 = tpu.vector_load_idx %arg9[%select_n3A_402, %add3A_21] : memref<520x128xf32, #tpu.memory_space<vmem>>[vector<16xi32>, vector<16xi32>], vector<16xf32>,
      %add3A_416 = arith.addf %add3A_390, %gather3A_415 : vector<16xf32>
      %gather3A_417 = tpu.vector_load_idx %arg9[%select_n3A_402, %add3A_24] : memref<520x128xf32, #tpu.memory_space<vmem>>[vector<16xi32>, vector<16xi32>], vector<16xf32>,
      %add3A_418 = arith.addf %add3A_392, %gather3A_417 : vector<16xf32>
      %broadcast_in_dim3A_419 = vector.broadcast %scan3A_168 : i32 to vector<16xi32>
      %broadcast_in_dim3A_420 = arith.constant 9 : i32
      %broadcast_in_dim3A_421 = vector.broadcast %broadcast_in_dim3A_420 : i32 to vector<16xi32>
      %gather3A_422 = tpu.vector_load_idx %arg13[%broadcast_in_dim3A_419, %broadcast_in_dim3A_421] : memref<64x40xi32, #tpu.memory_space<vmem>>[vector<16xi32>, vector<16xi32>], vector<16xi32>,
      %gt3A_423 = arith.constant 9 : i32
      %gt3A_424 = vector.broadcast %gt3A_423 : i32 to vector<16xi32>
      %gt3A_425 = arith.cmpi sgt, %gather3A, %gt3A_424 : vector<16xi32>
      %broadcast_in_dim3A_426 = arith.constant 512 : i32
      %broadcast_in_dim3A_427 = vector.broadcast %broadcast_in_dim3A_426 : i32 to vector<16xi32>
      %select_n3A_428 = arith.select %gt3A_425, %gather3A_422, %broadcast_in_dim3A_427 : vector<16xi1>, vector<16xi32>
      %gather3A_429 = tpu.vector_load_idx %arg9[%select_n3A_428, %add3A_3] : memref<520x128xf32, #tpu.memory_space<vmem>>[vector<16xi32>, vector<16xi32>], vector<16xf32>,
      %add3A_430 = arith.addf %add3A_404, %gather3A_429 : vector<16xf32>
      %gather3A_431 = tpu.vector_load_idx %arg9[%select_n3A_428, %add3A_6] : memref<520x128xf32, #tpu.memory_space<vmem>>[vector<16xi32>, vector<16xi32>], vector<16xf32>,
      %add3A_432 = arith.addf %add3A_406, %gather3A_431 : vector<16xf32>
      %gather3A_433 = tpu.vector_load_idx %arg9[%select_n3A_428, %add3A_9] : memref<520x128xf32, #tpu.memory_space<vmem>>[vector<16xi32>, vector<16xi32>], vector<16xf32>,
      %add3A_434 = arith.addf %add3A_408, %gather3A_433 : vector<16xf32>
      %gather3A_435 = tpu.vector_load_idx %arg9[%select_n3A_428, %add3A_12] : memref<520x128xf32, #tpu.memory_space<vmem>>[vector<16xi32>, vector<16xi32>], vector<16xf32>,
      %add3A_436 = arith.addf %add3A_410, %gather3A_435 : vector<16xf32>
      %gather3A_437 = tpu.vector_load_idx %arg9[%select_n3A_428, %add3A_15] : memref<520x128xf32, #tpu.memory_space<vmem>>[vector<16xi32>, vector<16xi32>], vector<16xf32>,
      %add3A_438 = arith.addf %add3A_412, %gather3A_437 : vector<16xf32>
      %gather3A_439 = tpu.vector_load_idx %arg9[%select_n3A_428, %add3A_18] : memref<520x128xf32, #tpu.memory_space<vmem>>[vector<16xi32>, vector<16xi32>], vector<16xf32>,
      %add3A_440 = arith.addf %add3A_414, %gather3A_439 : vector<16xf32>
      %gather3A_441 = tpu.vector_load_idx %arg9[%select_n3A_428, %add3A_21] : memref<520x128xf32, #tpu.memory_space<vmem>>[vector<16xi32>, vector<16xi32>], vector<16xf32>,
      %add3A_442 = arith.addf %add3A_416, %gather3A_441 : vector<16xf32>
      %gather3A_443 = tpu.vector_load_idx %arg9[%select_n3A_428, %add3A_24] : memref<520x128xf32, #tpu.memory_space<vmem>>[vector<16xi32>, vector<16xi32>], vector<16xf32>,
      %add3A_444 = arith.addf %add3A_418, %gather3A_443 : vector<16xf32>
      %broadcast_in_dim3A_445 = vector.broadcast %scan3A_168 : i32 to vector<16xi32>
      %broadcast_in_dim3A_446 = arith.constant 10 : i32
      %broadcast_in_dim3A_447 = vector.broadcast %broadcast_in_dim3A_446 : i32 to vector<16xi32>
      %gather3A_448 = tpu.vector_load_idx %arg13[%broadcast_in_dim3A_445, %broadcast_in_dim3A_447] : memref<64x40xi32, #tpu.memory_space<vmem>>[vector<16xi32>, vector<16xi32>], vector<16xi32>,
      %gt3A_449 = arith.constant 10 : i32
      %gt3A_450 = vector.broadcast %gt3A_449 : i32 to vector<16xi32>
      %gt3A_451 = arith.cmpi sgt, %gather3A, %gt3A_450 : vector<16xi32>
      %broadcast_in_dim3A_452 = arith.constant 512 : i32
      %broadcast_in_dim3A_453 = vector.broadcast %broadcast_in_dim3A_452 : i32 to vector<16xi32>
      %select_n3A_454 = arith.select %gt3A_451, %gather3A_448, %broadcast_in_dim3A_453 : vector<16xi1>, vector<16xi32>
      %gather3A_455 = tpu.vector_load_idx %arg9[%select_n3A_454, %add3A_3] : memref<520x128xf32, #tpu.memory_space<vmem>>[vector<16xi32>, vector<16xi32>], vector<16xf32>,
      %add3A_456 = arith.addf %add3A_430, %gather3A_455 : vector<16xf32>
      %gather3A_457 = tpu.vector_load_idx %arg9[%select_n3A_454, %add3A_6] : memref<520x128xf32, #tpu.memory_space<vmem>>[vector<16xi32>, vector<16xi32>], vector<16xf32>,
      %add3A_458 = arith.addf %add3A_432, %gather3A_457 : vector<16xf32>
      %gather3A_459 = tpu.vector_load_idx %arg9[%select_n3A_454, %add3A_9] : memref<520x128xf32, #tpu.memory_space<vmem>>[vector<16xi32>, vector<16xi32>], vector<16xf32>,
      %add3A_460 = arith.addf %add3A_434, %gather3A_459 : vector<16xf32>
      %gather3A_461 = tpu.vector_load_idx %arg9[%select_n3A_454, %add3A_12] : memref<520x128xf32, #tpu.memory_space<vmem>>[vector<16xi32>, vector<16xi32>], vector<16xf32>,
      %add3A_462 = arith.addf %add3A_436, %gather3A_461 : vector<16xf32>
      %gather3A_463 = tpu.vector_load_idx %arg9[%select_n3A_454, %add3A_15] : memref<520x128xf32, #tpu.memory_space<vmem>>[vector<16xi32>, vector<16xi32>], vector<16xf32>,
      %add3A_464 = arith.addf %add3A_438, %gather3A_463 : vector<16xf32>
      %gather3A_465 = tpu.vector_load_idx %arg9[%select_n3A_454, %add3A_18] : memref<520x128xf32, #tpu.memory_space<vmem>>[vector<16xi32>, vector<16xi32>], vector<16xf32>,
      %add3A_466 = arith.addf %add3A_440, %gather3A_465 : vector<16xf32>
      %gather3A_467 = tpu.vector_load_idx %arg9[%select_n3A_454, %add3A_21] : memref<520x128xf32, #tpu.memory_space<vmem>>[vector<16xi32>, vector<16xi32>], vector<16xf32>,
      %add3A_468 = arith.addf %add3A_442, %gather3A_467 : vector<16xf32>
      %gather3A_469 = tpu.vector_load_idx %arg9[%select_n3A_454, %add3A_24] : memref<520x128xf32, #tpu.memory_space<vmem>>[vector<16xi32>, vector<16xi32>], vector<16xf32>,
      %add3A_470 = arith.addf %add3A_444, %gather3A_469 : vector<16xf32>
      %broadcast_in_dim3A_471 = vector.broadcast %scan3A_168 : i32 to vector<16xi32>
      %broadcast_in_dim3A_472 = arith.constant 11 : i32
      %broadcast_in_dim3A_473 = vector.broadcast %broadcast_in_dim3A_472 : i32 to vector<16xi32>
      %gather3A_474 = tpu.vector_load_idx %arg13[%broadcast_in_dim3A_471, %broadcast_in_dim3A_473] : memref<64x40xi32, #tpu.memory_space<vmem>>[vector<16xi32>, vector<16xi32>], vector<16xi32>,
      %gt3A_475 = arith.constant 11 : i32
      %gt3A_476 = vector.broadcast %gt3A_475 : i32 to vector<16xi32>
      %gt3A_477 = arith.cmpi sgt, %gather3A, %gt3A_476 : vector<16xi32>
      %broadcast_in_dim3A_478 = arith.constant 512 : i32
      %broadcast_in_dim3A_479 = vector.broadcast %broadcast_in_dim3A_478 : i32 to vector<16xi32>
      %select_n3A_480 = arith.select %gt3A_477, %gather3A_474, %broadcast_in_dim3A_479 : vector<16xi1>, vector<16xi32>
      %gather3A_481 = tpu.vector_load_idx %arg9[%select_n3A_480, %add3A_3] : memref<520x128xf32, #tpu.memory_space<vmem>>[vector<16xi32>, vector<16xi32>], vector<16xf32>,
      %add3A_482 = arith.addf %add3A_456, %gather3A_481 : vector<16xf32>
      %gather3A_483 = tpu.vector_load_idx %arg9[%select_n3A_480, %add3A_6] : memref<520x128xf32, #tpu.memory_space<vmem>>[vector<16xi32>, vector<16xi32>], vector<16xf32>,
      %add3A_484 = arith.addf %add3A_458, %gather3A_483 : vector<16xf32>
      %gather3A_485 = tpu.vector_load_idx %arg9[%select_n3A_480, %add3A_9] : memref<520x128xf32, #tpu.memory_space<vmem>>[vector<16xi32>, vector<16xi32>], vector<16xf32>,
      %add3A_486 = arith.addf %add3A_460, %gather3A_485 : vector<16xf32>
      %gather3A_487 = tpu.vector_load_idx %arg9[%select_n3A_480, %add3A_12] : memref<520x128xf32, #tpu.memory_space<vmem>>[vector<16xi32>, vector<16xi32>], vector<16xf32>,
      %add3A_488 = arith.addf %add3A_462, %gather3A_487 : vector<16xf32>
      %gather3A_489 = tpu.vector_load_idx %arg9[%select_n3A_480, %add3A_15] : memref<520x128xf32, #tpu.memory_space<vmem>>[vector<16xi32>, vector<16xi32>], vector<16xf32>,
      %add3A_490 = arith.addf %add3A_464, %gather3A_489 : vector<16xf32>
      %gather3A_491 = tpu.vector_load_idx %arg9[%select_n3A_480, %add3A_18] : memref<520x128xf32, #tpu.memory_space<vmem>>[vector<16xi32>, vector<16xi32>], vector<16xf32>,
      %add3A_492 = arith.addf %add3A_466, %gather3A_491 : vector<16xf32>
      %gather3A_493 = tpu.vector_load_idx %arg9[%select_n3A_480, %add3A_21] : memref<520x128xf32, #tpu.memory_space<vmem>>[vector<16xi32>, vector<16xi32>], vector<16xf32>,
      %add3A_494 = arith.addf %add3A_468, %gather3A_493 : vector<16xf32>
      %gather3A_495 = tpu.vector_load_idx %arg9[%select_n3A_480, %add3A_24] : memref<520x128xf32, #tpu.memory_space<vmem>>[vector<16xi32>, vector<16xi32>], vector<16xf32>,
      %add3A_496 = arith.addf %add3A_470, %gather3A_495 : vector<16xf32>
      %broadcast_in_dim3A_497 = vector.broadcast %scan3A_168 : i32 to vector<16xi32>
      %broadcast_in_dim3A_498 = arith.constant 12 : i32
      %broadcast_in_dim3A_499 = vector.broadcast %broadcast_in_dim3A_498 : i32 to vector<16xi32>
      %gather3A_500 = tpu.vector_load_idx %arg13[%broadcast_in_dim3A_497, %broadcast_in_dim3A_499] : memref<64x40xi32, #tpu.memory_space<vmem>>[vector<16xi32>, vector<16xi32>], vector<16xi32>,
      %gt3A_501 = arith.constant 12 : i32
      %gt3A_502 = vector.broadcast %gt3A_501 : i32 to vector<16xi32>
      %gt3A_503 = arith.cmpi sgt, %gather3A, %gt3A_502 : vector<16xi32>
      %broadcast_in_dim3A_504 = arith.constant 512 : i32
      %broadcast_in_dim3A_505 = vector.broadcast %broadcast_in_dim3A_504 : i32 to vector<16xi32>
      %select_n3A_506 = arith.select %gt3A_503, %gather3A_500, %broadcast_in_dim3A_505 : vector<16xi1>, vector<16xi32>
      %gather3A_507 = tpu.vector_load_idx %arg9[%select_n3A_506, %add3A_3] : memref<520x128xf32, #tpu.memory_space<vmem>>[vector<16xi32>, vector<16xi32>], vector<16xf32>,
      %add3A_508 = arith.addf %add3A_482, %gather3A_507 : vector<16xf32>
      %gather3A_509 = tpu.vector_load_idx %arg9[%select_n3A_506, %add3A_6] : memref<520x128xf32, #tpu.memory_space<vmem>>[vector<16xi32>, vector<16xi32>], vector<16xf32>,
      %add3A_510 = arith.addf %add3A_484, %gather3A_509 : vector<16xf32>
      %gather3A_511 = tpu.vector_load_idx %arg9[%select_n3A_506, %add3A_9] : memref<520x128xf32, #tpu.memory_space<vmem>>[vector<16xi32>, vector<16xi32>], vector<16xf32>,
      %add3A_512 = arith.addf %add3A_486, %gather3A_511 : vector<16xf32>
      %gather3A_513 = tpu.vector_load_idx %arg9[%select_n3A_506, %add3A_12] : memref<520x128xf32, #tpu.memory_space<vmem>>[vector<16xi32>, vector<16xi32>], vector<16xf32>,
      %add3A_514 = arith.addf %add3A_488, %gather3A_513 : vector<16xf32>
      %gather3A_515 = tpu.vector_load_idx %arg9[%select_n3A_506, %add3A_15] : memref<520x128xf32, #tpu.memory_space<vmem>>[vector<16xi32>, vector<16xi32>], vector<16xf32>,
      %add3A_516 = arith.addf %add3A_490, %gather3A_515 : vector<16xf32>
      %gather3A_517 = tpu.vector_load_idx %arg9[%select_n3A_506, %add3A_18] : memref<520x128xf32, #tpu.memory_space<vmem>>[vector<16xi32>, vector<16xi32>], vector<16xf32>,
      %add3A_518 = arith.addf %add3A_492, %gather3A_517 : vector<16xf32>
      %gather3A_519 = tpu.vector_load_idx %arg9[%select_n3A_506, %add3A_21] : memref<520x128xf32, #tpu.memory_space<vmem>>[vector<16xi32>, vector<16xi32>], vector<16xf32>,
      %add3A_520 = arith.addf %add3A_494, %gather3A_519 : vector<16xf32>
      %gather3A_521 = tpu.vector_load_idx %arg9[%select_n3A_506, %add3A_24] : memref<520x128xf32, #tpu.memory_space<vmem>>[vector<16xi32>, vector<16xi32>], vector<16xf32>,
      %add3A_522 = arith.addf %add3A_496, %gather3A_521 : vector<16xf32>
      %broadcast_in_dim3A_523 = vector.broadcast %scan3A_168 : i32 to vector<16xi32>
      %broadcast_in_dim3A_524 = arith.constant 13 : i32
      %broadcast_in_dim3A_525 = vector.broadcast %broadcast_in_dim3A_524 : i32 to vector<16xi32>
      %gather3A_526 = tpu.vector_load_idx %arg13[%broadcast_in_dim3A_523, %broadcast_in_dim3A_525] : memref<64x40xi32, #tpu.memory_space<vmem>>[vector<16xi32>, vector<16xi32>], vector<16xi32>,
      %gt3A_527 = arith.constant 13 : i32
      %gt3A_528 = vector.broadcast %gt3A_527 : i32 to vector<16xi32>
      %gt3A_529 = arith.cmpi sgt, %gather3A, %gt3A_528 : vector<16xi32>
      %broadcast_in_dim3A_530 = arith.constant 512 : i32
      %broadcast_in_dim3A_531 = vector.broadcast %broadcast_in_dim3A_530 : i32 to vector<16xi32>
      %select_n3A_532 = arith.select %gt3A_529, %gather3A_526, %broadcast_in_dim3A_531 : vector<16xi1>, vector<16xi32>
      %gather3A_533 = tpu.vector_load_idx %arg9[%select_n3A_532, %add3A_3] : memref<520x128xf32, #tpu.memory_space<vmem>>[vector<16xi32>, vector<16xi32>], vector<16xf32>,
      %add3A_534 = arith.addf %add3A_508, %gather3A_533 : vector<16xf32>
      %gather3A_535 = tpu.vector_load_idx %arg9[%select_n3A_532, %add3A_6] : memref<520x128xf32, #tpu.memory_space<vmem>>[vector<16xi32>, vector<16xi32>], vector<16xf32>,
      %add3A_536 = arith.addf %add3A_510, %gather3A_535 : vector<16xf32>
      %gather3A_537 = tpu.vector_load_idx %arg9[%select_n3A_532, %add3A_9] : memref<520x128xf32, #tpu.memory_space<vmem>>[vector<16xi32>, vector<16xi32>], vector<16xf32>,
      %add3A_538 = arith.addf %add3A_512, %gather3A_537 : vector<16xf32>
      %gather3A_539 = tpu.vector_load_idx %arg9[%select_n3A_532, %add3A_12] : memref<520x128xf32, #tpu.memory_space<vmem>>[vector<16xi32>, vector<16xi32>], vector<16xf32>,
      %add3A_540 = arith.addf %add3A_514, %gather3A_539 : vector<16xf32>
      %gather3A_541 = tpu.vector_load_idx %arg9[%select_n3A_532, %add3A_15] : memref<520x128xf32, #tpu.memory_space<vmem>>[vector<16xi32>, vector<16xi32>], vector<16xf32>,
      %add3A_542 = arith.addf %add3A_516, %gather3A_541 : vector<16xf32>
      %gather3A_543 = tpu.vector_load_idx %arg9[%select_n3A_532, %add3A_18] : memref<520x128xf32, #tpu.memory_space<vmem>>[vector<16xi32>, vector<16xi32>], vector<16xf32>,
      %add3A_544 = arith.addf %add3A_518, %gather3A_543 : vector<16xf32>
      %gather3A_545 = tpu.vector_load_idx %arg9[%select_n3A_532, %add3A_21] : memref<520x128xf32, #tpu.memory_space<vmem>>[vector<16xi32>, vector<16xi32>], vector<16xf32>,
      %add3A_546 = arith.addf %add3A_520, %gather3A_545 : vector<16xf32>
      %gather3A_547 = tpu.vector_load_idx %arg9[%select_n3A_532, %add3A_24] : memref<520x128xf32, #tpu.memory_space<vmem>>[vector<16xi32>, vector<16xi32>], vector<16xf32>,
      %add3A_548 = arith.addf %add3A_522, %gather3A_547 : vector<16xf32>
      %broadcast_in_dim3A_549 = vector.broadcast %scan3A_168 : i32 to vector<16xi32>
      %broadcast_in_dim3A_550 = arith.constant 14 : i32
      %broadcast_in_dim3A_551 = vector.broadcast %broadcast_in_dim3A_550 : i32 to vector<16xi32>
      %gather3A_552 = tpu.vector_load_idx %arg13[%broadcast_in_dim3A_549, %broadcast_in_dim3A_551] : memref<64x40xi32, #tpu.memory_space<vmem>>[vector<16xi32>, vector<16xi32>], vector<16xi32>,
      %gt3A_553 = arith.constant 14 : i32
      %gt3A_554 = vector.broadcast %gt3A_553 : i32 to vector<16xi32>
      %gt3A_555 = arith.cmpi sgt, %gather3A, %gt3A_554 : vector<16xi32>
      %broadcast_in_dim3A_556 = arith.constant 512 : i32
      %broadcast_in_dim3A_557 = vector.broadcast %broadcast_in_dim3A_556 : i32 to vector<16xi32>
      %select_n3A_558 = arith.select %gt3A_555, %gather3A_552, %broadcast_in_dim3A_557 : vector<16xi1>, vector<16xi32>
      %gather3A_559 = tpu.vector_load_idx %arg9[%select_n3A_558, %add3A_3] : memref<520x128xf32, #tpu.memory_space<vmem>>[vector<16xi32>, vector<16xi32>], vector<16xf32>,
      %add3A_560 = arith.addf %add3A_534, %gather3A_559 : vector<16xf32>
      %gather3A_561 = tpu.vector_load_idx %arg9[%select_n3A_558, %add3A_6] : memref<520x128xf32, #tpu.memory_space<vmem>>[vector<16xi32>, vector<16xi32>], vector<16xf32>,
      %add3A_562 = arith.addf %add3A_536, %gather3A_561 : vector<16xf32>
      %gather3A_563 = tpu.vector_load_idx %arg9[%select_n3A_558, %add3A_9] : memref<520x128xf32, #tpu.memory_space<vmem>>[vector<16xi32>, vector<16xi32>], vector<16xf32>,
      %add3A_564 = arith.addf %add3A_538, %gather3A_563 : vector<16xf32>
      %gather3A_565 = tpu.vector_load_idx %arg9[%select_n3A_558, %add3A_12] : memref<520x128xf32, #tpu.memory_space<vmem>>[vector<16xi32>, vector<16xi32>], vector<16xf32>,
      %add3A_566 = arith.addf %add3A_540, %gather3A_565 : vector<16xf32>
      %gather3A_567 = tpu.vector_load_idx %arg9[%select_n3A_558, %add3A_15] : memref<520x128xf32, #tpu.memory_space<vmem>>[vector<16xi32>, vector<16xi32>], vector<16xf32>,
      %add3A_568 = arith.addf %add3A_542, %gather3A_567 : vector<16xf32>
      %gather3A_569 = tpu.vector_load_idx %arg9[%select_n3A_558, %add3A_18] : memref<520x128xf32, #tpu.memory_space<vmem>>[vector<16xi32>, vector<16xi32>], vector<16xf32>,
      %add3A_570 = arith.addf %add3A_544, %gather3A_569 : vector<16xf32>
      %gather3A_571 = tpu.vector_load_idx %arg9[%select_n3A_558, %add3A_21] : memref<520x128xf32, #tpu.memory_space<vmem>>[vector<16xi32>, vector<16xi32>], vector<16xf32>,
      %add3A_572 = arith.addf %add3A_546, %gather3A_571 : vector<16xf32>
      %gather3A_573 = tpu.vector_load_idx %arg9[%select_n3A_558, %add3A_24] : memref<520x128xf32, #tpu.memory_space<vmem>>[vector<16xi32>, vector<16xi32>], vector<16xf32>,
      %add3A_574 = arith.addf %add3A_548, %gather3A_573 : vector<16xf32>
      %broadcast_in_dim3A_575 = vector.broadcast %scan3A_168 : i32 to vector<16xi32>
      %broadcast_in_dim3A_576 = arith.constant 15 : i32
      %broadcast_in_dim3A_577 = vector.broadcast %broadcast_in_dim3A_576 : i32 to vector<16xi32>
      %gather3A_578 = tpu.vector_load_idx %arg13[%broadcast_in_dim3A_575, %broadcast_in_dim3A_577] : memref<64x40xi32, #tpu.memory_space<vmem>>[vector<16xi32>, vector<16xi32>], vector<16xi32>,
      %gt3A_579 = arith.constant 15 : i32
      %gt3A_580 = vector.broadcast %gt3A_579 : i32 to vector<16xi32>
      %gt3A_581 = arith.cmpi sgt, %gather3A, %gt3A_580 : vector<16xi32>
      %broadcast_in_dim3A_582 = arith.constant 512 : i32
      %broadcast_in_dim3A_583 = vector.broadcast %broadcast_in_dim3A_582 : i32 to vector<16xi32>
      %select_n3A_584 = arith.select %gt3A_581, %gather3A_578, %broadcast_in_dim3A_583 : vector<16xi1>, vector<16xi32>
      %gather3A_585 = tpu.vector_load_idx %arg9[%select_n3A_584, %add3A_3] : memref<520x128xf32, #tpu.memory_space<vmem>>[vector<16xi32>, vector<16xi32>], vector<16xf32>,
      %add3A_586 = arith.addf %add3A_560, %gather3A_585 : vector<16xf32>
      %gather3A_587 = tpu.vector_load_idx %arg9[%select_n3A_584, %add3A_6] : memref<520x128xf32, #tpu.memory_space<vmem>>[vector<16xi32>, vector<16xi32>], vector<16xf32>,
      %add3A_588 = arith.addf %add3A_562, %gather3A_587 : vector<16xf32>
      %gather3A_589 = tpu.vector_load_idx %arg9[%select_n3A_584, %add3A_9] : memref<520x128xf32, #tpu.memory_space<vmem>>[vector<16xi32>, vector<16xi32>], vector<16xf32>,
      %add3A_590 = arith.addf %add3A_564, %gather3A_589 : vector<16xf32>
      %gather3A_591 = tpu.vector_load_idx %arg9[%select_n3A_584, %add3A_12] : memref<520x128xf32, #tpu.memory_space<vmem>>[vector<16xi32>, vector<16xi32>], vector<16xf32>,
      %add3A_592 = arith.addf %add3A_566, %gather3A_591 : vector<16xf32>
      %gather3A_593 = tpu.vector_load_idx %arg9[%select_n3A_584, %add3A_15] : memref<520x128xf32, #tpu.memory_space<vmem>>[vector<16xi32>, vector<16xi32>], vector<16xf32>,
      %add3A_594 = arith.addf %add3A_568, %gather3A_593 : vector<16xf32>
      %gather3A_595 = tpu.vector_load_idx %arg9[%select_n3A_584, %add3A_18] : memref<520x128xf32, #tpu.memory_space<vmem>>[vector<16xi32>, vector<16xi32>], vector<16xf32>,
      %add3A_596 = arith.addf %add3A_570, %gather3A_595 : vector<16xf32>
      %gather3A_597 = tpu.vector_load_idx %arg9[%select_n3A_584, %add3A_21] : memref<520x128xf32, #tpu.memory_space<vmem>>[vector<16xi32>, vector<16xi32>], vector<16xf32>,
      %add3A_598 = arith.addf %add3A_572, %gather3A_597 : vector<16xf32>
      %gather3A_599 = tpu.vector_load_idx %arg9[%select_n3A_584, %add3A_24] : memref<520x128xf32, #tpu.memory_space<vmem>>[vector<16xi32>, vector<16xi32>], vector<16xf32>,
      %add3A_600 = arith.addf %add3A_574, %gather3A_599 : vector<16xf32>
      %broadcast_in_dim3A_601 = vector.broadcast %scan3A_168 : i32 to vector<16xi32>
      %broadcast_in_dim3A_602 = arith.constant 16 : i32
      %broadcast_in_dim3A_603 = vector.broadcast %broadcast_in_dim3A_602 : i32 to vector<16xi32>
      %gather3A_604 = tpu.vector_load_idx %arg13[%broadcast_in_dim3A_601, %broadcast_in_dim3A_603] : memref<64x40xi32, #tpu.memory_space<vmem>>[vector<16xi32>, vector<16xi32>], vector<16xi32>,
      %gt3A_605 = arith.constant 16 : i32
      %gt3A_606 = vector.broadcast %gt3A_605 : i32 to vector<16xi32>
      %gt3A_607 = arith.cmpi sgt, %gather3A, %gt3A_606 : vector<16xi32>
      %broadcast_in_dim3A_608 = arith.constant 512 : i32
      %broadcast_in_dim3A_609 = vector.broadcast %broadcast_in_dim3A_608 : i32 to vector<16xi32>
      %select_n3A_610 = arith.select %gt3A_607, %gather3A_604, %broadcast_in_dim3A_609 : vector<16xi1>, vector<16xi32>
      %gather3A_611 = tpu.vector_load_idx %arg9[%select_n3A_610, %add3A_3] : memref<520x128xf32, #tpu.memory_space<vmem>>[vector<16xi32>, vector<16xi32>], vector<16xf32>,
      %add3A_612 = arith.addf %add3A_586, %gather3A_611 : vector<16xf32>
      %gather3A_613 = tpu.vector_load_idx %arg9[%select_n3A_610, %add3A_6] : memref<520x128xf32, #tpu.memory_space<vmem>>[vector<16xi32>, vector<16xi32>], vector<16xf32>,
      %add3A_614 = arith.addf %add3A_588, %gather3A_613 : vector<16xf32>
      %gather3A_615 = tpu.vector_load_idx %arg9[%select_n3A_610, %add3A_9] : memref<520x128xf32, #tpu.memory_space<vmem>>[vector<16xi32>, vector<16xi32>], vector<16xf32>,
      %add3A_616 = arith.addf %add3A_590, %gather3A_615 : vector<16xf32>
      %gather3A_617 = tpu.vector_load_idx %arg9[%select_n3A_610, %add3A_12] : memref<520x128xf32, #tpu.memory_space<vmem>>[vector<16xi32>, vector<16xi32>], vector<16xf32>,
      %add3A_618 = arith.addf %add3A_592, %gather3A_617 : vector<16xf32>
      %gather3A_619 = tpu.vector_load_idx %arg9[%select_n3A_610, %add3A_15] : memref<520x128xf32, #tpu.memory_space<vmem>>[vector<16xi32>, vector<16xi32>], vector<16xf32>,
      %add3A_620 = arith.addf %add3A_594, %gather3A_619 : vector<16xf32>
      %gather3A_621 = tpu.vector_load_idx %arg9[%select_n3A_610, %add3A_18] : memref<520x128xf32, #tpu.memory_space<vmem>>[vector<16xi32>, vector<16xi32>], vector<16xf32>,
      %add3A_622 = arith.addf %add3A_596, %gather3A_621 : vector<16xf32>
      %gather3A_623 = tpu.vector_load_idx %arg9[%select_n3A_610, %add3A_21] : memref<520x128xf32, #tpu.memory_space<vmem>>[vector<16xi32>, vector<16xi32>], vector<16xf32>,
      %add3A_624 = arith.addf %add3A_598, %gather3A_623 : vector<16xf32>
      %gather3A_625 = tpu.vector_load_idx %arg9[%select_n3A_610, %add3A_24] : memref<520x128xf32, #tpu.memory_space<vmem>>[vector<16xi32>, vector<16xi32>], vector<16xf32>,
      %add3A_626 = arith.addf %add3A_600, %gather3A_625 : vector<16xf32>
      %broadcast_in_dim3A_627 = vector.broadcast %scan3A_168 : i32 to vector<16xi32>
      %broadcast_in_dim3A_628 = arith.constant 17 : i32
      %broadcast_in_dim3A_629 = vector.broadcast %broadcast_in_dim3A_628 : i32 to vector<16xi32>
      %gather3A_630 = tpu.vector_load_idx %arg13[%broadcast_in_dim3A_627, %broadcast_in_dim3A_629] : memref<64x40xi32, #tpu.memory_space<vmem>>[vector<16xi32>, vector<16xi32>], vector<16xi32>,
      %gt3A_631 = arith.constant 17 : i32
      %gt3A_632 = vector.broadcast %gt3A_631 : i32 to vector<16xi32>
      %gt3A_633 = arith.cmpi sgt, %gather3A, %gt3A_632 : vector<16xi32>
      %broadcast_in_dim3A_634 = arith.constant 512 : i32
      %broadcast_in_dim3A_635 = vector.broadcast %broadcast_in_dim3A_634 : i32 to vector<16xi32>
      %select_n3A_636 = arith.select %gt3A_633, %gather3A_630, %broadcast_in_dim3A_635 : vector<16xi1>, vector<16xi32>
      %gather3A_637 = tpu.vector_load_idx %arg9[%select_n3A_636, %add3A_3] : memref<520x128xf32, #tpu.memory_space<vmem>>[vector<16xi32>, vector<16xi32>], vector<16xf32>,
      %add3A_638 = arith.addf %add3A_612, %gather3A_637 : vector<16xf32>
      %gather3A_639 = tpu.vector_load_idx %arg9[%select_n3A_636, %add3A_6] : memref<520x128xf32, #tpu.memory_space<vmem>>[vector<16xi32>, vector<16xi32>], vector<16xf32>,
      %add3A_640 = arith.addf %add3A_614, %gather3A_639 : vector<16xf32>
      %gather3A_641 = tpu.vector_load_idx %arg9[%select_n3A_636, %add3A_9] : memref<520x128xf32, #tpu.memory_space<vmem>>[vector<16xi32>, vector<16xi32>], vector<16xf32>,
      %add3A_642 = arith.addf %add3A_616, %gather3A_641 : vector<16xf32>
      %gather3A_643 = tpu.vector_load_idx %arg9[%select_n3A_636, %add3A_12] : memref<520x128xf32, #tpu.memory_space<vmem>>[vector<16xi32>, vector<16xi32>], vector<16xf32>,
      %add3A_644 = arith.addf %add3A_618, %gather3A_643 : vector<16xf32>
      %gather3A_645 = tpu.vector_load_idx %arg9[%select_n3A_636, %add3A_15] : memref<520x128xf32, #tpu.memory_space<vmem>>[vector<16xi32>, vector<16xi32>], vector<16xf32>,
      %add3A_646 = arith.addf %add3A_620, %gather3A_645 : vector<16xf32>
      %gather3A_647 = tpu.vector_load_idx %arg9[%select_n3A_636, %add3A_18] : memref<520x128xf32, #tpu.memory_space<vmem>>[vector<16xi32>, vector<16xi32>], vector<16xf32>,
      %add3A_648 = arith.addf %add3A_622, %gather3A_647 : vector<16xf32>
      %gather3A_649 = tpu.vector_load_idx %arg9[%select_n3A_636, %add3A_21] : memref<520x128xf32, #tpu.memory_space<vmem>>[vector<16xi32>, vector<16xi32>], vector<16xf32>,
      %add3A_650 = arith.addf %add3A_624, %gather3A_649 : vector<16xf32>
      %gather3A_651 = tpu.vector_load_idx %arg9[%select_n3A_636, %add3A_24] : memref<520x128xf32, #tpu.memory_space<vmem>>[vector<16xi32>, vector<16xi32>], vector<16xf32>,
      %add3A_652 = arith.addf %add3A_626, %gather3A_651 : vector<16xf32>
      %broadcast_in_dim3A_653 = vector.broadcast %scan3A_168 : i32 to vector<16xi32>
      %broadcast_in_dim3A_654 = arith.constant 18 : i32
      %broadcast_in_dim3A_655 = vector.broadcast %broadcast_in_dim3A_654 : i32 to vector<16xi32>
      %gather3A_656 = tpu.vector_load_idx %arg13[%broadcast_in_dim3A_653, %broadcast_in_dim3A_655] : memref<64x40xi32, #tpu.memory_space<vmem>>[vector<16xi32>, vector<16xi32>], vector<16xi32>,
      %gt3A_657 = arith.constant 18 : i32
      %gt3A_658 = vector.broadcast %gt3A_657 : i32 to vector<16xi32>
      %gt3A_659 = arith.cmpi sgt, %gather3A, %gt3A_658 : vector<16xi32>
      %broadcast_in_dim3A_660 = arith.constant 512 : i32
      %broadcast_in_dim3A_661 = vector.broadcast %broadcast_in_dim3A_660 : i32 to vector<16xi32>
      %select_n3A_662 = arith.select %gt3A_659, %gather3A_656, %broadcast_in_dim3A_661 : vector<16xi1>, vector<16xi32>
      %gather3A_663 = tpu.vector_load_idx %arg9[%select_n3A_662, %add3A_3] : memref<520x128xf32, #tpu.memory_space<vmem>>[vector<16xi32>, vector<16xi32>], vector<16xf32>,
      %add3A_664 = arith.addf %add3A_638, %gather3A_663 : vector<16xf32>
      %gather3A_665 = tpu.vector_load_idx %arg9[%select_n3A_662, %add3A_6] : memref<520x128xf32, #tpu.memory_space<vmem>>[vector<16xi32>, vector<16xi32>], vector<16xf32>,
      %add3A_666 = arith.addf %add3A_640, %gather3A_665 : vector<16xf32>
      %gather3A_667 = tpu.vector_load_idx %arg9[%select_n3A_662, %add3A_9] : memref<520x128xf32, #tpu.memory_space<vmem>>[vector<16xi32>, vector<16xi32>], vector<16xf32>,
      %add3A_668 = arith.addf %add3A_642, %gather3A_667 : vector<16xf32>
      %gather3A_669 = tpu.vector_load_idx %arg9[%select_n3A_662, %add3A_12] : memref<520x128xf32, #tpu.memory_space<vmem>>[vector<16xi32>, vector<16xi32>], vector<16xf32>,
      %add3A_670 = arith.addf %add3A_644, %gather3A_669 : vector<16xf32>
      %gather3A_671 = tpu.vector_load_idx %arg9[%select_n3A_662, %add3A_15] : memref<520x128xf32, #tpu.memory_space<vmem>>[vector<16xi32>, vector<16xi32>], vector<16xf32>,
      %add3A_672 = arith.addf %add3A_646, %gather3A_671 : vector<16xf32>
      %gather3A_673 = tpu.vector_load_idx %arg9[%select_n3A_662, %add3A_18] : memref<520x128xf32, #tpu.memory_space<vmem>>[vector<16xi32>, vector<16xi32>], vector<16xf32>,
      %add3A_674 = arith.addf %add3A_648, %gather3A_673 : vector<16xf32>
      %gather3A_675 = tpu.vector_load_idx %arg9[%select_n3A_662, %add3A_21] : memref<520x128xf32, #tpu.memory_space<vmem>>[vector<16xi32>, vector<16xi32>], vector<16xf32>,
      %add3A_676 = arith.addf %add3A_650, %gather3A_675 : vector<16xf32>
      %gather3A_677 = tpu.vector_load_idx %arg9[%select_n3A_662, %add3A_24] : memref<520x128xf32, #tpu.memory_space<vmem>>[vector<16xi32>, vector<16xi32>], vector<16xf32>,
      %add3A_678 = arith.addf %add3A_652, %gather3A_677 : vector<16xf32>
      %broadcast_in_dim3A_679 = vector.broadcast %scan3A_168 : i32 to vector<16xi32>
      %broadcast_in_dim3A_680 = arith.constant 19 : i32
      %broadcast_in_dim3A_681 = vector.broadcast %broadcast_in_dim3A_680 : i32 to vector<16xi32>
      %gather3A_682 = tpu.vector_load_idx %arg13[%broadcast_in_dim3A_679, %broadcast_in_dim3A_681] : memref<64x40xi32, #tpu.memory_space<vmem>>[vector<16xi32>, vector<16xi32>], vector<16xi32>,
      %gt3A_683 = arith.constant 19 : i32
      %gt3A_684 = vector.broadcast %gt3A_683 : i32 to vector<16xi32>
      %gt3A_685 = arith.cmpi sgt, %gather3A, %gt3A_684 : vector<16xi32>
      %broadcast_in_dim3A_686 = arith.constant 512 : i32
      %broadcast_in_dim3A_687 = vector.broadcast %broadcast_in_dim3A_686 : i32 to vector<16xi32>
      %select_n3A_688 = arith.select %gt3A_685, %gather3A_682, %broadcast_in_dim3A_687 : vector<16xi1>, vector<16xi32>
      %gather3A_689 = tpu.vector_load_idx %arg9[%select_n3A_688, %add3A_3] : memref<520x128xf32, #tpu.memory_space<vmem>>[vector<16xi32>, vector<16xi32>], vector<16xf32>,
      %add3A_690 = arith.addf %add3A_664, %gather3A_689 : vector<16xf32>
      %gather3A_691 = tpu.vector_load_idx %arg9[%select_n3A_688, %add3A_6] : memref<520x128xf32, #tpu.memory_space<vmem>>[vector<16xi32>, vector<16xi32>], vector<16xf32>,
      %add3A_692 = arith.addf %add3A_666, %gather3A_691 : vector<16xf32>
      %gather3A_693 = tpu.vector_load_idx %arg9[%select_n3A_688, %add3A_9] : memref<520x128xf32, #tpu.memory_space<vmem>>[vector<16xi32>, vector<16xi32>], vector<16xf32>,
      %add3A_694 = arith.addf %add3A_668, %gather3A_693 : vector<16xf32>
      %gather3A_695 = tpu.vector_load_idx %arg9[%select_n3A_688, %add3A_12] : memref<520x128xf32, #tpu.memory_space<vmem>>[vector<16xi32>, vector<16xi32>], vector<16xf32>,
      %add3A_696 = arith.addf %add3A_670, %gather3A_695 : vector<16xf32>
      %gather3A_697 = tpu.vector_load_idx %arg9[%select_n3A_688, %add3A_15] : memref<520x128xf32, #tpu.memory_space<vmem>>[vector<16xi32>, vector<16xi32>], vector<16xf32>,
      %add3A_698 = arith.addf %add3A_672, %gather3A_697 : vector<16xf32>
      %gather3A_699 = tpu.vector_load_idx %arg9[%select_n3A_688, %add3A_18] : memref<520x128xf32, #tpu.memory_space<vmem>>[vector<16xi32>, vector<16xi32>], vector<16xf32>,
      %add3A_700 = arith.addf %add3A_674, %gather3A_699 : vector<16xf32>
      %gather3A_701 = tpu.vector_load_idx %arg9[%select_n3A_688, %add3A_21] : memref<520x128xf32, #tpu.memory_space<vmem>>[vector<16xi32>, vector<16xi32>], vector<16xf32>,
      %add3A_702 = arith.addf %add3A_676, %gather3A_701 : vector<16xf32>
      %gather3A_703 = tpu.vector_load_idx %arg9[%select_n3A_688, %add3A_24] : memref<520x128xf32, #tpu.memory_space<vmem>>[vector<16xi32>, vector<16xi32>], vector<16xf32>,
      %add3A_704 = arith.addf %add3A_678, %gather3A_703 : vector<16xf32>
      %broadcast_in_dim3A_705 = vector.broadcast %scan3A_168 : i32 to vector<16xi32>
      %broadcast_in_dim3A_706 = arith.constant 20 : i32
      %broadcast_in_dim3A_707 = vector.broadcast %broadcast_in_dim3A_706 : i32 to vector<16xi32>
      %gather3A_708 = tpu.vector_load_idx %arg13[%broadcast_in_dim3A_705, %broadcast_in_dim3A_707] : memref<64x40xi32, #tpu.memory_space<vmem>>[vector<16xi32>, vector<16xi32>], vector<16xi32>,
      %gt3A_709 = arith.constant 20 : i32
      %gt3A_710 = vector.broadcast %gt3A_709 : i32 to vector<16xi32>
      %gt3A_711 = arith.cmpi sgt, %gather3A, %gt3A_710 : vector<16xi32>
      %broadcast_in_dim3A_712 = arith.constant 512 : i32
      %broadcast_in_dim3A_713 = vector.broadcast %broadcast_in_dim3A_712 : i32 to vector<16xi32>
      %select_n3A_714 = arith.select %gt3A_711, %gather3A_708, %broadcast_in_dim3A_713 : vector<16xi1>, vector<16xi32>
      %gather3A_715 = tpu.vector_load_idx %arg9[%select_n3A_714, %add3A_3] : memref<520x128xf32, #tpu.memory_space<vmem>>[vector<16xi32>, vector<16xi32>], vector<16xf32>,
      %add3A_716 = arith.addf %add3A_690, %gather3A_715 : vector<16xf32>
      %gather3A_717 = tpu.vector_load_idx %arg9[%select_n3A_714, %add3A_6] : memref<520x128xf32, #tpu.memory_space<vmem>>[vector<16xi32>, vector<16xi32>], vector<16xf32>,
      %add3A_718 = arith.addf %add3A_692, %gather3A_717 : vector<16xf32>
      %gather3A_719 = tpu.vector_load_idx %arg9[%select_n3A_714, %add3A_9] : memref<520x128xf32, #tpu.memory_space<vmem>>[vector<16xi32>, vector<16xi32>], vector<16xf32>,
      %add3A_720 = arith.addf %add3A_694, %gather3A_719 : vector<16xf32>
      %gather3A_721 = tpu.vector_load_idx %arg9[%select_n3A_714, %add3A_12] : memref<520x128xf32, #tpu.memory_space<vmem>>[vector<16xi32>, vector<16xi32>], vector<16xf32>,
      %add3A_722 = arith.addf %add3A_696, %gather3A_721 : vector<16xf32>
      %gather3A_723 = tpu.vector_load_idx %arg9[%select_n3A_714, %add3A_15] : memref<520x128xf32, #tpu.memory_space<vmem>>[vector<16xi32>, vector<16xi32>], vector<16xf32>,
      %add3A_724 = arith.addf %add3A_698, %gather3A_723 : vector<16xf32>
      %gather3A_725 = tpu.vector_load_idx %arg9[%select_n3A_714, %add3A_18] : memref<520x128xf32, #tpu.memory_space<vmem>>[vector<16xi32>, vector<16xi32>], vector<16xf32>,
      %add3A_726 = arith.addf %add3A_700, %gather3A_725 : vector<16xf32>
      %gather3A_727 = tpu.vector_load_idx %arg9[%select_n3A_714, %add3A_21] : memref<520x128xf32, #tpu.memory_space<vmem>>[vector<16xi32>, vector<16xi32>], vector<16xf32>,
      %add3A_728 = arith.addf %add3A_702, %gather3A_727 : vector<16xf32>
      %gather3A_729 = tpu.vector_load_idx %arg9[%select_n3A_714, %add3A_24] : memref<520x128xf32, #tpu.memory_space<vmem>>[vector<16xi32>, vector<16xi32>], vector<16xf32>,
      %add3A_730 = arith.addf %add3A_704, %gather3A_729 : vector<16xf32>
      %broadcast_in_dim3A_731 = vector.broadcast %scan3A_168 : i32 to vector<16xi32>
      %broadcast_in_dim3A_732 = arith.constant 21 : i32
      %broadcast_in_dim3A_733 = vector.broadcast %broadcast_in_dim3A_732 : i32 to vector<16xi32>
      %gather3A_734 = tpu.vector_load_idx %arg13[%broadcast_in_dim3A_731, %broadcast_in_dim3A_733] : memref<64x40xi32, #tpu.memory_space<vmem>>[vector<16xi32>, vector<16xi32>], vector<16xi32>,
      %gt3A_735 = arith.constant 21 : i32
      %gt3A_736 = vector.broadcast %gt3A_735 : i32 to vector<16xi32>
      %gt3A_737 = arith.cmpi sgt, %gather3A, %gt3A_736 : vector<16xi32>
      %broadcast_in_dim3A_738 = arith.constant 512 : i32
      %broadcast_in_dim3A_739 = vector.broadcast %broadcast_in_dim3A_738 : i32 to vector<16xi32>
      %select_n3A_740 = arith.select %gt3A_737, %gather3A_734, %broadcast_in_dim3A_739 : vector<16xi1>, vector<16xi32>
      %gather3A_741 = tpu.vector_load_idx %arg9[%select_n3A_740, %add3A_3] : memref<520x128xf32, #tpu.memory_space<vmem>>[vector<16xi32>, vector<16xi32>], vector<16xf32>,
      %add3A_742 = arith.addf %add3A_716, %gather3A_741 : vector<16xf32>
      %gather3A_743 = tpu.vector_load_idx %arg9[%select_n3A_740, %add3A_6] : memref<520x128xf32, #tpu.memory_space<vmem>>[vector<16xi32>, vector<16xi32>], vector<16xf32>,
      %add3A_744 = arith.addf %add3A_718, %gather3A_743 : vector<16xf32>
      %gather3A_745 = tpu.vector_load_idx %arg9[%select_n3A_740, %add3A_9] : memref<520x128xf32, #tpu.memory_space<vmem>>[vector<16xi32>, vector<16xi32>], vector<16xf32>,
      %add3A_746 = arith.addf %add3A_720, %gather3A_745 : vector<16xf32>
      %gather3A_747 = tpu.vector_load_idx %arg9[%select_n3A_740, %add3A_12] : memref<520x128xf32, #tpu.memory_space<vmem>>[vector<16xi32>, vector<16xi32>], vector<16xf32>,
      %add3A_748 = arith.addf %add3A_722, %gather3A_747 : vector<16xf32>
      %gather3A_749 = tpu.vector_load_idx %arg9[%select_n3A_740, %add3A_15] : memref<520x128xf32, #tpu.memory_space<vmem>>[vector<16xi32>, vector<16xi32>], vector<16xf32>,
      %add3A_750 = arith.addf %add3A_724, %gather3A_749 : vector<16xf32>
      %gather3A_751 = tpu.vector_load_idx %arg9[%select_n3A_740, %add3A_18] : memref<520x128xf32, #tpu.memory_space<vmem>>[vector<16xi32>, vector<16xi32>], vector<16xf32>,
      %add3A_752 = arith.addf %add3A_726, %gather3A_751 : vector<16xf32>
      %gather3A_753 = tpu.vector_load_idx %arg9[%select_n3A_740, %add3A_21] : memref<520x128xf32, #tpu.memory_space<vmem>>[vector<16xi32>, vector<16xi32>], vector<16xf32>,
      %add3A_754 = arith.addf %add3A_728, %gather3A_753 : vector<16xf32>
      %gather3A_755 = tpu.vector_load_idx %arg9[%select_n3A_740, %add3A_24] : memref<520x128xf32, #tpu.memory_space<vmem>>[vector<16xi32>, vector<16xi32>], vector<16xf32>,
      %add3A_756 = arith.addf %add3A_730, %gather3A_755 : vector<16xf32>
      %broadcast_in_dim3A_757 = vector.broadcast %scan3A_168 : i32 to vector<16xi32>
      %broadcast_in_dim3A_758 = arith.constant 22 : i32
      %broadcast_in_dim3A_759 = vector.broadcast %broadcast_in_dim3A_758 : i32 to vector<16xi32>
      %gather3A_760 = tpu.vector_load_idx %arg13[%broadcast_in_dim3A_757, %broadcast_in_dim3A_759] : memref<64x40xi32, #tpu.memory_space<vmem>>[vector<16xi32>, vector<16xi32>], vector<16xi32>,
      %gt3A_761 = arith.constant 22 : i32
      %gt3A_762 = vector.broadcast %gt3A_761 : i32 to vector<16xi32>
      %gt3A_763 = arith.cmpi sgt, %gather3A, %gt3A_762 : vector<16xi32>
      %broadcast_in_dim3A_764 = arith.constant 512 : i32
      %broadcast_in_dim3A_765 = vector.broadcast %broadcast_in_dim3A_764 : i32 to vector<16xi32>
      %select_n3A_766 = arith.select %gt3A_763, %gather3A_760, %broadcast_in_dim3A_765 : vector<16xi1>, vector<16xi32>
      %gather3A_767 = tpu.vector_load_idx %arg9[%select_n3A_766, %add3A_3] : memref<520x128xf32, #tpu.memory_space<vmem>>[vector<16xi32>, vector<16xi32>], vector<16xf32>,
      %add3A_768 = arith.addf %add3A_742, %gather3A_767 : vector<16xf32>
      %gather3A_769 = tpu.vector_load_idx %arg9[%select_n3A_766, %add3A_6] : memref<520x128xf32, #tpu.memory_space<vmem>>[vector<16xi32>, vector<16xi32>], vector<16xf32>,
      %add3A_770 = arith.addf %add3A_744, %gather3A_769 : vector<16xf32>
      %gather3A_771 = tpu.vector_load_idx %arg9[%select_n3A_766, %add3A_9] : memref<520x128xf32, #tpu.memory_space<vmem>>[vector<16xi32>, vector<16xi32>], vector<16xf32>,
      %add3A_772 = arith.addf %add3A_746, %gather3A_771 : vector<16xf32>
      %gather3A_773 = tpu.vector_load_idx %arg9[%select_n3A_766, %add3A_12] : memref<520x128xf32, #tpu.memory_space<vmem>>[vector<16xi32>, vector<16xi32>], vector<16xf32>,
      %add3A_774 = arith.addf %add3A_748, %gather3A_773 : vector<16xf32>
      %gather3A_775 = tpu.vector_load_idx %arg9[%select_n3A_766, %add3A_15] : memref<520x128xf32, #tpu.memory_space<vmem>>[vector<16xi32>, vector<16xi32>], vector<16xf32>,
      %add3A_776 = arith.addf %add3A_750, %gather3A_775 : vector<16xf32>
      %gather3A_777 = tpu.vector_load_idx %arg9[%select_n3A_766, %add3A_18] : memref<520x128xf32, #tpu.memory_space<vmem>>[vector<16xi32>, vector<16xi32>], vector<16xf32>,
      %add3A_778 = arith.addf %add3A_752, %gather3A_777 : vector<16xf32>
      %gather3A_779 = tpu.vector_load_idx %arg9[%select_n3A_766, %add3A_21] : memref<520x128xf32, #tpu.memory_space<vmem>>[vector<16xi32>, vector<16xi32>], vector<16xf32>,
      %add3A_780 = arith.addf %add3A_754, %gather3A_779 : vector<16xf32>
      %gather3A_781 = tpu.vector_load_idx %arg9[%select_n3A_766, %add3A_24] : memref<520x128xf32, #tpu.memory_space<vmem>>[vector<16xi32>, vector<16xi32>], vector<16xf32>,
      %add3A_782 = arith.addf %add3A_756, %gather3A_781 : vector<16xf32>
      %broadcast_in_dim3A_783 = vector.broadcast %scan3A_168 : i32 to vector<16xi32>
      %broadcast_in_dim3A_784 = arith.constant 23 : i32
      %broadcast_in_dim3A_785 = vector.broadcast %broadcast_in_dim3A_784 : i32 to vector<16xi32>
      %gather3A_786 = tpu.vector_load_idx %arg13[%broadcast_in_dim3A_783, %broadcast_in_dim3A_785] : memref<64x40xi32, #tpu.memory_space<vmem>>[vector<16xi32>, vector<16xi32>], vector<16xi32>,
      %gt3A_787 = arith.constant 23 : i32
      %gt3A_788 = vector.broadcast %gt3A_787 : i32 to vector<16xi32>
      %gt3A_789 = arith.cmpi sgt, %gather3A, %gt3A_788 : vector<16xi32>
      %broadcast_in_dim3A_790 = arith.constant 512 : i32
      %broadcast_in_dim3A_791 = vector.broadcast %broadcast_in_dim3A_790 : i32 to vector<16xi32>
      %select_n3A_792 = arith.select %gt3A_789, %gather3A_786, %broadcast_in_dim3A_791 : vector<16xi1>, vector<16xi32>
      %gather3A_793 = tpu.vector_load_idx %arg9[%select_n3A_792, %add3A_3] : memref<520x128xf32, #tpu.memory_space<vmem>>[vector<16xi32>, vector<16xi32>], vector<16xf32>,
      %add3A_794 = arith.addf %add3A_768, %gather3A_793 : vector<16xf32>
      %gather3A_795 = tpu.vector_load_idx %arg9[%select_n3A_792, %add3A_6] : memref<520x128xf32, #tpu.memory_space<vmem>>[vector<16xi32>, vector<16xi32>], vector<16xf32>,
      %add3A_796 = arith.addf %add3A_770, %gather3A_795 : vector<16xf32>
      %gather3A_797 = tpu.vector_load_idx %arg9[%select_n3A_792, %add3A_9] : memref<520x128xf32, #tpu.memory_space<vmem>>[vector<16xi32>, vector<16xi32>], vector<16xf32>,
      %add3A_798 = arith.addf %add3A_772, %gather3A_797 : vector<16xf32>
      %gather3A_799 = tpu.vector_load_idx %arg9[%select_n3A_792, %add3A_12] : memref<520x128xf32, #tpu.memory_space<vmem>>[vector<16xi32>, vector<16xi32>], vector<16xf32>,
      %add3A_800 = arith.addf %add3A_774, %gather3A_799 : vector<16xf32>
      %gather3A_801 = tpu.vector_load_idx %arg9[%select_n3A_792, %add3A_15] : memref<520x128xf32, #tpu.memory_space<vmem>>[vector<16xi32>, vector<16xi32>], vector<16xf32>,
      %add3A_802 = arith.addf %add3A_776, %gather3A_801 : vector<16xf32>
      %gather3A_803 = tpu.vector_load_idx %arg9[%select_n3A_792, %add3A_18] : memref<520x128xf32, #tpu.memory_space<vmem>>[vector<16xi32>, vector<16xi32>], vector<16xf32>,
      %add3A_804 = arith.addf %add3A_778, %gather3A_803 : vector<16xf32>
      %gather3A_805 = tpu.vector_load_idx %arg9[%select_n3A_792, %add3A_21] : memref<520x128xf32, #tpu.memory_space<vmem>>[vector<16xi32>, vector<16xi32>], vector<16xf32>,
      %add3A_806 = arith.addf %add3A_780, %gather3A_805 : vector<16xf32>
      %gather3A_807 = tpu.vector_load_idx %arg9[%select_n3A_792, %add3A_24] : memref<520x128xf32, #tpu.memory_space<vmem>>[vector<16xi32>, vector<16xi32>], vector<16xf32>,
      %add3A_808 = arith.addf %add3A_782, %gather3A_807 : vector<16xf32>
      %broadcast_in_dim3A_809 = vector.broadcast %scan3A_168 : i32 to vector<16xi32>
      %broadcast_in_dim3A_810 = arith.constant 24 : i32
      %broadcast_in_dim3A_811 = vector.broadcast %broadcast_in_dim3A_810 : i32 to vector<16xi32>
      %gather3A_812 = tpu.vector_load_idx %arg13[%broadcast_in_dim3A_809, %broadcast_in_dim3A_811] : memref<64x40xi32, #tpu.memory_space<vmem>>[vector<16xi32>, vector<16xi32>], vector<16xi32>,
      %gt3A_813 = arith.constant 24 : i32
      %gt3A_814 = vector.broadcast %gt3A_813 : i32 to vector<16xi32>
      %gt3A_815 = arith.cmpi sgt, %gather3A, %gt3A_814 : vector<16xi32>
      %broadcast_in_dim3A_816 = arith.constant 512 : i32
      %broadcast_in_dim3A_817 = vector.broadcast %broadcast_in_dim3A_816 : i32 to vector<16xi32>
      %select_n3A_818 = arith.select %gt3A_815, %gather3A_812, %broadcast_in_dim3A_817 : vector<16xi1>, vector<16xi32>
      %gather3A_819 = tpu.vector_load_idx %arg9[%select_n3A_818, %add3A_3] : memref<520x128xf32, #tpu.memory_space<vmem>>[vector<16xi32>, vector<16xi32>], vector<16xf32>,
      %add3A_820 = arith.addf %add3A_794, %gather3A_819 : vector<16xf32>
      %gather3A_821 = tpu.vector_load_idx %arg9[%select_n3A_818, %add3A_6] : memref<520x128xf32, #tpu.memory_space<vmem>>[vector<16xi32>, vector<16xi32>], vector<16xf32>,
      %add3A_822 = arith.addf %add3A_796, %gather3A_821 : vector<16xf32>
      %gather3A_823 = tpu.vector_load_idx %arg9[%select_n3A_818, %add3A_9] : memref<520x128xf32, #tpu.memory_space<vmem>>[vector<16xi32>, vector<16xi32>], vector<16xf32>,
      %add3A_824 = arith.addf %add3A_798, %gather3A_823 : vector<16xf32>
      %gather3A_825 = tpu.vector_load_idx %arg9[%select_n3A_818, %add3A_12] : memref<520x128xf32, #tpu.memory_space<vmem>>[vector<16xi32>, vector<16xi32>], vector<16xf32>,
      %add3A_826 = arith.addf %add3A_800, %gather3A_825 : vector<16xf32>
      %gather3A_827 = tpu.vector_load_idx %arg9[%select_n3A_818, %add3A_15] : memref<520x128xf32, #tpu.memory_space<vmem>>[vector<16xi32>, vector<16xi32>], vector<16xf32>,
      %add3A_828 = arith.addf %add3A_802, %gather3A_827 : vector<16xf32>
      %gather3A_829 = tpu.vector_load_idx %arg9[%select_n3A_818, %add3A_18] : memref<520x128xf32, #tpu.memory_space<vmem>>[vector<16xi32>, vector<16xi32>], vector<16xf32>,
      %add3A_830 = arith.addf %add3A_804, %gather3A_829 : vector<16xf32>
      %gather3A_831 = tpu.vector_load_idx %arg9[%select_n3A_818, %add3A_21] : memref<520x128xf32, #tpu.memory_space<vmem>>[vector<16xi32>, vector<16xi32>], vector<16xf32>,
      %add3A_832 = arith.addf %add3A_806, %gather3A_831 : vector<16xf32>
      %gather3A_833 = tpu.vector_load_idx %arg9[%select_n3A_818, %add3A_24] : memref<520x128xf32, #tpu.memory_space<vmem>>[vector<16xi32>, vector<16xi32>], vector<16xf32>,
      %add3A_834 = arith.addf %add3A_808, %gather3A_833 : vector<16xf32>
      %broadcast_in_dim3A_835 = vector.broadcast %scan3A_168 : i32 to vector<16xi32>
      %broadcast_in_dim3A_836 = arith.constant 25 : i32
      %broadcast_in_dim3A_837 = vector.broadcast %broadcast_in_dim3A_836 : i32 to vector<16xi32>
      %gather3A_838 = tpu.vector_load_idx %arg13[%broadcast_in_dim3A_835, %broadcast_in_dim3A_837] : memref<64x40xi32, #tpu.memory_space<vmem>>[vector<16xi32>, vector<16xi32>], vector<16xi32>,
      %gt3A_839 = arith.constant 25 : i32
      %gt3A_840 = vector.broadcast %gt3A_839 : i32 to vector<16xi32>
      %gt3A_841 = arith.cmpi sgt, %gather3A, %gt3A_840 : vector<16xi32>
      %broadcast_in_dim3A_842 = arith.constant 512 : i32
      %broadcast_in_dim3A_843 = vector.broadcast %broadcast_in_dim3A_842 : i32 to vector<16xi32>
      %select_n3A_844 = arith.select %gt3A_841, %gather3A_838, %broadcast_in_dim3A_843 : vector<16xi1>, vector<16xi32>
      %gather3A_845 = tpu.vector_load_idx %arg9[%select_n3A_844, %add3A_3] : memref<520x128xf32, #tpu.memory_space<vmem>>[vector<16xi32>, vector<16xi32>], vector<16xf32>,
      %add3A_846 = arith.addf %add3A_820, %gather3A_845 : vector<16xf32>
      %gather3A_847 = tpu.vector_load_idx %arg9[%select_n3A_844, %add3A_6] : memref<520x128xf32, #tpu.memory_space<vmem>>[vector<16xi32>, vector<16xi32>], vector<16xf32>,
      %add3A_848 = arith.addf %add3A_822, %gather3A_847 : vector<16xf32>
      %gather3A_849 = tpu.vector_load_idx %arg9[%select_n3A_844, %add3A_9] : memref<520x128xf32, #tpu.memory_space<vmem>>[vector<16xi32>, vector<16xi32>], vector<16xf32>,
      %add3A_850 = arith.addf %add3A_824, %gather3A_849 : vector<16xf32>
      %gather3A_851 = tpu.vector_load_idx %arg9[%select_n3A_844, %add3A_12] : memref<520x128xf32, #tpu.memory_space<vmem>>[vector<16xi32>, vector<16xi32>], vector<16xf32>,
      %add3A_852 = arith.addf %add3A_826, %gather3A_851 : vector<16xf32>
      %gather3A_853 = tpu.vector_load_idx %arg9[%select_n3A_844, %add3A_15] : memref<520x128xf32, #tpu.memory_space<vmem>>[vector<16xi32>, vector<16xi32>], vector<16xf32>,
      %add3A_854 = arith.addf %add3A_828, %gather3A_853 : vector<16xf32>
      %gather3A_855 = tpu.vector_load_idx %arg9[%select_n3A_844, %add3A_18] : memref<520x128xf32, #tpu.memory_space<vmem>>[vector<16xi32>, vector<16xi32>], vector<16xf32>,
      %add3A_856 = arith.addf %add3A_830, %gather3A_855 : vector<16xf32>
      %gather3A_857 = tpu.vector_load_idx %arg9[%select_n3A_844, %add3A_21] : memref<520x128xf32, #tpu.memory_space<vmem>>[vector<16xi32>, vector<16xi32>], vector<16xf32>,
      %add3A_858 = arith.addf %add3A_832, %gather3A_857 : vector<16xf32>
      %gather3A_859 = tpu.vector_load_idx %arg9[%select_n3A_844, %add3A_24] : memref<520x128xf32, #tpu.memory_space<vmem>>[vector<16xi32>, vector<16xi32>], vector<16xf32>,
      %add3A_860 = arith.addf %add3A_834, %gather3A_859 : vector<16xf32>
      %broadcast_in_dim3A_861 = vector.broadcast %scan3A_168 : i32 to vector<16xi32>
      %broadcast_in_dim3A_862 = arith.constant 26 : i32
      %broadcast_in_dim3A_863 = vector.broadcast %broadcast_in_dim3A_862 : i32 to vector<16xi32>
      %gather3A_864 = tpu.vector_load_idx %arg13[%broadcast_in_dim3A_861, %broadcast_in_dim3A_863] : memref<64x40xi32, #tpu.memory_space<vmem>>[vector<16xi32>, vector<16xi32>], vector<16xi32>,
      %gt3A_865 = arith.constant 26 : i32
      %gt3A_866 = vector.broadcast %gt3A_865 : i32 to vector<16xi32>
      %gt3A_867 = arith.cmpi sgt, %gather3A, %gt3A_866 : vector<16xi32>
      %broadcast_in_dim3A_868 = arith.constant 512 : i32
      %broadcast_in_dim3A_869 = vector.broadcast %broadcast_in_dim3A_868 : i32 to vector<16xi32>
      %select_n3A_870 = arith.select %gt3A_867, %gather3A_864, %broadcast_in_dim3A_869 : vector<16xi1>, vector<16xi32>
      %gather3A_871 = tpu.vector_load_idx %arg9[%select_n3A_870, %add3A_3] : memref<520x128xf32, #tpu.memory_space<vmem>>[vector<16xi32>, vector<16xi32>], vector<16xf32>,
      %add3A_872 = arith.addf %add3A_846, %gather3A_871 : vector<16xf32>
      %gather3A_873 = tpu.vector_load_idx %arg9[%select_n3A_870, %add3A_6] : memref<520x128xf32, #tpu.memory_space<vmem>>[vector<16xi32>, vector<16xi32>], vector<16xf32>,
      %add3A_874 = arith.addf %add3A_848, %gather3A_873 : vector<16xf32>
      %gather3A_875 = tpu.vector_load_idx %arg9[%select_n3A_870, %add3A_9] : memref<520x128xf32, #tpu.memory_space<vmem>>[vector<16xi32>, vector<16xi32>], vector<16xf32>,
      %add3A_876 = arith.addf %add3A_850, %gather3A_875 : vector<16xf32>
      %gather3A_877 = tpu.vector_load_idx %arg9[%select_n3A_870, %add3A_12] : memref<520x128xf32, #tpu.memory_space<vmem>>[vector<16xi32>, vector<16xi32>], vector<16xf32>,
      %add3A_878 = arith.addf %add3A_852, %gather3A_877 : vector<16xf32>
      %gather3A_879 = tpu.vector_load_idx %arg9[%select_n3A_870, %add3A_15] : memref<520x128xf32, #tpu.memory_space<vmem>>[vector<16xi32>, vector<16xi32>], vector<16xf32>,
      %add3A_880 = arith.addf %add3A_854, %gather3A_879 : vector<16xf32>
      %gather3A_881 = tpu.vector_load_idx %arg9[%select_n3A_870, %add3A_18] : memref<520x128xf32, #tpu.memory_space<vmem>>[vector<16xi32>, vector<16xi32>], vector<16xf32>,
      %add3A_882 = arith.addf %add3A_856, %gather3A_881 : vector<16xf32>
      %gather3A_883 = tpu.vector_load_idx %arg9[%select_n3A_870, %add3A_21] : memref<520x128xf32, #tpu.memory_space<vmem>>[vector<16xi32>, vector<16xi32>], vector<16xf32>,
      %add3A_884 = arith.addf %add3A_858, %gather3A_883 : vector<16xf32>
      %gather3A_885 = tpu.vector_load_idx %arg9[%select_n3A_870, %add3A_24] : memref<520x128xf32, #tpu.memory_space<vmem>>[vector<16xi32>, vector<16xi32>], vector<16xf32>,
      %add3A_886 = arith.addf %add3A_860, %gather3A_885 : vector<16xf32>
      %broadcast_in_dim3A_887 = vector.broadcast %scan3A_168 : i32 to vector<16xi32>
      %broadcast_in_dim3A_888 = arith.constant 27 : i32
      %broadcast_in_dim3A_889 = vector.broadcast %broadcast_in_dim3A_888 : i32 to vector<16xi32>
      %gather3A_890 = tpu.vector_load_idx %arg13[%broadcast_in_dim3A_887, %broadcast_in_dim3A_889] : memref<64x40xi32, #tpu.memory_space<vmem>>[vector<16xi32>, vector<16xi32>], vector<16xi32>,
      %gt3A_891 = arith.constant 27 : i32
      %gt3A_892 = vector.broadcast %gt3A_891 : i32 to vector<16xi32>
      %gt3A_893 = arith.cmpi sgt, %gather3A, %gt3A_892 : vector<16xi32>
      %broadcast_in_dim3A_894 = arith.constant 512 : i32
      %broadcast_in_dim3A_895 = vector.broadcast %broadcast_in_dim3A_894 : i32 to vector<16xi32>
      %select_n3A_896 = arith.select %gt3A_893, %gather3A_890, %broadcast_in_dim3A_895 : vector<16xi1>, vector<16xi32>
      %gather3A_897 = tpu.vector_load_idx %arg9[%select_n3A_896, %add3A_3] : memref<520x128xf32, #tpu.memory_space<vmem>>[vector<16xi32>, vector<16xi32>], vector<16xf32>,
      %add3A_898 = arith.addf %add3A_872, %gather3A_897 : vector<16xf32>
      %gather3A_899 = tpu.vector_load_idx %arg9[%select_n3A_896, %add3A_6] : memref<520x128xf32, #tpu.memory_space<vmem>>[vector<16xi32>, vector<16xi32>], vector<16xf32>,
      %add3A_900 = arith.addf %add3A_874, %gather3A_899 : vector<16xf32>
      %gather3A_901 = tpu.vector_load_idx %arg9[%select_n3A_896, %add3A_9] : memref<520x128xf32, #tpu.memory_space<vmem>>[vector<16xi32>, vector<16xi32>], vector<16xf32>,
      %add3A_902 = arith.addf %add3A_876, %gather3A_901 : vector<16xf32>
      %gather3A_903 = tpu.vector_load_idx %arg9[%select_n3A_896, %add3A_12] : memref<520x128xf32, #tpu.memory_space<vmem>>[vector<16xi32>, vector<16xi32>], vector<16xf32>,
      %add3A_904 = arith.addf %add3A_878, %gather3A_903 : vector<16xf32>
      %gather3A_905 = tpu.vector_load_idx %arg9[%select_n3A_896, %add3A_15] : memref<520x128xf32, #tpu.memory_space<vmem>>[vector<16xi32>, vector<16xi32>], vector<16xf32>,
      %add3A_906 = arith.addf %add3A_880, %gather3A_905 : vector<16xf32>
      %gather3A_907 = tpu.vector_load_idx %arg9[%select_n3A_896, %add3A_18] : memref<520x128xf32, #tpu.memory_space<vmem>>[vector<16xi32>, vector<16xi32>], vector<16xf32>,
      %add3A_908 = arith.addf %add3A_882, %gather3A_907 : vector<16xf32>
      %gather3A_909 = tpu.vector_load_idx %arg9[%select_n3A_896, %add3A_21] : memref<520x128xf32, #tpu.memory_space<vmem>>[vector<16xi32>, vector<16xi32>], vector<16xf32>,
      %add3A_910 = arith.addf %add3A_884, %gather3A_909 : vector<16xf32>
      %gather3A_911 = tpu.vector_load_idx %arg9[%select_n3A_896, %add3A_24] : memref<520x128xf32, #tpu.memory_space<vmem>>[vector<16xi32>, vector<16xi32>], vector<16xf32>,
      %add3A_912 = arith.addf %add3A_886, %gather3A_911 : vector<16xf32>
      %broadcast_in_dim3A_913 = vector.broadcast %scan3A_168 : i32 to vector<16xi32>
      %broadcast_in_dim3A_914 = arith.constant 28 : i32
      %broadcast_in_dim3A_915 = vector.broadcast %broadcast_in_dim3A_914 : i32 to vector<16xi32>
      %gather3A_916 = tpu.vector_load_idx %arg13[%broadcast_in_dim3A_913, %broadcast_in_dim3A_915] : memref<64x40xi32, #tpu.memory_space<vmem>>[vector<16xi32>, vector<16xi32>], vector<16xi32>,
      %gt3A_917 = arith.constant 28 : i32
      %gt3A_918 = vector.broadcast %gt3A_917 : i32 to vector<16xi32>
      %gt3A_919 = arith.cmpi sgt, %gather3A, %gt3A_918 : vector<16xi32>
      %broadcast_in_dim3A_920 = arith.constant 512 : i32
      %broadcast_in_dim3A_921 = vector.broadcast %broadcast_in_dim3A_920 : i32 to vector<16xi32>
      %select_n3A_922 = arith.select %gt3A_919, %gather3A_916, %broadcast_in_dim3A_921 : vector<16xi1>, vector<16xi32>
      %gather3A_923 = tpu.vector_load_idx %arg9[%select_n3A_922, %add3A_3] : memref<520x128xf32, #tpu.memory_space<vmem>>[vector<16xi32>, vector<16xi32>], vector<16xf32>,
      %add3A_924 = arith.addf %add3A_898, %gather3A_923 : vector<16xf32>
      %gather3A_925 = tpu.vector_load_idx %arg9[%select_n3A_922, %add3A_6] : memref<520x128xf32, #tpu.memory_space<vmem>>[vector<16xi32>, vector<16xi32>], vector<16xf32>,
      %add3A_926 = arith.addf %add3A_900, %gather3A_925 : vector<16xf32>
      %gather3A_927 = tpu.vector_load_idx %arg9[%select_n3A_922, %add3A_9] : memref<520x128xf32, #tpu.memory_space<vmem>>[vector<16xi32>, vector<16xi32>], vector<16xf32>,
      %add3A_928 = arith.addf %add3A_902, %gather3A_927 : vector<16xf32>
      %gather3A_929 = tpu.vector_load_idx %arg9[%select_n3A_922, %add3A_12] : memref<520x128xf32, #tpu.memory_space<vmem>>[vector<16xi32>, vector<16xi32>], vector<16xf32>,
      %add3A_930 = arith.addf %add3A_904, %gather3A_929 : vector<16xf32>
      %gather3A_931 = tpu.vector_load_idx %arg9[%select_n3A_922, %add3A_15] : memref<520x128xf32, #tpu.memory_space<vmem>>[vector<16xi32>, vector<16xi32>], vector<16xf32>,
      %add3A_932 = arith.addf %add3A_906, %gather3A_931 : vector<16xf32>
      %gather3A_933 = tpu.vector_load_idx %arg9[%select_n3A_922, %add3A_18] : memref<520x128xf32, #tpu.memory_space<vmem>>[vector<16xi32>, vector<16xi32>], vector<16xf32>,
      %add3A_934 = arith.addf %add3A_908, %gather3A_933 : vector<16xf32>
      %gather3A_935 = tpu.vector_load_idx %arg9[%select_n3A_922, %add3A_21] : memref<520x128xf32, #tpu.memory_space<vmem>>[vector<16xi32>, vector<16xi32>], vector<16xf32>,
      %add3A_936 = arith.addf %add3A_910, %gather3A_935 : vector<16xf32>
      %gather3A_937 = tpu.vector_load_idx %arg9[%select_n3A_922, %add3A_24] : memref<520x128xf32, #tpu.memory_space<vmem>>[vector<16xi32>, vector<16xi32>], vector<16xf32>,
      %add3A_938 = arith.addf %add3A_912, %gather3A_937 : vector<16xf32>
      %broadcast_in_dim3A_939 = vector.broadcast %scan3A_168 : i32 to vector<16xi32>
      %broadcast_in_dim3A_940 = arith.constant 29 : i32
      %broadcast_in_dim3A_941 = vector.broadcast %broadcast_in_dim3A_940 : i32 to vector<16xi32>
      %gather3A_942 = tpu.vector_load_idx %arg13[%broadcast_in_dim3A_939, %broadcast_in_dim3A_941] : memref<64x40xi32, #tpu.memory_space<vmem>>[vector<16xi32>, vector<16xi32>], vector<16xi32>,
      %gt3A_943 = arith.constant 29 : i32
      %gt3A_944 = vector.broadcast %gt3A_943 : i32 to vector<16xi32>
      %gt3A_945 = arith.cmpi sgt, %gather3A, %gt3A_944 : vector<16xi32>
      %broadcast_in_dim3A_946 = arith.constant 512 : i32
      %broadcast_in_dim3A_947 = vector.broadcast %broadcast_in_dim3A_946 : i32 to vector<16xi32>
      %select_n3A_948 = arith.select %gt3A_945, %gather3A_942, %broadcast_in_dim3A_947 : vector<16xi1>, vector<16xi32>
      %gather3A_949 = tpu.vector_load_idx %arg9[%select_n3A_948, %add3A_3] : memref<520x128xf32, #tpu.memory_space<vmem>>[vector<16xi32>, vector<16xi32>], vector<16xf32>,
      %add3A_950 = arith.addf %add3A_924, %gather3A_949 : vector<16xf32>
      %gather3A_951 = tpu.vector_load_idx %arg9[%select_n3A_948, %add3A_6] : memref<520x128xf32, #tpu.memory_space<vmem>>[vector<16xi32>, vector<16xi32>], vector<16xf32>,
      %add3A_952 = arith.addf %add3A_926, %gather3A_951 : vector<16xf32>
      %gather3A_953 = tpu.vector_load_idx %arg9[%select_n3A_948, %add3A_9] : memref<520x128xf32, #tpu.memory_space<vmem>>[vector<16xi32>, vector<16xi32>], vector<16xf32>,
      %add3A_954 = arith.addf %add3A_928, %gather3A_953 : vector<16xf32>
      %gather3A_955 = tpu.vector_load_idx %arg9[%select_n3A_948, %add3A_12] : memref<520x128xf32, #tpu.memory_space<vmem>>[vector<16xi32>, vector<16xi32>], vector<16xf32>,
      %add3A_956 = arith.addf %add3A_930, %gather3A_955 : vector<16xf32>
      %gather3A_957 = tpu.vector_load_idx %arg9[%select_n3A_948, %add3A_15] : memref<520x128xf32, #tpu.memory_space<vmem>>[vector<16xi32>, vector<16xi32>], vector<16xf32>,
      %add3A_958 = arith.addf %add3A_932, %gather3A_957 : vector<16xf32>
      %gather3A_959 = tpu.vector_load_idx %arg9[%select_n3A_948, %add3A_18] : memref<520x128xf32, #tpu.memory_space<vmem>>[vector<16xi32>, vector<16xi32>], vector<16xf32>,
      %add3A_960 = arith.addf %add3A_934, %gather3A_959 : vector<16xf32>
      %gather3A_961 = tpu.vector_load_idx %arg9[%select_n3A_948, %add3A_21] : memref<520x128xf32, #tpu.memory_space<vmem>>[vector<16xi32>, vector<16xi32>], vector<16xf32>,
      %add3A_962 = arith.addf %add3A_936, %gather3A_961 : vector<16xf32>
      %gather3A_963 = tpu.vector_load_idx %arg9[%select_n3A_948, %add3A_24] : memref<520x128xf32, #tpu.memory_space<vmem>>[vector<16xi32>, vector<16xi32>], vector<16xf32>,
      %add3A_964 = arith.addf %add3A_938, %gather3A_963 : vector<16xf32>
      %broadcast_in_dim3A_965 = vector.broadcast %scan3A_168 : i32 to vector<16xi32>
      %broadcast_in_dim3A_966 = arith.constant 30 : i32
      %broadcast_in_dim3A_967 = vector.broadcast %broadcast_in_dim3A_966 : i32 to vector<16xi32>
      %gather3A_968 = tpu.vector_load_idx %arg13[%broadcast_in_dim3A_965, %broadcast_in_dim3A_967] : memref<64x40xi32, #tpu.memory_space<vmem>>[vector<16xi32>, vector<16xi32>], vector<16xi32>,
      %gt3A_969 = arith.constant 30 : i32
      %gt3A_970 = vector.broadcast %gt3A_969 : i32 to vector<16xi32>
      %gt3A_971 = arith.cmpi sgt, %gather3A, %gt3A_970 : vector<16xi32>
      %broadcast_in_dim3A_972 = arith.constant 512 : i32
      %broadcast_in_dim3A_973 = vector.broadcast %broadcast_in_dim3A_972 : i32 to vector<16xi32>
      %select_n3A_974 = arith.select %gt3A_971, %gather3A_968, %broadcast_in_dim3A_973 : vector<16xi1>, vector<16xi32>
      %gather3A_975 = tpu.vector_load_idx %arg9[%select_n3A_974, %add3A_3] : memref<520x128xf32, #tpu.memory_space<vmem>>[vector<16xi32>, vector<16xi32>], vector<16xf32>,
      %add3A_976 = arith.addf %add3A_950, %gather3A_975 : vector<16xf32>
      %gather3A_977 = tpu.vector_load_idx %arg9[%select_n3A_974, %add3A_6] : memref<520x128xf32, #tpu.memory_space<vmem>>[vector<16xi32>, vector<16xi32>], vector<16xf32>,
      %add3A_978 = arith.addf %add3A_952, %gather3A_977 : vector<16xf32>
      %gather3A_979 = tpu.vector_load_idx %arg9[%select_n3A_974, %add3A_9] : memref<520x128xf32, #tpu.memory_space<vmem>>[vector<16xi32>, vector<16xi32>], vector<16xf32>,
      %add3A_980 = arith.addf %add3A_954, %gather3A_979 : vector<16xf32>
      %gather3A_981 = tpu.vector_load_idx %arg9[%select_n3A_974, %add3A_12] : memref<520x128xf32, #tpu.memory_space<vmem>>[vector<16xi32>, vector<16xi32>], vector<16xf32>,
      %add3A_982 = arith.addf %add3A_956, %gather3A_981 : vector<16xf32>
      %gather3A_983 = tpu.vector_load_idx %arg9[%select_n3A_974, %add3A_15] : memref<520x128xf32, #tpu.memory_space<vmem>>[vector<16xi32>, vector<16xi32>], vector<16xf32>,
      %add3A_984 = arith.addf %add3A_958, %gather3A_983 : vector<16xf32>
      %gather3A_985 = tpu.vector_load_idx %arg9[%select_n3A_974, %add3A_18] : memref<520x128xf32, #tpu.memory_space<vmem>>[vector<16xi32>, vector<16xi32>], vector<16xf32>,
      %add3A_986 = arith.addf %add3A_960, %gather3A_985 : vector<16xf32>
      %gather3A_987 = tpu.vector_load_idx %arg9[%select_n3A_974, %add3A_21] : memref<520x128xf32, #tpu.memory_space<vmem>>[vector<16xi32>, vector<16xi32>], vector<16xf32>,
      %add3A_988 = arith.addf %add3A_962, %gather3A_987 : vector<16xf32>
      %gather3A_989 = tpu.vector_load_idx %arg9[%select_n3A_974, %add3A_24] : memref<520x128xf32, #tpu.memory_space<vmem>>[vector<16xi32>, vector<16xi32>], vector<16xf32>,
      %add3A_990 = arith.addf %add3A_964, %gather3A_989 : vector<16xf32>
      %broadcast_in_dim3A_991 = vector.broadcast %scan3A_168 : i32 to vector<16xi32>
      %broadcast_in_dim3A_992 = arith.constant 31 : i32
      %broadcast_in_dim3A_993 = vector.broadcast %broadcast_in_dim3A_992 : i32 to vector<16xi32>
      %gather3A_994 = tpu.vector_load_idx %arg13[%broadcast_in_dim3A_991, %broadcast_in_dim3A_993] : memref<64x40xi32, #tpu.memory_space<vmem>>[vector<16xi32>, vector<16xi32>], vector<16xi32>,
      %gt3A_995 = arith.constant 31 : i32
      %gt3A_996 = vector.broadcast %gt3A_995 : i32 to vector<16xi32>
      %gt3A_997 = arith.cmpi sgt, %gather3A, %gt3A_996 : vector<16xi32>
      %broadcast_in_dim3A_998 = arith.constant 512 : i32
      %broadcast_in_dim3A_999 = vector.broadcast %broadcast_in_dim3A_998 : i32 to vector<16xi32>
      %select_n3A_1000 = arith.select %gt3A_997, %gather3A_994, %broadcast_in_dim3A_999 : vector<16xi1>, vector<16xi32>
      %gather3A_1001 = tpu.vector_load_idx %arg9[%select_n3A_1000, %add3A_3] : memref<520x128xf32, #tpu.memory_space<vmem>>[vector<16xi32>, vector<16xi32>], vector<16xf32>,
      %add3A_1002 = arith.addf %add3A_976, %gather3A_1001 : vector<16xf32>
      %gather3A_1003 = tpu.vector_load_idx %arg9[%select_n3A_1000, %add3A_6] : memref<520x128xf32, #tpu.memory_space<vmem>>[vector<16xi32>, vector<16xi32>], vector<16xf32>,
      %add3A_1004 = arith.addf %add3A_978, %gather3A_1003 : vector<16xf32>
      %gather3A_1005 = tpu.vector_load_idx %arg9[%select_n3A_1000, %add3A_9] : memref<520x128xf32, #tpu.memory_space<vmem>>[vector<16xi32>, vector<16xi32>], vector<16xf32>,
      %add3A_1006 = arith.addf %add3A_980, %gather3A_1005 : vector<16xf32>
      %gather3A_1007 = tpu.vector_load_idx %arg9[%select_n3A_1000, %add3A_12] : memref<520x128xf32, #tpu.memory_space<vmem>>[vector<16xi32>, vector<16xi32>], vector<16xf32>,
      %add3A_1008 = arith.addf %add3A_982, %gather3A_1007 : vector<16xf32>
      %gather3A_1009 = tpu.vector_load_idx %arg9[%select_n3A_1000, %add3A_15] : memref<520x128xf32, #tpu.memory_space<vmem>>[vector<16xi32>, vector<16xi32>], vector<16xf32>,
      %add3A_1010 = arith.addf %add3A_984, %gather3A_1009 : vector<16xf32>
      %gather3A_1011 = tpu.vector_load_idx %arg9[%select_n3A_1000, %add3A_18] : memref<520x128xf32, #tpu.memory_space<vmem>>[vector<16xi32>, vector<16xi32>], vector<16xf32>,
      %add3A_1012 = arith.addf %add3A_986, %gather3A_1011 : vector<16xf32>
      %gather3A_1013 = tpu.vector_load_idx %arg9[%select_n3A_1000, %add3A_21] : memref<520x128xf32, #tpu.memory_space<vmem>>[vector<16xi32>, vector<16xi32>], vector<16xf32>,
      %add3A_1014 = arith.addf %add3A_988, %gather3A_1013 : vector<16xf32>
      %gather3A_1015 = tpu.vector_load_idx %arg9[%select_n3A_1000, %add3A_24] : memref<520x128xf32, #tpu.memory_space<vmem>>[vector<16xi32>, vector<16xi32>], vector<16xf32>,
      %add3A_1016 = arith.addf %add3A_990, %gather3A_1015 : vector<16xf32>
      %broadcast_in_dim3A_1017 = vector.broadcast %scan3A_168 : i32 to vector<16xi32>
      tpu.vector_store_idx %arg12[%broadcast_in_dim3A_1017, %add3A_3], %add3A_1002 : memref<64x128xf32, #tpu.memory_space<vmem>>[vector<16xi32>, vector<16xi32>], vector<16xf32>,
      %broadcast_in_dim3A_1018 = vector.broadcast %scan3A_168 : i32 to vector<16xi32>
      tpu.vector_store_idx %arg12[%broadcast_in_dim3A_1018, %add3A_6], %add3A_1004 : memref<64x128xf32, #tpu.memory_space<vmem>>[vector<16xi32>, vector<16xi32>], vector<16xf32>,
      %broadcast_in_dim3A_1019 = vector.broadcast %scan3A_168 : i32 to vector<16xi32>
      tpu.vector_store_idx %arg12[%broadcast_in_dim3A_1019, %add3A_9], %add3A_1006 : memref<64x128xf32, #tpu.memory_space<vmem>>[vector<16xi32>, vector<16xi32>], vector<16xf32>,
      %broadcast_in_dim3A_1020 = vector.broadcast %scan3A_168 : i32 to vector<16xi32>
      tpu.vector_store_idx %arg12[%broadcast_in_dim3A_1020, %add3A_12], %add3A_1008 : memref<64x128xf32, #tpu.memory_space<vmem>>[vector<16xi32>, vector<16xi32>], vector<16xf32>,
      %broadcast_in_dim3A_1021 = vector.broadcast %scan3A_168 : i32 to vector<16xi32>
      tpu.vector_store_idx %arg12[%broadcast_in_dim3A_1021, %add3A_15], %add3A_1010 : memref<64x128xf32, #tpu.memory_space<vmem>>[vector<16xi32>, vector<16xi32>], vector<16xf32>,
      %broadcast_in_dim3A_1022 = vector.broadcast %scan3A_168 : i32 to vector<16xi32>
      tpu.vector_store_idx %arg12[%broadcast_in_dim3A_1022, %add3A_18], %add3A_1012 : memref<64x128xf32, #tpu.memory_space<vmem>>[vector<16xi32>, vector<16xi32>], vector<16xf32>,
      %broadcast_in_dim3A_1023 = vector.broadcast %scan3A_168 : i32 to vector<16xi32>
      tpu.vector_store_idx %arg12[%broadcast_in_dim3A_1023, %add3A_21], %add3A_1014 : memref<64x128xf32, #tpu.memory_space<vmem>>[vector<16xi32>, vector<16xi32>], vector<16xf32>,
      %broadcast_in_dim3A_1024 = vector.broadcast %scan3A_168 : i32 to vector<16xi32>
      tpu.vector_store_idx %arg12[%broadcast_in_dim3A_1024, %add3A_24], %add3A_1016 : memref<64x128xf32, #tpu.memory_space<vmem>>[vector<16xi32>, vector<16xi32>], vector<16xf32>,
    }
    %scan3A_67 = arith.constant 64 : i32
    %mul3A_68 = arith.constant 64 : i32
    %mul3A_69 = arith.muli %add3A, %mul3A_68 : i32
    %dma_start3A_70 = arith.constant 0 : i32
    %dma_start3A_71 = tpu.memref_slice %arg8[%mul3A_69, %dma_start3A_70] : memref<2048x128xf32, #tpu.memory_space<hbm>> -> memref<64x128xf32, #tpu.memory_space<hbm>>
    %dma_start3A_72 = arith.constant 0 : i32
    %dma_start3A_73 = tpu.memref_slice %arg8[%mul3A_69, %dma_start3A_72] : memref<2048x128xf32, #tpu.memory_space<hbm>> -> memref<64x128xf32, #tpu.memory_space<hbm>>
    tpu.enqueue_dma source(%arg12 : memref<64x128xf32, #tpu.memory_space<vmem>>) target(%dma_start3A_73 : memref<64x128xf32, #tpu.memory_space<hbm>>) target_semaphore(%arg22 : memref<!tpu.dma_semaphore, #tpu.memory_space<semaphore_mem>>)
    %mul3A_74 = arith.constant 384 : i32
    %mul3A_75 = arith.muli %add3A, %mul3A_74 : i32
    %mul3A_76 = arith.constant 256 : i32
    %mul3A_77 = arith.muli %add3A, %mul3A_76 : i32
    %dma_wait3A_78 = arith.constant 0 : i32
    %dma_wait3A_79 = arith.constant 0 : i32
    %dma_wait3A_80 = tpu.memref_slice %arg14[%dma_wait3A_78, %dma_wait3A_79] : memref<8x128xi32, #tpu.memory_space<vmem>> -> memref<1x128xi32, #tpu.memory_space<vmem>>
    %dma_wait3A_81 = tpu.memref_squeeze %dma_wait3A_80 : memref<1x128xi32, #tpu.memory_space<vmem>> -> memref<128xi32, #tpu.memory_space<vmem>>
    %dma_wait3A_82 = arith.constant 0 : i32
    %dma_wait3A_83 = arith.constant 0 : i32
    %dma_wait3A_84 = tpu.memref_slice %arg2[%dma_wait3A_82, %dma_wait3A_83] : memref<100000x128xf32, #tpu.memory_space<hbm>> -> memref<100000x128xf32, #tpu.memory_space<hbm>>
    tpu.wait_indirect_dma semaphore(%arg18 : memref<!tpu.dma_semaphore, #tpu.memory_space<semaphore_mem>>) src(%dma_wait3A_84 : memref<100000x128xf32, #tpu.memory_space<hbm>>) dst(%arg10 : memref<128x128xf32, #tpu.memory_space<vmem>>)
    %dma_start3A_85 = arith.constant 0 : i32
    %dma_start3A_86 = tpu.memref_slice %arg6[%mul3A_75, %dma_start3A_85] : memref<12288x128xf32, #tpu.memory_space<hbm>> -> memref<128x128xf32, #tpu.memory_space<hbm>>
    %dma_start3A_87 = arith.constant 0 : i32
    %dma_start3A_88 = tpu.memref_slice %arg6[%mul3A_75, %dma_start3A_87] : memref<12288x128xf32, #tpu.memory_space<hbm>> -> memref<128x128xf32, #tpu.memory_space<hbm>>
    tpu.enqueue_dma source(%arg10 : memref<128x128xf32, #tpu.memory_space<vmem>>) target(%dma_start3A_88 : memref<128x128xf32, #tpu.memory_space<hbm>>) target_semaphore(%arg20 : memref<!tpu.dma_semaphore, #tpu.memory_space<semaphore_mem>>)
    %dma_wait3A_89 = arith.constant 1 : i32
    %dma_wait3A_90 = arith.constant 0 : i32
    %dma_wait3A_91 = tpu.memref_slice %arg14[%dma_wait3A_89, %dma_wait3A_90] : memref<8x128xi32, #tpu.memory_space<vmem>> -> memref<1x128xi32, #tpu.memory_space<vmem>>
    %dma_wait3A_92 = tpu.memref_squeeze %dma_wait3A_91 : memref<1x128xi32, #tpu.memory_space<vmem>> -> memref<128xi32, #tpu.memory_space<vmem>>
    %dma_wait3A_93 = arith.constant 0 : i32
    %dma_wait3A_94 = arith.constant 0 : i32
    %dma_wait3A_95 = tpu.memref_slice %arg2[%dma_wait3A_93, %dma_wait3A_94] : memref<100000x128xf32, #tpu.memory_space<hbm>> -> memref<100000x128xf32, #tpu.memory_space<hbm>>
    tpu.wait_indirect_dma semaphore(%arg19 : memref<!tpu.dma_semaphore, #tpu.memory_space<semaphore_mem>>) src(%dma_wait3A_95 : memref<100000x128xf32, #tpu.memory_space<hbm>>) dst(%arg11 : memref<128x128xf32, #tpu.memory_space<vmem>>)
    %add3A_96 = arith.constant 128 : i32
    %add3A_97 = arith.addi %mul3A_75, %add3A_96 : i32
    %dma_start3A_98 = arith.constant 0 : i32
    %dma_start3A_99 = tpu.memref_slice %arg6[%add3A_97, %dma_start3A_98] : memref<12288x128xf32, #tpu.memory_space<hbm>> -> memref<128x128xf32, #tpu.memory_space<hbm>>
    %dma_start3A_100 = arith.constant 0 : i32
    %dma_start3A_101 = tpu.memref_slice %arg6[%add3A_97, %dma_start3A_100] : memref<12288x128xf32, #tpu.memory_space<hbm>> -> memref<128x128xf32, #tpu.memory_space<hbm>>
    tpu.enqueue_dma source(%arg11 : memref<128x128xf32, #tpu.memory_space<vmem>>) target(%dma_start3A_101 : memref<128x128xf32, #tpu.memory_space<hbm>>) target_semaphore(%arg21 : memref<!tpu.dma_semaphore, #tpu.memory_space<semaphore_mem>>)
    %dma_wait3A_102 = arith.constant 0 : i32
    %dma_wait3A_103 = tpu.memref_slice %arg6[%mul3A_75, %dma_wait3A_102] : memref<12288x128xf32, #tpu.memory_space<hbm>> -> memref<128x128xf32, #tpu.memory_space<hbm>>
    %dma_wait3A_104 = arith.constant 0 : i32
    %dma_wait3A_105 = tpu.memref_slice %arg6[%mul3A_75, %dma_wait3A_104] : memref<12288x128xf32, #tpu.memory_space<hbm>> -> memref<128x128xf32, #tpu.memory_space<hbm>>
    tpu.wait_dma2 semaphore(%arg20 : memref<!tpu.dma_semaphore, #tpu.memory_space<semaphore_mem>>) src(%arg10 : memref<128x128xf32, #tpu.memory_space<vmem>>) dst(%dma_wait3A_105 : memref<128x128xf32, #tpu.memory_space<hbm>>)
    %dma_start3A_106 = arith.constant 2 : i32
    %dma_start3A_107 = arith.constant 0 : i32
    %dma_start3A_108 = tpu.memref_slice %arg14[%dma_start3A_106, %dma_start3A_107] : memref<8x128xi32, #tpu.memory_space<vmem>> -> memref<1x128xi32, #tpu.memory_space<vmem>>
    %dma_start3A_109 = tpu.memref_squeeze %dma_start3A_108 : memref<1x128xi32, #tpu.memory_space<vmem>> -> memref<128xi32, #tpu.memory_space<vmem>>
    %dma_start3A_110 = arith.constant 0 : i32
    %dma_start3A_111 = arith.constant 0 : i32
    %dma_start3A_112 = tpu.memref_slice %arg2[%dma_start3A_110, %dma_start3A_111] : memref<100000x128xf32, #tpu.memory_space<hbm>> -> memref<100000x128xf32, #tpu.memory_space<hbm>>
    tpu.enqueue_indirect_dma source(%dma_start3A_112 : memref<100000x128xf32, #tpu.memory_space<hbm>>) target(%arg10 : memref<128x128xf32, #tpu.memory_space<vmem>>) offsets(%dma_start3A_109 : memref<128xi32, #tpu.memory_space<vmem>>) semaphore(%arg18 : memref<!tpu.dma_semaphore, #tpu.memory_space<semaphore_mem>>)
    %dma_wait3A_113 = arith.constant 0 : i32
    %dma_wait3A_114 = tpu.memref_slice %arg6[%add3A_97, %dma_wait3A_113] : memref<12288x128xf32, #tpu.memory_space<hbm>> -> memref<128x128xf32, #tpu.memory_space<hbm>>
    %dma_wait3A_115 = arith.constant 0 : i32
    %dma_wait3A_116 = tpu.memref_slice %arg6[%add3A_97, %dma_wait3A_115] : memref<12288x128xf32, #tpu.memory_space<hbm>> -> memref<128x128xf32, #tpu.memory_space<hbm>>
    tpu.wait_dma2 semaphore(%arg21 : memref<!tpu.dma_semaphore, #tpu.memory_space<semaphore_mem>>) src(%arg11 : memref<128x128xf32, #tpu.memory_space<vmem>>) dst(%dma_wait3A_116 : memref<128x128xf32, #tpu.memory_space<hbm>>)
    %scan3A_117 = arith.constant 0 : i32
    %scan3A_118 = arith.constant 0 : i32
    %scan3A_119 = arith.constant 128 : i32
    %scan3A_120 = arith.addi %scan3A_118, %scan3A_119 : i32
    %scan3A_121 = arith.constant 1 : i32
    scf.for %scan3A_168 = %scan3A_118 to %scan3A_120 step %scan3A_121  : i32 {
      %broadcast_in_dim3A = arith.constant 3 : i32
      %broadcast_in_dim3A_169 = vector.broadcast %broadcast_in_dim3A : i32 to vector<16xi32>
      %broadcast_in_dim3A_170 = vector.broadcast %scan3A_168 : i32 to vector<16xi32>
      %gather3A = tpu.vector_load_idx %arg14[%broadcast_in_dim3A_169, %broadcast_in_dim3A_170] : memref<8x128xi32, #tpu.memory_space<vmem>>[vector<16xi32>, vector<16xi32>], vector<16xi32>,
      %gather3A_171 = tpu.vector_load_idx %arg9[%gather3A, %add3A_3] : memref<520x128xf32, #tpu.memory_space<vmem>>[vector<16xi32>, vector<16xi32>], vector<16xf32>,
      %broadcast_in_dim3A_172 = vector.broadcast %scan3A_168 : i32 to vector<16xi32>
      tpu.vector_store_idx %arg11[%broadcast_in_dim3A_172, %add3A_3], %gather3A_171 : memref<128x128xf32, #tpu.memory_space<vmem>>[vector<16xi32>, vector<16xi32>], vector<16xf32>,
      %gather3A_173 = tpu.vector_load_idx %arg9[%gather3A, %add3A_6] : memref<520x128xf32, #tpu.memory_space<vmem>>[vector<16xi32>, vector<16xi32>], vector<16xf32>,
      %broadcast_in_dim3A_174 = vector.broadcast %scan3A_168 : i32 to vector<16xi32>
      tpu.vector_store_idx %arg11[%broadcast_in_dim3A_174, %add3A_6], %gather3A_173 : memref<128x128xf32, #tpu.memory_space<vmem>>[vector<16xi32>, vector<16xi32>], vector<16xf32>,
      %gather3A_175 = tpu.vector_load_idx %arg9[%gather3A, %add3A_9] : memref<520x128xf32, #tpu.memory_space<vmem>>[vector<16xi32>, vector<16xi32>], vector<16xf32>,
      %broadcast_in_dim3A_176 = vector.broadcast %scan3A_168 : i32 to vector<16xi32>
      tpu.vector_store_idx %arg11[%broadcast_in_dim3A_176, %add3A_9], %gather3A_175 : memref<128x128xf32, #tpu.memory_space<vmem>>[vector<16xi32>, vector<16xi32>], vector<16xf32>,
      %gather3A_177 = tpu.vector_load_idx %arg9[%gather3A, %add3A_12] : memref<520x128xf32, #tpu.memory_space<vmem>>[vector<16xi32>, vector<16xi32>], vector<16xf32>,
      %broadcast_in_dim3A_178 = vector.broadcast %scan3A_168 : i32 to vector<16xi32>
      tpu.vector_store_idx %arg11[%broadcast_in_dim3A_178, %add3A_12], %gather3A_177 : memref<128x128xf32, #tpu.memory_space<vmem>>[vector<16xi32>, vector<16xi32>], vector<16xf32>,
      %gather3A_179 = tpu.vector_load_idx %arg9[%gather3A, %add3A_15] : memref<520x128xf32, #tpu.memory_space<vmem>>[vector<16xi32>, vector<16xi32>], vector<16xf32>,
      %broadcast_in_dim3A_180 = vector.broadcast %scan3A_168 : i32 to vector<16xi32>
      tpu.vector_store_idx %arg11[%broadcast_in_dim3A_180, %add3A_15], %gather3A_179 : memref<128x128xf32, #tpu.memory_space<vmem>>[vector<16xi32>, vector<16xi32>], vector<16xf32>,
      %gather3A_181 = tpu.vector_load_idx %arg9[%gather3A, %add3A_18] : memref<520x128xf32, #tpu.memory_space<vmem>>[vector<16xi32>, vector<16xi32>], vector<16xf32>,
      %broadcast_in_dim3A_182 = vector.broadcast %scan3A_168 : i32 to vector<16xi32>
      tpu.vector_store_idx %arg11[%broadcast_in_dim3A_182, %add3A_18], %gather3A_181 : memref<128x128xf32, #tpu.memory_space<vmem>>[vector<16xi32>, vector<16xi32>], vector<16xf32>,
      %gather3A_183 = tpu.vector_load_idx %arg9[%gather3A, %add3A_21] : memref<520x128xf32, #tpu.memory_space<vmem>>[vector<16xi32>, vector<16xi32>], vector<16xf32>,
      %broadcast_in_dim3A_184 = vector.broadcast %scan3A_168 : i32 to vector<16xi32>
      tpu.vector_store_idx %arg11[%broadcast_in_dim3A_184, %add3A_21], %gather3A_183 : memref<128x128xf32, #tpu.memory_space<vmem>>[vector<16xi32>, vector<16xi32>], vector<16xf32>,
      %gather3A_185 = tpu.vector_load_idx %arg9[%gather3A, %add3A_24] : memref<520x128xf32, #tpu.memory_space<vmem>>[vector<16xi32>, vector<16xi32>], vector<16xf32>,
      %broadcast_in_dim3A_186 = vector.broadcast %scan3A_168 : i32 to vector<16xi32>
      tpu.vector_store_idx %arg11[%broadcast_in_dim3A_186, %add3A_24], %gather3A_185 : memref<128x128xf32, #tpu.memory_space<vmem>>[vector<16xi32>, vector<16xi32>], vector<16xf32>,
    }
    %scan3A_122 = arith.constant 128 : i32
    %dma_start3A_123 = arith.constant 0 : i32
    %dma_start3A_124 = tpu.memref_slice %arg7[%mul3A_77, %dma_start3A_123] : memref<8192x128xf32, #tpu.memory_space<hbm>> -> memref<128x128xf32, #tpu.memory_space<hbm>>
    %dma_start3A_125 = arith.constant 0 : i32
    %dma_start3A_126 = tpu.memref_slice %arg7[%mul3A_77, %dma_start3A_125] : memref<8192x128xf32, #tpu.memory_space<hbm>> -> memref<128x128xf32, #tpu.memory_space<hbm>>
    tpu.enqueue_dma source(%arg11 : memref<128x128xf32, #tpu.memory_space<vmem>>) target(%dma_start3A_126 : memref<128x128xf32, #tpu.memory_space<hbm>>) target_semaphore(%arg21 : memref<!tpu.dma_semaphore, #tpu.memory_space<semaphore_mem>>)
    %dma_wait3A_127 = arith.constant 2 : i32
    %dma_wait3A_128 = arith.constant 0 : i32
    %dma_wait3A_129 = tpu.memref_slice %arg14[%dma_wait3A_127, %dma_wait3A_128] : memref<8x128xi32, #tpu.memory_space<vmem>> -> memref<1x128xi32, #tpu.memory_space<vmem>>
    %dma_wait3A_130 = tpu.memref_squeeze %dma_wait3A_129 : memref<1x128xi32, #tpu.memory_space<vmem>> -> memref<128xi32, #tpu.memory_space<vmem>>
    %dma_wait3A_131 = arith.constant 0 : i32
    %dma_wait3A_132 = arith.constant 0 : i32
    %dma_wait3A_133 = tpu.memref_slice %arg2[%dma_wait3A_131, %dma_wait3A_132] : memref<100000x128xf32, #tpu.memory_space<hbm>> -> memref<100000x128xf32, #tpu.memory_space<hbm>>
    tpu.wait_indirect_dma semaphore(%arg18 : memref<!tpu.dma_semaphore, #tpu.memory_space<semaphore_mem>>) src(%dma_wait3A_133 : memref<100000x128xf32, #tpu.memory_space<hbm>>) dst(%arg10 : memref<128x128xf32, #tpu.memory_space<vmem>>)
    %add3A_134 = arith.constant 256 : i32
    %add3A_135 = arith.addi %mul3A_75, %add3A_134 : i32
    %dma_start3A_136 = arith.constant 0 : i32
    %dma_start3A_137 = tpu.memref_slice %arg6[%add3A_135, %dma_start3A_136] : memref<12288x128xf32, #tpu.memory_space<hbm>> -> memref<128x128xf32, #tpu.memory_space<hbm>>
    %dma_start3A_138 = arith.constant 0 : i32
    %dma_start3A_139 = tpu.memref_slice %arg6[%add3A_135, %dma_start3A_138] : memref<12288x128xf32, #tpu.memory_space<hbm>> -> memref<128x128xf32, #tpu.memory_space<hbm>>
    tpu.enqueue_dma source(%arg10 : memref<128x128xf32, #tpu.memory_space<vmem>>) target(%dma_start3A_139 : memref<128x128xf32, #tpu.memory_space<hbm>>) target_semaphore(%arg20 : memref<!tpu.dma_semaphore, #tpu.memory_space<semaphore_mem>>)
    %dma_wait3A_140 = arith.constant 0 : i32
    %dma_wait3A_141 = tpu.memref_slice %arg7[%mul3A_77, %dma_wait3A_140] : memref<8192x128xf32, #tpu.memory_space<hbm>> -> memref<128x128xf32, #tpu.memory_space<hbm>>
    %dma_wait3A_142 = arith.constant 0 : i32
    %dma_wait3A_143 = tpu.memref_slice %arg7[%mul3A_77, %dma_wait3A_142] : memref<8192x128xf32, #tpu.memory_space<hbm>> -> memref<128x128xf32, #tpu.memory_space<hbm>>
    tpu.wait_dma2 semaphore(%arg21 : memref<!tpu.dma_semaphore, #tpu.memory_space<semaphore_mem>>) src(%arg11 : memref<128x128xf32, #tpu.memory_space<vmem>>) dst(%dma_wait3A_143 : memref<128x128xf32, #tpu.memory_space<hbm>>)
    %scan3A_144 = arith.constant 0 : i32
    %scan3A_145 = arith.constant 0 : i32
    %scan3A_146 = arith.constant 128 : i32
    %scan3A_147 = arith.addi %scan3A_145, %scan3A_146 : i32
    %scan3A_148 = arith.constant 1 : i32
    scf.for %scan3A_168 = %scan3A_145 to %scan3A_147 step %scan3A_148  : i32 {
      %broadcast_in_dim3A = arith.constant 4 : i32
      %broadcast_in_dim3A_169 = vector.broadcast %broadcast_in_dim3A : i32 to vector<16xi32>
      %broadcast_in_dim3A_170 = vector.broadcast %scan3A_168 : i32 to vector<16xi32>
      %gather3A = tpu.vector_load_idx %arg14[%broadcast_in_dim3A_169, %broadcast_in_dim3A_170] : memref<8x128xi32, #tpu.memory_space<vmem>>[vector<16xi32>, vector<16xi32>], vector<16xi32>,
      %gather3A_171 = tpu.vector_load_idx %arg9[%gather3A, %add3A_3] : memref<520x128xf32, #tpu.memory_space<vmem>>[vector<16xi32>, vector<16xi32>], vector<16xf32>,
      %broadcast_in_dim3A_172 = vector.broadcast %scan3A_168 : i32 to vector<16xi32>
      tpu.vector_store_idx %arg11[%broadcast_in_dim3A_172, %add3A_3], %gather3A_171 : memref<128x128xf32, #tpu.memory_space<vmem>>[vector<16xi32>, vector<16xi32>], vector<16xf32>,
      %gather3A_173 = tpu.vector_load_idx %arg9[%gather3A, %add3A_6] : memref<520x128xf32, #tpu.memory_space<vmem>>[vector<16xi32>, vector<16xi32>], vector<16xf32>,
      %broadcast_in_dim3A_174 = vector.broadcast %scan3A_168 : i32 to vector<16xi32>
      tpu.vector_store_idx %arg11[%broadcast_in_dim3A_174, %add3A_6], %gather3A_173 : memref<128x128xf32, #tpu.memory_space<vmem>>[vector<16xi32>, vector<16xi32>], vector<16xf32>,
      %gather3A_175 = tpu.vector_load_idx %arg9[%gather3A, %add3A_9] : memref<520x128xf32, #tpu.memory_space<vmem>>[vector<16xi32>, vector<16xi32>], vector<16xf32>,
      %broadcast_in_dim3A_176 = vector.broadcast %scan3A_168 : i32 to vector<16xi32>
      tpu.vector_store_idx %arg11[%broadcast_in_dim3A_176, %add3A_9], %gather3A_175 : memref<128x128xf32, #tpu.memory_space<vmem>>[vector<16xi32>, vector<16xi32>], vector<16xf32>,
      %gather3A_177 = tpu.vector_load_idx %arg9[%gather3A, %add3A_12] : memref<520x128xf32, #tpu.memory_space<vmem>>[vector<16xi32>, vector<16xi32>], vector<16xf32>,
      %broadcast_in_dim3A_178 = vector.broadcast %scan3A_168 : i32 to vector<16xi32>
      tpu.vector_store_idx %arg11[%broadcast_in_dim3A_178, %add3A_12], %gather3A_177 : memref<128x128xf32, #tpu.memory_space<vmem>>[vector<16xi32>, vector<16xi32>], vector<16xf32>,
      %gather3A_179 = tpu.vector_load_idx %arg9[%gather3A, %add3A_15] : memref<520x128xf32, #tpu.memory_space<vmem>>[vector<16xi32>, vector<16xi32>], vector<16xf32>,
      %broadcast_in_dim3A_180 = vector.broadcast %scan3A_168 : i32 to vector<16xi32>
      tpu.vector_store_idx %arg11[%broadcast_in_dim3A_180, %add3A_15], %gather3A_179 : memref<128x128xf32, #tpu.memory_space<vmem>>[vector<16xi32>, vector<16xi32>], vector<16xf32>,
      %gather3A_181 = tpu.vector_load_idx %arg9[%gather3A, %add3A_18] : memref<520x128xf32, #tpu.memory_space<vmem>>[vector<16xi32>, vector<16xi32>], vector<16xf32>,
      %broadcast_in_dim3A_182 = vector.broadcast %scan3A_168 : i32 to vector<16xi32>
      tpu.vector_store_idx %arg11[%broadcast_in_dim3A_182, %add3A_18], %gather3A_181 : memref<128x128xf32, #tpu.memory_space<vmem>>[vector<16xi32>, vector<16xi32>], vector<16xf32>,
      %gather3A_183 = tpu.vector_load_idx %arg9[%gather3A, %add3A_21] : memref<520x128xf32, #tpu.memory_space<vmem>>[vector<16xi32>, vector<16xi32>], vector<16xf32>,
      %broadcast_in_dim3A_184 = vector.broadcast %scan3A_168 : i32 to vector<16xi32>
      tpu.vector_store_idx %arg11[%broadcast_in_dim3A_184, %add3A_21], %gather3A_183 : memref<128x128xf32, #tpu.memory_space<vmem>>[vector<16xi32>, vector<16xi32>], vector<16xf32>,
      %gather3A_185 = tpu.vector_load_idx %arg9[%gather3A, %add3A_24] : memref<520x128xf32, #tpu.memory_space<vmem>>[vector<16xi32>, vector<16xi32>], vector<16xf32>,
      %broadcast_in_dim3A_186 = vector.broadcast %scan3A_168 : i32 to vector<16xi32>
      tpu.vector_store_idx %arg11[%broadcast_in_dim3A_186, %add3A_24], %gather3A_185 : memref<128x128xf32, #tpu.memory_space<vmem>>[vector<16xi32>, vector<16xi32>], vector<16xf32>,
    }
    %scan3A_149 = arith.constant 128 : i32
    %add3A_150 = arith.constant 128 : i32
    %add3A_151 = arith.addi %mul3A_77, %add3A_150 : i32
    %dma_start3A_152 = arith.constant 0 : i32
    %dma_start3A_153 = tpu.memref_slice %arg7[%add3A_151, %dma_start3A_152] : memref<8192x128xf32, #tpu.memory_space<hbm>> -> memref<128x128xf32, #tpu.memory_space<hbm>>
    %dma_start3A_154 = arith.constant 0 : i32
    %dma_start3A_155 = tpu.memref_slice %arg7[%add3A_151, %dma_start3A_154] : memref<8192x128xf32, #tpu.memory_space<hbm>> -> memref<128x128xf32, #tpu.memory_space<hbm>>
    tpu.enqueue_dma source(%arg11 : memref<128x128xf32, #tpu.memory_space<vmem>>) target(%dma_start3A_155 : memref<128x128xf32, #tpu.memory_space<hbm>>) target_semaphore(%arg21 : memref<!tpu.dma_semaphore, #tpu.memory_space<semaphore_mem>>)
    %dma_wait3A_156 = arith.constant 0 : i32
    %dma_wait3A_157 = tpu.memref_slice %arg6[%add3A_135, %dma_wait3A_156] : memref<12288x128xf32, #tpu.memory_space<hbm>> -> memref<128x128xf32, #tpu.memory_space<hbm>>
    %dma_wait3A_158 = arith.constant 0 : i32
    %dma_wait3A_159 = tpu.memref_slice %arg6[%add3A_135, %dma_wait3A_158] : memref<12288x128xf32, #tpu.memory_space<hbm>> -> memref<128x128xf32, #tpu.memory_space<hbm>>
    tpu.wait_dma2 semaphore(%arg20 : memref<!tpu.dma_semaphore, #tpu.memory_space<semaphore_mem>>) src(%arg10 : memref<128x128xf32, #tpu.memory_space<vmem>>) dst(%dma_wait3A_159 : memref<128x128xf32, #tpu.memory_space<hbm>>)
    %dma_wait3A_160 = arith.constant 0 : i32
    %dma_wait3A_161 = tpu.memref_slice %arg7[%add3A_151, %dma_wait3A_160] : memref<8192x128xf32, #tpu.memory_space<hbm>> -> memref<128x128xf32, #tpu.memory_space<hbm>>
    %dma_wait3A_162 = arith.constant 0 : i32
    %dma_wait3A_163 = tpu.memref_slice %arg7[%add3A_151, %dma_wait3A_162] : memref<8192x128xf32, #tpu.memory_space<hbm>> -> memref<128x128xf32, #tpu.memory_space<hbm>>
    tpu.wait_dma2 semaphore(%arg21 : memref<!tpu.dma_semaphore, #tpu.memory_space<semaphore_mem>>) src(%arg11 : memref<128x128xf32, #tpu.memory_space<vmem>>) dst(%dma_wait3A_163 : memref<128x128xf32, #tpu.memory_space<hbm>>)
    %dma_wait3A_164 = arith.constant 0 : i32
    %dma_wait3A_165 = tpu.memref_slice %arg8[%mul3A_69, %dma_wait3A_164] : memref<2048x128xf32, #tpu.memory_space<hbm>> -> memref<64x128xf32, #tpu.memory_space<hbm>>
    %dma_wait3A_166 = arith.constant 0 : i32
    %dma_wait3A_167 = tpu.memref_slice %arg8[%mul3A_69, %dma_wait3A_166] : memref<2048x128xf32, #tpu.memory_space<hbm>> -> memref<64x128xf32, #tpu.memory_space<hbm>>
    tpu.wait_dma2 semaphore(%arg22 : memref<!tpu.dma_semaphore, #tpu.memory_space<semaphore_mem>>) src(%arg12 : memref<64x128xf32, #tpu.memory_space<vmem>>) dst(%dma_wait3A_167 : memref<64x128xf32, #tpu.memory_space<hbm>>)
    return
  }
}

module attributes {stable_mosaic.version = 14 : i64} {
  func.func @_tc_body(%arg0: memref<12288x128xf32, #tpu.memory_space<vmem>>, %arg1: memref<8192x128xf32, #tpu.memory_space<vmem>>, %arg2: memref<2048x128xf32, #tpu.memory_space<vmem>>, %arg3: memref<2048x32xi32, #tpu.memory_space<vmem>>, %arg4: memref<2048x1xi32, #tpu.memory_space<vmem>>, %arg5: memref<256x8xi32, #tpu.memory_space<vmem>>, %arg6: memref<256x1xi32, #tpu.memory_space<vmem>>, %arg7: memref<8192x1xi32, #tpu.memory_space<vmem>>, %arg8: memref<8192x8xi32, #tpu.memory_space<vmem>>, %arg9: memref<256x32xi32, #tpu.memory_space<vmem>>, %arg10: memref<256x128xf32, #tpu.memory_space<vmem>>, %arg11: memref<128x128xf32, #tpu.memory_space<vmem>>, %arg12: memref<1x128xf32, #tpu.memory_space<vmem>>, %arg13: memref<256x128xf32, #tpu.memory_space<vmem>>, %arg14: memref<1x128xf32, #tpu.memory_space<vmem>>, %arg15: memref<256x128xf32, #tpu.memory_space<vmem>>, %arg16: memref<1x128xf32, #tpu.memory_space<vmem>>, %arg17: memref<384x128xf32, #tpu.memory_space<vmem>>, %arg18: memref<1x128xf32, #tpu.memory_space<vmem>>, %arg19: memref<256x1xf32, #tpu.memory_space<vmem>>, %arg20: memref<1x1xf32, #tpu.memory_space<vmem>>, %arg21: memref<256x1xf32, #tpu.memory_space<vmem>>, %arg22: memref<1x1xf32, #tpu.memory_space<vmem>>, %arg23: memref<256x2081xf32, #tpu.memory_space<vmem>>) attributes {dimension_semantics = [], scalar_prefetch = 0 : i64, scratch_operands = 0 : i64, tpu.core_type = #tpu.core_type<tc>} {
    %get3A = arith.constant 0 : index
    %get3A_0 = arith.constant 0 : index
    %get3A_1 = vector.load %arg10[%get3A, %get3A_0] : memref<256x128xf32, #tpu.memory_space<vmem>>, vector<256x128xf32>
    %get3A_2 = arith.constant 0 : index
    %get3A_3 = arith.constant 0 : index
    %get3A_4 = vector.load %arg11[%get3A_2, %get3A_3] : memref<128x128xf32, #tpu.memory_space<vmem>>, vector<128x128xf32>
    %get3A_5 = arith.constant 0 : index
    %get3A_6 = arith.constant 0 : index
    %get3A_7 = vector.load %arg12[%get3A_5, %get3A_6] : memref<1x128xf32, #tpu.memory_space<vmem>>, vector<1x128xf32>
    %get3A_8 = arith.constant 0 : index
    %get3A_9 = arith.constant 0 : index
    %get3A_10 = vector.load %arg5[%get3A_8, %get3A_9] : memref<256x8xi32, #tpu.memory_space<vmem>>, vector<256x8xi32>
    %get3A_11 = arith.constant 0 : index
    %get3A_12 = arith.constant 0 : index
    %get3A_13 = vector.load %arg0[%get3A_11, %get3A_12] : memref<12288x128xf32, #tpu.memory_space<vmem>>, vector<256x128xf32>
    %dot_general3A = arith.constant dense<0.000000e+00> : vector<256x128xf32>
    %dot_general3A_14 = tpu.matmul %get3A_13, %get3A_4, %dot_general3A {dimension_numbers = #tpu.dot_dimension_numbers<[1], [0], [0], [1], [0, 0, 1, 1], [], []>, transpose_lhs_hint = false} : vector<256x128xf32>, vector<128x128xf32>, vector<256x128xf32> -> vector<256x128xf32>
    %add3A = vector.broadcast %get3A_7 : vector<1x128xf32> to vector<256x128xf32>
    %add3A_15 = arith.addf %dot_general3A_14, %add3A : vector<256x128xf32>
    %ge3A = arith.constant 0.000000e+00 : f32
    %ge3A_16 = vector.broadcast %ge3A : f32 to vector<256x128xf32>
    %ge3A_17 = arith.cmpf oge, %add3A_15, %ge3A_16 : vector<256x128xf32>
    %mul3A = arith.constant 0.00999999977 : f32
    %mul3A_18 = vector.broadcast %mul3A : f32 to vector<256x128xf32>
    %mul3A_19 = arith.mulf %mul3A_18, %add3A_15 : vector<256x128xf32>
    %select_n3A = arith.select %ge3A_17, %add3A_15, %mul3A_19 : vector<256x128xi1>, vector<256x128xf32>
    %get3A_20 = arith.constant 0 : index
    %get3A_21 = arith.constant 0 : index
    %get3A_22 = vector.load %arg13[%get3A_20, %get3A_21] : memref<256x128xf32, #tpu.memory_space<vmem>>, vector<256x128xf32>
    %slice3A = vector.extract_strided_slice %get3A_22 {offsets = [0, 0], sizes = [128, 128], strides = [1, 1]} : vector<256x128xf32> to vector<128x128xf32>
    %dot_general3A_23 = arith.constant dense<0.000000e+00> : vector<256x128xf32>
    %dot_general3A_24 = tpu.matmul %select_n3A, %slice3A, %dot_general3A_23 {dimension_numbers = #tpu.dot_dimension_numbers<[1], [0], [0], [1], [0, 0, 1, 1], [], []>, transpose_lhs_hint = false} : vector<256x128xf32>, vector<128x128xf32>, vector<256x128xf32> -> vector<256x128xf32>
    %get3A_25 = arith.constant 0 : index
    %get3A_26 = arith.constant 0 : index
    %get3A_27 = vector.load %arg4[%get3A_25, %get3A_26] : memref<2048x1xi32, #tpu.memory_space<vmem>>, vector<2048x1xi32>
    %convert_element_type3A = arith.sitofp %get3A_27 : vector<2048x1xi32> to vector<2048x1xf32>
    %iota3A = tpu.iota {dimensions = array<i32: 1>} : vector<2048x32xi32>
    %lt3A = vector.broadcast %get3A_27 : vector<2048x1xi32> to vector<2048x32xi32>
    %lt3A_28 = arith.cmpi slt, %iota3A, %lt3A : vector<2048x32xi32>
    %get3A_29 = arith.constant 0 : index
    %get3A_30 = arith.constant 0 : index
    %get3A_31 = vector.load %arg3[%get3A_29, %get3A_30] : memref<2048x32xi32, #tpu.memory_space<vmem>>, vector<2048x32xi32>
    %eq3A = arith.constant 0 : i32
    %eq3A_32 = vector.broadcast %eq3A : i32 to vector<2048x32xi32>
    %eq3A_33 = arith.cmpi eq, %get3A_31, %eq3A_32 : vector<2048x32xi32>
    %and3A = arith.andi %lt3A_28, %eq3A_33 : vector<2048x32xi1>
    %jit3A = arith.constant 1.000000e+00 : f32
    %jit3A_34 = arith.constant 0.000000e+00 : f32
    %broadcast_in_dim3A = vector.broadcast %jit3A : f32 to vector<2048x32xf32>
    %broadcast_in_dim3A_35 = vector.broadcast %jit3A_34 : f32 to vector<2048x32xf32>
    %select_n3A_36 = arith.select %and3A, %broadcast_in_dim3A, %broadcast_in_dim3A_35 : vector<2048x32xi1>, vector<2048x32xf32>
    %reduce_sum3A = arith.constant dense<0.000000e+00> : vector<2048xf32>
    %reduce_sum3A_37 = vector.multi_reduction <add>, %select_n3A_36, %reduce_sum3A [1] : vector<2048x32xf32> to vector<2048xf32>
    %broadcast_in_dim3A_38 = vector.shape_cast %reduce_sum3A_37 : vector<2048xf32> to vector<2048x1xf32>
    %eq3A_39 = arith.constant 0 : i32
    %eq3A_40 = vector.broadcast %eq3A_39 : i32 to vector<2048x1xi32>
    %eq3A_41 = arith.cmpi eq, %get3A_27, %eq3A_40 : vector<2048x1xi32>
    %convert_element_type3A_42 = arith.extui %eq3A_41 : vector<2048x1xi1> to vector<2048x1xi32>
    %convert_element_type3A_43 = arith.sitofp %convert_element_type3A_42 : vector<2048x1xi32> to vector<2048x1xf32>
    %add3A_44 = arith.addf %convert_element_type3A, %convert_element_type3A_43 : vector<2048x1xf32>
    %broadcast_in_dim3A_45 = vector.shape_cast %dot_general3A_24 : vector<256x128xf32> to vector<256x1x128xf32>
    %broadcast_in_dim3A_46 = vector.shape_cast %broadcast_in_dim3A_45 : vector<256x1x128xf32> to vector<256x1x128xf32>
    %broadcast_in_dim3A_47 = vector.broadcast %broadcast_in_dim3A_46 : vector<256x1x128xf32> to vector<256x8x128xf32>
    %reshape3A = vector.shape_cast %broadcast_in_dim3A_47 : vector<256x8x128xf32> to vector<2048x128xf32>
    %get3A_48 = arith.constant 0 : index
    %get3A_49 = arith.constant 0 : index
    %get3A_50 = vector.load %arg2[%get3A_48, %get3A_49] : memref<2048x128xf32, #tpu.memory_space<vmem>>, vector<2048x128xf32>
    %slice3A_51 = vector.extract_strided_slice %get3A_22 {offsets = [128, 0], sizes = [128, 128], strides = [1, 1]} : vector<256x128xf32> to vector<128x128xf32>
    %dot_general3A_52 = arith.constant dense<0.000000e+00> : vector<2048x128xf32>
    %dot_general3A_53 = tpu.matmul %get3A_50, %slice3A_51, %dot_general3A_52 {dimension_numbers = #tpu.dot_dimension_numbers<[1], [0], [0], [1], [0, 0, 1, 1], [], []>, transpose_lhs_hint = false} : vector<2048x128xf32>, vector<128x128xf32>, vector<2048x128xf32> -> vector<2048x128xf32>
    %mul3A_54 = vector.broadcast %broadcast_in_dim3A_38 : vector<2048x1xf32> to vector<2048x128xf32>
    %mul3A_55 = arith.mulf %mul3A_54, %reshape3A : vector<2048x128xf32>
    %add3A_56 = arith.addf %dot_general3A_53, %mul3A_55 : vector<2048x128xf32>
    %get3A_57 = arith.constant 0 : index
    %get3A_58 = arith.constant 0 : index
    %get3A_59 = vector.load %arg14[%get3A_57, %get3A_58] : memref<1x128xf32, #tpu.memory_space<vmem>>, vector<1x128xf32>
    %mul3A_60 = vector.broadcast %convert_element_type3A : vector<2048x1xf32> to vector<2048x128xf32>
    %mul3A_61 = vector.broadcast %get3A_59 : vector<1x128xf32> to vector<2048x128xf32>
    %mul3A_62 = arith.mulf %mul3A_60, %mul3A_61 : vector<2048x128xf32>
    %add3A_63 = arith.addf %add3A_56, %mul3A_62 : vector<2048x128xf32>
    %div3A = vector.broadcast %add3A_44 : vector<2048x1xf32> to vector<2048x128xf32>
    %div3A_64 = arith.divf %add3A_63, %div3A : vector<2048x128xf32>
    %get3A_65 = arith.constant 256 : index
    %get3A_66 = arith.constant 0 : index
    %get3A_67 = vector.load %arg0[%get3A_65, %get3A_66] : memref<12288x128xf32, #tpu.memory_space<vmem>>, vector<2048x128xf32>
    %dot_general3A_68 = arith.constant dense<0.000000e+00> : vector<2048x128xf32>
    %dot_general3A_69 = tpu.matmul %get3A_67, %get3A_4, %dot_general3A_68 {dimension_numbers = #tpu.dot_dimension_numbers<[1], [0], [0], [1], [0, 0, 1, 1], [], []>, transpose_lhs_hint = false} : vector<2048x128xf32>, vector<128x128xf32>, vector<2048x128xf32> -> vector<2048x128xf32>
    %add3A_70 = vector.broadcast %get3A_7 : vector<1x128xf32> to vector<2048x128xf32>
    %add3A_71 = arith.addf %dot_general3A_69, %add3A_70 : vector<2048x128xf32>
    %add3A_72 = arith.addf %add3A_71, %div3A_64 : vector<2048x128xf32>
    %ge3A_73 = arith.constant 0.000000e+00 : f32
    %ge3A_74 = vector.broadcast %ge3A_73 : f32 to vector<2048x128xf32>
    %ge3A_75 = arith.cmpf oge, %add3A_72, %ge3A_74 : vector<2048x128xf32>
    %mul3A_76 = arith.constant 0.00999999977 : f32
    %mul3A_77 = vector.broadcast %mul3A_76 : f32 to vector<2048x128xf32>
    %mul3A_78 = arith.mulf %mul3A_77, %add3A_72 : vector<2048x128xf32>
    %select_n3A_79 = arith.select %ge3A_75, %add3A_72, %mul3A_78 : vector<2048x128xi1>, vector<2048x128xf32>
    %reshape3A_80 = vector.shape_cast %select_n3A_79 : vector<2048x128xf32> to vector<256x8x128xf32>
    %get3A_81 = arith.constant 0 : index
    %get3A_82 = arith.constant 0 : index
    %get3A_83 = vector.load %arg6[%get3A_81, %get3A_82] : memref<256x1xi32, #tpu.memory_space<vmem>>, vector<256x1xi32>
    %eq3A_84 = arith.constant 0 : i32
    %eq3A_85 = vector.broadcast %eq3A_84 : i32 to vector<256x1xi32>
    %eq3A_86 = arith.cmpi eq, %get3A_83, %eq3A_85 : vector<256x1xi32>
    %jit3A_87 = arith.constant 0.000000e+00 : f32
    %broadcast_in_dim3A_88 = vector.shape_cast %eq3A_86 : vector<256x1xi1> to vector<256x1xi1>
    %broadcast_in_dim3A_89 = vector.broadcast %broadcast_in_dim3A_88 : vector<256x1xi1> to vector<256x128xi1>
    %broadcast_in_dim3A_90 = vector.broadcast %jit3A_87 : f32 to vector<256x128xf32>
    %select_n3A_91 = arith.select %broadcast_in_dim3A_89, %select_n3A, %broadcast_in_dim3A_90 : vector<256x128xi1>, vector<256x128xf32>
    %slice3A_92 = vector.extract_strided_slice %get3A_10 {offsets = [0, 0], sizes = [256, 1], strides = [1, 1]} : vector<256x8xi32> to vector<256x1xi32>
    %eq3A_93 = arith.cmpi eq, %slice3A_92, %get3A_83 : vector<256x1xi32>
    %slice3A_94 = vector.extract_strided_slice %reshape3A_80 {offsets = [0, 0, 0], sizes = [256, 1, 128], strides = [1, 1, 1]} : vector<256x8x128xf32> to vector<256x1x128xf32>
    %squeeze3A = vector.shape_cast %slice3A_94 : vector<256x1x128xf32> to vector<256x128xf32>
    %broadcast_in_dim3A_95 = vector.shape_cast %eq3A_93 : vector<256x1xi1> to vector<256x1xi1>
    %broadcast_in_dim3A_96 = vector.broadcast %broadcast_in_dim3A_95 : vector<256x1xi1> to vector<256x128xi1>
    %select_n3A_97 = arith.select %broadcast_in_dim3A_96, %squeeze3A, %select_n3A_91 : vector<256x128xi1>, vector<256x128xf32>
    %slice3A_98 = vector.extract_strided_slice %get3A_10 {offsets = [0, 1], sizes = [256, 1], strides = [1, 1]} : vector<256x8xi32> to vector<256x1xi32>
    %eq3A_99 = arith.cmpi eq, %slice3A_98, %get3A_83 : vector<256x1xi32>
    %slice3A_100 = vector.extract_strided_slice %reshape3A_80 {offsets = [0, 1, 0], sizes = [256, 1, 128], strides = [1, 1, 1]} : vector<256x8x128xf32> to vector<256x1x128xf32>
    %squeeze3A_101 = vector.shape_cast %slice3A_100 : vector<256x1x128xf32> to vector<256x128xf32>
    %broadcast_in_dim3A_102 = vector.shape_cast %eq3A_99 : vector<256x1xi1> to vector<256x1xi1>
    %broadcast_in_dim3A_103 = vector.broadcast %broadcast_in_dim3A_102 : vector<256x1xi1> to vector<256x128xi1>
    %select_n3A_104 = arith.select %broadcast_in_dim3A_103, %squeeze3A_101, %select_n3A_97 : vector<256x128xi1>, vector<256x128xf32>
    %slice3A_105 = vector.extract_strided_slice %get3A_10 {offsets = [0, 2], sizes = [256, 1], strides = [1, 1]} : vector<256x8xi32> to vector<256x1xi32>
    %eq3A_106 = arith.cmpi eq, %slice3A_105, %get3A_83 : vector<256x1xi32>
    %slice3A_107 = vector.extract_strided_slice %reshape3A_80 {offsets = [0, 2, 0], sizes = [256, 1, 128], strides = [1, 1, 1]} : vector<256x8x128xf32> to vector<256x1x128xf32>
    %squeeze3A_108 = vector.shape_cast %slice3A_107 : vector<256x1x128xf32> to vector<256x128xf32>
    %broadcast_in_dim3A_109 = vector.shape_cast %eq3A_106 : vector<256x1xi1> to vector<256x1xi1>
    %broadcast_in_dim3A_110 = vector.broadcast %broadcast_in_dim3A_109 : vector<256x1xi1> to vector<256x128xi1>
    %select_n3A_111 = arith.select %broadcast_in_dim3A_110, %squeeze3A_108, %select_n3A_104 : vector<256x128xi1>, vector<256x128xf32>
    %slice3A_112 = vector.extract_strided_slice %get3A_10 {offsets = [0, 3], sizes = [256, 1], strides = [1, 1]} : vector<256x8xi32> to vector<256x1xi32>
    %eq3A_113 = arith.cmpi eq, %slice3A_112, %get3A_83 : vector<256x1xi32>
    %slice3A_114 = vector.extract_strided_slice %reshape3A_80 {offsets = [0, 3, 0], sizes = [256, 1, 128], strides = [1, 1, 1]} : vector<256x8x128xf32> to vector<256x1x128xf32>
    %squeeze3A_115 = vector.shape_cast %slice3A_114 : vector<256x1x128xf32> to vector<256x128xf32>
    %broadcast_in_dim3A_116 = vector.shape_cast %eq3A_113 : vector<256x1xi1> to vector<256x1xi1>
    %broadcast_in_dim3A_117 = vector.broadcast %broadcast_in_dim3A_116 : vector<256x1xi1> to vector<256x128xi1>
    %select_n3A_118 = arith.select %broadcast_in_dim3A_117, %squeeze3A_115, %select_n3A_111 : vector<256x128xi1>, vector<256x128xf32>
    %slice3A_119 = vector.extract_strided_slice %get3A_10 {offsets = [0, 4], sizes = [256, 1], strides = [1, 1]} : vector<256x8xi32> to vector<256x1xi32>
    %eq3A_120 = arith.cmpi eq, %slice3A_119, %get3A_83 : vector<256x1xi32>
    %slice3A_121 = vector.extract_strided_slice %reshape3A_80 {offsets = [0, 4, 0], sizes = [256, 1, 128], strides = [1, 1, 1]} : vector<256x8x128xf32> to vector<256x1x128xf32>
    %squeeze3A_122 = vector.shape_cast %slice3A_121 : vector<256x1x128xf32> to vector<256x128xf32>
    %broadcast_in_dim3A_123 = vector.shape_cast %eq3A_120 : vector<256x1xi1> to vector<256x1xi1>
    %broadcast_in_dim3A_124 = vector.broadcast %broadcast_in_dim3A_123 : vector<256x1xi1> to vector<256x128xi1>
    %select_n3A_125 = arith.select %broadcast_in_dim3A_124, %squeeze3A_122, %select_n3A_118 : vector<256x128xi1>, vector<256x128xf32>
    %slice3A_126 = vector.extract_strided_slice %get3A_10 {offsets = [0, 5], sizes = [256, 1], strides = [1, 1]} : vector<256x8xi32> to vector<256x1xi32>
    %eq3A_127 = arith.cmpi eq, %slice3A_126, %get3A_83 : vector<256x1xi32>
    %slice3A_128 = vector.extract_strided_slice %reshape3A_80 {offsets = [0, 5, 0], sizes = [256, 1, 128], strides = [1, 1, 1]} : vector<256x8x128xf32> to vector<256x1x128xf32>
    %squeeze3A_129 = vector.shape_cast %slice3A_128 : vector<256x1x128xf32> to vector<256x128xf32>
    %broadcast_in_dim3A_130 = vector.shape_cast %eq3A_127 : vector<256x1xi1> to vector<256x1xi1>
    %broadcast_in_dim3A_131 = vector.broadcast %broadcast_in_dim3A_130 : vector<256x1xi1> to vector<256x128xi1>
    %select_n3A_132 = arith.select %broadcast_in_dim3A_131, %squeeze3A_129, %select_n3A_125 : vector<256x128xi1>, vector<256x128xf32>
    %slice3A_133 = vector.extract_strided_slice %get3A_10 {offsets = [0, 6], sizes = [256, 1], strides = [1, 1]} : vector<256x8xi32> to vector<256x1xi32>
    %eq3A_134 = arith.cmpi eq, %slice3A_133, %get3A_83 : vector<256x1xi32>
    %slice3A_135 = vector.extract_strided_slice %reshape3A_80 {offsets = [0, 6, 0], sizes = [256, 1, 128], strides = [1, 1, 1]} : vector<256x8x128xf32> to vector<256x1x128xf32>
    %squeeze3A_136 = vector.shape_cast %slice3A_135 : vector<256x1x128xf32> to vector<256x128xf32>
    %broadcast_in_dim3A_137 = vector.shape_cast %eq3A_134 : vector<256x1xi1> to vector<256x1xi1>
    %broadcast_in_dim3A_138 = vector.broadcast %broadcast_in_dim3A_137 : vector<256x1xi1> to vector<256x128xi1>
    %select_n3A_139 = arith.select %broadcast_in_dim3A_138, %squeeze3A_136, %select_n3A_132 : vector<256x128xi1>, vector<256x128xf32>
    %slice3A_140 = vector.extract_strided_slice %get3A_10 {offsets = [0, 7], sizes = [256, 1], strides = [1, 1]} : vector<256x8xi32> to vector<256x1xi32>
    %eq3A_141 = arith.cmpi eq, %slice3A_140, %get3A_83 : vector<256x1xi32>
    %slice3A_142 = vector.extract_strided_slice %reshape3A_80 {offsets = [0, 7, 0], sizes = [256, 1, 128], strides = [1, 1, 1]} : vector<256x8x128xf32> to vector<256x1x128xf32>
    %squeeze3A_143 = vector.shape_cast %slice3A_142 : vector<256x1x128xf32> to vector<256x128xf32>
    %broadcast_in_dim3A_144 = vector.shape_cast %eq3A_141 : vector<256x1xi1> to vector<256x1xi1>
    %broadcast_in_dim3A_145 = vector.broadcast %broadcast_in_dim3A_144 : vector<256x1xi1> to vector<256x128xi1>
    %select_n3A_146 = arith.select %broadcast_in_dim3A_145, %squeeze3A_143, %select_n3A_139 : vector<256x128xi1>, vector<256x128xf32>
    %concatenate3A = tpu.concatenate %select_n3A_146, %get3A_1 in 1 : vector<256x128xf32>, vector<256x128xf32> -> vector<256x256xf32>
    %get3A_147 = arith.constant 0 : index
    %get3A_148 = arith.constant 0 : index
    %get3A_149 = vector.load %arg15[%get3A_147, %get3A_148] : memref<256x128xf32, #tpu.memory_space<vmem>>, vector<256x128xf32>
    %dot_general3A_150 = arith.constant dense<0.000000e+00> : vector<256x128xf32>
    %dot_general3A_151 = tpu.matmul %concatenate3A, %get3A_149, %dot_general3A_150 {dimension_numbers = #tpu.dot_dimension_numbers<[1], [0], [0], [1], [0, 0, 1, 1], [], []>, transpose_lhs_hint = false} : vector<256x256xf32>, vector<256x128xf32>, vector<256x128xf32> -> vector<256x128xf32>
    %get3A_152 = arith.constant 0 : index
    %get3A_153 = arith.constant 0 : index
    %get3A_154 = vector.load %arg16[%get3A_152, %get3A_153] : memref<1x128xf32, #tpu.memory_space<vmem>>, vector<1x128xf32>
    %add3A_155 = vector.broadcast %get3A_154 : vector<1x128xf32> to vector<256x128xf32>
    %add3A_156 = arith.addf %dot_general3A_151, %add3A_155 : vector<256x128xf32>
    %ge3A_157 = arith.constant 0.000000e+00 : f32
    %ge3A_158 = vector.broadcast %ge3A_157 : f32 to vector<256x128xf32>
    %ge3A_159 = arith.cmpf oge, %add3A_156, %ge3A_158 : vector<256x128xf32>
    %mul3A_160 = arith.constant 0.00999999977 : f32
    %mul3A_161 = vector.broadcast %mul3A_160 : f32 to vector<256x128xf32>
    %mul3A_162 = arith.mulf %mul3A_161, %add3A_156 : vector<256x128xf32>
    %select_n3A_163 = arith.select %ge3A_159, %add3A_156, %mul3A_162 : vector<256x128xi1>, vector<256x128xf32>
    %get3A_164 = arith.constant 0 : index
    %get3A_165 = arith.constant 0 : index
    %get3A_166 = vector.load %arg19[%get3A_164, %get3A_165] : memref<256x1xf32, #tpu.memory_space<vmem>>, vector<256x1xf32>
    %dot_general3A_167 = arith.constant dense<0.000000e+00> : vector<256x1xf32>
    %dot_general3A_168 = tpu.matmul %concatenate3A, %get3A_166, %dot_general3A_167 {dimension_numbers = #tpu.dot_dimension_numbers<[1], [0], [0], [1], [0, 0, 1, 1], [], []>, transpose_lhs_hint = false} : vector<256x256xf32>, vector<256x1xf32>, vector<256x1xf32> -> vector<256x1xf32>
    %get3A_169 = arith.constant 0 : index
    %get3A_170 = arith.constant 0 : index
    %get3A_171 = vector.load %arg20[%get3A_169, %get3A_170] : memref<1x1xf32, #tpu.memory_space<vmem>>, vector<1x1xf32>
    %add3A_172 = vector.broadcast %get3A_171 : vector<1x1xf32> to vector<256x1xf32>
    %add3A_173 = arith.addf %dot_general3A_168, %add3A_172 : vector<256x1xf32>
    %get3A_174 = arith.constant 0 : index
    %get3A_175 = arith.constant 0 : index
    %get3A_176 = vector.load %arg17[%get3A_174, %get3A_175] : memref<384x128xf32, #tpu.memory_space<vmem>>, vector<384x128xf32>
    %get3A_177 = arith.constant 0 : index
    %get3A_178 = arith.constant 0 : index
    %get3A_179 = vector.load %arg18[%get3A_177, %get3A_178] : memref<1x128xf32, #tpu.memory_space<vmem>>, vector<1x128xf32>
    %get3A_180 = arith.constant 0 : index
    %get3A_181 = arith.constant 0 : index
    %get3A_182 = vector.load %arg7[%get3A_180, %get3A_181] : memref<8192x1xi32, #tpu.memory_space<vmem>>, vector<2048x1xi32>
    %get3A_183 = arith.constant 0 : index
    %get3A_184 = arith.constant 0 : index
    %get3A_185 = vector.load %arg8[%get3A_183, %get3A_184] : memref<8192x8xi32, #tpu.memory_space<vmem>>, vector<2048x8xi32>
    %slice3A_186 = vector.extract_strided_slice %select_n3A {offsets = [0, 0], sizes = [64, 128], strides = [1, 1]} : vector<256x128xf32> to vector<64x128xf32>
    %broadcast_in_dim3A_187 = vector.shape_cast %slice3A_186 : vector<64x128xf32> to vector<64x1x128xf32>
    %broadcast_in_dim3A_188 = vector.shape_cast %broadcast_in_dim3A_187 : vector<64x1x128xf32> to vector<64x1x128xf32>
    %broadcast_in_dim3A_189 = vector.broadcast %broadcast_in_dim3A_188 : vector<64x1x128xf32> to vector<64x32x128xf32>
    %reshape3A_190 = vector.shape_cast %broadcast_in_dim3A_189 : vector<64x32x128xf32> to vector<2048x128xf32>
    %eq3A_191 = arith.constant 0 : i32
    %eq3A_192 = vector.broadcast %eq3A_191 : i32 to vector<2048x1xi32>
    %eq3A_193 = arith.cmpi eq, %get3A_182, %eq3A_192 : vector<2048x1xi32>
    %jit3A_194 = arith.constant 0.000000e+00 : f32
    %broadcast_in_dim3A_195 = vector.shape_cast %eq3A_193 : vector<2048x1xi1> to vector<2048x1xi1>
    %broadcast_in_dim3A_196 = vector.broadcast %broadcast_in_dim3A_195 : vector<2048x1xi1> to vector<2048x128xi1>
    %broadcast_in_dim3A_197 = vector.broadcast %jit3A_194 : f32 to vector<2048x128xf32>
    %select_n3A_198 = arith.select %broadcast_in_dim3A_196, %reshape3A_190, %broadcast_in_dim3A_197 : vector<2048x128xi1>, vector<2048x128xf32>
    %slice3A_199 = vector.extract_strided_slice %reshape3A_80 {offsets = [0, 0, 0], sizes = [64, 1, 128], strides = [1, 1, 1]} : vector<256x8x128xf32> to vector<64x1x128xf32>
    %squeeze3A_200 = vector.shape_cast %slice3A_199 : vector<64x1x128xf32> to vector<64x128xf32>
    %broadcast_in_dim3A_201 = vector.shape_cast %squeeze3A_200 : vector<64x128xf32> to vector<64x1x128xf32>
    %broadcast_in_dim3A_202 = vector.shape_cast %broadcast_in_dim3A_201 : vector<64x1x128xf32> to vector<64x1x128xf32>
    %broadcast_in_dim3A_203 = vector.broadcast %broadcast_in_dim3A_202 : vector<64x1x128xf32> to vector<64x32x128xf32>
    %reshape3A_204 = vector.shape_cast %broadcast_in_dim3A_203 : vector<64x32x128xf32> to vector<2048x128xf32>
    %slice3A_205 = vector.extract_strided_slice %get3A_185 {offsets = [0, 0], sizes = [2048, 1], strides = [1, 1]} : vector<2048x8xi32> to vector<2048x1xi32>
    %eq3A_206 = arith.cmpi eq, %get3A_182, %slice3A_205 : vector<2048x1xi32>
    %broadcast_in_dim3A_207 = vector.shape_cast %eq3A_206 : vector<2048x1xi1> to vector<2048x1xi1>
    %broadcast_in_dim3A_208 = vector.broadcast %broadcast_in_dim3A_207 : vector<2048x1xi1> to vector<2048x128xi1>
    %select_n3A_209 = arith.select %broadcast_in_dim3A_208, %reshape3A_204, %select_n3A_198 : vector<2048x128xi1>, vector<2048x128xf32>
    %slice3A_210 = vector.extract_strided_slice %reshape3A_80 {offsets = [0, 1, 0], sizes = [64, 1, 128], strides = [1, 1, 1]} : vector<256x8x128xf32> to vector<64x1x128xf32>
    %squeeze3A_211 = vector.shape_cast %slice3A_210 : vector<64x1x128xf32> to vector<64x128xf32>
    %broadcast_in_dim3A_212 = vector.shape_cast %squeeze3A_211 : vector<64x128xf32> to vector<64x1x128xf32>
    %broadcast_in_dim3A_213 = vector.shape_cast %broadcast_in_dim3A_212 : vector<64x1x128xf32> to vector<64x1x128xf32>
    %broadcast_in_dim3A_214 = vector.broadcast %broadcast_in_dim3A_213 : vector<64x1x128xf32> to vector<64x32x128xf32>
    %reshape3A_215 = vector.shape_cast %broadcast_in_dim3A_214 : vector<64x32x128xf32> to vector<2048x128xf32>
    %slice3A_216 = vector.extract_strided_slice %get3A_185 {offsets = [0, 1], sizes = [2048, 1], strides = [1, 1]} : vector<2048x8xi32> to vector<2048x1xi32>
    %eq3A_217 = arith.cmpi eq, %get3A_182, %slice3A_216 : vector<2048x1xi32>
    %broadcast_in_dim3A_218 = vector.shape_cast %eq3A_217 : vector<2048x1xi1> to vector<2048x1xi1>
    %broadcast_in_dim3A_219 = vector.broadcast %broadcast_in_dim3A_218 : vector<2048x1xi1> to vector<2048x128xi1>
    %select_n3A_220 = arith.select %broadcast_in_dim3A_219, %reshape3A_215, %select_n3A_209 : vector<2048x128xi1>, vector<2048x128xf32>
    %slice3A_221 = vector.extract_strided_slice %reshape3A_80 {offsets = [0, 2, 0], sizes = [64, 1, 128], strides = [1, 1, 1]} : vector<256x8x128xf32> to vector<64x1x128xf32>
    %squeeze3A_222 = vector.shape_cast %slice3A_221 : vector<64x1x128xf32> to vector<64x128xf32>
    %broadcast_in_dim3A_223 = vector.shape_cast %squeeze3A_222 : vector<64x128xf32> to vector<64x1x128xf32>
    %broadcast_in_dim3A_224 = vector.shape_cast %broadcast_in_dim3A_223 : vector<64x1x128xf32> to vector<64x1x128xf32>
    %broadcast_in_dim3A_225 = vector.broadcast %broadcast_in_dim3A_224 : vector<64x1x128xf32> to vector<64x32x128xf32>
    %reshape3A_226 = vector.shape_cast %broadcast_in_dim3A_225 : vector<64x32x128xf32> to vector<2048x128xf32>
    %slice3A_227 = vector.extract_strided_slice %get3A_185 {offsets = [0, 2], sizes = [2048, 1], strides = [1, 1]} : vector<2048x8xi32> to vector<2048x1xi32>
    %eq3A_228 = arith.cmpi eq, %get3A_182, %slice3A_227 : vector<2048x1xi32>
    %broadcast_in_dim3A_229 = vector.shape_cast %eq3A_228 : vector<2048x1xi1> to vector<2048x1xi1>
    %broadcast_in_dim3A_230 = vector.broadcast %broadcast_in_dim3A_229 : vector<2048x1xi1> to vector<2048x128xi1>
    %select_n3A_231 = arith.select %broadcast_in_dim3A_230, %reshape3A_226, %select_n3A_220 : vector<2048x128xi1>, vector<2048x128xf32>
    %slice3A_232 = vector.extract_strided_slice %reshape3A_80 {offsets = [0, 3, 0], sizes = [64, 1, 128], strides = [1, 1, 1]} : vector<256x8x128xf32> to vector<64x1x128xf32>
    %squeeze3A_233 = vector.shape_cast %slice3A_232 : vector<64x1x128xf32> to vector<64x128xf32>
    %broadcast_in_dim3A_234 = vector.shape_cast %squeeze3A_233 : vector<64x128xf32> to vector<64x1x128xf32>
    %broadcast_in_dim3A_235 = vector.shape_cast %broadcast_in_dim3A_234 : vector<64x1x128xf32> to vector<64x1x128xf32>
    %broadcast_in_dim3A_236 = vector.broadcast %broadcast_in_dim3A_235 : vector<64x1x128xf32> to vector<64x32x128xf32>
    %reshape3A_237 = vector.shape_cast %broadcast_in_dim3A_236 : vector<64x32x128xf32> to vector<2048x128xf32>
    %slice3A_238 = vector.extract_strided_slice %get3A_185 {offsets = [0, 3], sizes = [2048, 1], strides = [1, 1]} : vector<2048x8xi32> to vector<2048x1xi32>
    %eq3A_239 = arith.cmpi eq, %get3A_182, %slice3A_238 : vector<2048x1xi32>
    %broadcast_in_dim3A_240 = vector.shape_cast %eq3A_239 : vector<2048x1xi1> to vector<2048x1xi1>
    %broadcast_in_dim3A_241 = vector.broadcast %broadcast_in_dim3A_240 : vector<2048x1xi1> to vector<2048x128xi1>
    %select_n3A_242 = arith.select %broadcast_in_dim3A_241, %reshape3A_237, %select_n3A_231 : vector<2048x128xi1>, vector<2048x128xf32>
    %slice3A_243 = vector.extract_strided_slice %reshape3A_80 {offsets = [0, 4, 0], sizes = [64, 1, 128], strides = [1, 1, 1]} : vector<256x8x128xf32> to vector<64x1x128xf32>
    %squeeze3A_244 = vector.shape_cast %slice3A_243 : vector<64x1x128xf32> to vector<64x128xf32>
    %broadcast_in_dim3A_245 = vector.shape_cast %squeeze3A_244 : vector<64x128xf32> to vector<64x1x128xf32>
    %broadcast_in_dim3A_246 = vector.shape_cast %broadcast_in_dim3A_245 : vector<64x1x128xf32> to vector<64x1x128xf32>
    %broadcast_in_dim3A_247 = vector.broadcast %broadcast_in_dim3A_246 : vector<64x1x128xf32> to vector<64x32x128xf32>
    %reshape3A_248 = vector.shape_cast %broadcast_in_dim3A_247 : vector<64x32x128xf32> to vector<2048x128xf32>
    %slice3A_249 = vector.extract_strided_slice %get3A_185 {offsets = [0, 4], sizes = [2048, 1], strides = [1, 1]} : vector<2048x8xi32> to vector<2048x1xi32>
    %eq3A_250 = arith.cmpi eq, %get3A_182, %slice3A_249 : vector<2048x1xi32>
    %broadcast_in_dim3A_251 = vector.shape_cast %eq3A_250 : vector<2048x1xi1> to vector<2048x1xi1>
    %broadcast_in_dim3A_252 = vector.broadcast %broadcast_in_dim3A_251 : vector<2048x1xi1> to vector<2048x128xi1>
    %select_n3A_253 = arith.select %broadcast_in_dim3A_252, %reshape3A_248, %select_n3A_242 : vector<2048x128xi1>, vector<2048x128xf32>
    %slice3A_254 = vector.extract_strided_slice %reshape3A_80 {offsets = [0, 5, 0], sizes = [64, 1, 128], strides = [1, 1, 1]} : vector<256x8x128xf32> to vector<64x1x128xf32>
    %squeeze3A_255 = vector.shape_cast %slice3A_254 : vector<64x1x128xf32> to vector<64x128xf32>
    %broadcast_in_dim3A_256 = vector.shape_cast %squeeze3A_255 : vector<64x128xf32> to vector<64x1x128xf32>
    %broadcast_in_dim3A_257 = vector.shape_cast %broadcast_in_dim3A_256 : vector<64x1x128xf32> to vector<64x1x128xf32>
    %broadcast_in_dim3A_258 = vector.broadcast %broadcast_in_dim3A_257 : vector<64x1x128xf32> to vector<64x32x128xf32>
    %reshape3A_259 = vector.shape_cast %broadcast_in_dim3A_258 : vector<64x32x128xf32> to vector<2048x128xf32>
    %slice3A_260 = vector.extract_strided_slice %get3A_185 {offsets = [0, 5], sizes = [2048, 1], strides = [1, 1]} : vector<2048x8xi32> to vector<2048x1xi32>
    %eq3A_261 = arith.cmpi eq, %get3A_182, %slice3A_260 : vector<2048x1xi32>
    %broadcast_in_dim3A_262 = vector.shape_cast %eq3A_261 : vector<2048x1xi1> to vector<2048x1xi1>
    %broadcast_in_dim3A_263 = vector.broadcast %broadcast_in_dim3A_262 : vector<2048x1xi1> to vector<2048x128xi1>
    %select_n3A_264 = arith.select %broadcast_in_dim3A_263, %reshape3A_259, %select_n3A_253 : vector<2048x128xi1>, vector<2048x128xf32>
    %slice3A_265 = vector.extract_strided_slice %reshape3A_80 {offsets = [0, 6, 0], sizes = [64, 1, 128], strides = [1, 1, 1]} : vector<256x8x128xf32> to vector<64x1x128xf32>
    %squeeze3A_266 = vector.shape_cast %slice3A_265 : vector<64x1x128xf32> to vector<64x128xf32>
    %broadcast_in_dim3A_267 = vector.shape_cast %squeeze3A_266 : vector<64x128xf32> to vector<64x1x128xf32>
    %broadcast_in_dim3A_268 = vector.shape_cast %broadcast_in_dim3A_267 : vector<64x1x128xf32> to vector<64x1x128xf32>
    %broadcast_in_dim3A_269 = vector.broadcast %broadcast_in_dim3A_268 : vector<64x1x128xf32> to vector<64x32x128xf32>
    %reshape3A_270 = vector.shape_cast %broadcast_in_dim3A_269 : vector<64x32x128xf32> to vector<2048x128xf32>
    %slice3A_271 = vector.extract_strided_slice %get3A_185 {offsets = [0, 6], sizes = [2048, 1], strides = [1, 1]} : vector<2048x8xi32> to vector<2048x1xi32>
    %eq3A_272 = arith.cmpi eq, %get3A_182, %slice3A_271 : vector<2048x1xi32>
    %broadcast_in_dim3A_273 = vector.shape_cast %eq3A_272 : vector<2048x1xi1> to vector<2048x1xi1>
    %broadcast_in_dim3A_274 = vector.broadcast %broadcast_in_dim3A_273 : vector<2048x1xi1> to vector<2048x128xi1>
    %select_n3A_275 = arith.select %broadcast_in_dim3A_274, %reshape3A_270, %select_n3A_264 : vector<2048x128xi1>, vector<2048x128xf32>
    %slice3A_276 = vector.extract_strided_slice %reshape3A_80 {offsets = [0, 7, 0], sizes = [64, 1, 128], strides = [1, 1, 1]} : vector<256x8x128xf32> to vector<64x1x128xf32>
    %squeeze3A_277 = vector.shape_cast %slice3A_276 : vector<64x1x128xf32> to vector<64x128xf32>
    %broadcast_in_dim3A_278 = vector.shape_cast %squeeze3A_277 : vector<64x128xf32> to vector<64x1x128xf32>
    %broadcast_in_dim3A_279 = vector.shape_cast %broadcast_in_dim3A_278 : vector<64x1x128xf32> to vector<64x1x128xf32>
    %broadcast_in_dim3A_280 = vector.broadcast %broadcast_in_dim3A_279 : vector<64x1x128xf32> to vector<64x32x128xf32>
    %reshape3A_281 = vector.shape_cast %broadcast_in_dim3A_280 : vector<64x32x128xf32> to vector<2048x128xf32>
    %slice3A_282 = vector.extract_strided_slice %get3A_185 {offsets = [0, 7], sizes = [2048, 1], strides = [1, 1]} : vector<2048x8xi32> to vector<2048x1xi32>
    %eq3A_283 = arith.cmpi eq, %get3A_182, %slice3A_282 : vector<2048x1xi32>
    %broadcast_in_dim3A_284 = vector.shape_cast %eq3A_283 : vector<2048x1xi1> to vector<2048x1xi1>
    %broadcast_in_dim3A_285 = vector.broadcast %broadcast_in_dim3A_284 : vector<2048x1xi1> to vector<2048x128xi1>
    %select_n3A_286 = arith.select %broadcast_in_dim3A_285, %reshape3A_281, %select_n3A_275 : vector<2048x128xi1>, vector<2048x128xf32>
    %slice3A_287 = vector.extract_strided_slice %get3A_176 {offsets = [0, 0], sizes = [128, 128], strides = [1, 1]} : vector<384x128xf32> to vector<128x128xf32>
    %dot_general3A_288 = arith.constant dense<0.000000e+00> : vector<2048x128xf32>
    %dot_general3A_289 = tpu.matmul %select_n3A_286, %slice3A_287, %dot_general3A_288 {dimension_numbers = #tpu.dot_dimension_numbers<[1], [0], [0], [1], [0, 0, 1, 1], [], []>, transpose_lhs_hint = false} : vector<2048x128xf32>, vector<128x128xf32>, vector<2048x128xf32> -> vector<2048x128xf32>
    %get3A_290 = arith.constant 2304 : index
    %get3A_291 = arith.constant 0 : index
    %get3A_292 = vector.load %arg0[%get3A_290, %get3A_291] : memref<12288x128xf32, #tpu.memory_space<vmem>>, vector<2048x128xf32>
    %slice3A_293 = vector.extract_strided_slice %get3A_176 {offsets = [128, 0], sizes = [128, 128], strides = [1, 1]} : vector<384x128xf32> to vector<128x128xf32>
    %dot_general3A_294 = arith.constant dense<0.000000e+00> : vector<2048x128xf32>
    %dot_general3A_295 = tpu.matmul %get3A_292, %slice3A_293, %dot_general3A_294 {dimension_numbers = #tpu.dot_dimension_numbers<[1], [0], [0], [1], [0, 0, 1, 1], [], []>, transpose_lhs_hint = false} : vector<2048x128xf32>, vector<128x128xf32>, vector<2048x128xf32> -> vector<2048x128xf32>
    %add3A_296 = arith.addf %dot_general3A_289, %dot_general3A_295 : vector<2048x128xf32>
    %get3A_297 = arith.constant 0 : index
    %get3A_298 = arith.constant 0 : index
    %get3A_299 = vector.load %arg1[%get3A_297, %get3A_298] : memref<8192x128xf32, #tpu.memory_space<vmem>>, vector<2048x128xf32>
    %slice3A_300 = vector.extract_strided_slice %get3A_176 {offsets = [256, 0], sizes = [128, 128], strides = [1, 1]} : vector<384x128xf32> to vector<128x128xf32>
    %dot_general3A_301 = arith.constant dense<0.000000e+00> : vector<2048x128xf32>
    %dot_general3A_302 = tpu.matmul %get3A_299, %slice3A_300, %dot_general3A_301 {dimension_numbers = #tpu.dot_dimension_numbers<[1], [0], [0], [1], [0, 0, 1, 1], [], []>, transpose_lhs_hint = false} : vector<2048x128xf32>, vector<128x128xf32>, vector<2048x128xf32> -> vector<2048x128xf32>
    %add3A_303 = arith.addf %add3A_296, %dot_general3A_302 : vector<2048x128xf32>
    %add3A_304 = vector.broadcast %get3A_179 : vector<1x128xf32> to vector<2048x128xf32>
    %add3A_305 = arith.addf %add3A_303, %add3A_304 : vector<2048x128xf32>
    %ge3A_306 = arith.constant 0.000000e+00 : f32
    %ge3A_307 = vector.broadcast %ge3A_306 : f32 to vector<2048x128xf32>
    %ge3A_308 = arith.cmpf oge, %add3A_305, %ge3A_307 : vector<2048x128xf32>
    %mul3A_309 = arith.constant 0.00999999977 : f32
    %mul3A_310 = vector.broadcast %mul3A_309 : f32 to vector<2048x128xf32>
    %mul3A_311 = arith.mulf %mul3A_310, %add3A_305 : vector<2048x128xf32>
    %select_n3A_312 = arith.select %ge3A_308, %add3A_305, %mul3A_311 : vector<2048x128xi1>, vector<2048x128xf32>
    %slice3A_313 = vector.extract_strided_slice %select_n3A_163 {offsets = [0, 0], sizes = [64, 128], strides = [1, 1]} : vector<256x128xf32> to vector<64x128xf32>
    %broadcast_in_dim3A_314 = vector.shape_cast %slice3A_313 : vector<64x128xf32> to vector<64x1x128xf32>
    %broadcast_in_dim3A_315 = vector.shape_cast %broadcast_in_dim3A_314 : vector<64x1x128xf32> to vector<64x1x128xf32>
    %broadcast_in_dim3A_316 = vector.broadcast %broadcast_in_dim3A_315 : vector<64x1x128xf32> to vector<64x32x128xf32>
    %reshape3A_317 = vector.shape_cast %broadcast_in_dim3A_316 : vector<64x32x128xf32> to vector<2048x128xf32>
    %mul3A_318 = arith.mulf %reshape3A_317, %select_n3A_312 : vector<2048x128xf32>
    %reshape3A_319 = vector.shape_cast %mul3A_318 : vector<2048x128xf32> to vector<64x32x128xf32>
    %reduce_sum3A_320 = arith.constant dense<0.000000e+00> : vector<64x32xf32>
    %reduce_sum3A_321 = vector.multi_reduction <add>, %reshape3A_319, %reduce_sum3A_320 [2] : vector<64x32x128xf32> to vector<64x32xf32>
    %div3A_322 = arith.constant 11.3137083 : f32
    %div3A_323 = vector.broadcast %div3A_322 : f32 to vector<64x32xf32>
    %div3A_324 = arith.divf %reduce_sum3A_321, %div3A_323 : vector<64x32xf32>
    %get3A_325 = arith.constant 2048 : index
    %get3A_326 = arith.constant 0 : index
    %get3A_327 = vector.load %arg7[%get3A_325, %get3A_326] : memref<8192x1xi32, #tpu.memory_space<vmem>>, vector<2048x1xi32>
    %get3A_328 = arith.constant 2048 : index
    %get3A_329 = arith.constant 0 : index
    %get3A_330 = vector.load %arg8[%get3A_328, %get3A_329] : memref<8192x8xi32, #tpu.memory_space<vmem>>, vector<2048x8xi32>
    %slice3A_331 = vector.extract_strided_slice %select_n3A {offsets = [64, 0], sizes = [64, 128], strides = [1, 1]} : vector<256x128xf32> to vector<64x128xf32>
    %broadcast_in_dim3A_332 = vector.shape_cast %slice3A_331 : vector<64x128xf32> to vector<64x1x128xf32>
    %broadcast_in_dim3A_333 = vector.shape_cast %broadcast_in_dim3A_332 : vector<64x1x128xf32> to vector<64x1x128xf32>
    %broadcast_in_dim3A_334 = vector.broadcast %broadcast_in_dim3A_333 : vector<64x1x128xf32> to vector<64x32x128xf32>
    %reshape3A_335 = vector.shape_cast %broadcast_in_dim3A_334 : vector<64x32x128xf32> to vector<2048x128xf32>
    %eq3A_336 = arith.constant 0 : i32
    %eq3A_337 = vector.broadcast %eq3A_336 : i32 to vector<2048x1xi32>
    %eq3A_338 = arith.cmpi eq, %get3A_327, %eq3A_337 : vector<2048x1xi32>
    %jit3A_339 = arith.constant 0.000000e+00 : f32
    %broadcast_in_dim3A_340 = vector.shape_cast %eq3A_338 : vector<2048x1xi1> to vector<2048x1xi1>
    %broadcast_in_dim3A_341 = vector.broadcast %broadcast_in_dim3A_340 : vector<2048x1xi1> to vector<2048x128xi1>
    %broadcast_in_dim3A_342 = vector.broadcast %jit3A_339 : f32 to vector<2048x128xf32>
    %select_n3A_343 = arith.select %broadcast_in_dim3A_341, %reshape3A_335, %broadcast_in_dim3A_342 : vector<2048x128xi1>, vector<2048x128xf32>
    %slice3A_344 = vector.extract_strided_slice %reshape3A_80 {offsets = [64, 0, 0], sizes = [64, 1, 128], strides = [1, 1, 1]} : vector<256x8x128xf32> to vector<64x1x128xf32>
    %squeeze3A_345 = vector.shape_cast %slice3A_344 : vector<64x1x128xf32> to vector<64x128xf32>
    %broadcast_in_dim3A_346 = vector.shape_cast %squeeze3A_345 : vector<64x128xf32> to vector<64x1x128xf32>
    %broadcast_in_dim3A_347 = vector.shape_cast %broadcast_in_dim3A_346 : vector<64x1x128xf32> to vector<64x1x128xf32>
    %broadcast_in_dim3A_348 = vector.broadcast %broadcast_in_dim3A_347 : vector<64x1x128xf32> to vector<64x32x128xf32>
    %reshape3A_349 = vector.shape_cast %broadcast_in_dim3A_348 : vector<64x32x128xf32> to vector<2048x128xf32>
    %slice3A_350 = vector.extract_strided_slice %get3A_330 {offsets = [0, 0], sizes = [2048, 1], strides = [1, 1]} : vector<2048x8xi32> to vector<2048x1xi32>
    %eq3A_351 = arith.cmpi eq, %get3A_327, %slice3A_350 : vector<2048x1xi32>
    %broadcast_in_dim3A_352 = vector.shape_cast %eq3A_351 : vector<2048x1xi1> to vector<2048x1xi1>
    %broadcast_in_dim3A_353 = vector.broadcast %broadcast_in_dim3A_352 : vector<2048x1xi1> to vector<2048x128xi1>
    %select_n3A_354 = arith.select %broadcast_in_dim3A_353, %reshape3A_349, %select_n3A_343 : vector<2048x128xi1>, vector<2048x128xf32>
    %slice3A_355 = vector.extract_strided_slice %reshape3A_80 {offsets = [64, 1, 0], sizes = [64, 1, 128], strides = [1, 1, 1]} : vector<256x8x128xf32> to vector<64x1x128xf32>
    %squeeze3A_356 = vector.shape_cast %slice3A_355 : vector<64x1x128xf32> to vector<64x128xf32>
    %broadcast_in_dim3A_357 = vector.shape_cast %squeeze3A_356 : vector<64x128xf32> to vector<64x1x128xf32>
    %broadcast_in_dim3A_358 = vector.shape_cast %broadcast_in_dim3A_357 : vector<64x1x128xf32> to vector<64x1x128xf32>
    %broadcast_in_dim3A_359 = vector.broadcast %broadcast_in_dim3A_358 : vector<64x1x128xf32> to vector<64x32x128xf32>
    %reshape3A_360 = vector.shape_cast %broadcast_in_dim3A_359 : vector<64x32x128xf32> to vector<2048x128xf32>
    %slice3A_361 = vector.extract_strided_slice %get3A_330 {offsets = [0, 1], sizes = [2048, 1], strides = [1, 1]} : vector<2048x8xi32> to vector<2048x1xi32>
    %eq3A_362 = arith.cmpi eq, %get3A_327, %slice3A_361 : vector<2048x1xi32>
    %broadcast_in_dim3A_363 = vector.shape_cast %eq3A_362 : vector<2048x1xi1> to vector<2048x1xi1>
    %broadcast_in_dim3A_364 = vector.broadcast %broadcast_in_dim3A_363 : vector<2048x1xi1> to vector<2048x128xi1>
    %select_n3A_365 = arith.select %broadcast_in_dim3A_364, %reshape3A_360, %select_n3A_354 : vector<2048x128xi1>, vector<2048x128xf32>
    %slice3A_366 = vector.extract_strided_slice %reshape3A_80 {offsets = [64, 2, 0], sizes = [64, 1, 128], strides = [1, 1, 1]} : vector<256x8x128xf32> to vector<64x1x128xf32>
    %squeeze3A_367 = vector.shape_cast %slice3A_366 : vector<64x1x128xf32> to vector<64x128xf32>
    %broadcast_in_dim3A_368 = vector.shape_cast %squeeze3A_367 : vector<64x128xf32> to vector<64x1x128xf32>
    %broadcast_in_dim3A_369 = vector.shape_cast %broadcast_in_dim3A_368 : vector<64x1x128xf32> to vector<64x1x128xf32>
    %broadcast_in_dim3A_370 = vector.broadcast %broadcast_in_dim3A_369 : vector<64x1x128xf32> to vector<64x32x128xf32>
    %reshape3A_371 = vector.shape_cast %broadcast_in_dim3A_370 : vector<64x32x128xf32> to vector<2048x128xf32>
    %slice3A_372 = vector.extract_strided_slice %get3A_330 {offsets = [0, 2], sizes = [2048, 1], strides = [1, 1]} : vector<2048x8xi32> to vector<2048x1xi32>
    %eq3A_373 = arith.cmpi eq, %get3A_327, %slice3A_372 : vector<2048x1xi32>
    %broadcast_in_dim3A_374 = vector.shape_cast %eq3A_373 : vector<2048x1xi1> to vector<2048x1xi1>
    %broadcast_in_dim3A_375 = vector.broadcast %broadcast_in_dim3A_374 : vector<2048x1xi1> to vector<2048x128xi1>
    %select_n3A_376 = arith.select %broadcast_in_dim3A_375, %reshape3A_371, %select_n3A_365 : vector<2048x128xi1>, vector<2048x128xf32>
    %slice3A_377 = vector.extract_strided_slice %reshape3A_80 {offsets = [64, 3, 0], sizes = [64, 1, 128], strides = [1, 1, 1]} : vector<256x8x128xf32> to vector<64x1x128xf32>
    %squeeze3A_378 = vector.shape_cast %slice3A_377 : vector<64x1x128xf32> to vector<64x128xf32>
    %broadcast_in_dim3A_379 = vector.shape_cast %squeeze3A_378 : vector<64x128xf32> to vector<64x1x128xf32>
    %broadcast_in_dim3A_380 = vector.shape_cast %broadcast_in_dim3A_379 : vector<64x1x128xf32> to vector<64x1x128xf32>
    %broadcast_in_dim3A_381 = vector.broadcast %broadcast_in_dim3A_380 : vector<64x1x128xf32> to vector<64x32x128xf32>
    %reshape3A_382 = vector.shape_cast %broadcast_in_dim3A_381 : vector<64x32x128xf32> to vector<2048x128xf32>
    %slice3A_383 = vector.extract_strided_slice %get3A_330 {offsets = [0, 3], sizes = [2048, 1], strides = [1, 1]} : vector<2048x8xi32> to vector<2048x1xi32>
    %eq3A_384 = arith.cmpi eq, %get3A_327, %slice3A_383 : vector<2048x1xi32>
    %broadcast_in_dim3A_385 = vector.shape_cast %eq3A_384 : vector<2048x1xi1> to vector<2048x1xi1>
    %broadcast_in_dim3A_386 = vector.broadcast %broadcast_in_dim3A_385 : vector<2048x1xi1> to vector<2048x128xi1>
    %select_n3A_387 = arith.select %broadcast_in_dim3A_386, %reshape3A_382, %select_n3A_376 : vector<2048x128xi1>, vector<2048x128xf32>
    %slice3A_388 = vector.extract_strided_slice %reshape3A_80 {offsets = [64, 4, 0], sizes = [64, 1, 128], strides = [1, 1, 1]} : vector<256x8x128xf32> to vector<64x1x128xf32>
    %squeeze3A_389 = vector.shape_cast %slice3A_388 : vector<64x1x128xf32> to vector<64x128xf32>
    %broadcast_in_dim3A_390 = vector.shape_cast %squeeze3A_389 : vector<64x128xf32> to vector<64x1x128xf32>
    %broadcast_in_dim3A_391 = vector.shape_cast %broadcast_in_dim3A_390 : vector<64x1x128xf32> to vector<64x1x128xf32>
    %broadcast_in_dim3A_392 = vector.broadcast %broadcast_in_dim3A_391 : vector<64x1x128xf32> to vector<64x32x128xf32>
    %reshape3A_393 = vector.shape_cast %broadcast_in_dim3A_392 : vector<64x32x128xf32> to vector<2048x128xf32>
    %slice3A_394 = vector.extract_strided_slice %get3A_330 {offsets = [0, 4], sizes = [2048, 1], strides = [1, 1]} : vector<2048x8xi32> to vector<2048x1xi32>
    %eq3A_395 = arith.cmpi eq, %get3A_327, %slice3A_394 : vector<2048x1xi32>
    %broadcast_in_dim3A_396 = vector.shape_cast %eq3A_395 : vector<2048x1xi1> to vector<2048x1xi1>
    %broadcast_in_dim3A_397 = vector.broadcast %broadcast_in_dim3A_396 : vector<2048x1xi1> to vector<2048x128xi1>
    %select_n3A_398 = arith.select %broadcast_in_dim3A_397, %reshape3A_393, %select_n3A_387 : vector<2048x128xi1>, vector<2048x128xf32>
    %slice3A_399 = vector.extract_strided_slice %reshape3A_80 {offsets = [64, 5, 0], sizes = [64, 1, 128], strides = [1, 1, 1]} : vector<256x8x128xf32> to vector<64x1x128xf32>
    %squeeze3A_400 = vector.shape_cast %slice3A_399 : vector<64x1x128xf32> to vector<64x128xf32>
    %broadcast_in_dim3A_401 = vector.shape_cast %squeeze3A_400 : vector<64x128xf32> to vector<64x1x128xf32>
    %broadcast_in_dim3A_402 = vector.shape_cast %broadcast_in_dim3A_401 : vector<64x1x128xf32> to vector<64x1x128xf32>
    %broadcast_in_dim3A_403 = vector.broadcast %broadcast_in_dim3A_402 : vector<64x1x128xf32> to vector<64x32x128xf32>
    %reshape3A_404 = vector.shape_cast %broadcast_in_dim3A_403 : vector<64x32x128xf32> to vector<2048x128xf32>
    %slice3A_405 = vector.extract_strided_slice %get3A_330 {offsets = [0, 5], sizes = [2048, 1], strides = [1, 1]} : vector<2048x8xi32> to vector<2048x1xi32>
    %eq3A_406 = arith.cmpi eq, %get3A_327, %slice3A_405 : vector<2048x1xi32>
    %broadcast_in_dim3A_407 = vector.shape_cast %eq3A_406 : vector<2048x1xi1> to vector<2048x1xi1>
    %broadcast_in_dim3A_408 = vector.broadcast %broadcast_in_dim3A_407 : vector<2048x1xi1> to vector<2048x128xi1>
    %select_n3A_409 = arith.select %broadcast_in_dim3A_408, %reshape3A_404, %select_n3A_398 : vector<2048x128xi1>, vector<2048x128xf32>
    %slice3A_410 = vector.extract_strided_slice %reshape3A_80 {offsets = [64, 6, 0], sizes = [64, 1, 128], strides = [1, 1, 1]} : vector<256x8x128xf32> to vector<64x1x128xf32>
    %squeeze3A_411 = vector.shape_cast %slice3A_410 : vector<64x1x128xf32> to vector<64x128xf32>
    %broadcast_in_dim3A_412 = vector.shape_cast %squeeze3A_411 : vector<64x128xf32> to vector<64x1x128xf32>
    %broadcast_in_dim3A_413 = vector.shape_cast %broadcast_in_dim3A_412 : vector<64x1x128xf32> to vector<64x1x128xf32>
    %broadcast_in_dim3A_414 = vector.broadcast %broadcast_in_dim3A_413 : vector<64x1x128xf32> to vector<64x32x128xf32>
    %reshape3A_415 = vector.shape_cast %broadcast_in_dim3A_414 : vector<64x32x128xf32> to vector<2048x128xf32>
    %slice3A_416 = vector.extract_strided_slice %get3A_330 {offsets = [0, 6], sizes = [2048, 1], strides = [1, 1]} : vector<2048x8xi32> to vector<2048x1xi32>
    %eq3A_417 = arith.cmpi eq, %get3A_327, %slice3A_416 : vector<2048x1xi32>
    %broadcast_in_dim3A_418 = vector.shape_cast %eq3A_417 : vector<2048x1xi1> to vector<2048x1xi1>
    %broadcast_in_dim3A_419 = vector.broadcast %broadcast_in_dim3A_418 : vector<2048x1xi1> to vector<2048x128xi1>
    %select_n3A_420 = arith.select %broadcast_in_dim3A_419, %reshape3A_415, %select_n3A_409 : vector<2048x128xi1>, vector<2048x128xf32>
    %slice3A_421 = vector.extract_strided_slice %reshape3A_80 {offsets = [64, 7, 0], sizes = [64, 1, 128], strides = [1, 1, 1]} : vector<256x8x128xf32> to vector<64x1x128xf32>
    %squeeze3A_422 = vector.shape_cast %slice3A_421 : vector<64x1x128xf32> to vector<64x128xf32>
    %broadcast_in_dim3A_423 = vector.shape_cast %squeeze3A_422 : vector<64x128xf32> to vector<64x1x128xf32>
    %broadcast_in_dim3A_424 = vector.shape_cast %broadcast_in_dim3A_423 : vector<64x1x128xf32> to vector<64x1x128xf32>
    %broadcast_in_dim3A_425 = vector.broadcast %broadcast_in_dim3A_424 : vector<64x1x128xf32> to vector<64x32x128xf32>
    %reshape3A_426 = vector.shape_cast %broadcast_in_dim3A_425 : vector<64x32x128xf32> to vector<2048x128xf32>
    %slice3A_427 = vector.extract_strided_slice %get3A_330 {offsets = [0, 7], sizes = [2048, 1], strides = [1, 1]} : vector<2048x8xi32> to vector<2048x1xi32>
    %eq3A_428 = arith.cmpi eq, %get3A_327, %slice3A_427 : vector<2048x1xi32>
    %broadcast_in_dim3A_429 = vector.shape_cast %eq3A_428 : vector<2048x1xi1> to vector<2048x1xi1>
    %broadcast_in_dim3A_430 = vector.broadcast %broadcast_in_dim3A_429 : vector<2048x1xi1> to vector<2048x128xi1>
    %select_n3A_431 = arith.select %broadcast_in_dim3A_430, %reshape3A_426, %select_n3A_420 : vector<2048x128xi1>, vector<2048x128xf32>
    %slice3A_432 = vector.extract_strided_slice %get3A_176 {offsets = [0, 0], sizes = [128, 128], strides = [1, 1]} : vector<384x128xf32> to vector<128x128xf32>
    %dot_general3A_433 = arith.constant dense<0.000000e+00> : vector<2048x128xf32>
    %dot_general3A_434 = tpu.matmul %select_n3A_431, %slice3A_432, %dot_general3A_433 {dimension_numbers = #tpu.dot_dimension_numbers<[1], [0], [0], [1], [0, 0, 1, 1], [], []>, transpose_lhs_hint = false} : vector<2048x128xf32>, vector<128x128xf32>, vector<2048x128xf32> -> vector<2048x128xf32>
    %get3A_435 = arith.constant 4352 : index
    %get3A_436 = arith.constant 0 : index
    %get3A_437 = vector.load %arg0[%get3A_435, %get3A_436] : memref<12288x128xf32, #tpu.memory_space<vmem>>, vector<2048x128xf32>
    %slice3A_438 = vector.extract_strided_slice %get3A_176 {offsets = [128, 0], sizes = [128, 128], strides = [1, 1]} : vector<384x128xf32> to vector<128x128xf32>
    %dot_general3A_439 = arith.constant dense<0.000000e+00> : vector<2048x128xf32>
    %dot_general3A_440 = tpu.matmul %get3A_437, %slice3A_438, %dot_general3A_439 {dimension_numbers = #tpu.dot_dimension_numbers<[1], [0], [0], [1], [0, 0, 1, 1], [], []>, transpose_lhs_hint = false} : vector<2048x128xf32>, vector<128x128xf32>, vector<2048x128xf32> -> vector<2048x128xf32>
    %add3A_441 = arith.addf %dot_general3A_434, %dot_general3A_440 : vector<2048x128xf32>
    %get3A_442 = arith.constant 2048 : index
    %get3A_443 = arith.constant 0 : index
    %get3A_444 = vector.load %arg1[%get3A_442, %get3A_443] : memref<8192x128xf32, #tpu.memory_space<vmem>>, vector<2048x128xf32>
    %slice3A_445 = vector.extract_strided_slice %get3A_176 {offsets = [256, 0], sizes = [128, 128], strides = [1, 1]} : vector<384x128xf32> to vector<128x128xf32>
    %dot_general3A_446 = arith.constant dense<0.000000e+00> : vector<2048x128xf32>
    %dot_general3A_447 = tpu.matmul %get3A_444, %slice3A_445, %dot_general3A_446 {dimension_numbers = #tpu.dot_dimension_numbers<[1], [0], [0], [1], [0, 0, 1, 1], [], []>, transpose_lhs_hint = false} : vector<2048x128xf32>, vector<128x128xf32>, vector<2048x128xf32> -> vector<2048x128xf32>
    %add3A_448 = arith.addf %add3A_441, %dot_general3A_447 : vector<2048x128xf32>
    %add3A_449 = vector.broadcast %get3A_179 : vector<1x128xf32> to vector<2048x128xf32>
    %add3A_450 = arith.addf %add3A_448, %add3A_449 : vector<2048x128xf32>
    %ge3A_451 = arith.constant 0.000000e+00 : f32
    %ge3A_452 = vector.broadcast %ge3A_451 : f32 to vector<2048x128xf32>
    %ge3A_453 = arith.cmpf oge, %add3A_450, %ge3A_452 : vector<2048x128xf32>
    %mul3A_454 = arith.constant 0.00999999977 : f32
    %mul3A_455 = vector.broadcast %mul3A_454 : f32 to vector<2048x128xf32>
    %mul3A_456 = arith.mulf %mul3A_455, %add3A_450 : vector<2048x128xf32>
    %select_n3A_457 = arith.select %ge3A_453, %add3A_450, %mul3A_456 : vector<2048x128xi1>, vector<2048x128xf32>
    %slice3A_458 = vector.extract_strided_slice %select_n3A_163 {offsets = [64, 0], sizes = [64, 128], strides = [1, 1]} : vector<256x128xf32> to vector<64x128xf32>
    %broadcast_in_dim3A_459 = vector.shape_cast %slice3A_458 : vector<64x128xf32> to vector<64x1x128xf32>
    %broadcast_in_dim3A_460 = vector.shape_cast %broadcast_in_dim3A_459 : vector<64x1x128xf32> to vector<64x1x128xf32>
    %broadcast_in_dim3A_461 = vector.broadcast %broadcast_in_dim3A_460 : vector<64x1x128xf32> to vector<64x32x128xf32>
    %reshape3A_462 = vector.shape_cast %broadcast_in_dim3A_461 : vector<64x32x128xf32> to vector<2048x128xf32>
    %mul3A_463 = arith.mulf %reshape3A_462, %select_n3A_457 : vector<2048x128xf32>
    %reshape3A_464 = vector.shape_cast %mul3A_463 : vector<2048x128xf32> to vector<64x32x128xf32>
    %reduce_sum3A_465 = arith.constant dense<0.000000e+00> : vector<64x32xf32>
    %reduce_sum3A_466 = vector.multi_reduction <add>, %reshape3A_464, %reduce_sum3A_465 [2] : vector<64x32x128xf32> to vector<64x32xf32>
    %div3A_467 = arith.constant 11.3137083 : f32
    %div3A_468 = vector.broadcast %div3A_467 : f32 to vector<64x32xf32>
    %div3A_469 = arith.divf %reduce_sum3A_466, %div3A_468 : vector<64x32xf32>
    %get3A_470 = arith.constant 4096 : index
    %get3A_471 = arith.constant 0 : index
    %get3A_472 = vector.load %arg7[%get3A_470, %get3A_471] : memref<8192x1xi32, #tpu.memory_space<vmem>>, vector<2048x1xi32>
    %get3A_473 = arith.constant 4096 : index
    %get3A_474 = arith.constant 0 : index
    %get3A_475 = vector.load %arg8[%get3A_473, %get3A_474] : memref<8192x8xi32, #tpu.memory_space<vmem>>, vector<2048x8xi32>
    %slice3A_476 = vector.extract_strided_slice %select_n3A {offsets = [128, 0], sizes = [64, 128], strides = [1, 1]} : vector<256x128xf32> to vector<64x128xf32>
    %broadcast_in_dim3A_477 = vector.shape_cast %slice3A_476 : vector<64x128xf32> to vector<64x1x128xf32>
    %broadcast_in_dim3A_478 = vector.shape_cast %broadcast_in_dim3A_477 : vector<64x1x128xf32> to vector<64x1x128xf32>
    %broadcast_in_dim3A_479 = vector.broadcast %broadcast_in_dim3A_478 : vector<64x1x128xf32> to vector<64x32x128xf32>
    %reshape3A_480 = vector.shape_cast %broadcast_in_dim3A_479 : vector<64x32x128xf32> to vector<2048x128xf32>
    %eq3A_481 = arith.constant 0 : i32
    %eq3A_482 = vector.broadcast %eq3A_481 : i32 to vector<2048x1xi32>
    %eq3A_483 = arith.cmpi eq, %get3A_472, %eq3A_482 : vector<2048x1xi32>
    %jit3A_484 = arith.constant 0.000000e+00 : f32
    %broadcast_in_dim3A_485 = vector.shape_cast %eq3A_483 : vector<2048x1xi1> to vector<2048x1xi1>
    %broadcast_in_dim3A_486 = vector.broadcast %broadcast_in_dim3A_485 : vector<2048x1xi1> to vector<2048x128xi1>
    %broadcast_in_dim3A_487 = vector.broadcast %jit3A_484 : f32 to vector<2048x128xf32>
    %select_n3A_488 = arith.select %broadcast_in_dim3A_486, %reshape3A_480, %broadcast_in_dim3A_487 : vector<2048x128xi1>, vector<2048x128xf32>
    %slice3A_489 = vector.extract_strided_slice %reshape3A_80 {offsets = [128, 0, 0], sizes = [64, 1, 128], strides = [1, 1, 1]} : vector<256x8x128xf32> to vector<64x1x128xf32>
    %squeeze3A_490 = vector.shape_cast %slice3A_489 : vector<64x1x128xf32> to vector<64x128xf32>
    %broadcast_in_dim3A_491 = vector.shape_cast %squeeze3A_490 : vector<64x128xf32> to vector<64x1x128xf32>
    %broadcast_in_dim3A_492 = vector.shape_cast %broadcast_in_dim3A_491 : vector<64x1x128xf32> to vector<64x1x128xf32>
    %broadcast_in_dim3A_493 = vector.broadcast %broadcast_in_dim3A_492 : vector<64x1x128xf32> to vector<64x32x128xf32>
    %reshape3A_494 = vector.shape_cast %broadcast_in_dim3A_493 : vector<64x32x128xf32> to vector<2048x128xf32>
    %slice3A_495 = vector.extract_strided_slice %get3A_475 {offsets = [0, 0], sizes = [2048, 1], strides = [1, 1]} : vector<2048x8xi32> to vector<2048x1xi32>
    %eq3A_496 = arith.cmpi eq, %get3A_472, %slice3A_495 : vector<2048x1xi32>
    %broadcast_in_dim3A_497 = vector.shape_cast %eq3A_496 : vector<2048x1xi1> to vector<2048x1xi1>
    %broadcast_in_dim3A_498 = vector.broadcast %broadcast_in_dim3A_497 : vector<2048x1xi1> to vector<2048x128xi1>
    %select_n3A_499 = arith.select %broadcast_in_dim3A_498, %reshape3A_494, %select_n3A_488 : vector<2048x128xi1>, vector<2048x128xf32>
    %slice3A_500 = vector.extract_strided_slice %reshape3A_80 {offsets = [128, 1, 0], sizes = [64, 1, 128], strides = [1, 1, 1]} : vector<256x8x128xf32> to vector<64x1x128xf32>
    %squeeze3A_501 = vector.shape_cast %slice3A_500 : vector<64x1x128xf32> to vector<64x128xf32>
    %broadcast_in_dim3A_502 = vector.shape_cast %squeeze3A_501 : vector<64x128xf32> to vector<64x1x128xf32>
    %broadcast_in_dim3A_503 = vector.shape_cast %broadcast_in_dim3A_502 : vector<64x1x128xf32> to vector<64x1x128xf32>
    %broadcast_in_dim3A_504 = vector.broadcast %broadcast_in_dim3A_503 : vector<64x1x128xf32> to vector<64x32x128xf32>
    %reshape3A_505 = vector.shape_cast %broadcast_in_dim3A_504 : vector<64x32x128xf32> to vector<2048x128xf32>
    %slice3A_506 = vector.extract_strided_slice %get3A_475 {offsets = [0, 1], sizes = [2048, 1], strides = [1, 1]} : vector<2048x8xi32> to vector<2048x1xi32>
    %eq3A_507 = arith.cmpi eq, %get3A_472, %slice3A_506 : vector<2048x1xi32>
    %broadcast_in_dim3A_508 = vector.shape_cast %eq3A_507 : vector<2048x1xi1> to vector<2048x1xi1>
    %broadcast_in_dim3A_509 = vector.broadcast %broadcast_in_dim3A_508 : vector<2048x1xi1> to vector<2048x128xi1>
    %select_n3A_510 = arith.select %broadcast_in_dim3A_509, %reshape3A_505, %select_n3A_499 : vector<2048x128xi1>, vector<2048x128xf32>
    %slice3A_511 = vector.extract_strided_slice %reshape3A_80 {offsets = [128, 2, 0], sizes = [64, 1, 128], strides = [1, 1, 1]} : vector<256x8x128xf32> to vector<64x1x128xf32>
    %squeeze3A_512 = vector.shape_cast %slice3A_511 : vector<64x1x128xf32> to vector<64x128xf32>
    %broadcast_in_dim3A_513 = vector.shape_cast %squeeze3A_512 : vector<64x128xf32> to vector<64x1x128xf32>
    %broadcast_in_dim3A_514 = vector.shape_cast %broadcast_in_dim3A_513 : vector<64x1x128xf32> to vector<64x1x128xf32>
    %broadcast_in_dim3A_515 = vector.broadcast %broadcast_in_dim3A_514 : vector<64x1x128xf32> to vector<64x32x128xf32>
    %reshape3A_516 = vector.shape_cast %broadcast_in_dim3A_515 : vector<64x32x128xf32> to vector<2048x128xf32>
    %slice3A_517 = vector.extract_strided_slice %get3A_475 {offsets = [0, 2], sizes = [2048, 1], strides = [1, 1]} : vector<2048x8xi32> to vector<2048x1xi32>
    %eq3A_518 = arith.cmpi eq, %get3A_472, %slice3A_517 : vector<2048x1xi32>
    %broadcast_in_dim3A_519 = vector.shape_cast %eq3A_518 : vector<2048x1xi1> to vector<2048x1xi1>
    %broadcast_in_dim3A_520 = vector.broadcast %broadcast_in_dim3A_519 : vector<2048x1xi1> to vector<2048x128xi1>
    %select_n3A_521 = arith.select %broadcast_in_dim3A_520, %reshape3A_516, %select_n3A_510 : vector<2048x128xi1>, vector<2048x128xf32>
    %slice3A_522 = vector.extract_strided_slice %reshape3A_80 {offsets = [128, 3, 0], sizes = [64, 1, 128], strides = [1, 1, 1]} : vector<256x8x128xf32> to vector<64x1x128xf32>
    %squeeze3A_523 = vector.shape_cast %slice3A_522 : vector<64x1x128xf32> to vector<64x128xf32>
    %broadcast_in_dim3A_524 = vector.shape_cast %squeeze3A_523 : vector<64x128xf32> to vector<64x1x128xf32>
    %broadcast_in_dim3A_525 = vector.shape_cast %broadcast_in_dim3A_524 : vector<64x1x128xf32> to vector<64x1x128xf32>
    %broadcast_in_dim3A_526 = vector.broadcast %broadcast_in_dim3A_525 : vector<64x1x128xf32> to vector<64x32x128xf32>
    %reshape3A_527 = vector.shape_cast %broadcast_in_dim3A_526 : vector<64x32x128xf32> to vector<2048x128xf32>
    %slice3A_528 = vector.extract_strided_slice %get3A_475 {offsets = [0, 3], sizes = [2048, 1], strides = [1, 1]} : vector<2048x8xi32> to vector<2048x1xi32>
    %eq3A_529 = arith.cmpi eq, %get3A_472, %slice3A_528 : vector<2048x1xi32>
    %broadcast_in_dim3A_530 = vector.shape_cast %eq3A_529 : vector<2048x1xi1> to vector<2048x1xi1>
    %broadcast_in_dim3A_531 = vector.broadcast %broadcast_in_dim3A_530 : vector<2048x1xi1> to vector<2048x128xi1>
    %select_n3A_532 = arith.select %broadcast_in_dim3A_531, %reshape3A_527, %select_n3A_521 : vector<2048x128xi1>, vector<2048x128xf32>
    %slice3A_533 = vector.extract_strided_slice %reshape3A_80 {offsets = [128, 4, 0], sizes = [64, 1, 128], strides = [1, 1, 1]} : vector<256x8x128xf32> to vector<64x1x128xf32>
    %squeeze3A_534 = vector.shape_cast %slice3A_533 : vector<64x1x128xf32> to vector<64x128xf32>
    %broadcast_in_dim3A_535 = vector.shape_cast %squeeze3A_534 : vector<64x128xf32> to vector<64x1x128xf32>
    %broadcast_in_dim3A_536 = vector.shape_cast %broadcast_in_dim3A_535 : vector<64x1x128xf32> to vector<64x1x128xf32>
    %broadcast_in_dim3A_537 = vector.broadcast %broadcast_in_dim3A_536 : vector<64x1x128xf32> to vector<64x32x128xf32>
    %reshape3A_538 = vector.shape_cast %broadcast_in_dim3A_537 : vector<64x32x128xf32> to vector<2048x128xf32>
    %slice3A_539 = vector.extract_strided_slice %get3A_475 {offsets = [0, 4], sizes = [2048, 1], strides = [1, 1]} : vector<2048x8xi32> to vector<2048x1xi32>
    %eq3A_540 = arith.cmpi eq, %get3A_472, %slice3A_539 : vector<2048x1xi32>
    %broadcast_in_dim3A_541 = vector.shape_cast %eq3A_540 : vector<2048x1xi1> to vector<2048x1xi1>
    %broadcast_in_dim3A_542 = vector.broadcast %broadcast_in_dim3A_541 : vector<2048x1xi1> to vector<2048x128xi1>
    %select_n3A_543 = arith.select %broadcast_in_dim3A_542, %reshape3A_538, %select_n3A_532 : vector<2048x128xi1>, vector<2048x128xf32>
    %slice3A_544 = vector.extract_strided_slice %reshape3A_80 {offsets = [128, 5, 0], sizes = [64, 1, 128], strides = [1, 1, 1]} : vector<256x8x128xf32> to vector<64x1x128xf32>
    %squeeze3A_545 = vector.shape_cast %slice3A_544 : vector<64x1x128xf32> to vector<64x128xf32>
    %broadcast_in_dim3A_546 = vector.shape_cast %squeeze3A_545 : vector<64x128xf32> to vector<64x1x128xf32>
    %broadcast_in_dim3A_547 = vector.shape_cast %broadcast_in_dim3A_546 : vector<64x1x128xf32> to vector<64x1x128xf32>
    %broadcast_in_dim3A_548 = vector.broadcast %broadcast_in_dim3A_547 : vector<64x1x128xf32> to vector<64x32x128xf32>
    %reshape3A_549 = vector.shape_cast %broadcast_in_dim3A_548 : vector<64x32x128xf32> to vector<2048x128xf32>
    %slice3A_550 = vector.extract_strided_slice %get3A_475 {offsets = [0, 5], sizes = [2048, 1], strides = [1, 1]} : vector<2048x8xi32> to vector<2048x1xi32>
    %eq3A_551 = arith.cmpi eq, %get3A_472, %slice3A_550 : vector<2048x1xi32>
    %broadcast_in_dim3A_552 = vector.shape_cast %eq3A_551 : vector<2048x1xi1> to vector<2048x1xi1>
    %broadcast_in_dim3A_553 = vector.broadcast %broadcast_in_dim3A_552 : vector<2048x1xi1> to vector<2048x128xi1>
    %select_n3A_554 = arith.select %broadcast_in_dim3A_553, %reshape3A_549, %select_n3A_543 : vector<2048x128xi1>, vector<2048x128xf32>
    %slice3A_555 = vector.extract_strided_slice %reshape3A_80 {offsets = [128, 6, 0], sizes = [64, 1, 128], strides = [1, 1, 1]} : vector<256x8x128xf32> to vector<64x1x128xf32>
    %squeeze3A_556 = vector.shape_cast %slice3A_555 : vector<64x1x128xf32> to vector<64x128xf32>
    %broadcast_in_dim3A_557 = vector.shape_cast %squeeze3A_556 : vector<64x128xf32> to vector<64x1x128xf32>
    %broadcast_in_dim3A_558 = vector.shape_cast %broadcast_in_dim3A_557 : vector<64x1x128xf32> to vector<64x1x128xf32>
    %broadcast_in_dim3A_559 = vector.broadcast %broadcast_in_dim3A_558 : vector<64x1x128xf32> to vector<64x32x128xf32>
    %reshape3A_560 = vector.shape_cast %broadcast_in_dim3A_559 : vector<64x32x128xf32> to vector<2048x128xf32>
    %slice3A_561 = vector.extract_strided_slice %get3A_475 {offsets = [0, 6], sizes = [2048, 1], strides = [1, 1]} : vector<2048x8xi32> to vector<2048x1xi32>
    %eq3A_562 = arith.cmpi eq, %get3A_472, %slice3A_561 : vector<2048x1xi32>
    %broadcast_in_dim3A_563 = vector.shape_cast %eq3A_562 : vector<2048x1xi1> to vector<2048x1xi1>
    %broadcast_in_dim3A_564 = vector.broadcast %broadcast_in_dim3A_563 : vector<2048x1xi1> to vector<2048x128xi1>
    %select_n3A_565 = arith.select %broadcast_in_dim3A_564, %reshape3A_560, %select_n3A_554 : vector<2048x128xi1>, vector<2048x128xf32>
    %slice3A_566 = vector.extract_strided_slice %reshape3A_80 {offsets = [128, 7, 0], sizes = [64, 1, 128], strides = [1, 1, 1]} : vector<256x8x128xf32> to vector<64x1x128xf32>
    %squeeze3A_567 = vector.shape_cast %slice3A_566 : vector<64x1x128xf32> to vector<64x128xf32>
    %broadcast_in_dim3A_568 = vector.shape_cast %squeeze3A_567 : vector<64x128xf32> to vector<64x1x128xf32>
    %broadcast_in_dim3A_569 = vector.shape_cast %broadcast_in_dim3A_568 : vector<64x1x128xf32> to vector<64x1x128xf32>
    %broadcast_in_dim3A_570 = vector.broadcast %broadcast_in_dim3A_569 : vector<64x1x128xf32> to vector<64x32x128xf32>
    %reshape3A_571 = vector.shape_cast %broadcast_in_dim3A_570 : vector<64x32x128xf32> to vector<2048x128xf32>
    %slice3A_572 = vector.extract_strided_slice %get3A_475 {offsets = [0, 7], sizes = [2048, 1], strides = [1, 1]} : vector<2048x8xi32> to vector<2048x1xi32>
    %eq3A_573 = arith.cmpi eq, %get3A_472, %slice3A_572 : vector<2048x1xi32>
    %broadcast_in_dim3A_574 = vector.shape_cast %eq3A_573 : vector<2048x1xi1> to vector<2048x1xi1>
    %broadcast_in_dim3A_575 = vector.broadcast %broadcast_in_dim3A_574 : vector<2048x1xi1> to vector<2048x128xi1>
    %select_n3A_576 = arith.select %broadcast_in_dim3A_575, %reshape3A_571, %select_n3A_565 : vector<2048x128xi1>, vector<2048x128xf32>
    %slice3A_577 = vector.extract_strided_slice %get3A_176 {offsets = [0, 0], sizes = [128, 128], strides = [1, 1]} : vector<384x128xf32> to vector<128x128xf32>
    %dot_general3A_578 = arith.constant dense<0.000000e+00> : vector<2048x128xf32>
    %dot_general3A_579 = tpu.matmul %select_n3A_576, %slice3A_577, %dot_general3A_578 {dimension_numbers = #tpu.dot_dimension_numbers<[1], [0], [0], [1], [0, 0, 1, 1], [], []>, transpose_lhs_hint = false} : vector<2048x128xf32>, vector<128x128xf32>, vector<2048x128xf32> -> vector<2048x128xf32>
    %get3A_580 = arith.constant 6400 : index
    %get3A_581 = arith.constant 0 : index
    %get3A_582 = vector.load %arg0[%get3A_580, %get3A_581] : memref<12288x128xf32, #tpu.memory_space<vmem>>, vector<2048x128xf32>
    %slice3A_583 = vector.extract_strided_slice %get3A_176 {offsets = [128, 0], sizes = [128, 128], strides = [1, 1]} : vector<384x128xf32> to vector<128x128xf32>
    %dot_general3A_584 = arith.constant dense<0.000000e+00> : vector<2048x128xf32>
    %dot_general3A_585 = tpu.matmul %get3A_582, %slice3A_583, %dot_general3A_584 {dimension_numbers = #tpu.dot_dimension_numbers<[1], [0], [0], [1], [0, 0, 1, 1], [], []>, transpose_lhs_hint = false} : vector<2048x128xf32>, vector<128x128xf32>, vector<2048x128xf32> -> vector<2048x128xf32>
    %add3A_586 = arith.addf %dot_general3A_579, %dot_general3A_585 : vector<2048x128xf32>
    %get3A_587 = arith.constant 4096 : index
    %get3A_588 = arith.constant 0 : index
    %get3A_589 = vector.load %arg1[%get3A_587, %get3A_588] : memref<8192x128xf32, #tpu.memory_space<vmem>>, vector<2048x128xf32>
    %slice3A_590 = vector.extract_strided_slice %get3A_176 {offsets = [256, 0], sizes = [128, 128], strides = [1, 1]} : vector<384x128xf32> to vector<128x128xf32>
    %dot_general3A_591 = arith.constant dense<0.000000e+00> : vector<2048x128xf32>
    %dot_general3A_592 = tpu.matmul %get3A_589, %slice3A_590, %dot_general3A_591 {dimension_numbers = #tpu.dot_dimension_numbers<[1], [0], [0], [1], [0, 0, 1, 1], [], []>, transpose_lhs_hint = false} : vector<2048x128xf32>, vector<128x128xf32>, vector<2048x128xf32> -> vector<2048x128xf32>
    %add3A_593 = arith.addf %add3A_586, %dot_general3A_592 : vector<2048x128xf32>
    %add3A_594 = vector.broadcast %get3A_179 : vector<1x128xf32> to vector<2048x128xf32>
    %add3A_595 = arith.addf %add3A_593, %add3A_594 : vector<2048x128xf32>
    %ge3A_596 = arith.constant 0.000000e+00 : f32
    %ge3A_597 = vector.broadcast %ge3A_596 : f32 to vector<2048x128xf32>
    %ge3A_598 = arith.cmpf oge, %add3A_595, %ge3A_597 : vector<2048x128xf32>
    %mul3A_599 = arith.constant 0.00999999977 : f32
    %mul3A_600 = vector.broadcast %mul3A_599 : f32 to vector<2048x128xf32>
    %mul3A_601 = arith.mulf %mul3A_600, %add3A_595 : vector<2048x128xf32>
    %select_n3A_602 = arith.select %ge3A_598, %add3A_595, %mul3A_601 : vector<2048x128xi1>, vector<2048x128xf32>
    %slice3A_603 = vector.extract_strided_slice %select_n3A_163 {offsets = [128, 0], sizes = [64, 128], strides = [1, 1]} : vector<256x128xf32> to vector<64x128xf32>
    %broadcast_in_dim3A_604 = vector.shape_cast %slice3A_603 : vector<64x128xf32> to vector<64x1x128xf32>
    %broadcast_in_dim3A_605 = vector.shape_cast %broadcast_in_dim3A_604 : vector<64x1x128xf32> to vector<64x1x128xf32>
    %broadcast_in_dim3A_606 = vector.broadcast %broadcast_in_dim3A_605 : vector<64x1x128xf32> to vector<64x32x128xf32>
    %reshape3A_607 = vector.shape_cast %broadcast_in_dim3A_606 : vector<64x32x128xf32> to vector<2048x128xf32>
    %mul3A_608 = arith.mulf %reshape3A_607, %select_n3A_602 : vector<2048x128xf32>
    %reshape3A_609 = vector.shape_cast %mul3A_608 : vector<2048x128xf32> to vector<64x32x128xf32>
    %reduce_sum3A_610 = arith.constant dense<0.000000e+00> : vector<64x32xf32>
    %reduce_sum3A_611 = vector.multi_reduction <add>, %reshape3A_609, %reduce_sum3A_610 [2] : vector<64x32x128xf32> to vector<64x32xf32>
    %div3A_612 = arith.constant 11.3137083 : f32
    %div3A_613 = vector.broadcast %div3A_612 : f32 to vector<64x32xf32>
    %div3A_614 = arith.divf %reduce_sum3A_611, %div3A_613 : vector<64x32xf32>
    %get3A_615 = arith.constant 6144 : index
    %get3A_616 = arith.constant 0 : index
    %get3A_617 = vector.load %arg7[%get3A_615, %get3A_616] : memref<8192x1xi32, #tpu.memory_space<vmem>>, vector<2048x1xi32>
    %get3A_618 = arith.constant 6144 : index
    %get3A_619 = arith.constant 0 : index
    %get3A_620 = vector.load %arg8[%get3A_618, %get3A_619] : memref<8192x8xi32, #tpu.memory_space<vmem>>, vector<2048x8xi32>
    %slice3A_621 = vector.extract_strided_slice %select_n3A {offsets = [192, 0], sizes = [64, 128], strides = [1, 1]} : vector<256x128xf32> to vector<64x128xf32>
    %broadcast_in_dim3A_622 = vector.shape_cast %slice3A_621 : vector<64x128xf32> to vector<64x1x128xf32>
    %broadcast_in_dim3A_623 = vector.shape_cast %broadcast_in_dim3A_622 : vector<64x1x128xf32> to vector<64x1x128xf32>
    %broadcast_in_dim3A_624 = vector.broadcast %broadcast_in_dim3A_623 : vector<64x1x128xf32> to vector<64x32x128xf32>
    %reshape3A_625 = vector.shape_cast %broadcast_in_dim3A_624 : vector<64x32x128xf32> to vector<2048x128xf32>
    %eq3A_626 = arith.constant 0 : i32
    %eq3A_627 = vector.broadcast %eq3A_626 : i32 to vector<2048x1xi32>
    %eq3A_628 = arith.cmpi eq, %get3A_617, %eq3A_627 : vector<2048x1xi32>
    %jit3A_629 = arith.constant 0.000000e+00 : f32
    %broadcast_in_dim3A_630 = vector.shape_cast %eq3A_628 : vector<2048x1xi1> to vector<2048x1xi1>
    %broadcast_in_dim3A_631 = vector.broadcast %broadcast_in_dim3A_630 : vector<2048x1xi1> to vector<2048x128xi1>
    %broadcast_in_dim3A_632 = vector.broadcast %jit3A_629 : f32 to vector<2048x128xf32>
    %select_n3A_633 = arith.select %broadcast_in_dim3A_631, %reshape3A_625, %broadcast_in_dim3A_632 : vector<2048x128xi1>, vector<2048x128xf32>
    %slice3A_634 = vector.extract_strided_slice %reshape3A_80 {offsets = [192, 0, 0], sizes = [64, 1, 128], strides = [1, 1, 1]} : vector<256x8x128xf32> to vector<64x1x128xf32>
    %squeeze3A_635 = vector.shape_cast %slice3A_634 : vector<64x1x128xf32> to vector<64x128xf32>
    %broadcast_in_dim3A_636 = vector.shape_cast %squeeze3A_635 : vector<64x128xf32> to vector<64x1x128xf32>
    %broadcast_in_dim3A_637 = vector.shape_cast %broadcast_in_dim3A_636 : vector<64x1x128xf32> to vector<64x1x128xf32>
    %broadcast_in_dim3A_638 = vector.broadcast %broadcast_in_dim3A_637 : vector<64x1x128xf32> to vector<64x32x128xf32>
    %reshape3A_639 = vector.shape_cast %broadcast_in_dim3A_638 : vector<64x32x128xf32> to vector<2048x128xf32>
    %slice3A_640 = vector.extract_strided_slice %get3A_620 {offsets = [0, 0], sizes = [2048, 1], strides = [1, 1]} : vector<2048x8xi32> to vector<2048x1xi32>
    %eq3A_641 = arith.cmpi eq, %get3A_617, %slice3A_640 : vector<2048x1xi32>
    %broadcast_in_dim3A_642 = vector.shape_cast %eq3A_641 : vector<2048x1xi1> to vector<2048x1xi1>
    %broadcast_in_dim3A_643 = vector.broadcast %broadcast_in_dim3A_642 : vector<2048x1xi1> to vector<2048x128xi1>
    %select_n3A_644 = arith.select %broadcast_in_dim3A_643, %reshape3A_639, %select_n3A_633 : vector<2048x128xi1>, vector<2048x128xf32>
    %slice3A_645 = vector.extract_strided_slice %reshape3A_80 {offsets = [192, 1, 0], sizes = [64, 1, 128], strides = [1, 1, 1]} : vector<256x8x128xf32> to vector<64x1x128xf32>
    %squeeze3A_646 = vector.shape_cast %slice3A_645 : vector<64x1x128xf32> to vector<64x128xf32>
    %broadcast_in_dim3A_647 = vector.shape_cast %squeeze3A_646 : vector<64x128xf32> to vector<64x1x128xf32>
    %broadcast_in_dim3A_648 = vector.shape_cast %broadcast_in_dim3A_647 : vector<64x1x128xf32> to vector<64x1x128xf32>
    %broadcast_in_dim3A_649 = vector.broadcast %broadcast_in_dim3A_648 : vector<64x1x128xf32> to vector<64x32x128xf32>
    %reshape3A_650 = vector.shape_cast %broadcast_in_dim3A_649 : vector<64x32x128xf32> to vector<2048x128xf32>
    %slice3A_651 = vector.extract_strided_slice %get3A_620 {offsets = [0, 1], sizes = [2048, 1], strides = [1, 1]} : vector<2048x8xi32> to vector<2048x1xi32>
    %eq3A_652 = arith.cmpi eq, %get3A_617, %slice3A_651 : vector<2048x1xi32>
    %broadcast_in_dim3A_653 = vector.shape_cast %eq3A_652 : vector<2048x1xi1> to vector<2048x1xi1>
    %broadcast_in_dim3A_654 = vector.broadcast %broadcast_in_dim3A_653 : vector<2048x1xi1> to vector<2048x128xi1>
    %select_n3A_655 = arith.select %broadcast_in_dim3A_654, %reshape3A_650, %select_n3A_644 : vector<2048x128xi1>, vector<2048x128xf32>
    %slice3A_656 = vector.extract_strided_slice %reshape3A_80 {offsets = [192, 2, 0], sizes = [64, 1, 128], strides = [1, 1, 1]} : vector<256x8x128xf32> to vector<64x1x128xf32>
    %squeeze3A_657 = vector.shape_cast %slice3A_656 : vector<64x1x128xf32> to vector<64x128xf32>
    %broadcast_in_dim3A_658 = vector.shape_cast %squeeze3A_657 : vector<64x128xf32> to vector<64x1x128xf32>
    %broadcast_in_dim3A_659 = vector.shape_cast %broadcast_in_dim3A_658 : vector<64x1x128xf32> to vector<64x1x128xf32>
    %broadcast_in_dim3A_660 = vector.broadcast %broadcast_in_dim3A_659 : vector<64x1x128xf32> to vector<64x32x128xf32>
    %reshape3A_661 = vector.shape_cast %broadcast_in_dim3A_660 : vector<64x32x128xf32> to vector<2048x128xf32>
    %slice3A_662 = vector.extract_strided_slice %get3A_620 {offsets = [0, 2], sizes = [2048, 1], strides = [1, 1]} : vector<2048x8xi32> to vector<2048x1xi32>
    %eq3A_663 = arith.cmpi eq, %get3A_617, %slice3A_662 : vector<2048x1xi32>
    %broadcast_in_dim3A_664 = vector.shape_cast %eq3A_663 : vector<2048x1xi1> to vector<2048x1xi1>
    %broadcast_in_dim3A_665 = vector.broadcast %broadcast_in_dim3A_664 : vector<2048x1xi1> to vector<2048x128xi1>
    %select_n3A_666 = arith.select %broadcast_in_dim3A_665, %reshape3A_661, %select_n3A_655 : vector<2048x128xi1>, vector<2048x128xf32>
    %slice3A_667 = vector.extract_strided_slice %reshape3A_80 {offsets = [192, 3, 0], sizes = [64, 1, 128], strides = [1, 1, 1]} : vector<256x8x128xf32> to vector<64x1x128xf32>
    %squeeze3A_668 = vector.shape_cast %slice3A_667 : vector<64x1x128xf32> to vector<64x128xf32>
    %broadcast_in_dim3A_669 = vector.shape_cast %squeeze3A_668 : vector<64x128xf32> to vector<64x1x128xf32>
    %broadcast_in_dim3A_670 = vector.shape_cast %broadcast_in_dim3A_669 : vector<64x1x128xf32> to vector<64x1x128xf32>
    %broadcast_in_dim3A_671 = vector.broadcast %broadcast_in_dim3A_670 : vector<64x1x128xf32> to vector<64x32x128xf32>
    %reshape3A_672 = vector.shape_cast %broadcast_in_dim3A_671 : vector<64x32x128xf32> to vector<2048x128xf32>
    %slice3A_673 = vector.extract_strided_slice %get3A_620 {offsets = [0, 3], sizes = [2048, 1], strides = [1, 1]} : vector<2048x8xi32> to vector<2048x1xi32>
    %eq3A_674 = arith.cmpi eq, %get3A_617, %slice3A_673 : vector<2048x1xi32>
    %broadcast_in_dim3A_675 = vector.shape_cast %eq3A_674 : vector<2048x1xi1> to vector<2048x1xi1>
    %broadcast_in_dim3A_676 = vector.broadcast %broadcast_in_dim3A_675 : vector<2048x1xi1> to vector<2048x128xi1>
    %select_n3A_677 = arith.select %broadcast_in_dim3A_676, %reshape3A_672, %select_n3A_666 : vector<2048x128xi1>, vector<2048x128xf32>
    %slice3A_678 = vector.extract_strided_slice %reshape3A_80 {offsets = [192, 4, 0], sizes = [64, 1, 128], strides = [1, 1, 1]} : vector<256x8x128xf32> to vector<64x1x128xf32>
    %squeeze3A_679 = vector.shape_cast %slice3A_678 : vector<64x1x128xf32> to vector<64x128xf32>
    %broadcast_in_dim3A_680 = vector.shape_cast %squeeze3A_679 : vector<64x128xf32> to vector<64x1x128xf32>
    %broadcast_in_dim3A_681 = vector.shape_cast %broadcast_in_dim3A_680 : vector<64x1x128xf32> to vector<64x1x128xf32>
    %broadcast_in_dim3A_682 = vector.broadcast %broadcast_in_dim3A_681 : vector<64x1x128xf32> to vector<64x32x128xf32>
    %reshape3A_683 = vector.shape_cast %broadcast_in_dim3A_682 : vector<64x32x128xf32> to vector<2048x128xf32>
    %slice3A_684 = vector.extract_strided_slice %get3A_620 {offsets = [0, 4], sizes = [2048, 1], strides = [1, 1]} : vector<2048x8xi32> to vector<2048x1xi32>
    %eq3A_685 = arith.cmpi eq, %get3A_617, %slice3A_684 : vector<2048x1xi32>
    %broadcast_in_dim3A_686 = vector.shape_cast %eq3A_685 : vector<2048x1xi1> to vector<2048x1xi1>
    %broadcast_in_dim3A_687 = vector.broadcast %broadcast_in_dim3A_686 : vector<2048x1xi1> to vector<2048x128xi1>
    %select_n3A_688 = arith.select %broadcast_in_dim3A_687, %reshape3A_683, %select_n3A_677 : vector<2048x128xi1>, vector<2048x128xf32>
    %slice3A_689 = vector.extract_strided_slice %reshape3A_80 {offsets = [192, 5, 0], sizes = [64, 1, 128], strides = [1, 1, 1]} : vector<256x8x128xf32> to vector<64x1x128xf32>
    %squeeze3A_690 = vector.shape_cast %slice3A_689 : vector<64x1x128xf32> to vector<64x128xf32>
    %broadcast_in_dim3A_691 = vector.shape_cast %squeeze3A_690 : vector<64x128xf32> to vector<64x1x128xf32>
    %broadcast_in_dim3A_692 = vector.shape_cast %broadcast_in_dim3A_691 : vector<64x1x128xf32> to vector<64x1x128xf32>
    %broadcast_in_dim3A_693 = vector.broadcast %broadcast_in_dim3A_692 : vector<64x1x128xf32> to vector<64x32x128xf32>
    %reshape3A_694 = vector.shape_cast %broadcast_in_dim3A_693 : vector<64x32x128xf32> to vector<2048x128xf32>
    %slice3A_695 = vector.extract_strided_slice %get3A_620 {offsets = [0, 5], sizes = [2048, 1], strides = [1, 1]} : vector<2048x8xi32> to vector<2048x1xi32>
    %eq3A_696 = arith.cmpi eq, %get3A_617, %slice3A_695 : vector<2048x1xi32>
    %broadcast_in_dim3A_697 = vector.shape_cast %eq3A_696 : vector<2048x1xi1> to vector<2048x1xi1>
    %broadcast_in_dim3A_698 = vector.broadcast %broadcast_in_dim3A_697 : vector<2048x1xi1> to vector<2048x128xi1>
    %select_n3A_699 = arith.select %broadcast_in_dim3A_698, %reshape3A_694, %select_n3A_688 : vector<2048x128xi1>, vector<2048x128xf32>
    %slice3A_700 = vector.extract_strided_slice %reshape3A_80 {offsets = [192, 6, 0], sizes = [64, 1, 128], strides = [1, 1, 1]} : vector<256x8x128xf32> to vector<64x1x128xf32>
    %squeeze3A_701 = vector.shape_cast %slice3A_700 : vector<64x1x128xf32> to vector<64x128xf32>
    %broadcast_in_dim3A_702 = vector.shape_cast %squeeze3A_701 : vector<64x128xf32> to vector<64x1x128xf32>
    %broadcast_in_dim3A_703 = vector.shape_cast %broadcast_in_dim3A_702 : vector<64x1x128xf32> to vector<64x1x128xf32>
    %broadcast_in_dim3A_704 = vector.broadcast %broadcast_in_dim3A_703 : vector<64x1x128xf32> to vector<64x32x128xf32>
    %reshape3A_705 = vector.shape_cast %broadcast_in_dim3A_704 : vector<64x32x128xf32> to vector<2048x128xf32>
    %slice3A_706 = vector.extract_strided_slice %get3A_620 {offsets = [0, 6], sizes = [2048, 1], strides = [1, 1]} : vector<2048x8xi32> to vector<2048x1xi32>
    %eq3A_707 = arith.cmpi eq, %get3A_617, %slice3A_706 : vector<2048x1xi32>
    %broadcast_in_dim3A_708 = vector.shape_cast %eq3A_707 : vector<2048x1xi1> to vector<2048x1xi1>
    %broadcast_in_dim3A_709 = vector.broadcast %broadcast_in_dim3A_708 : vector<2048x1xi1> to vector<2048x128xi1>
    %select_n3A_710 = arith.select %broadcast_in_dim3A_709, %reshape3A_705, %select_n3A_699 : vector<2048x128xi1>, vector<2048x128xf32>
    %slice3A_711 = vector.extract_strided_slice %reshape3A_80 {offsets = [192, 7, 0], sizes = [64, 1, 128], strides = [1, 1, 1]} : vector<256x8x128xf32> to vector<64x1x128xf32>
    %squeeze3A_712 = vector.shape_cast %slice3A_711 : vector<64x1x128xf32> to vector<64x128xf32>
    %broadcast_in_dim3A_713 = vector.shape_cast %squeeze3A_712 : vector<64x128xf32> to vector<64x1x128xf32>
    %broadcast_in_dim3A_714 = vector.shape_cast %broadcast_in_dim3A_713 : vector<64x1x128xf32> to vector<64x1x128xf32>
    %broadcast_in_dim3A_715 = vector.broadcast %broadcast_in_dim3A_714 : vector<64x1x128xf32> to vector<64x32x128xf32>
    %reshape3A_716 = vector.shape_cast %broadcast_in_dim3A_715 : vector<64x32x128xf32> to vector<2048x128xf32>
    %slice3A_717 = vector.extract_strided_slice %get3A_620 {offsets = [0, 7], sizes = [2048, 1], strides = [1, 1]} : vector<2048x8xi32> to vector<2048x1xi32>
    %eq3A_718 = arith.cmpi eq, %get3A_617, %slice3A_717 : vector<2048x1xi32>
    %broadcast_in_dim3A_719 = vector.shape_cast %eq3A_718 : vector<2048x1xi1> to vector<2048x1xi1>
    %broadcast_in_dim3A_720 = vector.broadcast %broadcast_in_dim3A_719 : vector<2048x1xi1> to vector<2048x128xi1>
    %select_n3A_721 = arith.select %broadcast_in_dim3A_720, %reshape3A_716, %select_n3A_710 : vector<2048x128xi1>, vector<2048x128xf32>
    %slice3A_722 = vector.extract_strided_slice %get3A_176 {offsets = [0, 0], sizes = [128, 128], strides = [1, 1]} : vector<384x128xf32> to vector<128x128xf32>
    %dot_general3A_723 = arith.constant dense<0.000000e+00> : vector<2048x128xf32>
    %dot_general3A_724 = tpu.matmul %select_n3A_721, %slice3A_722, %dot_general3A_723 {dimension_numbers = #tpu.dot_dimension_numbers<[1], [0], [0], [1], [0, 0, 1, 1], [], []>, transpose_lhs_hint = false} : vector<2048x128xf32>, vector<128x128xf32>, vector<2048x128xf32> -> vector<2048x128xf32>
    %get3A_725 = arith.constant 8448 : index
    %get3A_726 = arith.constant 0 : index
    %get3A_727 = vector.load %arg0[%get3A_725, %get3A_726] : memref<12288x128xf32, #tpu.memory_space<vmem>>, vector<2048x128xf32>
    %slice3A_728 = vector.extract_strided_slice %get3A_176 {offsets = [128, 0], sizes = [128, 128], strides = [1, 1]} : vector<384x128xf32> to vector<128x128xf32>
    %dot_general3A_729 = arith.constant dense<0.000000e+00> : vector<2048x128xf32>
    %dot_general3A_730 = tpu.matmul %get3A_727, %slice3A_728, %dot_general3A_729 {dimension_numbers = #tpu.dot_dimension_numbers<[1], [0], [0], [1], [0, 0, 1, 1], [], []>, transpose_lhs_hint = false} : vector<2048x128xf32>, vector<128x128xf32>, vector<2048x128xf32> -> vector<2048x128xf32>
    %add3A_731 = arith.addf %dot_general3A_724, %dot_general3A_730 : vector<2048x128xf32>
    %get3A_732 = arith.constant 6144 : index
    %get3A_733 = arith.constant 0 : index
    %get3A_734 = vector.load %arg1[%get3A_732, %get3A_733] : memref<8192x128xf32, #tpu.memory_space<vmem>>, vector<2048x128xf32>
    %slice3A_735 = vector.extract_strided_slice %get3A_176 {offsets = [256, 0], sizes = [128, 128], strides = [1, 1]} : vector<384x128xf32> to vector<128x128xf32>
    %dot_general3A_736 = arith.constant dense<0.000000e+00> : vector<2048x128xf32>
    %dot_general3A_737 = tpu.matmul %get3A_734, %slice3A_735, %dot_general3A_736 {dimension_numbers = #tpu.dot_dimension_numbers<[1], [0], [0], [1], [0, 0, 1, 1], [], []>, transpose_lhs_hint = false} : vector<2048x128xf32>, vector<128x128xf32>, vector<2048x128xf32> -> vector<2048x128xf32>
    %add3A_738 = arith.addf %add3A_731, %dot_general3A_737 : vector<2048x128xf32>
    %add3A_739 = vector.broadcast %get3A_179 : vector<1x128xf32> to vector<2048x128xf32>
    %add3A_740 = arith.addf %add3A_738, %add3A_739 : vector<2048x128xf32>
    %ge3A_741 = arith.constant 0.000000e+00 : f32
    %ge3A_742 = vector.broadcast %ge3A_741 : f32 to vector<2048x128xf32>
    %ge3A_743 = arith.cmpf oge, %add3A_740, %ge3A_742 : vector<2048x128xf32>
    %mul3A_744 = arith.constant 0.00999999977 : f32
    %mul3A_745 = vector.broadcast %mul3A_744 : f32 to vector<2048x128xf32>
    %mul3A_746 = arith.mulf %mul3A_745, %add3A_740 : vector<2048x128xf32>
    %select_n3A_747 = arith.select %ge3A_743, %add3A_740, %mul3A_746 : vector<2048x128xi1>, vector<2048x128xf32>
    %slice3A_748 = vector.extract_strided_slice %select_n3A_163 {offsets = [192, 0], sizes = [64, 128], strides = [1, 1]} : vector<256x128xf32> to vector<64x128xf32>
    %broadcast_in_dim3A_749 = vector.shape_cast %slice3A_748 : vector<64x128xf32> to vector<64x1x128xf32>
    %broadcast_in_dim3A_750 = vector.shape_cast %broadcast_in_dim3A_749 : vector<64x1x128xf32> to vector<64x1x128xf32>
    %broadcast_in_dim3A_751 = vector.broadcast %broadcast_in_dim3A_750 : vector<64x1x128xf32> to vector<64x32x128xf32>
    %reshape3A_752 = vector.shape_cast %broadcast_in_dim3A_751 : vector<64x32x128xf32> to vector<2048x128xf32>
    %mul3A_753 = arith.mulf %reshape3A_752, %select_n3A_747 : vector<2048x128xf32>
    %reshape3A_754 = vector.shape_cast %mul3A_753 : vector<2048x128xf32> to vector<64x32x128xf32>
    %reduce_sum3A_755 = arith.constant dense<0.000000e+00> : vector<64x32xf32>
    %reduce_sum3A_756 = vector.multi_reduction <add>, %reshape3A_754, %reduce_sum3A_755 [2] : vector<64x32x128xf32> to vector<64x32xf32>
    %div3A_757 = arith.constant 11.3137083 : f32
    %div3A_758 = vector.broadcast %div3A_757 : f32 to vector<64x32xf32>
    %div3A_759 = arith.divf %reduce_sum3A_756, %div3A_758 : vector<64x32xf32>
    %concatenate3A_760 = tpu.concatenate %div3A_324, %div3A_469, %div3A_614, %div3A_759 in 0 : vector<64x32xf32>, vector<64x32xf32>, vector<64x32xf32>, vector<64x32xf32> -> vector<256x32xf32>
    %get3A_761 = arith.constant 0 : index
    %get3A_762 = arith.constant 0 : index
    %get3A_763 = vector.load %arg9[%get3A_761, %get3A_762] : memref<256x32xi32, #tpu.memory_space<vmem>>, vector<256x32xi32>
    %ne3A = arith.constant 0 : i32
    %ne3A_764 = vector.broadcast %ne3A : i32 to vector<256x32xi32>
    %ne3A_765 = arith.cmpi ne, %get3A_763, %ne3A_764 : vector<256x32xi32>
    %jit3A_766 = arith.constant -1.000000e+05 : f32
    %broadcast_in_dim3A_767 = vector.broadcast %jit3A_766 : f32 to vector<256x32xf32>
    %select_n3A_768 = arith.select %ne3A_765, %concatenate3A_760, %broadcast_in_dim3A_767 : vector<256x32xi1>, vector<256x32xf32>
    %get3A_769 = arith.constant 0 : index
    %get3A_770 = arith.constant 0 : index
    %get3A_771 = vector.load %arg21[%get3A_769, %get3A_770] : memref<256x1xf32, #tpu.memory_space<vmem>>, vector<256x1xf32>
    %get3A_772 = arith.constant 0 : index
    %get3A_773 = arith.constant 0 : index
    %get3A_774 = vector.load %arg22[%get3A_772, %get3A_773] : memref<1x1xf32, #tpu.memory_space<vmem>>, vector<1x1xf32>
    %slice3A_775 = vector.extract_strided_slice %get3A_771 {offsets = [0, 0], sizes = [128, 1], strides = [1, 1]} : vector<256x1xf32> to vector<128x1xf32>
    %dot_general3A_776 = arith.constant dense<0.000000e+00> : vector<256x1xf32>
    %dot_general3A_777 = tpu.matmul %select_n3A, %slice3A_775, %dot_general3A_776 {dimension_numbers = #tpu.dot_dimension_numbers<[1], [0], [0], [1], [0, 0, 1, 1], [], []>, transpose_lhs_hint = false} : vector<256x128xf32>, vector<128x1xf32>, vector<256x1xf32> -> vector<256x1xf32>
    %slice3A_778 = vector.extract_strided_slice %get3A_771 {offsets = [0, 0], sizes = [128, 1], strides = [1, 1]} : vector<256x1xf32> to vector<128x1xf32>
    %dot_general3A_779 = arith.constant dense<0.000000e+00> : vector<2048x1xf32>
    %dot_general3A_780 = tpu.matmul %select_n3A_79, %slice3A_778, %dot_general3A_779 {dimension_numbers = #tpu.dot_dimension_numbers<[1], [0], [0], [1], [0, 0, 1, 1], [], []>, transpose_lhs_hint = false} : vector<2048x128xf32>, vector<128x1xf32>, vector<2048x1xf32> -> vector<2048x1xf32>
    %reshape3A_781 = vector.shape_cast %dot_general3A_780 : vector<2048x1xf32> to vector<256x8xf32>
    %slice3A_782 = vector.extract_strided_slice %get3A_771 {offsets = [128, 0], sizes = [128, 1], strides = [1, 1]} : vector<256x1xf32> to vector<128x1xf32>
    %dot_general3A_783 = arith.constant dense<0.000000e+00> : vector<256x1xf32>
    %dot_general3A_784 = tpu.matmul %get3A_1, %slice3A_782, %dot_general3A_783 {dimension_numbers = #tpu.dot_dimension_numbers<[1], [0], [0], [1], [0, 0, 1, 1], [], []>, transpose_lhs_hint = false} : vector<256x128xf32>, vector<128x1xf32>, vector<256x1xf32> -> vector<256x1xf32>
    %add3A_785 = vector.broadcast %get3A_774 : vector<1x1xf32> to vector<256x1xf32>
    %add3A_786 = arith.addf %dot_general3A_784, %add3A_785 : vector<256x1xf32>
    %iota3A_787 = tpu.iota {dimensions = array<i32: 1>} : vector<256x2048xi32>
    %eq3A_788 = arith.constant 0 : i32
    %eq3A_789 = vector.broadcast %eq3A_788 : i32 to vector<256x2048xi32>
    %eq3A_790 = arith.cmpi eq, %iota3A_787, %eq3A_789 : vector<256x2048xi32>
    %add3A_791 = arith.addf %add3A_786, %dot_general3A_777 : vector<256x1xf32>
    %broadcast_in_dim3A_792 = vector.shape_cast %add3A_791 : vector<256x1xf32> to vector<256x1xf32>
    %broadcast_in_dim3A_793 = vector.broadcast %broadcast_in_dim3A_792 : vector<256x1xf32> to vector<256x2048xf32>
    %broadcast_in_dim3A_794 = vector.shape_cast %add3A_786 : vector<256x1xf32> to vector<256x1xf32>
    %broadcast_in_dim3A_795 = vector.broadcast %broadcast_in_dim3A_794 : vector<256x1xf32> to vector<256x2048xf32>
    %select_n3A_796 = arith.select %eq3A_790, %broadcast_in_dim3A_793, %broadcast_in_dim3A_795 : vector<256x2048xi1>, vector<256x2048xf32>
    %slice3A_797 = vector.extract_strided_slice %get3A_10 {offsets = [0, 0], sizes = [256, 1], strides = [1, 1]} : vector<256x8xi32> to vector<256x1xi32>
    %eq3A_798 = vector.broadcast %slice3A_797 : vector<256x1xi32> to vector<256x2048xi32>
    %eq3A_799 = arith.cmpi eq, %iota3A_787, %eq3A_798 : vector<256x2048xi32>
    %slice3A_800 = vector.extract_strided_slice %reshape3A_781 {offsets = [0, 0], sizes = [256, 1], strides = [1, 1]} : vector<256x8xf32> to vector<256x1xf32>
    %add3A_801 = arith.addf %add3A_786, %slice3A_800 : vector<256x1xf32>
    %broadcast_in_dim3A_802 = vector.shape_cast %add3A_801 : vector<256x1xf32> to vector<256x1xf32>
    %broadcast_in_dim3A_803 = vector.broadcast %broadcast_in_dim3A_802 : vector<256x1xf32> to vector<256x2048xf32>
    %select_n3A_804 = arith.select %eq3A_799, %broadcast_in_dim3A_803, %select_n3A_796 : vector<256x2048xi1>, vector<256x2048xf32>
    %slice3A_805 = vector.extract_strided_slice %get3A_10 {offsets = [0, 1], sizes = [256, 1], strides = [1, 1]} : vector<256x8xi32> to vector<256x1xi32>
    %eq3A_806 = vector.broadcast %slice3A_805 : vector<256x1xi32> to vector<256x2048xi32>
    %eq3A_807 = arith.cmpi eq, %iota3A_787, %eq3A_806 : vector<256x2048xi32>
    %slice3A_808 = vector.extract_strided_slice %reshape3A_781 {offsets = [0, 1], sizes = [256, 1], strides = [1, 1]} : vector<256x8xf32> to vector<256x1xf32>
    %add3A_809 = arith.addf %add3A_786, %slice3A_808 : vector<256x1xf32>
    %broadcast_in_dim3A_810 = vector.shape_cast %add3A_809 : vector<256x1xf32> to vector<256x1xf32>
    %broadcast_in_dim3A_811 = vector.broadcast %broadcast_in_dim3A_810 : vector<256x1xf32> to vector<256x2048xf32>
    %select_n3A_812 = arith.select %eq3A_807, %broadcast_in_dim3A_811, %select_n3A_804 : vector<256x2048xi1>, vector<256x2048xf32>
    %slice3A_813 = vector.extract_strided_slice %get3A_10 {offsets = [0, 2], sizes = [256, 1], strides = [1, 1]} : vector<256x8xi32> to vector<256x1xi32>
    %eq3A_814 = vector.broadcast %slice3A_813 : vector<256x1xi32> to vector<256x2048xi32>
    %eq3A_815 = arith.cmpi eq, %iota3A_787, %eq3A_814 : vector<256x2048xi32>
    %slice3A_816 = vector.extract_strided_slice %reshape3A_781 {offsets = [0, 2], sizes = [256, 1], strides = [1, 1]} : vector<256x8xf32> to vector<256x1xf32>
    %add3A_817 = arith.addf %add3A_786, %slice3A_816 : vector<256x1xf32>
    %broadcast_in_dim3A_818 = vector.shape_cast %add3A_817 : vector<256x1xf32> to vector<256x1xf32>
    %broadcast_in_dim3A_819 = vector.broadcast %broadcast_in_dim3A_818 : vector<256x1xf32> to vector<256x2048xf32>
    %select_n3A_820 = arith.select %eq3A_815, %broadcast_in_dim3A_819, %select_n3A_812 : vector<256x2048xi1>, vector<256x2048xf32>
    %slice3A_821 = vector.extract_strided_slice %get3A_10 {offsets = [0, 3], sizes = [256, 1], strides = [1, 1]} : vector<256x8xi32> to vector<256x1xi32>
    %eq3A_822 = vector.broadcast %slice3A_821 : vector<256x1xi32> to vector<256x2048xi32>
    %eq3A_823 = arith.cmpi eq, %iota3A_787, %eq3A_822 : vector<256x2048xi32>
    %slice3A_824 = vector.extract_strided_slice %reshape3A_781 {offsets = [0, 3], sizes = [256, 1], strides = [1, 1]} : vector<256x8xf32> to vector<256x1xf32>
    %add3A_825 = arith.addf %add3A_786, %slice3A_824 : vector<256x1xf32>
    %broadcast_in_dim3A_826 = vector.shape_cast %add3A_825 : vector<256x1xf32> to vector<256x1xf32>
    %broadcast_in_dim3A_827 = vector.broadcast %broadcast_in_dim3A_826 : vector<256x1xf32> to vector<256x2048xf32>
    %select_n3A_828 = arith.select %eq3A_823, %broadcast_in_dim3A_827, %select_n3A_820 : vector<256x2048xi1>, vector<256x2048xf32>
    %slice3A_829 = vector.extract_strided_slice %get3A_10 {offsets = [0, 4], sizes = [256, 1], strides = [1, 1]} : vector<256x8xi32> to vector<256x1xi32>
    %eq3A_830 = vector.broadcast %slice3A_829 : vector<256x1xi32> to vector<256x2048xi32>
    %eq3A_831 = arith.cmpi eq, %iota3A_787, %eq3A_830 : vector<256x2048xi32>
    %slice3A_832 = vector.extract_strided_slice %reshape3A_781 {offsets = [0, 4], sizes = [256, 1], strides = [1, 1]} : vector<256x8xf32> to vector<256x1xf32>
    %add3A_833 = arith.addf %add3A_786, %slice3A_832 : vector<256x1xf32>
    %broadcast_in_dim3A_834 = vector.shape_cast %add3A_833 : vector<256x1xf32> to vector<256x1xf32>
    %broadcast_in_dim3A_835 = vector.broadcast %broadcast_in_dim3A_834 : vector<256x1xf32> to vector<256x2048xf32>
    %select_n3A_836 = arith.select %eq3A_831, %broadcast_in_dim3A_835, %select_n3A_828 : vector<256x2048xi1>, vector<256x2048xf32>
    %slice3A_837 = vector.extract_strided_slice %get3A_10 {offsets = [0, 5], sizes = [256, 1], strides = [1, 1]} : vector<256x8xi32> to vector<256x1xi32>
    %eq3A_838 = vector.broadcast %slice3A_837 : vector<256x1xi32> to vector<256x2048xi32>
    %eq3A_839 = arith.cmpi eq, %iota3A_787, %eq3A_838 : vector<256x2048xi32>
    %slice3A_840 = vector.extract_strided_slice %reshape3A_781 {offsets = [0, 5], sizes = [256, 1], strides = [1, 1]} : vector<256x8xf32> to vector<256x1xf32>
    %add3A_841 = arith.addf %add3A_786, %slice3A_840 : vector<256x1xf32>
    %broadcast_in_dim3A_842 = vector.shape_cast %add3A_841 : vector<256x1xf32> to vector<256x1xf32>
    %broadcast_in_dim3A_843 = vector.broadcast %broadcast_in_dim3A_842 : vector<256x1xf32> to vector<256x2048xf32>
    %select_n3A_844 = arith.select %eq3A_839, %broadcast_in_dim3A_843, %select_n3A_836 : vector<256x2048xi1>, vector<256x2048xf32>
    %slice3A_845 = vector.extract_strided_slice %get3A_10 {offsets = [0, 6], sizes = [256, 1], strides = [1, 1]} : vector<256x8xi32> to vector<256x1xi32>
    %eq3A_846 = vector.broadcast %slice3A_845 : vector<256x1xi32> to vector<256x2048xi32>
    %eq3A_847 = arith.cmpi eq, %iota3A_787, %eq3A_846 : vector<256x2048xi32>
    %slice3A_848 = vector.extract_strided_slice %reshape3A_781 {offsets = [0, 6], sizes = [256, 1], strides = [1, 1]} : vector<256x8xf32> to vector<256x1xf32>
    %add3A_849 = arith.addf %add3A_786, %slice3A_848 : vector<256x1xf32>
    %broadcast_in_dim3A_850 = vector.shape_cast %add3A_849 : vector<256x1xf32> to vector<256x1xf32>
    %broadcast_in_dim3A_851 = vector.broadcast %broadcast_in_dim3A_850 : vector<256x1xf32> to vector<256x2048xf32>
    %select_n3A_852 = arith.select %eq3A_847, %broadcast_in_dim3A_851, %select_n3A_844 : vector<256x2048xi1>, vector<256x2048xf32>
    %slice3A_853 = vector.extract_strided_slice %get3A_10 {offsets = [0, 7], sizes = [256, 1], strides = [1, 1]} : vector<256x8xi32> to vector<256x1xi32>
    %eq3A_854 = vector.broadcast %slice3A_853 : vector<256x1xi32> to vector<256x2048xi32>
    %eq3A_855 = arith.cmpi eq, %iota3A_787, %eq3A_854 : vector<256x2048xi32>
    %slice3A_856 = vector.extract_strided_slice %reshape3A_781 {offsets = [0, 7], sizes = [256, 1], strides = [1, 1]} : vector<256x8xf32> to vector<256x1xf32>
    %add3A_857 = arith.addf %add3A_786, %slice3A_856 : vector<256x1xf32>
    %broadcast_in_dim3A_858 = vector.shape_cast %add3A_857 : vector<256x1xf32> to vector<256x1xf32>
    %broadcast_in_dim3A_859 = vector.broadcast %broadcast_in_dim3A_858 : vector<256x1xf32> to vector<256x2048xf32>
    %select_n3A_860 = arith.select %eq3A_855, %broadcast_in_dim3A_859, %select_n3A_852 : vector<256x2048xi1>, vector<256x2048xf32>
    %concatenate3A_861 = tpu.concatenate %select_n3A_768, %add3A_173, %select_n3A_860 in 1 : vector<256x32xf32>, vector<256x1xf32>, vector<256x2048xf32> -> vector<256x2081xf32>
    %swap3A = arith.constant 0 : index
    %swap3A_862 = arith.constant 0 : index
    %swap3A_863 = vector.load %arg23[%swap3A, %swap3A_862] : memref<256x2081xf32, #tpu.memory_space<vmem>>, vector<256x2081xf32>
    tpu.vector_store %arg23[%swap3A, %swap3A_862], %concatenate3A_861 {strides = array<i32>} : memref<256x2081xf32, #tpu.memory_space<vmem>>, vector<256x2081xf32>,
    return
  }
}

</mosaic_0001>

<sc_bundles>
// kernel: kernel.4.cloned.1.call-start
scs
__scs_entry_jumppad:
0x0: {  	(pc) =	sbr.rel $0x88, $3  }
0x1: {  	(tag) =	ssettag $0x0;
	lr =	simm.s32 $0x1  }
0x2: {  	[smem:$0x3F88] =	sst lr;
	_ =	strace $0xD0000000  }
0x3: {  	_ = 	snop  }
0x4: {  	_ = 	snop  }
0x5: {  	_ = 	snop  }
0x6: {  	_ = 	snop  }
0x7: {  	_ = 	snop  }
__scs_overlays_trampoline_lowered:
0x8: {  	[smem:$0x3F97] =	sst s0  }
0x9: {  	[smem:$0x3F98] =	sst s1  }
0xa: {  	[smem:$0x3F99] =	sst s2  }
0xb: {  	[smem:$0x3F9A] =	sst s3  }
0xc: {  	[smem:$0x3F9B] =	sst s4  }
0xd: {  	[smem:$0x3F9C] =	sst s5  }
0xe: {  	[smem:$0x3F9D] =	sst s6  }
0xf: {  	[smem:$0x3F9E] =	sst s7  }
0x10: {  	[smem:$0x3F9F] =	sst s8  }
0x11: {  	[smem:$0x3FA0] =	sst s9;
	s0 =	simm.s32 @!p0 $0x0  }
0x12: {  	s1 =	sld [smem:$0x3F86];
	s0 =	simm.s32 @p0 $0x1  }
0x13: {  	[smem:$0x3FA1] =	sst s0;
	s0 =	simm.s32 @!p1 $0x0  }
0x14: {  	s2 =	sld [smem:$0x3F85];
	s0 =	simm.s32 @p1 $0x1  }
0x15: {  	[smem:$0x3FA2] =	sst s0;
	s0 =	simm.s32 @!p2 $0x0  }
0x16: {  	s3 =	sld [smem:$0x3FDB];
	s0 =	simm.s32 @p2 $0x1  }
0x17: {  	s4 =	simm.s32 $0x1BF5;
	[smem:$0x3FA4] =	sst s0  }
0x18: {  	s0 =	sld [smem:$0x3F87];
	_ =	swait.ge [sflag:s4], $0x0  }
0x19: {  	s7 =	sld [smem:$0x3F88]  }
0x1a: {  	s8 =	sadd.s32 $0xFFFFE003, lr  }
0x1b: {  	s9 =	sadd.s32 $0xFFFFFEF7, lr;
	s5 =	simm.s32 $0xFFFFFFFF;
	p2 =	slt.u32 s8, $0xFFFFF086  }
0x1c: {  	p1 =	slt.u32 s9, $0xF7A;
	s5 =	simm.s32 @!p2 $0x0  }
0x1d: {  	s5 =	simm.s32 @p1 $0x1;
	p0 =	seq.s32 s7, s2  }
0x1e: {  	s7 =	smul.u32 @!p0 $0xF7A, s2;
	p2 =	seq.s32 @!p0 s5, $0x0  }
0x1f: {  	s9 =	smul.u32 $0xF7A, s1;
	s8 =	simm.s32 @!p0 $0x1BF5;
	p2 =	por !p2, p0  }
0x20: {  	[sflag:s8] =	ssyncset.s32 @!p0 $0xFFFFF086;
	s6 =	sadd.s32 @!p0 s3, s7;
	s7 =	simm.s32 @!p0 $0x108  }
0x21: {  	s3 =	sadd.s32 s3, s9;
	s6 =	sadd.s32 @!p0 $0x88, s6;
	s7 =	simm.s32 @p2 $0x1082  }
0x22: {  	[simem:s7], [sflag:s8] =	dma.local @!p0 [hbm:s6], $0xF7A  }
0x23: {  	s9 =	sor.u32 $0xD0000000, s2;
	s6 =	simm.s32 $0x108;
	_ =	swait.ge @!p0 [sflag:s8], $0x0  }
0x24: {  	s3 =	sadd.s32 $0x88, s3;
	s6 =	simm.s32 @!p1 $0x1082;
	[sflag:s4] =	ssyncset.s32 $0xFFFFF086  }
0x25: {  	[simem:s6], [sflag:s4] =	dma.local [hbm:s3], $0xF7A  }
0x26: {  	[smem:$0x3F88] =	sst s1;
	(tag) =	ssettag s2;
	_ =	strace s9  }
0x27: {  	s1 =	sld [smem:$0x3F98]  }
0x28: {  	s2 =	sld [smem:$0x3F99]  }
0x29: {  	s4 =	sld [smem:$0x3F9B]  }
0x2a: {  	p0 =	seq.s32 s5, $0x0;
	s5 =	sld [smem:$0x3F9C]  }
0x2b: {  	s6 =	sld [smem:$0x3F9D]  }
0x2c: {  	s7 =	sld [smem:$0x3F9E]  }
0x2d: {  	s3 =	simm.s32 $0x108;
	s8 =	sld [smem:$0x3F9F]  }
0x2e: {  	s3 =	simm.s32 @!p0 $0x1082;
	s9 =	sld [smem:$0x3FA0]  }
0x2f: {  	lr =	sadd.s32 s0, s3;
	s0 =	sld [smem:$0x3F97]  }
0x30: {  	s3 =	sld [smem:$0x3F9A]  }
0x31: {  	[smem:$0x3FA3] =	sst s10  }
0x32: {  	s10 =	sld [smem:$0x3FA1];
	_ =	sdelay $0x3  }
0x33: {  	p0 =	seq.s32 s10, $0x1;
	s10 =	sld [smem:$0x3FA3];
	_ =	sdelay $0x3  }
0x34: {  	[smem:$0x3FA3] =	sst s10  }
0x35: {  	s10 =	sld [smem:$0x3FA2];
	_ =	sdelay $0x3  }
0x36: {  	p1 =	seq.s32 s10, $0x1;
	s10 =	sld [smem:$0x3FA3];
	_ =	sdelay $0x3  }
0x37: {  	[smem:$0x3FA3] =	sst s10  }
0x38: {  	s10 =	sld [smem:$0x3FA4]  }
0x39: {  	_ = 	snop;
	(pc) =	sbr.ind lr, $3  }
0x3a: {  	_ = 	snop  }
0x3b: {  	_ = 	snop  }
0x3c: {  	p2 =	seq.s32 s10, $0x1;
	s10 =	sld [smem:$0x3FA3]  }
0x3d: {  	_ =	shalt  }
0x3e: {  	_ =	shalt  }
0x3f: {  	_ =	shalt  }
0x40: {  	_ =	shalt  }
0x41: {  	_ =	shalt  }
0x42: {  	_ =	shalt  }
0x43: {  	_ =	shalt  }
0x44: {  	_ =	shalt  }
0x45: {  	_ =	shalt  }
0x46: {  	_ =	shalt  }
0x47: {  	_ =	shalt  }
0x48: {  	_ =	shalt  }
0x49: {  	_ =	shalt  }
0x4a: {  	_ =	shalt  }
0x4b: {  	_ =	shalt  }
0x4c: {  	_ =	shalt  }
0x4d: {  	_ =	shalt  }
0x4e: {  	_ =	shalt  }
0x4f: {  	_ =	shalt  }
0x50: {  	_ =	shalt  }
0x51: {  	_ =	shalt  }
0x52: {  	_ =	shalt  }
0x53: {  	_ =	shalt  }
0x54: {  	_ =	shalt  }
0x55: {  	_ =	shalt  }
0x56: {  	_ =	shalt  }
0x57: {  	_ =	shalt  }
0x58: {  	_ =	shalt  }
0x59: {  	_ =	shalt  }
0x5a: {  	_ =	shalt  }
0x5b: {  	_ =	shalt  }
0x5c: {  	_ =	shalt  }
0x5d: {  	_ =	shalt  }
0x5e: {  	_ =	shalt  }
0x5f: {  	_ =	shalt  }
0x60: {  	_ =	shalt  }
0x61: {  	_ =	shalt  }
0x62: {  	_ =	shalt  }
0x63: {  	_ =	shalt  }
0x64: {  	_ =	shalt  }
0x65: {  	_ =	shalt  }
0x66: {  	_ =	shalt  }
0x67: {  	_ =	shalt  }
0x68: {  	_ =	shalt  }
0x69: {  	_ =	shalt  }
0x6a: {  	_ =	shalt  }
0x6b: {  	_ =	shalt  }
0x6c: {  	_ =	shalt  }
0x6d: {  	_ =	shalt  }
0x6e: {  	_ =	shalt  }
0x6f: {  	_ =	shalt  }
0x70: {  	_ =	shalt  }
0x71: {  	_ =	shalt  }
0x72: {  	_ =	shalt  }
0x73: {  	_ =	shalt  }
0x74: {  	_ =	shalt  }
0x75: {  	_ =	shalt  }
0x76: {  	_ =	shalt  }
0x77: {  	_ =	shalt  }
0x78: {  	_ =	shalt  }
0x79: {  	_ =	shalt  }
0x7a: {  	_ =	shalt  }
0x7b: {  	_ =	shalt  }
0x7c: {  	_ =	shalt  }
0x7d: {  	_ =	shalt  }
0x7e: {  	_ =	shalt  }
0x7f: {  	_ =	shalt  }
0x80: {  	_ =	shalt  }
0x81: {  	_ =	shalt  }
0x82: {  	_ =	shalt  }
0x83: {  	_ =	shalt  }
0x84: {  	_ =	shalt  }
0x85: {  	_ =	shalt  }
0x86: {  	_ =	shalt  }
0x87: {  	_ =	shalt  }
.Lfunc_end0:
.L_simem_size_0:
called_computation_lowered:
.L_overlay_start_0:
0x88: {  	s2 =	sld [smem:$0x3FD9]  }
0x89: {  	s3 =	sld [smem:$0x3FFE];
	_ =	sdelay $0x1  }
0x8a: {  	s1 =	srdreg.scid  }
0x8b: {  	s0 =	sand.u32 $0x1, s1  }
0x8c: {  	s17 =	sshll.u32 s0, $0xA;
	s2 =	sadd.s32 s3, s2  }
0x8d: {  	s2 =	sadd.s32 s2, s17  }
0x8e: {  	[smem:$0x3FAF] =	sst s2  }
0x8f: {  	_ = 	snop  }
0x90: {  	s2 =	sld [smem:$0x3FBE]  }
0x91: {  	s18 =	sld [smem:$0x3FD0];
	(tm) =	ssettm $0x1  }
0x92: {  	s4 =	sld [smem:$0x3FFB];
	_ =	sdelay $0x3  }
0x93: {  	_ =	strace s4  }
0x94: {  	s4 =	sld [smem:$0x3FFC];
	_ =	sdelay $0x3  }
0x95: {  	_ =	strace s4  }
0x96: {  	s4 =	sld [smem:$0x3FFD];
	_ =	sdelay $0x3  }
0x97: {  	_ =	strace s4  }
0x98: {  	_ =	strace $0x8FFFFFFF  }
0x99: {  	s19 =	sld [smem:$0x3FDB];
	_ =	sdelay $0x1  }
0x9a: {  	s5 =	simm.s32 $_scs_section_size  }
0x9b: {  	s6 =	simm.s32 $_size__tile_overlayer_lowered;
	s7 =	simm.s32 $_tile_overlayer_lowered  }
0x9c: {  	s22 =	simm.s32 $0x1BFF;
	s21 =	sshll.u32 s7, $0x1;
	s4 =	sadd.s32 s5, s19  }
0x9d: {  	s8 =	simm.s32 $0x0;
	s20 =	sshll.u32 s6, $0x1;
	s6 =	sadd.s32 s21, s4  }
0x9e: {  	[timem:s8], [sflag:s22] =	dma.local [hbm:s6], s20  }
0x9f: {  	_ =	swait.ge [sflag:s22], s20  }
0xa0: {  	s5 =	ssub.s32 $0x0, s20;
	[sflag:s22] =	ssyncset.done $0x0  }
0xa1: {  	[sflag:s22] =	ssyncadd.s32 s5;
	_ =	sdelay $0x1  }
0xa2: {  	s23 =	simm.s32 $0x1B8B  }
0xa3: {  	_ =	swait.ge [sflag:s23], $0x1  }
0xa4: {  	[sflag:s23] =	ssyncset.done $0x0  }
0xa5: {  	s25 =	simm.s32 $0x1B8E;
	s24 =	sld [smem:$0x3FFE];
	[sflag:s23] =	ssyncadd.s32 $0xFFFFFFFF  }
0xa6: {  	s26 =	simm.s32 $execute0_lowered;
	[smem:$0x3FD2] =	sst s25  }
0xa7: {  	s6 =	sshll.u32 s26, $0x1;
	_ =	strace $0x80000046;
	[dreg:$0x1] =	wrdreg $0xFFFFFFFF  }
0xa8: {  	s28 =	simm.s32 $_size_execute0_lowered;
	s4 =	sadd.s32 s4, s6;
	[dreg:$0x0] =	wrdreg $0x0  }
0xa9: {  	s6 =	sshll.u32 s28, $0x1;
	[dreg:$0x2] =	wrdreg s4  }
0xaa: {  	[dreg:$0x3] =	wrdreg s6  }
0xab: {  	[dreg:$0x4] =	wrdreg $0xC0  }
0xac: {  	_ =	task [dreg:s8], $0x5FFFF  }
0xad: {  	[dreg:$0x1] =	wrdreg $0xFFFFFFFF  }
0xae: {  	[dreg:$0x0] =	wrdreg $0x60  }
0xaf: {  	[dreg:$0x2] =	wrdreg s2  }
0xb0: {  	[dreg:$0x3] =	wrdreg s24  }
0xb1: {  	[dreg:$0x4] =	wrdreg s18  }
0xb2: {  	[dreg:$0x5] =	wrdreg $0x9  }
0xb3: {  	_ =	task.clear_ibuf [dreg:s8], $0x6FFFF;
	_ =	strace $0x90000046  }
0xb4: {  	s29 =	simm.s32 $0x9;
	_ =	strace $0x80000048  }
0xb5: {  	_ =	swait.ge [sflag:s29], $0x1  }
0xb6: {  	[sflag:s29] =	ssyncadd.s32 $0xFFFFFFFF  }
0xb7: {  	_ =	strace $0x90000048  }
0xb8: {  	_ =	sfence  }
0xb9: {  	s30 =	sld [smem:$0x0];
	_ =	sdelay $0x2  }
0xba: {  	s31 =	sshll.u32 s1, $0xD;
	s1 =	sshrl.u32 s1, $0x2  }
0xbb: {  	s3 =	sand.u32 $0x4000, s31;
	s1 =	sadd.s32 s1, s30  }
0xbc: {  	s0 =	sor.u32 s3, s0;
	s1 =	sshll.u32 s1, $0x11  }
0xbd: {  	s0 =	sor.u32 s1, s0  }
0xbe: {  	s0 =	sadd.s32 $0x8F2B, s0  }
0xbf: {  	[sflag:s0] =	ssyncadd.remote.s32 $0x1  }
0xc0: {  	_ =	sfence.sel $0xFFFF  }
0xc1: {  	[dreg:$0x0] =	wrdreg $0xFFFFFFFF;
	(pc) =	sbr.abs _section_cstart, $3  }
0xc2: {  	[dreg:$0x1] =	wrdreg $0xFFFFFFFF  }
0xc3: {  	_ =	task.clear_ibuf [dreg:s8], $0x2FFFF;
	_ =	strace $0x9FFFFFFF  }
0xc4: {  	(tm) =	ssettm $0x7FFFFFFF  }
0xc5: {  	_ =	shalt  }
tec
execute0_lowered:
.L_overlay_start_1:
0x0: {  	(tag) =	ssettag $0x1  }
0x1: {  	s1 =	rddreg [dreg:$0x0]  }
0x2: {  	s0 =	rddreg [dreg:$0x1]  }
0x3: {  	s2 =	rddreg [dreg:$0x2];
	s4 =	srdreg.scid  }
0x4: {  	s6 =	stileid.u32;
	s3 =	simm.s32 $0x0;
	s14 =	simm.s32 $0x1A400  }
0x5: {  	s15 =	simm.s32 $0x1C400;
	s16 =	simm.s32 $0x3;
	s17 =	simm.s32 $0x80  }
0x6: {  	s18 =	simm.s32 $0x10400;
	s19 =	simm.s32 $0x1C480;
	s20 =	simm.s32 $0x14400  }
0x7: {  	s21 =	simm.s32 $0x1;
	s22 =	simm.s32 $0x2;
	s28 =	simm.s32 $0x1C500  }
0x8: {  	s29 =	simm.s32 $0x7;
	s30 =	simm.s32 $0x8;
	s31 =	simm.s32 $0x0  }
0x9: {  	s5 =	sand.u32 $0x1, s4;
	s23 =	sshll.u32 s6, $0x1;
	[smem:$0x7FF] =	sst s3  }
0xa: {  	s4 =	sadd.s32 $0x2E00, s0;
	s8 =	sadd.s32 $0x2E000, s0;
	s6 =	sor.u32 s5, s23  }
0xb: {  	_ =	strace $0x80000047;
	s5 =	ssub.s32 $0x2, s5;
	s23 =	simm.s32 $0x18400  }
0xc: {  	s7 =	sshll.u32 s6, $0x7;
	s9 =	sshll.u32 s6, $0xC;
	s11 =	smul.u32 $0xC000, s6  }
0xd: {  	s10 =	sshll.u32 s6, $0xA;
	s24 =	sshrl.u32 s5, $0x1;
	s25 =	smul.u32 $0x1800, s6  }
0xe: {  	s7 =	sadd.s32 s7, s0;
	s12 =	sadd.s32 s9, s0;
	s0 =	sadd.s32 s10, s0  }
0xf: {  	s13 =	ssub.s32 s5, s24;
	s5 =	sadd.s32 s2, s10;
	s24 =	simm.s32 $0x4  }
0x10: {  	v61 =	vlaneseq.u32;
	s11 =	sshrl.u32 s11, $0x3;
	s6 =	sadd.s32 $0x5000, s7;
	s7 =	sadd.s32 $0x26000, s0  }
0x11: {  	v1 =	vor.u32 $0x10, v61;
	s10 =	sadd.s32 $0x6000, s12;
	s12 =	sadd.s32 $0x6800, s12;
	s13 =	smax.u32 s13, $0x1  }
0x12: {  	v2 =	vor.u32 $0x20, v61;
	v3 =	vor.u32 $0x30, v61;
	v4 =	vor.u32 $0x40, v61;
	s26 =	sadd.s32 s8, s11;
	s8 =	sadd.s32 s8, s25;
	s25 =	simm.s32 $0x5  }
0x13: {  	v5 =	vor.u32 $0x50, v61;
	v6 =	vor.u32 $0x60, v61;
	v7 =	vor.u32 $0x70, v61;
	s9 =	sadd.s32 $0x800, s26;
	s11 =	sadd.s32 $0x1000, s26;
	s26 =	simm.s32 $0x6  }
.LBB2_1:
0x14: {  	[tilespmem:s3], [sflag:$0x1] =	stream.linear.gather [hbm4b:s4+s3], $0x10400, $0x38;
	[tilespmem:$0x1C800] =	vst v63  }
0x15: {  	_ = 	snop  }
0x16: {  	[tilespmem:s14], [sflag:$0x2] =	stream.linear.gather [hbm4b:s5+s3], $0x2000, $0x38;
	[tilespmem:$0x1C800] =	vst v63  }
0x17: {  	_ = 	snop  }
0x18: {  	[tilespmem:s15], [sflag:$0x3] =	stream.linear.gather [hbm4b:s6+s3], $0x400, $0x38;
	[tilespmem:$0x1C800] =	vst v63  }
0x19: {  	_ =	swait.ge [sflag:s16], $0x400  }
0x1a: {  	[sflag:s16] =	ssyncset.done $0x0  }
0x1b: {  	[sflag:s16] =	ssyncadd.s32 $0xFFFFFC00  }
0x1c: {  	[tilespmem:s18], [sflag:$0x4] =	stream.indirect.gather [hbm4b:s1+s17], $0x80, s15, s17, $0xb8;
	[tilespmem:$0x1C800] =	vst v63  }
0x1d: {  	_ = 	snop  }
0x1e: {  	[tilespmem:s20], [sflag:$0x5] =	stream.indirect.gather [hbm4b:s1+s17], $0x80, s19, s17, $0xb8;
	[tilespmem:$0x1C800] =	vst v63  }
0x1f: {  	_ =	swait.ge [sflag:s21], $0x10400  }
0x20: {  	[sflag:s21] =	ssyncset.done $0x0  }
0x21: {  	[sflag:s21] =	ssyncadd.s32 $0xFFFEFC00  }
0x22: {  	_ =	swait.ge [sflag:s22], $0x2000  }
0x23: {  	[sflag:s22] =	ssyncset.done $0x0  }
0x24: {  	s0 =	simm.s32 $0x0;
	[sflag:s22] =	ssyncadd.s32 $0xFFFFE000  }
.LBB2_2:
0x25: {  	s2 =	sshll.u32 s0, $0x7  }
0x26: {  	v25 =	vmov s2  }
0x27: {  	v8 =	vor.u32 $0x20, v25;
	_ =	sdelay $0x3  }
0x28: {  	v10 =	vld.idx.msk [tilespmem:v25+s14+$0x0], $0xffff  }
0x29: {  	v26 =	vld.idx.msk [tilespmem:v8+s14+$0x0], $0xffff;
	_ =	sdelay $0x3  }
0x2a: {  	v11 =	vor.u32 $0x1, v25  }
0x2b: {  	v10 =	vshll.u32 v10, $0x7;
	vm0 =	vgt.s32 v26, $0x0  }
0x2c: {  	v10 =	vnsel vm0, $0x10000, v10  }
0x2d: {  	v12 =	vor.u32 v61, v10  }
0x2e: {  	v13 =	vor.u32 v1, v10  }
0x2f: {  	v11 =	vld.idx.msk [tilespmem:v11+s14+$0x0], $0xffff;
	v14 =	vor.u32 v2, v10  }
0x30: {  	v15 =	vor.u32 v3, v10  }
0x31: {  	v16 =	vor.u32 v4, v10  }
0x32: {  	v46 =	vor.u32 v5, v10;
	v17 =	vld.idx.msk [tilespmem:v12+s3+$0x0], $0xffff  }
0x33: {  	v47 =	vor.u32 $0x2, v25;
	v18 =	vld.idx.msk [tilespmem:v13+s3+$0x0], $0xffff  }
0x34: {  	vm9 =	vgt.s32 v26, $0x1;
	v11 =	vshll.u32 v11, $0x7;
	v48 =	vor.u32 v6, v10;
	v19 =	vld.idx.msk [tilespmem:v14+s3+$0x0], $0xffff  }
0x35: {  	v11 =	vnsel vm9, $0x10000, v11;
	v10 =	vor.u32 v7, v10;
	v20 =	vld.idx.msk [tilespmem:v15+s3+$0x0], $0xffff  }
0x36: {  	v49 =	vor.u32 v61, v11;
	v0 =	vld.idx.msk [tilespmem:v16+s3+$0x0], $0xffff  }
0x37: {  	v50 =	vor.u32 v1, v11;
	v8 =	vld.idx.msk [tilespmem:v46+s3+$0x0], $0xffff  }
0x38: {  	v51 =	vor.u32 v2, v11;
	v13 =	vld.idx.msk [tilespmem:v47+s14+$0x0], $0xffff  }
0x39: {  	v52 =	vor.u32 v3, v11;
	v9 =	vld.idx.msk [tilespmem:v48+s3+$0x0], $0xffff  }
0x3a: {  	v53 =	vor.u32 v4, v11;
	v24 =	vld.idx.msk [tilespmem:v10+s3+$0x0], $0xffff  }
0x3b: {  	v54 =	vor.u32 v5, v11;
	v22 =	vld.idx.msk [tilespmem:v49+s3+$0x0], $0xffff  }
0x3c: {  	v56 =	vor.u32 v6, v11;
	v12 =	vld.idx.msk [tilespmem:v50+s3+$0x0], $0xffff  }
0x3d: {  	v55 =	vor.u32 $0x3, v25;
	v23 =	vld.idx.msk [tilespmem:v51+s3+$0x0], $0xffff  }
0x3e: {  	v11 =	vor.u32 v7, v11;
	v21 =	vld.idx.msk [tilespmem:v52+s3+$0x0], $0xffff  }
0x3f: {  	v34 =	vor.u32 $0x4, v25;
	vm10 =	vgt.s32 v26, $0x2;
	v27 =	vld.idx.msk [tilespmem:v53+s3+$0x0], $0xffff;
	v13 =	vshll.u32 v13, $0x7  }
0x40: {  	v28 =	vld.idx.msk [tilespmem:v54+s3+$0x0], $0xffff;
	v54 =	vor.u32 $0x5, v25;
	v13 =	vnsel vm10, $0x10000, v13  }
0x41: {  	v29 =	vld.idx.msk [tilespmem:v56+s3+$0x0], $0xffff;
	v57 =	vor.u32 v61, v13  }
0x42: {  	[tilespmem:$0x1F870] =	vst v12;
	v12 =	vld.idx.msk [tilespmem:v55+s14+$0x0], $0xffff;
	v58 =	vor.u32 v1, v13  }
0x43: {  	v32 =	vld.idx.msk [tilespmem:v11+s3+$0x0], $0xffff;
	v59 =	vor.u32 v2, v13  }
0x44: {  	v14 =	vld.idx.msk [tilespmem:v34+s14+$0x0], $0xffff;
	v60 =	vor.u32 v3, v13  }
0x45: {  	v10 =	vld.idx.msk [tilespmem:v54+s14+$0x0], $0xffff;
	v62 =	vor.u32 v4, v13  }
0x46: {  	v63 =	vor.u32 v5, v13;
	v30 =	vld.idx.msk [tilespmem:v57+s3+$0x0], $0xffff  }
0x47: {  	vm11 =	vgt.s32 v26, $0x3;
	v35 =	vor.u32 v6, v13;
	v12 =	vshll.u32 v12, $0x7;
	v33 =	vld.idx.msk [tilespmem:v58+s3+$0x0], $0xffff  }
0x48: {  	v13 =	vor.u32 v7, v13;
	v12 =	vnsel vm11, $0x10000, v12;
	v31 =	vld.idx.msk [tilespmem:v59+s3+$0x0], $0xffff  }
0x49: {  	v37 =	vld.idx.msk [tilespmem:v60+s3+$0x0], $0xffff;
	v36 =	vor.u32 v61, v12  }
0x4a: {  	v38 =	vld.idx.msk [tilespmem:v62+s3+$0x0], $0xffff;
	v39 =	vor.u32 v1, v12  }
0x4b: {  	v41 =	vld.idx.msk [tilespmem:v63+s3+$0x0], $0xffff;
	v40 =	vor.u32 v2, v12  }
0x4c: {  	v44 =	vld.idx.msk [tilespmem:v35+s3+$0x0], $0xffff;
	v42 =	vor.u32 v3, v12  }
0x4d: {  	v50 =	vld.idx.msk [tilespmem:v13+s3+$0x0], $0xffff;
	v43 =	vor.u32 v4, v12  }
0x4e: {  	v47 =	vor.u32 v5, v12;
	v45 =	vld.idx.msk [tilespmem:v36+s3+$0x0], $0xffff  }
0x4f: {  	vm12 =	vgt.s32 v26, $0x4;
	v14 =	vshll.u32 v14, $0x7;
	v55 =	vor.u32 v6, v12;
	v51 =	vld.idx.msk [tilespmem:v39+s3+$0x0], $0xffff  }
0x50: {  	v14 =	vnsel vm12, $0x10000, v14;
	v12 =	vor.u32 v7, v12;
	v34 =	vld.idx.msk [tilespmem:v40+s3+$0x0], $0xffff  }
0x51: {  	v56 =	vor.u32 v61, v14;
	v35 =	vld.idx.msk [tilespmem:v42+s3+$0x0], $0xffff  }
0x52: {  	v57 =	vor.u32 v1, v14;
	v39 =	vld.idx.msk [tilespmem:v43+s3+$0x0], $0xffff  }
0x53: {  	v58 =	vor.u32 v2, v14;
	v36 =	vld.idx.msk [tilespmem:v47+s3+$0x0], $0xffff  }
0x54: {  	v59 =	vor.u32 v3, v14;
	v46 =	vld.idx.msk [tilespmem:v55+s3+$0x0], $0xffff  }
0x55: {  	v60 =	vor.u32 v4, v14;
	v42 =	vld.idx.msk [tilespmem:v12+s3+$0x0], $0xffff  }
0x56: {  	vm13 =	vgt.s32 v26, $0x5;
	v10 =	vshll.u32 v10, $0x7;
	v63 =	vor.u32 $0x6, v25;
	v47 =	vld.idx.msk [tilespmem:v56+s3+$0x0], $0xffff  }
0x57: {  	v10 =	vnsel vm13, $0x10000, v10;
	v43 =	vld.idx.msk [tilespmem:v57+s3+$0x0], $0xffff  }
0x58: {  	v49 =	vor.u32 v61, v10;
	v48 =	vld.idx.msk [tilespmem:v58+s3+$0x0], $0xffff  }
0x59: {  	v53 =	vor.u32 v1, v10;
	v54 =	vor.u32 v2, v10;
	v52 =	vld.idx.msk [tilespmem:v59+s3+$0x0], $0xffff  }
0x5a: {  	v40 =	vor.u32 v6, v14;
	v58 =	vld.idx.msk [tilespmem:v60+s3+$0x0], $0xffff;
	v56 =	vor.u32 v3, v10;
	v57 =	vor.u32 v4, v10  }
0x5b: {  	v11 =	vld.idx.msk [tilespmem:v63+s14+$0x0], $0xffff;
	v59 =	vor.u32 v5, v10;
	v60 =	vor.u32 v6, v10;
	v10 =	vor.u32 v7, v10  }
0x5c: {  	v13 =	vor.u32 $0x7, v25  }
0x5d: {  	v12 =	vld.idx.msk [tilespmem:v49+s3+$0x0], $0xffff  }
0x5e: {  	v49 =	vld.idx.msk [tilespmem:v53+s3+$0x0], $0xffff  }
0x5f: {  	v15 =	vld.idx.msk [tilespmem:v40+s3+$0x0], $0xffff  }
0x60: {  	vm14 =	vgt.s32 v26, $0x6;
	v11 =	vshll.u32 v11, $0x7;
	v10 =	vld.idx.msk [tilespmem:v10+s3+$0x0], $0xffff  }
0x61: {  	v13 =	vld.idx.msk [tilespmem:v13+s14+$0x0], $0xffff;
	v11 =	vnsel vm14, $0x10000, v11  }
0x62: {  	v40 =	vld.idx.msk [tilespmem:v54+s3+$0x0], $0xffff;
	v63 =	vor.u32 v61, v11  }
0x63: {  	v53 =	vld.idx.msk [tilespmem:v56+s3+$0x0], $0xffff;
	v16 =	vor.u32 v3, v11  }
0x64: {  	v54 =	vld.idx.msk [tilespmem:v57+s3+$0x0], $0xffff;
	[tilespmem:$0x1F880] =	vst v15;
	v15 =	vor.u32 v2, v11  }
0x65: {  	v56 =	vld.idx.msk [tilespmem:v59+s3+$0x0], $0xffff;
	[tilespmem:$0x1F8A0] =	vst v10;
	v10 =	vor.u32 v4, v11  }
0x66: {  	v59 =	vld.idx.msk [tilespmem:v60+s3+$0x0], $0xffff  }
0x67: {  	[tilespmem:$0x1F890] =	vst v12;
	v12 =	vor.u32 v1, v11;
	v60 =	vld.idx.msk [tilespmem:v63+s3+$0x0], $0xffff  }
0x68: {  	v16 =	vld.idx.msk [tilespmem:v16+s3+$0x0], $0xffff  }
0x69: {  	v57 =	vor.u32 v5, v11;
	v63 =	vld.idx.msk [tilespmem:v15+s3+$0x0], $0xffff;
	v15 =	vor.u32 v6, v11;
	v11 =	vor.u32 v7, v11  }
0x6a: {  	v10 =	vld.idx.msk [tilespmem:v10+s3+$0x0], $0xffff;
	_ =	sdelay $0x1  }
0x6b: {  	vm15 =	vgt.s32 v26, $0x7;
	v13 =	vshll.u32 v13, $0x7;
	v12 =	vld.idx.msk [tilespmem:v12+s3+$0x0], $0xffff  }
0x6c: {  	v62 =	vor.u32 v5, v14;
	v13 =	vnsel vm15, $0x10000, v13  }
0x6d: {  	[tilespmem:$0x1F8C0] =	vst v16;
	v16 =	vor.u32 v2, v13;
	v11 =	vld.idx.msk [tilespmem:v11+s3+$0x0], $0xffff  }
0x6e: {  	[tilespmem:$0x1F8D0] =	vst v10;
	v10 =	vor.u32 v61, v13;
	v15 =	vld.idx.msk [tilespmem:v15+s3+$0x0], $0xffff  }
0x6f: {  	v14 =	vor.u32 v7, v14  }
0x70: {  	[tilespmem:$0x1F8B0] =	vst v12;
	v12 =	vor.u32 $0x8, v25  }
0x71: {  	v55 =	vld.idx.msk [tilespmem:v62+s3+$0x0], $0xffff  }
0x72: {  	v16 =	vld.idx.msk [tilespmem:v16+s3+$0x0], $0xffff;
	[tilespmem:$0x1F900] =	vst v11;
	v11 =	vor.u32 v4, v13  }
0x73: {  	[tilespmem:$0x1F8F0] =	vst v15;
	v15 =	vor.u32 v3, v13;
	v10 =	vld.idx.msk [tilespmem:v10+s3+$0x0], $0xffff  }
0x74: {  	v62 =	vld.idx.msk [tilespmem:v14+s3+$0x0], $0xffff  }
0x75: {  	v12 =	vld.idx.msk [tilespmem:v12+s14+$0x0], $0xffff  }
0x76: {  	v14 =	vld.idx.msk [tilespmem:v57+s3+$0x0], $0xffff  }
0x77: {  	v57 =	vor.u32 v1, v13;
	[tilespmem:$0x1F920] =	vst v16;
	v16 =	vor.u32 v6, v13;
	v11 =	vld.idx.msk [tilespmem:v11+s3+$0x0], $0xffff  }
0x78: {  	[tilespmem:$0x1F910] =	vst v10;
	v10 =	vor.u32 v5, v13;
	v15 =	vld.idx.msk [tilespmem:v15+s3+$0x0], $0xffff;
	v13 =	vor.u32 v7, v13;
	_ =	sdelay $0x1  }
0x79: {  	vm4 =	vgt.s32 v26, $0x8;
	v12 =	vshll.u32 v12, $0x7  }
0x7a: {  	v12 =	vnsel vm4, $0x10000, v12  }
0x7b: {  	v16 =	vld.idx.msk [tilespmem:v16+s3+$0x0], $0xffff;
	[tilespmem:$0x1F940] =	vst v11;
	v11 =	vor.u32 v61, v12  }
0x7c: {  	[tilespmem:$0x1F930] =	vst v15;
	v15 =	vor.u32 v2, v12;
	v13 =	vld.idx.msk [tilespmem:v13+s3+$0x0], $0xffff;
	_ =	sdelay $0x1  }
0x7d: {  	[tilespmem:$0x1F8E0] =	vst v14;
	v14 =	vor.u32 $0x9, v25  }
0x7e: {  	v10 =	vld.idx.msk [tilespmem:v10+s3+$0x0], $0xffff  }
0x7f: {  	[tilespmem:$0x1F960] =	vst v16;
	v16 =	vor.u32 v3, v12;
	v11 =	vld.idx.msk [tilespmem:v11+s3+$0x0], $0xffff  }
0x80: {  	[tilespmem:$0x1F970] =	vst v13;
	v13 =	vor.u32 v4, v12;
	v15 =	vld.idx.msk [tilespmem:v15+s3+$0x0], $0xffff;
	_ =	sdelay $0x1  }
0x81: {  	v14 =	vld.idx.msk [tilespmem:v14+s14+$0x0], $0xffff  }
0x82: {  	[tilespmem:$0x1F950] =	vst v10;
	v10 =	vor.u32 v1, v12  }
0x83: {  	v16 =	vld.idx.msk [tilespmem:v16+s3+$0x0], $0xffff;
	[tilespmem:$0x1F980] =	vst v11;
	v11 =	vor.u32 v5, v12  }
0x84: {  	[tilespmem:$0x1F9A0] =	vst v15;
	v15 =	vor.u32 v6, v12;
	v12 =	vor.u32 v7, v12;
	v13 =	vld.idx.msk [tilespmem:v13+s3+$0x0], $0xffff;
	_ =	sdelay $0x1  }
0x85: {  	vm5 =	vgt.s32 v26, $0x9;
	v14 =	vshll.u32 v14, $0x7  }
0x86: {  	v14 =	vnsel vm5, $0x10000, v14;
	v10 =	vld.idx.msk [tilespmem:v10+s3+$0x0], $0xffff  }
0x87: {  	[tilespmem:$0x1F9B0] =	vst v16;
	v16 =	vor.u32 v2, v14  }
0x88: {  	[tilespmem:$0x1F9C0] =	vst v13;
	v13 =	vor.u32 v61, v14;
	v12 =	vld.idx.msk [tilespmem:v12+s3+$0x0], $0xffff  }
0x89: {  	v15 =	vld.idx.msk [tilespmem:v15+s3+$0x0], $0xffff  }
0x8a: {  	v11 =	vld.idx.msk [tilespmem:v11+s3+$0x0], $0xffff  }
0x8b: {  	[tilespmem:$0x1F990] =	vst v10;
	v10 =	vor.u32 $0xA, v25  }
0x8c: {  	v16 =	vld.idx.msk [tilespmem:v16+s3+$0x0], $0xffff  }
0x8d: {  	[tilespmem:$0x1F9F0] =	vst v12;
	v12 =	vor.u32 v4, v14;
	v13 =	vld.idx.msk [tilespmem:v13+s3+$0x0], $0xffff  }
0x8e: {  	[tilespmem:$0x1F9E0] =	vst v15;
	v15 =	vor.u32 v3, v14  }
0x8f: {  	[tilespmem:$0x1F9D0] =	vst v11;
	v11 =	vor.u32 v1, v14  }
0x90: {  	v10 =	vld.idx.msk [tilespmem:v10+s14+$0x0], $0xffff  }
0x91: {  	[tilespmem:$0x1FA20] =	vst v16;
	v16 =	vor.u32 v6, v14  }
0x92: {  	[tilespmem:$0x1FA00] =	vst v13;
	v13 =	vor.u32 v5, v14;
	v14 =	vor.u32 v7, v14;
	v12 =	vld.idx.msk [tilespmem:v12+s3+$0x0], $0xffff  }
0x93: {  	v15 =	vld.idx.msk [tilespmem:v15+s3+$0x0], $0xffff  }
0x94: {  	v11 =	vld.idx.msk [tilespmem:v11+s3+$0x0], $0xffff  }
0x95: {  	vm6 =	vgt.s32 v26, $0xA;
	v10 =	vshll.u32 v10, $0x7  }
0x96: {  	v10 =	vnsel vm6, $0x10000, v10;
	v16 =	vld.idx.msk [tilespmem:v16+s3+$0x0], $0xffff  }
0x97: {  	[tilespmem:$0x1FA40] =	vst v12;
	v12 =	vor.u32 v61, v10;
	v14 =	vld.idx.msk [tilespmem:v14+s3+$0x0], $0xffff  }
0x98: {  	[tilespmem:$0x1FA30] =	vst v15;
	v15 =	vor.u32 v2, v10  }
0x99: {  	[tilespmem:$0x1FA10] =	vst v11;
	v11 =	vor.u32 $0xB, v25;
	_ =	sdelay $0x1  }
0x9a: {  	v13 =	vld.idx.msk [tilespmem:v13+s3+$0x0], $0xffff;
	[tilespmem:$0x1FA60] =	vst v16;
	v16 =	vor.u32 v3, v10  }
0x9b: {  	[tilespmem:$0x1FA70] =	vst v14;
	v14 =	vor.u32 v4, v10;
	v12 =	vld.idx.msk [tilespmem:v12+s3+$0x0], $0xffff  }
0x9c: {  	v15 =	vld.idx.msk [tilespmem:v15+s3+$0x0], $0xffff  }
0x9d: {  	v11 =	vld.idx.msk [tilespmem:v11+s14+$0x0], $0xffff;
	_ =	sdelay $0x1  }
0x9e: {  	[tilespmem:$0x1FA50] =	vst v13;
	v13 =	vor.u32 v1, v10;
	v16 =	vld.idx.msk [tilespmem:v16+s3+$0x0], $0xffff  }
0x9f: {  	[tilespmem:$0x1FA80] =	vst v12;
	v12 =	vor.u32 v5, v10;
	v14 =	vld.idx.msk [tilespmem:v14+s3+$0x0], $0xffff  }
0xa0: {  	[tilespmem:$0x1FAA0] =	vst v15;
	v15 =	vor.u32 v6, v10;
	v10 =	vor.u32 v7, v10  }
0xa1: {  	vm7 =	vgt.s32 v26, $0xB;
	v11 =	vshll.u32 v11, $0x7  }
0xa2: {  	v11 =	vnsel vm7, $0x10000, v11  }
0xa3: {  	v13 =	vld.idx.msk [tilespmem:v13+s3+$0x0], $0xffff;
	[tilespmem:$0x1FAB0] =	vst v16;
	v16 =	vor.u32 v2, v11  }
0xa4: {  	[tilespmem:$0x1FAC0] =	vst v14;
	v14 =	vor.u32 v61, v11;
	v12 =	vld.idx.msk [tilespmem:v12+s3+$0x0], $0xffff  }
0xa5: {  	v10 =	vld.idx.msk [tilespmem:v10+s3+$0x0], $0xffff  }
0xa6: {  	v15 =	vld.idx.msk [tilespmem:v15+s3+$0x0], $0xffff;
	_ =	sdelay $0x1  }
0xa7: {  	[tilespmem:$0x1FA90] =	vst v13;
	v13 =	vor.u32 $0xC, v25;
	v16 =	vld.idx.msk [tilespmem:v16+s3+$0x0], $0xffff  }
0xa8: {  	[tilespmem:$0x1FAD0] =	vst v12;
	v12 =	vor.u32 v1, v11;
	v14 =	vld.idx.msk [tilespmem:v14+s3+$0x0], $0xffff  }
0xa9: {  	[tilespmem:$0x1FAF0] =	vst v10;
	v10 =	vor.u32 v4, v11  }
0xaa: {  	[tilespmem:$0x1FAE0] =	vst v15;
	v15 =	vor.u32 v3, v11;
	_ =	sdelay $0x1  }
0xab: {  	v13 =	vld.idx.msk [tilespmem:v13+s14+$0x0], $0xffff;
	[tilespmem:$0x1FB20] =	vst v16;
	v16 =	vor.u32 v6, v11  }
0xac: {  	[tilespmem:$0x1FB00] =	vst v14;
	v14 =	vor.u32 v5, v11;
	v12 =	vld.idx.msk [tilespmem:v12+s3+$0x0], $0xffff;
	v11 =	vor.u32 v7, v11  }
0xad: {  	v10 =	vld.idx.msk [tilespmem:v10+s3+$0x0], $0xffff  }
0xae: {  	v15 =	vld.idx.msk [tilespmem:v15+s3+$0x0], $0xffff;
	_ =	sdelay $0x1  }
0xaf: {  	vm8 =	vgt.s32 v26, $0xC;
	v13 =	vshll.u32 v13, $0x7;
	v16 =	vld.idx.msk [tilespmem:v16+s3+$0x0], $0xffff  }
0xb0: {  	v13 =	vnsel vm8, $0x10000, v13;
	[tilespmem:$0x1FB10] =	vst v12;
	v12 =	vor.u32 $0xD, v25;
	v11 =	vld.idx.msk [tilespmem:v11+s3+$0x0], $0xffff  }
0xb1: {  	[tilespmem:$0x1FB40] =	vst v10;
	v10 =	vor.u32 v61, v13  }
0xb2: {  	[tilespmem:$0x1FB30] =	vst v15;
	v15 =	vor.u32 v2, v13;
	_ =	sdelay $0x1  }
0xb3: {  	v14 =	vld.idx.msk [tilespmem:v14+s3+$0x0], $0xffff;
	[tilespmem:$0x1FB60] =	vst v16;
	v16 =	vor.u32 v3, v13  }
0xb4: {  	v12 =	vld.idx.msk [tilespmem:v12+s14+$0x0], $0xffff;
	[tilespmem:$0x1FB70] =	vst v11;
	v11 =	vor.u32 v4, v13  }
0xb5: {  	v10 =	vld.idx.msk [tilespmem:v10+s3+$0x0], $0xffff  }
0xb6: {  	v15 =	vld.idx.msk [tilespmem:v15+s3+$0x0], $0xffff;
	_ =	sdelay $0x1  }
0xb7: {  	[tilespmem:$0x1FB50] =	vst v14;
	v14 =	vor.u32 v1, v13;
	v16 =	vld.idx.msk [tilespmem:v16+s3+$0x0], $0xffff  }
0xb8: {  	v11 =	vld.idx.msk [tilespmem:v11+s3+$0x0], $0xffff  }
0xb9: {  	vm9 =	vgt.s32 v26, $0xD;
	[tilespmem:$0x1FB80] =	vst v10;
	v10 =	vor.u32 v5, v13  }
0xba: {  	[tilespmem:$0x1FBA0] =	vst v15;
	v12 =	vshll.u32 v12, $0x7;
	v15 =	vor.u32 v6, v13;
	v13 =	vor.u32 v7, v13  }
0xbb: {  	v12 =	vnsel vm9, $0x10000, v12  }
0xbc: {  	v14 =	vld.idx.msk [tilespmem:v14+s3+$0x0], $0xffff;
	[tilespmem:$0x1FBB0] =	vst v16;
	v16 =	vor.u32 v2, v12  }
0xbd: {  	[tilespmem:$0x1FBC0] =	vst v11;
	v11 =	vor.u32 v61, v12  }
0xbe: {  	v10 =	vld.idx.msk [tilespmem:v10+s3+$0x0], $0xffff  }
0xbf: {  	v13 =	vld.idx.msk [tilespmem:v13+s3+$0x0], $0xffff  }
0xc0: {  	v15 =	vld.idx.msk [tilespmem:v15+s3+$0x0], $0xffff  }
0xc1: {  	[tilespmem:$0x1FB90] =	vst v14;
	v14 =	vor.u32 $0xE, v25;
	v16 =	vld.idx.msk [tilespmem:v16+s3+$0x0], $0xffff  }
0xc2: {  	v11 =	vld.idx.msk [tilespmem:v11+s3+$0x0], $0xffff  }
0xc3: {  	[tilespmem:$0x1FBD0] =	vst v10  }
0xc4: {  	[tilespmem:$0x1FBF0] =	vst v13;
	v13 =	vor.u32 v4, v12  }
0xc5: {  	v10 =	vor.u32 v1, v12;
	[tilespmem:$0x1FBE0] =	vst v15  }
0xc6: {  	v14 =	vld.idx.msk [tilespmem:v14+s14+$0x0], $0xffff;
	v15 =	vor.u32 v3, v12;
	[tilespmem:$0x1FC20] =	vst v16  }
0xc7: {  	v16 =	vor.u32 v6, v12;
	[tilespmem:$0x1FC00] =	vst v11;
	v11 =	vor.u32 v5, v12;
	v12 =	vor.u32 v7, v12;
	_ =	sdelay $0x1  }
0xc8: {  	v13 =	vld.idx.msk [tilespmem:v13+s3+$0x0], $0xffff  }
0xc9: {  	v10 =	vld.idx.msk [tilespmem:v10+s3+$0x0], $0xffff;
	_ =	sdelay $0x1  }
0xca: {  	vm10 =	vgt.s32 v26, $0xE;
	v14 =	vshll.u32 v14, $0x7;
	v12 =	vld.idx.msk [tilespmem:v12+s3+$0x0], $0xffff  }
0xcb: {  	v14 =	vnsel vm10, $0x10000, v14  }
0xcc: {  	[tilespmem:$0x1FC40] =	vst v13;
	v13 =	vor.u32 v61, v14  }
0xcd: {  	[tilespmem:$0x1FC10] =	vst v10;
	v10 =	vor.u32 $0xF, v25;
	_ =	sdelay $0x1  }
0xce: {  	v15 =	vld.idx.msk [tilespmem:v15+s3+$0x0], $0xffff;
	[tilespmem:$0x1FC70] =	vst v12;
	v12 =	vor.u32 v4, v14  }
0xcf: {  	v11 =	vld.idx.msk [tilespmem:v11+s3+$0x0], $0xffff  }
0xd0: {  	v13 =	vld.idx.msk [tilespmem:v13+s3+$0x0], $0xffff  }
0xd1: {  	v10 =	vld.idx.msk [tilespmem:v10+s14+$0x0], $0xffff;
	_ =	sdelay $0x1  }
0xd2: {  	v12 =	vld.idx.msk [tilespmem:v12+s3+$0x0], $0xffff  }
0xd3: {  	[tilespmem:$0x1FC30] =	vst v15;
	v15 =	vor.u32 v2, v14  }
0xd4: {  	v16 =	vld.idx.msk [tilespmem:v16+s3+$0x0], $0xffff;
	[tilespmem:$0x1FC80] =	vst v13;
	v13 =	vor.u32 v5, v14  }
0xd5: {  	vm11 =	vgt.s32 v26, $0xF;
	[tilespmem:$0x1FC50] =	vst v11;
	v11 =	vor.u32 v1, v14;
	v10 =	vshll.u32 v10, $0x7  }
0xd6: {  	v10 =	vnsel vm11, $0x10000, v10  }
0xd7: {  	[tilespmem:$0x1FCC0] =	vst v12;
	v12 =	vor.u32 v61, v10  }
0xd8: {  	v15 =	vld.idx.msk [tilespmem:v15+s3+$0x0], $0xffff  }
0xd9: {  	[tilespmem:$0x1FC60] =	vst v16;
	v16 =	vor.u32 v3, v14;
	v13 =	vld.idx.msk [tilespmem:v13+s3+$0x0], $0xffff  }
0xda: {  	v11 =	vld.idx.msk [tilespmem:v11+s3+$0x0], $0xffff;
	_ =	sdelay $0x1  }
0xdb: {  	v12 =	vld.idx.msk [tilespmem:v12+s3+$0x0], $0xffff  }
0xdc: {  	[tilespmem:$0x1FCA0] =	vst v15;
	v15 =	vor.u32 v6, v14  }
0xdd: {  	v16 =	vld.idx.msk [tilespmem:v16+s3+$0x0], $0xffff;
	[tilespmem:$0x1FCD0] =	vst v13;
	v13 =	vor.u32 v1, v10  }
0xde: {  	[tilespmem:$0x1FC90] =	vst v11;
	v11 =	vor.u32 $0x10, v25;
	_ =	sdelay $0x1  }
0xdf: {  	[tilespmem:$0x1FD00] =	vst v12;
	v12 =	vor.u32 v4, v10  }
0xe0: {  	v15 =	vld.idx.msk [tilespmem:v15+s3+$0x0], $0xffff  }
0xe1: {  	[tilespmem:$0x1FCB0] =	vst v16;
	v16 =	vor.u32 v2, v10;
	v13 =	vld.idx.msk [tilespmem:v13+s3+$0x0], $0xffff  }
0xe2: {  	v11 =	vld.idx.msk [tilespmem:v11+s14+$0x0], $0xffff;
	_ =	sdelay $0x1  }
0xe3: {  	v12 =	vld.idx.msk [tilespmem:v12+s3+$0x0], $0xffff  }
0xe4: {  	[tilespmem:$0x1FCE0] =	vst v15;
	v15 =	vor.u32 v3, v10  }
0xe5: {  	v16 =	vld.idx.msk [tilespmem:v16+s3+$0x0], $0xffff;
	[tilespmem:$0x1FD10] =	vst v13;
	v13 =	vor.u32 v5, v10  }
0xe6: {  	vm12 =	vgt.s32 v26, $0x10;
	v11 =	vshll.u32 v11, $0x7  }
0xe7: {  	v11 =	vnsel vm12, $0x10000, v11  }
0xe8: {  	[tilespmem:$0x1FD40] =	vst v12;
	v12 =	vor.u32 v1, v11  }
0xe9: {  	v15 =	vld.idx.msk [tilespmem:v15+s3+$0x0], $0xffff  }
0xea: {  	[tilespmem:$0x1FD20] =	vst v16;
	v16 =	vor.u32 v6, v10;
	v13 =	vld.idx.msk [tilespmem:v13+s3+$0x0], $0xffff  }
0xeb: {  	v14 =	vor.u32 v7, v14;
	_ =	sdelay $0x1  }
0xec: {  	v10 =	vor.u32 v7, v10;
	v12 =	vld.idx.msk [tilespmem:v12+s3+$0x0], $0xffff  }
0xed: {  	[tilespmem:$0x1FD30] =	vst v15;
	v15 =	vor.u32 v61, v11  }
0xee: {  	v16 =	vld.idx.msk [tilespmem:v16+s3+$0x0], $0xffff;
	[tilespmem:$0x1FD50] =	vst v13;
	v13 =	vor.u32 v2, v11  }
0xef: {  	v14 =	vld.idx.msk [tilespmem:v14+s3+$0x0], $0xffff;
	_ =	sdelay $0x1  }
0xf0: {  	v20 =	vadd.f32 $0.0e+00, v20;
	v10 =	vld.idx.msk [tilespmem:v10+s3+$0x0], $0xffff;
	[tilespmem:$0x1FD90] =	vst v12;
	v12 =	vor.u32 $0x12, v25  }
0xf1: {  	v17 =	vadd.f32 $0.0e+00, v17;
	v15 =	vld.idx.msk [tilespmem:v15+s3+$0x0], $0xffff  }
0xf2: {  	v20 =	vadd.f32 v21, v20;
	v21 =	vadd.f32 $0.0e+00, v0;
	[tilespmem:$0x1FD60] =	vst v16;
	v16 =	vor.u32 v3, v11;
	v0 =	vld.idx.msk [tilespmem:v13+s3+$0x0], $0xffff  }
0xf3: {  	[tilespmem:$0x1FCF0] =	vst v14;
	v14 =	vor.u32 $0x11, v25  }
0xf4: {  	v17 =	vadd.f32 v22, v17;
	v22 =	vld [tilespmem:$0x1F870]  }
0xf5: {  	v19 =	vadd.f32 $0.0e+00, v19;
	[tilespmem:$0x1FD70] =	vst v10;
	v10 =	vor.u32 v4, v11;
	v12 =	vld.idx.msk [tilespmem:v12+s14+$0x0], $0xffff  }
0xf6: {  	[tilespmem:$0x1FD80] =	vst v15;
	v15 =	vor.u32 v5, v11;
	v13 =	vor.u32 v6, v11;
	v11 =	vor.u32 v7, v11  }
0xf7: {  	v18 =	vadd.f32 $0.0e+00, v18;
	v19 =	vadd.f32 v23, v19;
	[tilespmem:$0x1FDA0] =	vst v0;
	v0 =	vld.idx.msk [tilespmem:v16+s3+$0x0], $0xffff  }
0xf8: {  	v23 =	vadd.f32 $0.0e+00, v9;
	v17 =	vadd.f32 v30, v17;
	v14 =	vld.idx.msk [tilespmem:v14+s14+$0x0], $0xffff  }
0xf9: {  	v18 =	vadd.f32 v22, v18;
	v22 =	vadd.f32 $0.0e+00, v8  }
0xfa: {  	vm14 =	vgt.s32 v26, $0x12;
	v16 =	vadd.f32 v27, v21;
	v12 =	vshll.u32 v12, $0x7  }
0xfb: {  	v21 =	vadd.f32 v28, v22;
	v22 =	vadd.f32 v29, v23;
	v30 =	vld.idx.msk [tilespmem:v11+s3+$0x0], $0xffff;
	v12 =	vnsel vm14, $0x10000, v12  }
0xfc: {  	[tilespmem:$0x1FDB0] =	vst v0;
	v0 =	vld [tilespmem:$0x1F880];
	v11 =	vor.u32 v61, v12  }
0xfd: {  	vm13 =	vgt.s32 v26, $0x11;
	v14 =	vshll.u32 v14, $0x7;
	v22 =	vadd.f32 v44, v22  }
0xfe: {  	v20 =	vadd.f32 v37, v20;
	v14 =	vnsel vm13, $0x10000, v14  }
0xff: {  	v37 =	vor.u32 v4, v14;
	v21 =	vadd.f32 v41, v21;
	v46 =	vadd.f32 v46, v22  }
0x100: {  	v17 =	vadd.f32 v45, v17;
	v45 =	vadd.f32 v35, v20;
	v44 =	vor.u32 v6, v14  }
0x101: {  	v20 =	vadd.f32 v36, v21;
	v21 =	vadd.f32 v0, v46;
	v0 =	vld.idx.msk [tilespmem:v11+s3+$0x0], $0xffff;
	_ =	sdelay $0x2  }
0x102: {  	v35 =	vld.idx.msk [tilespmem:v37+s3+$0x0], $0xffff  }
0x103: {  	v37 =	vld.idx.msk [tilespmem:v44+s3+$0x0], $0xffff  }
0x104: {  	v24 =	vadd.f32 $0.0e+00, v24;
	v44 =	vor.u32 v3, v12;
	[tilespmem:$0x1FDC0] =	vst v0;
	v0 =	vld [tilespmem:$0x1F890]  }
0x105: {  	v27 =	vld.idx.msk [tilespmem:v10+s3+$0x0], $0xffff  }
0x106: {  	v17 =	vadd.f32 v47, v17;
	v10 =	vor.u32 v61, v14;
	v23 =	vadd.f32 v32, v24;
	v28 =	vld.idx.msk [tilespmem:v15+s3+$0x0], $0xffff  }
0x107: {  	v15 =	vor.u32 v1, v14;
	v24 =	vor.u32 v2, v14;
	v29 =	vld.idx.msk [tilespmem:v13+s3+$0x0], $0xffff;
	v13 =	vor.u32 v3, v14  }
0x108: {  	v16 =	vadd.f32 v38, v16;
	v38 =	vor.u32 v5, v14;
	v41 =	vor.u32 v7, v14  }
0x109: {  	v14 =	vadd.f32 v52, v45;
	v45 =	vor.u32 v4, v12;
	v17 =	vadd.f32 v0, v17;
	v0 =	vld.idx.msk [tilespmem:v44+s3+$0x0], $0xffff;
	_ =	sdelay $0x4  }
0x10a: {  	v46 =	vor.u32 v5, v12;
	[tilespmem:$0x1FDD0] =	vst v0;
	v0 =	vld.idx.msk [tilespmem:v45+s3+$0x0], $0xffff;
	_ =	sdelay $0x4  }
0x10b: {  	[tilespmem:$0x1FDE0] =	vst v0;
	v0 =	vld.idx.msk [tilespmem:v46+s3+$0x0], $0xffff;
	_ =	sdelay $0x3  }
0x10c: {  	v18 =	vadd.f32 v33, v18;
	v23 =	vadd.f32 v50, v23  }
0x10d: {  	v19 =	vadd.f32 v31, v19;
	[tilespmem:$0x1FDF0] =	vst v0;
	v0 =	vld [tilespmem:$0x1F8A0]  }
0x10e: {  	v18 =	vadd.f32 v51, v18;
	v51 =	vadd.f32 v42, v23;
	_ =	sdelay $0x1  }
0x10f: {  	v19 =	vadd.f32 v34, v19;
	v22 =	vadd.f32 v62, v51;
	_ =	sdelay $0x1  }
0x110: {  	v19 =	vadd.f32 v48, v19;
	v48 =	vor.u32 v6, v12;
	v22 =	vadd.f32 v0, v22;
	v0 =	vld [tilespmem:$0x1F8B0]  }
0x111: {  	v18 =	vadd.f32 v43, v18;
	_ =	sdelay $0x1  }
0x112: {  	v18 =	vadd.f32 v49, v18;
	_ =	sdelay $0x1  }
0x113: {  	v18 =	vadd.f32 v0, v18;
	v0 =	vld.idx.msk [tilespmem:v48+s3+$0x0], $0xffff;
	_ =	sdelay $0x4  }
0x114: {  	v50 =	vor.u32 v1, v12;
	v42 =	vor.u32 v2, v12;
	v12 =	vor.u32 v7, v12;
	[tilespmem:$0x1FE00] =	vst v0;
	v0 =	vld [tilespmem:$0x1F8C0];
	_ =	sdelay $0x2  }
0x115: {  	v14 =	vadd.f32 v53, v14;
	v33 =	vld.idx.msk [tilespmem:v15+s3+$0x0], $0xffff;
	v15 =	vor.u32 $0x13, v25;
	_ =	sdelay $0x1  }
0x116: {  	v14 =	vadd.f32 v0, v14;
	v0 =	vld.idx.msk [tilespmem:v12+s3+$0x0], $0xffff;
	_ =	sdelay $0x2  }
0x117: {  	v15 =	vld.idx.msk [tilespmem:v15+s14+$0x0], $0xffff  }
0x118: {  	v16 =	vadd.f32 v39, v16  }
0x119: {  	[tilespmem:$0x1FE10] =	vst v0;
	v0 =	vld [tilespmem:$0x1F8D0]  }
0x11a: {  	v16 =	vadd.f32 v58, v16;
	_ =	sdelay $0x1  }
0x11b: {  	vm15 =	vgt.s32 v26, $0x13;
	v16 =	vadd.f32 v54, v16;
	v15 =	vshll.u32 v15, $0x7  }
0x11c: {  	v15 =	vnsel vm15, $0x10000, v15  }
0x11d: {  	v49 =	vor.u32 v61, v15;
	v16 =	vadd.f32 v0, v16;
	v0 =	vld [tilespmem:$0x1F8E0]  }
0x11e: {  	v20 =	vadd.f32 v55, v20;
	_ =	sdelay $0x1  }
0x11f: {  	v20 =	vadd.f32 v56, v20;
	_ =	sdelay $0x1  }
0x120: {  	v20 =	vadd.f32 v0, v20;
	v0 =	vld.idx.msk [tilespmem:v49+s3+$0x0], $0xffff;
	_ =	sdelay $0x4  }
0x121: {  	[tilespmem:$0x1FE20] =	vst v0;
	v0 =	vld [tilespmem:$0x1F8F0];
	_ =	sdelay $0x2  }
0x122: {  	v21 =	vadd.f32 v59, v21  }
0x123: {  	v62 =	vld.idx.msk [tilespmem:v50+s3+$0x0], $0xffff  }
0x124: {  	v50 =	vor.u32 v1, v15;
	v21 =	vadd.f32 v0, v21;
	v0 =	vld [tilespmem:$0x1F900];
	_ =	sdelay $0x4  }
0x125: {  	v51 =	vor.u32 v2, v15;
	v22 =	vadd.f32 v0, v22;
	v0 =	vld.idx.msk [tilespmem:v50+s3+$0x0], $0xffff;
	_ =	sdelay $0x4  }
0x126: {  	[tilespmem:$0x1FE30] =	vst v0;
	v0 =	vld.idx.msk [tilespmem:v51+s3+$0x0], $0xffff;
	_ =	sdelay $0x4  }
0x127: {  	v52 =	vor.u32 v3, v15;
	[tilespmem:$0x1FE40] =	vst v0;
	v0 =	vld [tilespmem:$0x1F910];
	_ =	sdelay $0x2  }
0x128: {  	v17 =	vadd.f32 v60, v17;
	_ =	sdelay $0x1  }
0x129: {  	v17 =	vadd.f32 v0, v17;
	v0 =	vld.idx.msk [tilespmem:v52+s3+$0x0], $0xffff;
	_ =	sdelay $0x4  }
0x12a: {  	v53 =	vor.u32 v4, v15;
	[tilespmem:$0x1FE50] =	vst v0;
	v0 =	vld [tilespmem:$0x1F920]  }
0x12b: {  	v19 =	vadd.f32 v40, v19;
	_ =	sdelay $0x1  }
0x12c: {  	v19 =	vadd.f32 v63, v19;
	_ =	sdelay $0x1  }
0x12d: {  	v19 =	vadd.f32 v0, v19;
	v0 =	vld.idx.msk [tilespmem:v53+s3+$0x0], $0xffff;
	_ =	sdelay $0x4  }
0x12e: {  	[tilespmem:$0x1FE60] =	vst v0;
	v0 =	vld [tilespmem:$0x1F930];
	_ =	sdelay $0x4  }
0x12f: {  	v54 =	vor.u32 v5, v15;
	v14 =	vadd.f32 v0, v14;
	v0 =	vld [tilespmem:$0x1F940];
	_ =	sdelay $0x4  }
0x130: {  	v16 =	vadd.f32 v0, v16;
	v0 =	vld.idx.msk [tilespmem:v54+s3+$0x0], $0xffff;
	_ =	sdelay $0x4  }
0x131: {  	[tilespmem:$0x1FE70] =	vst v0;
	v0 =	vld [tilespmem:$0x1F950];
	_ =	sdelay $0x4  }
0x132: {  	v20 =	vadd.f32 v0, v20;
	v0 =	vld [tilespmem:$0x1F960];
	_ =	sdelay $0x4  }
0x133: {  	v21 =	vadd.f32 v0, v21;
	v0 =	vld [tilespmem:$0x1F970];
	_ =	sdelay $0x4  }
0x134: {  	v56 =	vor.u32 v6, v15;
	v22 =	vadd.f32 v0, v22;
	v0 =	vld [tilespmem:$0x1F980];
	_ =	sdelay $0x4  }
0x135: {  	v17 =	vadd.f32 v0, v17;
	v0 =	vld.idx.msk [tilespmem:v56+s3+$0x0], $0xffff;
	_ =	sdelay $0x2  }
0x136: {  	v57 =	vld.idx.msk [tilespmem:v57+s3+$0x0], $0xffff;
	_ =	sdelay $0x1  }
0x137: {  	[tilespmem:$0x1FE80] =	vst v0;
	v0 =	vld [tilespmem:$0x1F990];
	_ =	sdelay $0x2  }
0x138: {  	v18 =	vadd.f32 v57, v18;
	_ =	sdelay $0x1  }
0x139: {  	v15 =	vor.u32 v7, v15;
	v18 =	vadd.f32 v0, v18;
	v0 =	vld [tilespmem:$0x1F9A0];
	_ =	sdelay $0x2  }
0x13a: {  	v47 =	vor.u32 $0x14, v25;
	_ =	sdelay $0x1  }
0x13b: {  	v19 =	vadd.f32 v0, v19;
	v0 =	vld.idx.msk [tilespmem:v15+s3+$0x0], $0xffff;
	_ =	sdelay $0x1  }
0x13c: {  	v31 =	vld.idx.msk [tilespmem:v10+s3+$0x0], $0xffff  }
0x13d: {  	v10 =	vld.idx.msk [tilespmem:v47+s14+$0x0], $0xffff;
	_ =	sdelay $0x1  }
0x13e: {  	[tilespmem:$0x1FE90] =	vst v0;
	v0 =	vld [tilespmem:$0x1F9B0];
	_ =	sdelay $0x2  }
0x13f: {  	vm4 =	vgt.s32 v26, $0x14;
	v10 =	vshll.u32 v10, $0x7  }
0x140: {  	v10 =	vnsel vm4, $0x10000, v10  }
0x141: {  	v58 =	vor.u32 v61, v10;
	v14 =	vadd.f32 v0, v14;
	v0 =	vld [tilespmem:$0x1F9C0];
	_ =	sdelay $0x4  }
0x142: {  	v16 =	vadd.f32 v0, v16;
	v0 =	vld.idx.msk [tilespmem:v58+s3+$0x0], $0xffff;
	_ =	sdelay $0x4  }
0x143: {  	[tilespmem:$0x1FEA0] =	vst v0;
	v0 =	vld [tilespmem:$0x1F9D0];
	_ =	sdelay $0x4  }
0x144: {  	v59 =	vor.u32 v1, v10;
	v20 =	vadd.f32 v0, v20;
	v0 =	vld [tilespmem:$0x1F9E0];
	_ =	sdelay $0x4  }
0x145: {  	v60 =	vor.u32 v2, v10;
	v21 =	vadd.f32 v0, v21;
	v0 =	vld.idx.msk [tilespmem:v59+s3+$0x0], $0xffff;
	_ =	sdelay $0x4  }
0x146: {  	[tilespmem:$0x1FEB0] =	vst v0;
	v0 =	vld.idx.msk [tilespmem:v60+s3+$0x0], $0xffff;
	_ =	sdelay $0x4  }
0x147: {  	v63 =	vor.u32 v3, v10;
	[tilespmem:$0x1FEC0] =	vst v0;
	v0 =	vld [tilespmem:$0x1F9F0];
	_ =	sdelay $0x4  }
0x148: {  	v22 =	vadd.f32 v0, v22;
	v0 =	vld.idx.msk [tilespmem:v63+s3+$0x0], $0xffff;
	_ =	sdelay $0x4  }
0x149: {  	[tilespmem:$0x1FED0] =	vst v0;
	v0 =	vld [tilespmem:$0x1FA00];
	_ =	sdelay $0x4  }
0x14a: {  	v40 =	vor.u32 v4, v10;
	v17 =	vadd.f32 v0, v17;
	v0 =	vld [tilespmem:$0x1FA10];
	_ =	sdelay $0x4  }
0x14b: {  	v18 =	vadd.f32 v0, v18;
	v0 =	vld.idx.msk [tilespmem:v40+s3+$0x0], $0xffff;
	_ =	sdelay $0x4  }
0x14c: {  	[tilespmem:$0x1FEE0] =	vst v0;
	v0 =	vld [tilespmem:$0x1FA20];
	_ =	sdelay $0x3  }
0x14d: {  	v39 =	vld.idx.msk [tilespmem:v41+s3+$0x0], $0xffff  }
0x14e: {  	v41 =	vor.u32 v5, v10;
	v19 =	vadd.f32 v0, v19;
	v0 =	vld [tilespmem:$0x1FA30];
	_ =	sdelay $0x4  }
0x14f: {  	v14 =	vadd.f32 v0, v14;
	v0 =	vld.idx.msk [tilespmem:v41+s3+$0x0], $0xffff;
	_ =	sdelay $0x4  }
0x150: {  	[tilespmem:$0x1FEF0] =	vst v0;
	v0 =	vld [tilespmem:$0x1FA40];
	_ =	sdelay $0x4  }
0x151: {  	v16 =	vadd.f32 v0, v16;
	v0 =	vld [tilespmem:$0x1FA50];
	_ =	sdelay $0x4  }
0x152: {  	v20 =	vadd.f32 v0, v20;
	v0 =	vld [tilespmem:$0x1FA60];
	_ =	sdelay $0x4  }
0x153: {  	v43 =	vor.u32 v6, v10;
	v21 =	vadd.f32 v0, v21;
	v0 =	vld [tilespmem:$0x1FA70];
	_ =	sdelay $0x4  }
0x154: {  	v22 =	vadd.f32 v0, v22;
	v0 =	vld.idx.msk [tilespmem:v43+s3+$0x0], $0xffff;
	_ =	sdelay $0x4  }
0x155: {  	[tilespmem:$0x1FF00] =	vst v0;
	v0 =	vld [tilespmem:$0x1FA80];
	_ =	sdelay $0x4  }
0x156: {  	v10 =	vor.u32 v7, v10;
	v17 =	vadd.f32 v0, v17;
	v0 =	vld [tilespmem:$0x1FA90];
	_ =	sdelay $0x2  }
0x157: {  	v55 =	vor.u32 $0x15, v25;
	_ =	sdelay $0x1  }
0x158: {  	v18 =	vadd.f32 v0, v18;
	v0 =	vld.idx.msk [tilespmem:v10+s3+$0x0], $0xffff;
	_ =	sdelay $0x2  }
0x159: {  	v11 =	vld.idx.msk [tilespmem:v55+s14+$0x0], $0xffff;
	_ =	sdelay $0x1  }
0x15a: {  	[tilespmem:$0x1FF10] =	vst v0;
	v0 =	vld [tilespmem:$0x1FAA0];
	_ =	sdelay $0x2  }
0x15b: {  	vm5 =	vgt.s32 v26, $0x15;
	v11 =	vshll.u32 v11, $0x7  }
0x15c: {  	v11 =	vnsel vm5, $0x10000, v11  }
0x15d: {  	v44 =	vor.u32 v61, v11;
	v19 =	vadd.f32 v0, v19;
	v0 =	vld [tilespmem:$0x1FAB0];
	_ =	sdelay $0x4  }
0x15e: {  	v14 =	vadd.f32 v0, v14;
	v0 =	vld.idx.msk [tilespmem:v44+s3+$0x0], $0xffff;
	_ =	sdelay $0x4  }
0x15f: {  	[tilespmem:$0x1FF20] =	vst v0;
	v0 =	vld [tilespmem:$0x1FAC0];
	_ =	sdelay $0x4  }
0x160: {  	v45 =	vor.u32 v1, v11;
	v16 =	vadd.f32 v0, v16;
	v0 =	vld [tilespmem:$0x1FAD0];
	_ =	sdelay $0x4  }
0x161: {  	v46 =	vor.u32 v2, v11;
	v20 =	vadd.f32 v0, v20;
	v0 =	vld.idx.msk [tilespmem:v45+s3+$0x0], $0xffff;
	_ =	sdelay $0x4  }
0x162: {  	[tilespmem:$0x1FF30] =	vst v0;
	v0 =	vld.idx.msk [tilespmem:v46+s3+$0x0], $0xffff;
	_ =	sdelay $0x4  }
0x163: {  	v47 =	vor.u32 v3, v11;
	[tilespmem:$0x1FF40] =	vst v0;
	v0 =	vld [tilespmem:$0x1FAE0];
	_ =	sdelay $0x4  }
0x164: {  	v21 =	vadd.f32 v0, v21;
	v0 =	vld.idx.msk [tilespmem:v47+s3+$0x0], $0xffff;
	_ =	sdelay $0x4  }
0x165: {  	[tilespmem:$0x1FF50] =	vst v0;
	v0 =	vld [tilespmem:$0x1FAF0];
	_ =	sdelay $0x4  }
0x166: {  	v48 =	vor.u32 v4, v11;
	v22 =	vadd.f32 v0, v22;
	v0 =	vld [tilespmem:$0x1FB00];
	_ =	sdelay $0x4  }
0x167: {  	v17 =	vadd.f32 v0, v17;
	v0 =	vld.idx.msk [tilespmem:v48+s3+$0x0], $0xffff;
	_ =	sdelay $0x4  }
0x168: {  	[tilespmem:$0x1FF60] =	vst v0;
	v0 =	vld [tilespmem:$0x1FB10];
	_ =	sdelay $0x4  }
0x169: {  	v49 =	vor.u32 v5, v11;
	v18 =	vadd.f32 v0, v18;
	v0 =	vld [tilespmem:$0x1FB20];
	_ =	sdelay $0x4  }
0x16a: {  	v19 =	vadd.f32 v0, v19;
	v0 =	vld.idx.msk [tilespmem:v49+s3+$0x0], $0xffff;
	_ =	sdelay $0x4  }
0x16b: {  	[tilespmem:$0x1FF70] =	vst v0;
	v0 =	vld [tilespmem:$0x1FB30];
	_ =	sdelay $0x4  }
0x16c: {  	v14 =	vadd.f32 v0, v14;
	v0 =	vld [tilespmem:$0x1FB40];
	_ =	sdelay $0x4  }
0x16d: {  	v16 =	vadd.f32 v0, v16;
	v0 =	vld [tilespmem:$0x1FB50];
	_ =	sdelay $0x4  }
0x16e: {  	v51 =	vor.u32 v6, v11;
	v20 =	vadd.f32 v0, v20;
	v0 =	vld [tilespmem:$0x1FB60];
	_ =	sdelay $0x4  }
0x16f: {  	v21 =	vadd.f32 v0, v21;
	v0 =	vld.idx.msk [tilespmem:v51+s3+$0x0], $0xffff;
	_ =	sdelay $0x4  }
0x170: {  	[tilespmem:$0x1FF80] =	vst v0;
	v0 =	vld [tilespmem:$0x1FB70];
	_ =	sdelay $0x1  }
0x171: {  	v36 =	vld.idx.msk [tilespmem:v38+s3+$0x0], $0xffff  }
0x172: {  	v38 =	vld.idx.msk [tilespmem:v42+s3+$0x0], $0xffff;
	v42 =	vor.u32 $0x16, v25;
	_ =	sdelay $0x1  }
0x173: {  	v22 =	vadd.f32 v0, v22;
	v0 =	vld [tilespmem:$0x1FB80];
	_ =	sdelay $0x1  }
0x174: {  	v34 =	vld.idx.msk [tilespmem:v13+s3+$0x0], $0xffff  }
0x175: {  	v13 =	vld.idx.msk [tilespmem:v42+s14+$0x0], $0xffff;
	_ =	sdelay $0x1  }
0x176: {  	v17 =	vadd.f32 v0, v17;
	v0 =	vld [tilespmem:$0x1FB90];
	_ =	sdelay $0x2  }
0x177: {  	vm6 =	vgt.s32 v26, $0x16;
	v13 =	vshll.u32 v13, $0x7  }
0x178: {  	v13 =	vnsel vm6, $0x10000, v13  }
0x179: {  	v52 =	vor.u32 v61, v13;
	v18 =	vadd.f32 v0, v18;
	v0 =	vld [tilespmem:$0x1FBA0];
	_ =	sdelay $0x4  }
0x17a: {  	v19 =	vadd.f32 v0, v19;
	v0 =	vld.idx.msk [tilespmem:v52+s3+$0x0], $0xffff;
	_ =	sdelay $0x4  }
0x17b: {  	[tilespmem:$0x1FF90] =	vst v0;
	v0 =	vld [tilespmem:$0x1FBB0];
	_ =	sdelay $0x4  }
0x17c: {  	v53 =	vor.u32 v1, v13;
	v14 =	vadd.f32 v0, v14;
	v0 =	vld [tilespmem:$0x1FBC0];
	_ =	sdelay $0x4  }
0x17d: {  	v54 =	vor.u32 v2, v13;
	v16 =	vadd.f32 v0, v16;
	v0 =	vld.idx.msk [tilespmem:v53+s3+$0x0], $0xffff;
	_ =	sdelay $0x4  }
0x17e: {  	[tilespmem:$0x1FFA0] =	vst v0;
	v0 =	vld.idx.msk [tilespmem:v54+s3+$0x0], $0xffff;
	_ =	sdelay $0x4  }
0x17f: {  	v55 =	vor.u32 v3, v13;
	[tilespmem:$0x1FFB0] =	vst v0;
	v0 =	vld [tilespmem:$0x1FBD0];
	_ =	sdelay $0x4  }
0x180: {  	v20 =	vadd.f32 v0, v20;
	v0 =	vld.idx.msk [tilespmem:v55+s3+$0x0], $0xffff;
	_ =	sdelay $0x4  }
0x181: {  	[tilespmem:$0x1FFC0] =	vst v0;
	v0 =	vld [tilespmem:$0x1FBE0];
	_ =	sdelay $0x4  }
0x182: {  	v56 =	vor.u32 v4, v13;
	v21 =	vadd.f32 v0, v21;
	v0 =	vld [tilespmem:$0x1FBF0];
	_ =	sdelay $0x4  }
0x183: {  	v22 =	vadd.f32 v0, v22;
	v0 =	vld.idx.msk [tilespmem:v56+s3+$0x0], $0xffff;
	_ =	sdelay $0x4  }
0x184: {  	[tilespmem:$0x1FFD0] =	vst v0;
	v0 =	vld [tilespmem:$0x1FC00];
	_ =	sdelay $0x4  }
0x185: {  	v57 =	vor.u32 v5, v13;
	v17 =	vadd.f32 v0, v17;
	v0 =	vld [tilespmem:$0x1FC10];
	_ =	sdelay $0x4  }
0x186: {  	v18 =	vadd.f32 v0, v18;
	v0 =	vld.idx.msk [tilespmem:v57+s3+$0x0], $0xffff;
	_ =	sdelay $0x4  }
0x187: {  	[tilespmem:$0x1FFE0] =	vst v0;
	v0 =	vld [tilespmem:$0x1FC20];
	_ =	sdelay $0x4  }
0x188: {  	v19 =	vadd.f32 v0, v19;
	v0 =	vld [tilespmem:$0x1FC30];
	_ =	sdelay $0x4  }
0x189: {  	v14 =	vadd.f32 v0, v14;
	v0 =	vld [tilespmem:$0x1FC40];
	_ =	sdelay $0x4  }
0x18a: {  	v59 =	vor.u32 v6, v13;
	v16 =	vadd.f32 v0, v16;
	v0 =	vld [tilespmem:$0x1FC50];
	_ =	sdelay $0x4  }
0x18b: {  	v20 =	vadd.f32 v0, v20;
	v0 =	vld.idx.msk [tilespmem:v59+s3+$0x0], $0xffff;
	_ =	sdelay $0x4  }
0x18c: {  	[tilespmem:$0x1FFF0] =	vst v0;
	v0 =	vld [tilespmem:$0x1FC60];
	_ =	sdelay $0x4  }
0x18d: {  	v21 =	vadd.f32 v0, v21;
	v0 =	vld [tilespmem:$0x1FC70];
	_ =	sdelay $0x4  }
0x18e: {  	v22 =	vadd.f32 v0, v22;
	v0 =	vld [tilespmem:$0x1FC80];
	_ =	sdelay $0x4  }
0x18f: {  	v17 =	vadd.f32 v0, v17;
	v0 =	vld [tilespmem:$0x1FC90];
	_ =	sdelay $0x4  }
0x190: {  	v18 =	vadd.f32 v0, v18;
	v0 =	vld [tilespmem:$0x1FCA0];
	_ =	sdelay $0x4  }
0x191: {  	v19 =	vadd.f32 v0, v19;
	v0 =	vld [tilespmem:$0x1FCB0];
	_ =	sdelay $0x4  }
0x192: {  	v14 =	vadd.f32 v0, v14;
	v0 =	vld [tilespmem:$0x1FCC0];
	_ =	sdelay $0x4  }
0x193: {  	v16 =	vadd.f32 v0, v16;
	v0 =	vld [tilespmem:$0x1FCD0];
	_ =	sdelay $0x4  }
0x194: {  	v47 =	vadd.f32 v0, v20;
	v0 =	vld [tilespmem:$0x1FCE0];
	_ =	sdelay $0x4  }
0x195: {  	v21 =	vadd.f32 v0, v21;
	v0 =	vld [tilespmem:$0x1FCF0];
	_ =	sdelay $0x4  }
0x196: {  	v22 =	vadd.f32 v0, v22;
	v0 =	vld [tilespmem:$0x1FD00];
	_ =	sdelay $0x4  }
0x197: {  	v17 =	vadd.f32 v0, v17;
	v0 =	vld [tilespmem:$0x1FD10];
	_ =	sdelay $0x4  }
0x198: {  	v18 =	vadd.f32 v0, v18;
	v0 =	vld [tilespmem:$0x1FD20];
	_ =	sdelay $0x4  }
0x199: {  	v19 =	vadd.f32 v0, v19;
	v0 =	vld [tilespmem:$0x1FD30];
	_ =	sdelay $0x4  }
0x19a: {  	v14 =	vadd.f32 v0, v14;
	v0 =	vld [tilespmem:$0x1FD40];
	_ =	sdelay $0x1  }
0x19b: {  	v50 =	vor.u32 $0x17, v25;
	_ =	sdelay $0x2  }
0x19c: {  	v20 =	vadd.f32 v0, v16;
	v0 =	vld [tilespmem:$0x1FD50];
	_ =	sdelay $0x1  }
0x19d: {  	v12 =	vld.idx.msk [tilespmem:v50+s14+$0x0], $0xffff;
	_ =	sdelay $0x2  }
0x19e: {  	v23 =	vadd.f32 v0, v47;
	v0 =	vld [tilespmem:$0x1FD60];
	_ =	sdelay $0x1  }
0x19f: {  	vm7 =	vgt.s32 v26, $0x17;
	v12 =	vshll.u32 v12, $0x7  }
0x1a0: {  	v12 =	vnsel vm7, $0x10000, v12  }
0x1a1: {  	v43 =	vor.u32 v4, v12  }
0x1a2: {  	v21 =	vadd.f32 v0, v21;
	v0 =	vld [tilespmem:$0x1FD70];
	_ =	sdelay $0x1  }
0x1a3: {  	v58 =	vor.u32 $0x18, v25;
	_ =	sdelay $0x1  }
0x1a4: {  	v53 =	vld.idx.msk [tilespmem:v43+s3+$0x0], $0xffff  }
0x1a5: {  	v43 =	vadd.f32 v0, v22;
	v0 =	vld [tilespmem:$0x1FD80];
	_ =	sdelay $0x1  }
0x1a6: {  	v15 =	vld.idx.msk [tilespmem:v58+s14+$0x0], $0xffff;
	_ =	sdelay $0x1  }
0x1a7: {  	v41 =	vor.u32 v2, v12  }
0x1a8: {  	v22 =	vadd.f32 v0, v17;
	v0 =	vld [tilespmem:$0x1FD90];
	_ =	sdelay $0x1  }
0x1a9: {  	vm8 =	vgt.s32 v26, $0x18;
	v15 =	vshll.u32 v15, $0x7  }
0x1aa: {  	v15 =	vnsel vm8, $0x10000, v15;
	v45 =	vor.u32 $0x19, v25  }
0x1ab: {  	v55 =	vld.idx.msk [tilespmem:v41+s3+$0x0], $0xffff;
	v59 =	vor.u32 v61, v15  }
0x1ac: {  	v41 =	vadd.f32 v0, v18;
	v0 =	vld [tilespmem:$0x1FDA0];
	_ =	sdelay $0x2  }
0x1ad: {  	v42 =	vor.u32 v3, v12;
	v10 =	vld.idx.msk [tilespmem:v45+s14+$0x0], $0xffff  }
0x1ae: {  	v8 =	vor.u32 v2, v15;
	v50 =	vld.idx.msk [tilespmem:v59+s3+$0x0], $0xffff  }
0x1af: {  	v59 =	vadd.f32 v0, v19;
	v0 =	vld [tilespmem:$0x1FDB0];
	_ =	sdelay $0x1  }
0x1b0: {  	v32 =	vld.idx.msk [tilespmem:v24+s3+$0x0], $0xffff  }
0x1b1: {  	vm9 =	vgt.s32 v26, $0x19;
	v54 =	vld.idx.msk [tilespmem:v42+s3+$0x0], $0xffff;
	v42 =	vor.u32 v4, v15  }
0x1b2: {  	v24 =	vor.u32 v6, v15;
	v49 =	vld.idx.msk [tilespmem:v8+s3+$0x0], $0xffff;
	v8 =	vshll.u32 v10, $0x7;
	v20 =	vadd.f32 v27, v20  }
0x1b3: {  	v14 =	vadd.f32 v0, v14;
	v0 =	vnsel vm9, $0x10000, v8;
	v8 =	vor.u32 v7, v15  }
0x1b4: {  	v20 =	vadd.f32 v35, v20  }
0x1b5: {  	v23 =	vadd.f32 v28, v23;
	v21 =	vadd.f32 v29, v21  }
0x1b6: {  	v45 =	vld.idx.msk [tilespmem:v42+s3+$0x0], $0xffff;
	v29 =	vadd.f32 v30, v43;
	v22 =	vadd.f32 v31, v22  }
0x1b7: {  	v43 =	vld.idx.msk [tilespmem:v24+s3+$0x0], $0xffff;
	v17 =	vadd.f32 v33, v41;
	v28 =	vor.u32 v61, v0;
	v30 =	vor.u32 v1, v0  }
0x1b8: {  	v31 =	vor.u32 v2, v0;
	v33 =	vor.u32 v3, v0;
	v35 =	vor.u32 v5, v0;
	v42 =	vld.idx.msk [tilespmem:v8+s3+$0x0], $0xffff  }
0x1b9: {  	v24 =	vor.u32 v6, v0;
	v27 =	vor.u32 v7, v0;
	v8 =	vor.u32 v4, v0;
	v0 =	vld [tilespmem:$0x1FDD0];
	_ =	sdelay $0x2  }
0x1ba: {  	v14 =	vadd.f32 v34, v14;
	_ =	sdelay $0x1  }
0x1bb: {  	v14 =	vadd.f32 v0, v14;
	v0 =	vld [tilespmem:$0x1FDE0];
	_ =	sdelay $0x1  }
0x1bc: {  	v63 =	vor.u32 v61, v12;
	_ =	sdelay $0x2  }
0x1bd: {  	v20 =	vadd.f32 v0, v20;
	v0 =	vld [tilespmem:$0x1FDF0]  }
0x1be: {  	v40 =	vor.u32 v1, v12  }
0x1bf: {  	v57 =	vld.idx.msk [tilespmem:v63+s3+$0x0], $0xffff;
	v63 =	vor.u32 v1, v15  }
0x1c0: {  	v11 =	vor.u32 v7, v11;
	v34 =	vadd.f32 v36, v23  }
0x1c1: {  	v44 =	vor.u32 v5, v12  }
0x1c2: {  	v18 =	vadd.f32 v0, v34;
	v0 =	vld [tilespmem:$0x1FE00]  }
0x1c3: {  	v56 =	vld.idx.msk [tilespmem:v40+s3+$0x0], $0xffff;
	v40 =	vor.u32 v5, v15  }
0x1c4: {  	v47 =	vld.idx.msk [tilespmem:v63+s3+$0x0], $0xffff;
	v63 =	vor.u32 $0x1A, v25  }
0x1c5: {  	v60 =	vld.idx.msk [tilespmem:v11+s3+$0x0], $0xffff;
	v21 =	vadd.f32 v37, v21  }
0x1c6: {  	v52 =	vld.idx.msk [tilespmem:v44+s3+$0x0], $0xffff  }
0x1c7: {  	v21 =	vadd.f32 v0, v21;
	v0 =	vld [tilespmem:$0x1FE10]  }
0x1c8: {  	v44 =	vld.idx.msk [tilespmem:v40+s3+$0x0], $0xffff  }
0x1c9: {  	v11 =	vld.idx.msk [tilespmem:v63+s14+$0x0], $0xffff  }
0x1ca: {  	v9 =	vor.u32 v3, v15;
	v40 =	vld [tilespmem:$0x1FDC0];
	v15 =	vadd.f32 v39, v29;
	_ =	sdelay $0x1  }
0x1cb: {  	v15 =	vadd.f32 v0, v15;
	v0 =	vld [tilespmem:$0x1FE20];
	_ =	sdelay $0x1  }
0x1cc: {  	vm10 =	vgt.s32 v26, $0x1A;
	v11 =	vshll.u32 v11, $0x7  }
0x1cd: {  	v22 =	vadd.f32 v40, v22;
	v32 =	vadd.f32 v32, v59;
	v59 =	vor.u32 $0x1B, v25  }
0x1ce: {  	v63 =	vnsel vm10, $0x10000, v11;
	v40 =	vld.idx.msk [tilespmem:v31+s3+$0x0], $0xffff  }
0x1cf: {  	v31 =	vld [tilespmem:$0x1FE90];
	v22 =	vadd.f32 v0, v22;
	v0 =	vor.u32 v2, v63;
	_ =	sdelay $0x1  }
0x1d0: {  	v13 =	vor.u32 v7, v13  }
0x1d1: {  	v17 =	vadd.f32 v62, v17;
	v62 =	vld.idx.msk [tilespmem:v59+s14+$0x0], $0xffff  }
0x1d2: {  	v59 =	vld [tilespmem:$0x1FE30]  }
0x1d3: {  	v46 =	vor.u32 v6, v12;
	v15 =	vadd.f32 v31, v15;
	v31 =	vld.idx.msk [tilespmem:v0+s3+$0x0], $0xffff  }
0x1d4: {  	v0 =	vld [tilespmem:$0x1FEB0]  }
0x1d5: {  	v58 =	vld.idx.msk [tilespmem:v13+s3+$0x0], $0xffff  }
0x1d6: {  	v12 =	vor.u32 v7, v12;
	v13 =	vld [tilespmem:$0x1FF40]  }
0x1d7: {  	v19 =	vld [tilespmem:$0x1FE40];
	v17 =	vadd.f32 v59, v17  }
0x1d8: {  	v48 =	vld.idx.msk [tilespmem:v46+s3+$0x0], $0xffff  }
0x1d9: {  	v17 =	vadd.f32 v0, v17;
	v0 =	vld [tilespmem:$0x1FEC0]  }
0x1da: {  	v46 =	vld.idx.msk [tilespmem:v9+s3+$0x0], $0xffff;
	v16 =	vadd.f32 v38, v32  }
0x1db: {  	v51 =	vld.idx.msk [tilespmem:v12+s3+$0x0], $0xffff  }
0x1dc: {  	v16 =	vadd.f32 v19, v16;
	v23 =	vld [tilespmem:$0x1FE50]  }
0x1dd: {  	v32 =	vld [tilespmem:$0x1FEA0]  }
0x1de: {  	v16 =	vadd.f32 v0, v16;
	v0 =	vld [tilespmem:$0x1FED0]  }
0x1df: {  	v29 =	vld [tilespmem:$0x1FE70]  }
0x1e0: {  	v34 =	vld.idx.msk [tilespmem:v24+s3+$0x0], $0xffff  }
0x1e1: {  	v14 =	vadd.f32 v23, v14;
	v24 =	vld [tilespmem:$0x1FE60]  }
0x1e2: {  	v41 =	vld.idx.msk [tilespmem:v28+s3+$0x0], $0xffff  }
0x1e3: {  	v14 =	vadd.f32 v0, v14;
	v0 =	vld [tilespmem:$0x1FEE0]  }
0x1e4: {  	v39 =	vld.idx.msk [tilespmem:v30+s3+$0x0], $0xffff  }
0x1e5: {  	v38 =	vld.idx.msk [tilespmem:v33+s3+$0x0], $0xffff  }
0x1e6: {  	v36 =	vld.idx.msk [tilespmem:v35+s3+$0x0], $0xffff;
	v59 =	vor.u32 $0x1C, v25;
	v20 =	vadd.f32 v24, v20  }
0x1e7: {  	v35 =	vld.idx.msk [tilespmem:v27+s3+$0x0], $0xffff  }
0x1e8: {  	v20 =	vadd.f32 v0, v20;
	v0 =	vld [tilespmem:$0x1FEF0]  }
0x1e9: {  	v30 =	vld [tilespmem:$0x1FE80]  }
0x1ea: {  	v37 =	vld.idx.msk [tilespmem:v8+s3+$0x0], $0xffff;
	v8 =	vor.u32 v61, v63  }
0x1eb: {  	v27 =	vor.u32 v4, v63;
	v12 =	vld.idx.msk [tilespmem:v59+s14+$0x0], $0xffff;
	v18 =	vadd.f32 v29, v18  }
0x1ec: {  	v59 =	vld [tilespmem:$0x1FF30]  }
0x1ed: {  	v18 =	vadd.f32 v0, v18;
	v0 =	vld [tilespmem:$0x1FF00]  }
0x1ee: {  	v28 =	vor.u32 v1, v63;
	v23 =	vld [tilespmem:$0x1FF60]  }
0x1ef: {  	v33 =	vld.idx.msk [tilespmem:v8+s3+$0x0], $0xffff;
	v8 =	vor.u32 v5, v63  }
0x1f0: {  	v29 =	vld.idx.msk [tilespmem:v27+s3+$0x0], $0xffff;
	v21 =	vadd.f32 v30, v21  }
0x1f1: {  	vm11 =	vgt.s32 v26, $0x1B;
	v9 =	vor.u32 v3, v63;
	v27 =	vld [tilespmem:$0x1FF20]  }
0x1f2: {  	v62 =	vshll.u32 v62, $0x7;
	v24 =	vor.u32 v6, v63;
	v21 =	vadd.f32 v0, v21;
	v0 =	vld [tilespmem:$0x1FF10]  }
0x1f3: {  	v62 =	vnsel vm11, $0x10000, v62;
	v22 =	vadd.f32 v32, v22;
	v32 =	vld.idx.msk [tilespmem:v28+s3+$0x0], $0xffff  }
0x1f4: {  	v28 =	vld.idx.msk [tilespmem:v8+s3+$0x0], $0xffff;
	v8 =	vor.u32 v1, v62  }
0x1f5: {  	v19 =	vld [tilespmem:$0x1FF50]  }
0x1f6: {  	v30 =	vld.idx.msk [tilespmem:v9+s3+$0x0], $0xffff  }
0x1f7: {  	v22 =	vadd.f32 v27, v22;
	v27 =	vld.idx.msk [tilespmem:v24+s3+$0x0], $0xffff;
	v15 =	vadd.f32 v0, v15;
	v0 =	vor.u32 v2, v62  }
0x1f8: {  	v17 =	vadd.f32 v59, v17;
	v59 =	vld [tilespmem:$0x1FF80]  }
0x1f9: {  	v20 =	vadd.f32 v23, v20;
	v23 =	vld.idx.msk [tilespmem:v8+s3+$0x0], $0xffff  }
0x1fa: {  	v8 =	vld [tilespmem:$0x1FFC0]  }
0x1fb: {  	v10 =	vor.u32 v3, v62;
	v24 =	vld [tilespmem:$0x1FF70]  }
0x1fc: {  	v9 =	vor.u32 v61, v62;
	v14 =	vadd.f32 v19, v14;
	v19 =	vld.idx.msk [tilespmem:v0+s3+$0x0], $0xffff  }
0x1fd: {  	v0 =	vld [tilespmem:$0x1FF90]  }
0x1fe: {  	v21 =	vadd.f32 v59, v21;
	v59 =	vld [tilespmem:$0x1FFE0]  }
0x1ff: {  	v11 =	vor.u32 v4, v62;
	v14 =	vadd.f32 v8, v14;
	v8 =	vld [tilespmem:$0x1FFD0]  }
0x200: {  	v10 =	vld.idx.msk [tilespmem:v10+s3+$0x0], $0xffff;
	v63 =	vor.u32 v7, v63  }
0x201: {  	v16 =	vadd.f32 v13, v16;
	v13 =	vor.u32 v6, v62;
	v18 =	vadd.f32 v24, v18;
	v24 =	vld.idx.msk [tilespmem:v9+s3+$0x0], $0xffff  }
0x202: {  	vm12 =	vgt.s32 v26, $0x1C;
	v12 =	vshll.u32 v12, $0x7;
	v22 =	vadd.f32 v0, v22;
	v0 =	vld [tilespmem:$0x1FFA0]  }
0x203: {  	v12 =	vnsel vm12, $0x10000, v12;
	v9 =	vor.u32 v5, v62;
	v18 =	vadd.f32 v59, v18;
	v59 =	vld [tilespmem:$0x1FFF0]  }
0x204: {  	v11 =	vld.idx.msk [tilespmem:v11+s3+$0x0], $0xffff;
	v20 =	vadd.f32 v8, v20;
	v15 =	vadd.f32 v60, v15;
	v60 =	vor.u32 $0x1D, v25  }
0x205: {  	vm13 =	vgt.s32 v26, $0x1D;
	v63 =	vld.idx.msk [tilespmem:v63+s3+$0x0], $0xffff;
	v8 =	vor.u32 v1, v12  }
0x206: {  	v13 =	vld.idx.msk [tilespmem:v13+s3+$0x0], $0xffff;
	v14 =	vadd.f32 v54, v14;
	v20 =	vadd.f32 v53, v20;
	v53 =	vor.u32 v5, v12  }
0x207: {  	v54 =	vor.u32 v6, v12;
	v15 =	vadd.f32 v58, v15;
	v17 =	vadd.f32 v0, v17;
	v0 =	vld [tilespmem:$0x1FFB0]  }
0x208: {  	vm14 =	vgt.s32 v26, $0x1E;
	v9 =	vld.idx.msk [tilespmem:v9+s3+$0x0], $0xffff;
	v21 =	vadd.f32 v59, v21;
	v59 =	vor.u32 v2, v12  }
0x209: {  	v14 =	vadd.f32 v46, v14;
	v62 =	vor.u32 v7, v62;
	v15 =	vadd.f32 v51, v15;
	v60 =	vld.idx.msk [tilespmem:v60+s14+$0x0], $0xffff  }
0x20a: {  	v8 =	vld.idx.msk [tilespmem:v8+s3+$0x0], $0xffff;
	v21 =	vadd.f32 v48, v21;
	v48 =	vor.u32 $0x1E, v25;
	v25 =	vor.u32 $0x1F, v25  }
0x20b: {  	v46 =	vld.idx.msk [tilespmem:v53+s3+$0x0], $0xffff;
	v15 =	vadd.f32 v42, v15;
	v22 =	vadd.f32 v57, v22;
	v57 =	vor.u32 v3, v12  }
0x20c: {  	v42 =	vld.idx.msk [tilespmem:v54+s3+$0x0], $0xffff;
	v17 =	vadd.f32 v56, v17;
	v56 =	vor.u32 v4, v12;
	v16 =	vadd.f32 v0, v16  }
0x20d: {  	vm15 =	vgt.s32 v26, $0x1F;
	v20 =	vadd.f32 v45, v20;
	v18 =	vadd.f32 v52, v18;
	v52 =	vld.idx.msk [tilespmem:v59+s3+$0x0], $0xffff  }
0x20e: {  	v0 =	vor.u32 v61, v12;
	v16 =	vadd.f32 v55, v16;
	v55 =	vld.idx.msk [tilespmem:v62+s3+$0x0], $0xffff;
	v62 =	vshll.u32 v60, $0x7  }
0x20f: {  	v20 =	vadd.f32 v37, v20;
	v25 =	vld.idx.msk [tilespmem:v25+s14+$0x0], $0xffff;
	v12 =	vor.u32 v7, v12;
	v51 =	vnsel vm13, $0x10000, v62  }
0x210: {  	v14 =	vadd.f32 v38, v14;
	v18 =	vadd.f32 v44, v18;
	v57 =	vld.idx.msk [tilespmem:v57+s3+$0x0], $0xffff;
	v58 =	vor.u32 v61, v51  }
0x211: {  	v20 =	vadd.f32 v29, v20;
	v17 =	vadd.f32 v47, v17;
	v47 =	vld.idx.msk [tilespmem:v56+s3+$0x0], $0xffff;
	v60 =	vor.u32 v2, v51  }
0x212: {  	v14 =	vadd.f32 v30, v14;
	v18 =	vadd.f32 v36, v18;
	v62 =	vld.idx.msk [tilespmem:v48+s14+$0x0], $0xffff;
	v54 =	vor.u32 v5, v51  }
0x213: {  	v11 =	vadd.f32 v11, v20;
	v15 =	vadd.f32 v35, v15;
	v59 =	vor.u32 v1, v51;
	v0 =	vld.idx.msk [tilespmem:v0+s3+$0x0], $0xffff  }
0x214: {  	v18 =	vadd.f32 v28, v18;
	v16 =	vadd.f32 v49, v16;
	v48 =	vor.u32 v3, v51;
	v12 =	vld.idx.msk [tilespmem:v12+s3+$0x0], $0xffff  }
0x215: {  	v21 =	vadd.f32 v43, v21;
	v22 =	vadd.f32 v50, v22;
	v53 =	vor.u32 v4, v51;
	v38 =	vld.idx.msk [tilespmem:v58+s3+$0x0], $0xffff  }
0x216: {  	v25 =	vshll.u32 v25, $0x7;
	v56 =	vor.u32 v6, v51;
	v16 =	vadd.f32 v40, v16;
	v40 =	vld.idx.msk [tilespmem:v60+s3+$0x0], $0xffff  }
0x217: {  	v22 =	vadd.f32 v41, v22;
	v60 =	vor.u32 v7, v51;
	v29 =	vld.idx.msk [tilespmem:v54+s3+$0x0], $0xffff;
	v54 =	vnsel vm15, $0x10000, v25  }
0x218: {  	v15 =	vadd.f32 v63, v15;
	v21 =	vadd.f32 v34, v21;
	v36 =	vld.idx.msk [tilespmem:v59+s3+$0x0], $0xffff;
	v63 =	vor.u32 v1, v54  }
0x219: {  	v22 =	vadd.f32 v33, v22;
	v58 =	vshll.u32 v62, $0x7;
	v43 =	vld.idx.msk [tilespmem:v48+s3+$0x0], $0xffff;
	v44 =	vor.u32 v3, v54  }
0x21a: {  	v11 =	vadd.f32 v47, v11;
	v33 =	vld.idx.msk [tilespmem:v53+s3+$0x0], $0xffff;
	v59 =	vnsel vm14, $0x10000, v58;
	v47 =	vor.u32 v5, v54  }
0x21b: {  	v9 =	vadd.f32 v9, v18;
	v21 =	vadd.f32 v27, v21;
	v27 =	vld.idx.msk [tilespmem:v56+s3+$0x0], $0xffff;
	v62 =	vor.u32 v61, v59  }
0x21c: {  	v22 =	vadd.f32 v24, v22;
	v17 =	vadd.f32 v39, v17;
	v39 =	vor.u32 v1, v59;
	v24 =	vld.idx.msk [tilespmem:v60+s3+$0x0], $0xffff  }
0x21d: {  	v10 =	vadd.f32 v10, v14;
	v13 =	vadd.f32 v13, v21;
	v45 =	vor.u32 v2, v59;
	v28 =	vld.idx.msk [tilespmem:v63+s3+$0x0], $0xffff  }
0x21e: {  	v9 =	vadd.f32 v46, v9;
	v17 =	vadd.f32 v32, v17;
	v48 =	vor.u32 v3, v59;
	v26 =	vld.idx.msk [tilespmem:v44+s3+$0x0], $0xffff  }
0x21f: {  	v13 =	vadd.f32 v42, v13;
	v10 =	vadd.f32 v57, v10;
	v49 =	vor.u32 v4, v59;
	v20 =	vld.idx.msk [tilespmem:v47+s3+$0x0], $0xffff  }
0x220: {  	v17 =	vadd.f32 v23, v17;
	v16 =	vadd.f32 v31, v16;
	v60 =	vor.u32 v61, v54;
	v50 =	vld.idx.msk [tilespmem:v62+s3+$0x0], $0xffff  }
0x221: {  	v57 =	vor.u32 s2, v5;
	v15 =	vadd.f32 v55, v15;
	v51 =	vor.u32 v5, v59;
	v31 =	vld.idx.msk [tilespmem:v39+s3+$0x0], $0xffff  }
0x222: {  	v8 =	vadd.f32 v8, v17;
	v16 =	vadd.f32 v19, v16;
	v56 =	vld.idx.msk [tilespmem:v45+s3+$0x0], $0xffff;
	v39 =	vor.u32 v2, v54  }
0x223: {  	v0 =	vadd.f32 v0, v22;
	v53 =	vor.u32 v6, v59;
	v58 =	vor.u32 v7, v59;
	v59 =	vld.idx.msk [tilespmem:v48+s3+$0x0], $0xffff  }
0x224: {  	v12 =	vadd.f32 v12, v15;
	v16 =	vadd.f32 v52, v16;
	v62 =	vld.idx.msk [tilespmem:v49+s3+$0x0], $0xffff;
	v45 =	vor.u32 v4, v54  }
0x225: {  	v14 =	vor.u32 v7, v54;
	v0 =	vadd.f32 v38, v0;
	v8 =	vadd.f32 v36, v8;
	v46 =	vld.idx.msk [tilespmem:v60+s3+$0x0], $0xffff  }
0x226: {  	v16 =	vadd.f32 v40, v16;
	v10 =	vadd.f32 v43, v10;
	v37 =	vld.idx.msk [tilespmem:v51+s3+$0x0], $0xffff;
	v48 =	vor.u32 v6, v54  }
0x227: {  	v11 =	vadd.f32 v33, v11;
	v9 =	vadd.f32 v29, v9;
	v49 =	vor.u32 s2, v61;
	v22 =	vld.idx.msk [tilespmem:v39+s3+$0x0], $0xffff  }
0x228: {  	v13 =	vadd.f32 v27, v13;
	v41 =	vld.idx.msk [tilespmem:v53+s3+$0x0], $0xffff;
	v51 =	vor.u32 s2, v1;
	v0 =	vadd.f32 v50, v0  }
0x229: {  	v52 =	vor.u32 s2, v2;
	v12 =	vadd.f32 v24, v12;
	v50 =	vld.idx.msk [tilespmem:v45+s3+$0x0], $0xffff;
	v8 =	vadd.f32 v31, v8  }
0x22a: {  	v30 =	vld.idx.msk [tilespmem:v58+s3+$0x0], $0xffff;
	v54 =	vor.u32 s2, v3;
	v16 =	vadd.f32 v56, v16;
	v0 =	vadd.f32 v46, v0  }
0x22b: {  	v55 =	vor.u32 s2, v4;
	v53 =	vld.idx.msk [tilespmem:v48+s3+$0x0], $0xffff;
	v10 =	vadd.f32 v59, v10;
	v8 =	vadd.f32 v28, v8  }
0x22c: {  	v14 =	vld.idx.msk [tilespmem:v14+s3+$0x0], $0xffff;
	[tilespmem:v49+s23+$0x0] =	vst.idx.msk $0xffff, v0;
	v0 =	vadd.f32 v62, v11;
	v56 =	vadd.f32 v22, v16  }
0x22d: {  	v59 =	vor.u32 s2, v6;
	v58 =	vadd.f32 v26, v10;
	[tilespmem:v51+s23+$0x0] =	vst.idx.msk $0xffff, v8;
	v8 =	vadd.f32 v37, v9  }
0x22e: {  	p0 =	sne.s32 s0, $0x3F;
	v60 =	vadd.f32 v41, v13;
	v62 =	vor.u32 s2, v7;
	[tilespmem:v52+s23+$0x0] =	vst.idx.msk $0xffff, v56;
	v0 =	vadd.f32 v50, v0  }
.Ltmp0:
0x22f: {  	v12 =	vadd.f32 v30, v12;
	v8 =	vadd.f32 v20, v8;
	[tilespmem:v54+s23+$0x0] =	vst.idx.msk $0xffff, v58;
	(pc) =	sbr.rel @p0 .LBB2_2-.Ltmp0, $4  }
0x230: {  	v63 =	vadd.f32 v53, v60;
	[tilespmem:v55+s23+$0x0] =	vst.idx.msk $0xffff, v0  }
0x231: {  	v0 =	vadd.f32 v14, v12;
	[tilespmem:v57+s23+$0x0] =	vst.idx.msk $0xffff, v8  }
0x232: {  	[tilespmem:v59+s23+$0x0] =	vst.idx.msk $0xffff, v63  }
0x233: {  	s0 =	sadd.s32 $0x1, s0;
	[tilespmem:v62+s23+$0x0] =	vst.idx.msk $0xffff, v0  }
0x234: {  	s0 =	simm.s32 $0x0  }
0x235: {  	[hbm4b:s7+s0] =	stream.linear.scatter [tilespmem:s23], [sflag:$0x8], $0x2000, $0x38;
	[tilespmem:$0x1C800] =	vst v63  }
0x236: {  	_ =	swait.ge [sflag:s24], $0x4000  }
0x237: {  	[sflag:s24] =	ssyncset.done $0x0  }
0x238: {  	[sflag:s24] =	ssyncadd.s32 $0xFFFFC000  }
0x239: {  	[hbm4b:s8+s0] =	stream.linear.scatter [tilespmem:s18], [sflag:$0x6], $0x4000, $0x38;
	[tilespmem:$0x1C800] =	vst v63  }
0x23a: {  	_ =	swait.ge [sflag:s25], $0x4000  }
0x23b: {  	[sflag:s25] =	ssyncset.done $0x0  }
0x23c: {  	[sflag:s25] =	ssyncadd.s32 $0xFFFFC000  }
0x23d: {  	[hbm4b:s9+s0] =	stream.linear.scatter [tilespmem:s20], [sflag:$0x7], $0x4000, $0x38;
	[tilespmem:$0x1C800] =	vst v63  }
0x23e: {  	_ =	swait.ge [sflag:s26], $0x4000  }
0x23f: {  	v0 =	vmov s0;
	[sflag:s26] =	ssyncset.done $0x0  }
0x240: {  	v8 =	vor.u32 $0x180, v0;
	[sflag:s26] =	ssyncadd.s32 $0xFFFFC000  }
0x241: {  	[tilespmem:s18], [sflag:$0x4] =	stream.indirect.gather [hbm4b:s1+s17], $0x80, s28, s17, $0xb8;
	[tilespmem:$0x1C800] =	vst v63  }
0x242: {  	_ =	swait.ge [sflag:s29], $0x4000  }
0x243: {  	[sflag:s29] =	ssyncset.done $0x0  }
0x244: {  	[sflag:s29] =	ssyncadd.s32 $0xFFFFC000  }
0x245: {  	v8 =	vld.idx.msk [tilespmem:v8+s15+$0x0], $0xffff;
	_ =	sdelay $0x4  }
0x246: {  	v8 =	vshll.u32 v8, $0x7  }
0x247: {  	v9 =	vor.u32 v61, v8;
	_ =	sdelay $0x3  }
0x248: {  	v0 =	vshll.u32 v0, $0x7  }
0x249: {  	v10 =	vor.u32 v61, v0;
	v9 =	vld.idx.msk [tilespmem:v9+s3+$0x0], $0xffff  }
0x24a: {  	v11 =	vor.u32 v1, v8;
	_ =	sdelay $0x3  }
0x24b: {  	[tilespmem:v10+s20+$0x0] =	vst.idx.msk $0xffff, v9  }
0x24c: {  	v10 =	vor.u32 v1, v0;
	v9 =	vld.idx.msk [tilespmem:v11+s3+$0x0], $0xffff  }
0x24d: {  	v11 =	vor.u32 v2, v8;
	_ =	sdelay $0x3  }
0x24e: {  	[tilespmem:v10+s20+$0x0] =	vst.idx.msk $0xffff, v9  }
0x24f: {  	v10 =	vor.u32 v2, v0;
	v9 =	vld.idx.msk [tilespmem:v11+s3+$0x0], $0xffff  }
0x250: {  	v11 =	vor.u32 v3, v8;
	_ =	sdelay $0x3  }
0x251: {  	[tilespmem:v10+s20+$0x0] =	vst.idx.msk $0xffff, v9  }
0x252: {  	v10 =	vor.u32 v3, v0;
	v9 =	vld.idx.msk [tilespmem:v11+s3+$0x0], $0xffff  }
0x253: {  	v11 =	vor.u32 v4, v8;
	_ =	sdelay $0x3  }
0x254: {  	[tilespmem:v10+s20+$0x0] =	vst.idx.msk $0xffff, v9  }
0x255: {  	v10 =	vor.u32 v4, v0;
	v9 =	vld.idx.msk [tilespmem:v11+s3+$0x0], $0xffff  }
0x256: {  	v11 =	vor.u32 v5, v8;
	_ =	sdelay $0x3  }
0x257: {  	[tilespmem:v10+s20+$0x0] =	vst.idx.msk $0xffff, v9  }
0x258: {  	v10 =	vor.u32 v5, v0;
	v9 =	vld.idx.msk [tilespmem:v11+s3+$0x0], $0xffff  }
0x259: {  	v11 =	vor.u32 v6, v8;
	_ =	sdelay $0x3  }
0x25a: {  	[tilespmem:v10+s20+$0x0] =	vst.idx.msk $0xffff, v9  }
0x25b: {  	v10 =	vor.u32 v6, v0;
	v9 =	vld.idx.msk [tilespmem:v11+s3+$0x0], $0xffff  }
0x25c: {  	v8 =	vor.u32 v7, v8;
	_ =	sdelay $0x3  }
0x25d: {  	s2 =	simm.s32 $0x1;
	[tilespmem:v10+s20+$0x0] =	vst.idx.msk $0xffff, v9  }
0x25e: {  	v12 =	vmov s2;
	v11 =	vor.u32 v7, v0;
	v9 =	vld.idx.msk [tilespmem:v8+s3+$0x0], $0xffff  }
0x25f: {  	s0 =	simm.s32 $0x2;
	v10 =	vor.u32 $0x180, v12;
	v8 =	vshll.u32 v12, $0x7  }
.LBB2_4:
0x260: {  	_ =	sdelay $0x2  }
0x261: {  	p0 =	sne.s32 s0, $0x7F;
	s2 =	smov.u32 s0;
	s0 =	sadd.s32 $0x1, s0;
	[tilespmem:v11+s20+$0x0] =	vst.idx.msk $0xffff, v9  }
0x262: {  	v0 =	vld.idx.msk [tilespmem:v10+s15+$0x0], $0xffff;
	_ =	sdelay $0x5  }
0x263: {  	v0 =	vshll.u32 v0, $0x7  }
0x264: {  	v9 =	vor.u32 v61, v0;
	_ =	sdelay $0x4  }
0x265: {  	v9 =	vld.idx.msk [tilespmem:v9+s3+$0x0], $0xffff  }
0x266: {  	v10 =	vor.u32 v61, v8  }
0x267: {  	v11 =	vor.u32 v1, v0;
	_ =	sdelay $0x3  }
0x268: {  	[tilespmem:v10+s20+$0x0] =	vst.idx.msk $0xffff, v9  }
0x269: {  	v9 =	vld.idx.msk [tilespmem:v11+s3+$0x0], $0xffff  }
0x26a: {  	v10 =	vor.u32 v1, v8  }
0x26b: {  	v11 =	vor.u32 v2, v0;
	_ =	sdelay $0x3  }
0x26c: {  	[tilespmem:v10+s20+$0x0] =	vst.idx.msk $0xffff, v9  }
0x26d: {  	v9 =	vld.idx.msk [tilespmem:v11+s3+$0x0], $0xffff  }
0x26e: {  	v10 =	vor.u32 v2, v8  }
0x26f: {  	v11 =	vor.u32 v3, v0;
	_ =	sdelay $0x3  }
0x270: {  	[tilespmem:v10+s20+$0x0] =	vst.idx.msk $0xffff, v9  }
0x271: {  	v9 =	vld.idx.msk [tilespmem:v11+s3+$0x0], $0xffff  }
0x272: {  	v10 =	vor.u32 v3, v8  }
0x273: {  	v11 =	vor.u32 v4, v0;
	_ =	sdelay $0x3  }
0x274: {  	[tilespmem:v10+s20+$0x0] =	vst.idx.msk $0xffff, v9  }
0x275: {  	v9 =	vld.idx.msk [tilespmem:v11+s3+$0x0], $0xffff  }
0x276: {  	v10 =	vor.u32 v4, v8  }
0x277: {  	v11 =	vor.u32 v5, v0;
	_ =	sdelay $0x3  }
0x278: {  	[tilespmem:v10+s20+$0x0] =	vst.idx.msk $0xffff, v9  }
0x279: {  	v9 =	vld.idx.msk [tilespmem:v11+s3+$0x0], $0xffff  }
0x27a: {  	v10 =	vor.u32 v5, v8  }
0x27b: {  	v11 =	vor.u32 v6, v0;
	_ =	sdelay $0x3  }
0x27c: {  	[tilespmem:v10+s20+$0x0] =	vst.idx.msk $0xffff, v9  }
0x27d: {  	v9 =	vld.idx.msk [tilespmem:v11+s3+$0x0], $0xffff  }
0x27e: {  	v10 =	vor.u32 v6, v8  }
0x27f: {  	v0 =	vor.u32 v7, v0;
	_ =	sdelay $0x2  }
.Ltmp1:
0x280: {  	(pc) =	sbr.rel @p0 .LBB2_4-.Ltmp1, $4  }
0x281: {  	[tilespmem:v10+s20+$0x0] =	vst.idx.msk $0xffff, v9  }
0x282: {  	v9 =	vld.idx.msk [tilespmem:v0+s3+$0x0], $0xffff  }
0x283: {  	v11 =	vor.u32 v7, v8;
	v0 =	vmov s2  }
0x284: {  	v10 =	vor.u32 $0x180, v0;
	v8 =	vshll.u32 v0, $0x7  }
0x285: {  	_ =	sdelay $0x3  }
0x286: {  	[tilespmem:v11+s20+$0x0] =	vst.idx.msk $0xffff, v9  }
0x287: {  	v0 =	vld.idx.msk [tilespmem:v10+s15+$0x0], $0xffff;
	_ =	sdelay $0x4  }
0x288: {  	v0 =	vshll.u32 v0, $0x7  }
0x289: {  	v9 =	vor.u32 v61, v0;
	_ =	sdelay $0x4  }
0x28a: {  	v10 =	vor.u32 v61, v8;
	v9 =	vld.idx.msk [tilespmem:v9+s3+$0x0], $0xffff  }
0x28b: {  	v11 =	vor.u32 v1, v0;
	_ =	sdelay $0x3  }
0x28c: {  	[tilespmem:v10+s20+$0x0] =	vst.idx.msk $0xffff, v9  }
0x28d: {  	v10 =	vor.u32 v1, v8;
	v9 =	vld.idx.msk [tilespmem:v11+s3+$0x0], $0xffff  }
0x28e: {  	v11 =	vor.u32 v2, v0;
	_ =	sdelay $0x3  }
0x28f: {  	[tilespmem:v10+s20+$0x0] =	vst.idx.msk $0xffff, v9  }
0x290: {  	v10 =	vor.u32 v2, v8;
	v9 =	vld.idx.msk [tilespmem:v11+s3+$0x0], $0xffff  }
0x291: {  	v11 =	vor.u32 v3, v0;
	_ =	sdelay $0x3  }
0x292: {  	[tilespmem:v10+s20+$0x0] =	vst.idx.msk $0xffff, v9  }
0x293: {  	v10 =	vor.u32 v3, v8;
	v9 =	vld.idx.msk [tilespmem:v11+s3+$0x0], $0xffff  }
0x294: {  	v11 =	vor.u32 v4, v0;
	_ =	sdelay $0x3  }
0x295: {  	[tilespmem:v10+s20+$0x0] =	vst.idx.msk $0xffff, v9  }
0x296: {  	v10 =	vor.u32 v4, v8;
	v9 =	vld.idx.msk [tilespmem:v11+s3+$0x0], $0xffff  }
0x297: {  	v11 =	vor.u32 v5, v0;
	_ =	sdelay $0x3  }
0x298: {  	[tilespmem:v10+s20+$0x0] =	vst.idx.msk $0xffff, v9  }
0x299: {  	v10 =	vor.u32 v5, v8;
	v9 =	vld.idx.msk [tilespmem:v11+s3+$0x0], $0xffff  }
0x29a: {  	v11 =	vor.u32 v6, v0;
	_ =	sdelay $0x3  }
0x29b: {  	[tilespmem:v10+s20+$0x0] =	vst.idx.msk $0xffff, v9  }
0x29c: {  	v10 =	vor.u32 v6, v8;
	v9 =	vld.idx.msk [tilespmem:v11+s3+$0x0], $0xffff  }
0x29d: {  	v0 =	vor.u32 v7, v0;
	_ =	sdelay $0x3  }
0x29e: {  	[tilespmem:v10+s20+$0x0] =	vst.idx.msk $0xffff, v9  }
0x29f: {  	v8 =	vor.u32 v7, v8;
	v0 =	vld.idx.msk [tilespmem:v0+s3+$0x0], $0xffff;
	_ =	sdelay $0x4  }
0x2a0: {  	s0 =	simm.s32 $0x0;
	[tilespmem:v8+s20+$0x0] =	vst.idx.msk $0xffff, v0  }
0x2a1: {  	[hbm4b:s10+s0] =	stream.linear.scatter [tilespmem:s20], [sflag:$0x7], $0x4000, $0x38;
	[tilespmem:$0x1C800] =	vst v63  }
0x2a2: {  	_ =	swait.ge [sflag:s24], $0x4000  }
0x2a3: {  	v0 =	vmov s0;
	[sflag:s24] =	ssyncset.done $0x0  }
0x2a4: {  	v8 =	vor.u32 $0x200, v0;
	[sflag:s24] =	ssyncadd.s32 $0xFFFFC000  }
0x2a5: {  	[hbm4b:s11+s0] =	stream.linear.scatter [tilespmem:s18], [sflag:$0x6], $0x4000, $0x38;
	[tilespmem:$0x1C800] =	vst v63  }
0x2a6: {  	_ =	swait.ge [sflag:s29], $0x4000  }
0x2a7: {  	[sflag:s29] =	ssyncset.done $0x0  }
0x2a8: {  	[sflag:s29] =	ssyncadd.s32 $0xFFFFC000  }
0x2a9: {  	v8 =	vld.idx.msk [tilespmem:v8+s15+$0x0], $0xffff;
	_ =	sdelay $0x4  }
0x2aa: {  	v8 =	vshll.u32 v8, $0x7  }
0x2ab: {  	v9 =	vor.u32 v61, v8;
	_ =	sdelay $0x3  }
0x2ac: {  	v0 =	vshll.u32 v0, $0x7  }
0x2ad: {  	v10 =	vor.u32 v61, v0;
	v9 =	vld.idx.msk [tilespmem:v9+s3+$0x0], $0xffff  }
0x2ae: {  	v11 =	vor.u32 v1, v8;
	_ =	sdelay $0x3  }
0x2af: {  	[tilespmem:v10+s20+$0x0] =	vst.idx.msk $0xffff, v9  }
0x2b0: {  	v10 =	vor.u32 v1, v0;
	v9 =	vld.idx.msk [tilespmem:v11+s3+$0x0], $0xffff  }
0x2b1: {  	v11 =	vor.u32 v2, v8;
	_ =	sdelay $0x3  }
0x2b2: {  	[tilespmem:v10+s20+$0x0] =	vst.idx.msk $0xffff, v9  }
0x2b3: {  	v10 =	vor.u32 v2, v0;
	v9 =	vld.idx.msk [tilespmem:v11+s3+$0x0], $0xffff  }
0x2b4: {  	v11 =	vor.u32 v3, v8;
	_ =	sdelay $0x3  }
0x2b5: {  	[tilespmem:v10+s20+$0x0] =	vst.idx.msk $0xffff, v9  }
0x2b6: {  	v10 =	vor.u32 v3, v0;
	v9 =	vld.idx.msk [tilespmem:v11+s3+$0x0], $0xffff  }
0x2b7: {  	v11 =	vor.u32 v4, v8;
	_ =	sdelay $0x3  }
0x2b8: {  	[tilespmem:v10+s20+$0x0] =	vst.idx.msk $0xffff, v9  }
0x2b9: {  	v10 =	vor.u32 v4, v0;
	v9 =	vld.idx.msk [tilespmem:v11+s3+$0x0], $0xffff  }
0x2ba: {  	v11 =	vor.u32 v5, v8;
	_ =	sdelay $0x3  }
0x2bb: {  	[tilespmem:v10+s20+$0x0] =	vst.idx.msk $0xffff, v9  }
0x2bc: {  	v10 =	vor.u32 v5, v0;
	v9 =	vld.idx.msk [tilespmem:v11+s3+$0x0], $0xffff  }
0x2bd: {  	v11 =	vor.u32 v6, v8;
	_ =	sdelay $0x3  }
0x2be: {  	[tilespmem:v10+s20+$0x0] =	vst.idx.msk $0xffff, v9  }
0x2bf: {  	v10 =	vor.u32 v6, v0;
	v9 =	vld.idx.msk [tilespmem:v11+s3+$0x0], $0xffff  }
0x2c0: {  	v8 =	vor.u32 v7, v8;
	_ =	sdelay $0x3  }
0x2c1: {  	s2 =	simm.s32 $0x1;
	[tilespmem:v10+s20+$0x0] =	vst.idx.msk $0xffff, v9  }
0x2c2: {  	v12 =	vmov s2;
	v11 =	vor.u32 v7, v0;
	v9 =	vld.idx.msk [tilespmem:v8+s3+$0x0], $0xffff  }
0x2c3: {  	s0 =	simm.s32 $0x2;
	v10 =	vor.u32 $0x200, v12;
	v8 =	vshll.u32 v12, $0x7  }
.LBB2_6:
0x2c4: {  	_ =	sdelay $0x2  }
0x2c5: {  	p0 =	sne.s32 s0, $0x7F;
	s2 =	smov.u32 s0;
	s0 =	sadd.s32 $0x1, s0;
	[tilespmem:v11+s20+$0x0] =	vst.idx.msk $0xffff, v9  }
0x2c6: {  	v0 =	vld.idx.msk [tilespmem:v10+s15+$0x0], $0xffff;
	_ =	sdelay $0x5  }
0x2c7: {  	v0 =	vshll.u32 v0, $0x7  }
0x2c8: {  	v9 =	vor.u32 v61, v0;
	_ =	sdelay $0x4  }
0x2c9: {  	v9 =	vld.idx.msk [tilespmem:v9+s3+$0x0], $0xffff  }
0x2ca: {  	v10 =	vor.u32 v61, v8  }
0x2cb: {  	v11 =	vor.u32 v1, v0;
	_ =	sdelay $0x3  }
0x2cc: {  	[tilespmem:v10+s20+$0x0] =	vst.idx.msk $0xffff, v9  }
0x2cd: {  	v9 =	vld.idx.msk [tilespmem:v11+s3+$0x0], $0xffff  }
0x2ce: {  	v10 =	vor.u32 v1, v8  }
0x2cf: {  	v11 =	vor.u32 v2, v0;
	_ =	sdelay $0x3  }
0x2d0: {  	[tilespmem:v10+s20+$0x0] =	vst.idx.msk $0xffff, v9  }
0x2d1: {  	v9 =	vld.idx.msk [tilespmem:v11+s3+$0x0], $0xffff  }
0x2d2: {  	v10 =	vor.u32 v2, v8  }
0x2d3: {  	v11 =	vor.u32 v3, v0;
	_ =	sdelay $0x3  }
0x2d4: {  	[tilespmem:v10+s20+$0x0] =	vst.idx.msk $0xffff, v9  }
0x2d5: {  	v9 =	vld.idx.msk [tilespmem:v11+s3+$0x0], $0xffff  }
0x2d6: {  	v10 =	vor.u32 v3, v8  }
0x2d7: {  	v11 =	vor.u32 v4, v0;
	_ =	sdelay $0x3  }
0x2d8: {  	[tilespmem:v10+s20+$0x0] =	vst.idx.msk $0xffff, v9  }
0x2d9: {  	v9 =	vld.idx.msk [tilespmem:v11+s3+$0x0], $0xffff  }
0x2da: {  	v10 =	vor.u32 v4, v8  }
0x2db: {  	v11 =	vor.u32 v5, v0;
	_ =	sdelay $0x3  }
0x2dc: {  	[tilespmem:v10+s20+$0x0] =	vst.idx.msk $0xffff, v9  }
0x2dd: {  	v9 =	vld.idx.msk [tilespmem:v11+s3+$0x0], $0xffff  }
0x2de: {  	v10 =	vor.u32 v5, v8  }
0x2df: {  	v11 =	vor.u32 v6, v0;
	_ =	sdelay $0x3  }
0x2e0: {  	[tilespmem:v10+s20+$0x0] =	vst.idx.msk $0xffff, v9  }
0x2e1: {  	v9 =	vld.idx.msk [tilespmem:v11+s3+$0x0], $0xffff  }
0x2e2: {  	v10 =	vor.u32 v6, v8  }
0x2e3: {  	v0 =	vor.u32 v7, v0;
	_ =	sdelay $0x2  }
.Ltmp2:
0x2e4: {  	(pc) =	sbr.rel @p0 .LBB2_6-.Ltmp2, $4  }
0x2e5: {  	[tilespmem:v10+s20+$0x0] =	vst.idx.msk $0xffff, v9  }
0x2e6: {  	v9 =	vld.idx.msk [tilespmem:v0+s3+$0x0], $0xffff  }
0x2e7: {  	v11 =	vor.u32 v7, v8;
	v0 =	vmov s2  }
0x2e8: {  	v10 =	vor.u32 $0x200, v0;
	v8 =	vshll.u32 v0, $0x7  }
0x2e9: {  	_ =	sdelay $0x3  }
0x2ea: {  	[tilespmem:v11+s20+$0x0] =	vst.idx.msk $0xffff, v9  }
0x2eb: {  	v0 =	vld.idx.msk [tilespmem:v10+s15+$0x0], $0xffff;
	_ =	sdelay $0x4  }
0x2ec: {  	v0 =	vshll.u32 v0, $0x7  }
0x2ed: {  	v49 =	vor.u32 v61, v0;
	_ =	sdelay $0x4  }
0x2ee: {  	v50 =	vor.u32 v61, v8;
	v9 =	vld.idx.msk [tilespmem:v49+s3+$0x0], $0xffff  }
0x2ef: {  	v51 =	vor.u32 v1, v0;
	_ =	sdelay $0x3  }
0x2f0: {  	[tilespmem:v50+s20+$0x0] =	vst.idx.msk $0xffff, v9  }
0x2f1: {  	v52 =	vor.u32 v1, v8;
	v9 =	vld.idx.msk [tilespmem:v51+s3+$0x0], $0xffff  }
0x2f2: {  	v53 =	vor.u32 v2, v0;
	_ =	sdelay $0x3  }
0x2f3: {  	[tilespmem:v52+s20+$0x0] =	vst.idx.msk $0xffff, v9  }
0x2f4: {  	v54 =	vor.u32 v2, v8;
	v9 =	vld.idx.msk [tilespmem:v53+s3+$0x0], $0xffff  }
0x2f5: {  	v55 =	vor.u32 v3, v0;
	_ =	sdelay $0x3  }
0x2f6: {  	[tilespmem:v54+s20+$0x0] =	vst.idx.msk $0xffff, v9  }
0x2f7: {  	v56 =	vor.u32 v3, v8;
	v9 =	vld.idx.msk [tilespmem:v55+s3+$0x0], $0xffff  }
0x2f8: {  	v57 =	vor.u32 v4, v0;
	_ =	sdelay $0x3  }
0x2f9: {  	[tilespmem:v56+s20+$0x0] =	vst.idx.msk $0xffff, v9  }
0x2fa: {  	v58 =	vor.u32 v4, v8;
	v9 =	vld.idx.msk [tilespmem:v57+s3+$0x0], $0xffff  }
0x2fb: {  	v59 =	vor.u32 v5, v0;
	_ =	sdelay $0x3  }
0x2fc: {  	[tilespmem:v58+s20+$0x0] =	vst.idx.msk $0xffff, v9  }
0x2fd: {  	v60 =	vor.u32 v5, v8;
	v9 =	vld.idx.msk [tilespmem:v59+s3+$0x0], $0xffff  }
0x2fe: {  	v62 =	vor.u32 v6, v0;
	_ =	sdelay $0x3  }
0x2ff: {  	[tilespmem:v60+s20+$0x0] =	vst.idx.msk $0xffff, v9  }
0x300: {  	v63 =	vor.u32 v6, v8;
	v9 =	vld.idx.msk [tilespmem:v62+s3+$0x0], $0xffff  }
0x301: {  	v0 =	vor.u32 v7, v0;
	_ =	sdelay $0x3  }
0x302: {  	[tilespmem:v63+s20+$0x0] =	vst.idx.msk $0xffff, v9  }
0x303: {  	v8 =	vor.u32 v7, v8;
	v0 =	vld.idx.msk [tilespmem:v0+s3+$0x0], $0xffff;
	_ =	sdelay $0x4  }
0x304: {  	[tilespmem:v8+s20+$0x0] =	vst.idx.msk $0xffff, v0  }
0x305: {  	[hbm4b:s12+s3] =	stream.linear.scatter [tilespmem:s20], [sflag:$0x7], $0x4000, $0x38;
	[tilespmem:$0x1C800] =	vst v63  }
0x306: {  	_ =	swait.ge [sflag:s26], $0x4000  }
0x307: {  	[sflag:s26] =	ssyncset.done $0x0  }
0x308: {  	s31 =	sadd.s32 $0x1, s31;
	[sflag:s26] =	ssyncadd.s32 $0xFFFFC000  }
0x309: {  	p0 =	sne.s32 s31, s13;
	_ =	swait.ge [sflag:s29], $0x4000  }
.Ltmp3:
0x30a: {  	[sflag:s29] =	ssyncset.done $0x0;
	(pc) =	sbr.rel @p0 .LBB2_1-.Ltmp3, $4  }
0x30b: {  	[sflag:s29] =	ssyncadd.s32 $0xFFFFC000  }
0x30c: {  	_ =	swait.ge [sflag:s30], $0x2000  }
0x30d: {  	[sflag:s30] =	ssyncset.done $0x0  }
0x30e: {  	[sflag:s30] =	ssyncadd.s32 $0xFFFFE000  }
0x30f: {  	_ =	sfence.sel $0x180000  }
0x310: {  	[bflag:$0x0] =	sbarrier.arrive $0xFFFF  }
0x311: {  	_ =	strace $0x90000047  }
0x312: {  	s0 =	stileid.u32;
	[bflag:$0x2] =	sbarrier.arrive $0xFFFF  }
0x313: {  	p0 =	sne.s32 s0, $0x0;
	s0 =	rddreg [dreg:$0x3]  }
0x314: {  	s0 =	sadd.s32 @!p0 $0x100000, s0  }
0x315: {  	[sflag:s0] =	ssyncadd.tile.s32 @!p0 $0x1;
	_ =	shalt  }
.Lfunc_end2:
_tile_overlayer_lowered:
.L_overlay_start_2:
0x316: {  	(tag) =	ssettag $0x2  }
0x317: {  	s0 =	rddreg [dreg:$0x0];
	s2 =	stileid.u32  }
0x318: {  	s1 =	rddreg [dreg:$0x1];
	p0 =	sne.s32 s2, $0x0  }
0x319: {  	s3 =	rddreg [dreg:$0x2];
	[bflag:$0x3] =	sbarrier.arrive $0xFFFF;
	s2 =	simm.s32 @!p0 $0x1C09  }
0x31a: {  	[timem:s3], [sflag:s2] =	dma.local @!p0 [hbm:s0], s1  }
0x31b: {  	s0 =	simm.s32 @!p0 $0x9  }
0x31c: {  	_ =	swait.ge @!p0 [sflag:s0], s1  }
0x31d: {  	s1 =	ssub.s32 @!p0 $0x0, s1;
	[sflag:s0] =	ssyncset.done @!p0 $0x0  }
0x31e: {  	[sflag:s0] =	ssyncadd.s32 @!p0 s1  }
0x31f: {  	[bflag:$0x3] =	sbarrier.arrive $0xFFFF  }
0x320: {  	_ =	shalt  }

</sc_bundles>
